<compile_context>
chip_gen: v7x
topology: tpu7x:2x2x1
jax: 0.10.2.dev20260603
libtpu: 0.0.44.dev20260713+nightly
codegen_flags: <defaults>
</compile_context>

<pallas_src>
import functools

import jax
import jax.numpy as jnp
from jax import lax
from jax.experimental import pallas as pl
from jax.experimental.pallas import tpu as pltpu
from jax.experimental.pallas import tpu_sc as plsc

BATCH = 16384
NROWS = 1000000
D = 32
LANES = 16
NC = 2
NS = 16
NW = NC * NS
BPW = BATCH // NW
SB = 1
NSLOT = 8
DEPTH = 6
SUPER = 16
NSUPER = BPW // SUPER
JPS = SUPER // SB


@functools.partial(
    pl.kernel,
    out_type=jax.ShapeDtypeStruct((BATCH,), jnp.float32),
    mesh=plsc.VectorSubcoreMesh(core_axis_name="c", subcore_axis_name="s"),
    compiler_params=pltpu.CompilerParams(
        needs_layout_passes=False, disable_bounds_checks=True
    ),
    scratch_types=[
        pltpu.VMEM((BPW + SUPER,), jnp.int32),
        pltpu.VMEM((BPW + SUPER,), jnp.int32),
        pltpu.VMEM((NSLOT, SB, 2, 4, 8, 128), jnp.float32),
        pltpu.VMEM((BPW,), jnp.float32),
        pltpu.SemaphoreType.DMA,
        pltpu.SemaphoreType.DMA,
        pltpu.SemaphoreType.DMA,
        pltpu.SemaphoreType.DMA,
        pltpu.SemaphoreType.DMA,
        pltpu.SemaphoreType.DMA,
        pltpu.SemaphoreType.DMA,
        pltpu.SemaphoreType.DMA,
    ],
)
def _neumf_sc(users_hbm, items_hbm, utv_hbm, itv_hbm, out_hbm,
              idx_u, idx_i, ring, out_v,
              sem0, sem1, sem2, sem3, sem4, sem5, sem6, sem7):
    sems = (sem0, sem1, sem2, sem3, sem4, sem5, sem6, sem7)
    wid = lax.axis_index("s") * NC + lax.axis_index("c")
    base = wid * BPW

    pltpu.sync_copy(users_hbm.at[pl.ds(base, BPW)], idx_u.at[pl.ds(0, BPW)])
    pltpu.sync_copy(items_hbm.at[pl.ds(base, BPW)], idx_i.at[pl.ds(0, BPW)])
    idx_u[pl.ds(BPW, SUPER)] = jnp.zeros((SUPER,), jnp.int32)
    idx_i[pl.ds(BPW, SUPER)] = jnp.zeros((SUPER,), jnp.int32)

    lanes = lax.iota(jnp.int32, LANES)
    db_lo = lanes // 8
    db_hi = db_lo + 2
    d8 = lanes % 8
    is_last = lanes == LANES - 1

    utv4 = utv_hbm.reshape(4, 8, NROWS)
    itv4 = itv_hbm.reshape(4, 8, NROWS)

    def issue(rv_u, rv_i, k0, slot, sem):
        for k in range(SB):
            ru = rv_u[k0 + k]
            ri = rv_i[k0 + k]
            tu = pl.multiple_of((ru // 128) * 128, 128)
            ti = pl.multiple_of((ri // 128) * 128, 128)
            pltpu.async_copy(
                utv4.at[:, :, pl.ds(tu, 128)], ring.at[slot, k, 0], sem)
            pltpu.async_copy(
                itv4.at[:, :, pl.ds(ti, 128)], ring.at[slot, k, 1], sem)

    def drain(sem):
        for _ in range(SB * 2):
            pltpu.make_async_copy(
                utv4.at[:, :, pl.ds(0, 128)], ring.at[0, 0, 0], sem).wait()

    def compute(rv_u, rv_i, k0, slot, nb, j):
        for k in range(SB):
            lu = jnp.full((LANES,), rv_u[k0 + k] % 128, jnp.int32)
            li = jnp.full((LANES,), rv_i[k0 + k] % 128, jnp.int32)
            slot_v = jnp.full((LANES,), slot, jnp.int32)
            k_v = jnp.full((LANES,), k, jnp.int32)
            t0 = jnp.zeros((LANES,), jnp.int32)
            t1 = jnp.full((LANES,), 1, jnp.int32)
            u_lo = plsc.load_gather(ring, [slot_v, k_v, t0, db_lo, d8, lu])
            u_hi = plsc.load_gather(ring, [slot_v, k_v, t0, db_hi, d8, lu])
            i_lo = plsc.load_gather(ring, [slot_v, k_v, t1, db_lo, d8, li])
            i_hi = plsc.load_gather(ring, [slot_v, k_v, t1, db_hi, d8, li])
            acc = u_lo * i_lo + u_hi * i_hi
            tot = jnp.cumsum(acc)
            pos = nb * SUPER + j * SB + k
            plsc.store_scatter(out_v, [jnp.full((LANES,), pos, jnp.int32)],
                               tot, mask=is_last)

    rv_u0 = idx_u[pl.ds(0, LANES)]
    rv_i0 = idx_i[pl.ds(0, LANES)]
    for sb in range(DEPTH):
        issue(rv_u0, rv_i0, sb * SB, sb, sems[sb])

    def super_batch(nb, carry):
        off = pl.multiple_of(nb * SUPER, SUPER)
        rv_u = idx_u[pl.ds(off, LANES)]
        rv_i = idx_i[pl.ds(off, LANES)]
        off_n = pl.multiple_of(nb * SUPER + SUPER, SUPER)
        rv_un = idx_u[pl.ds(off_n, LANES)]
        rv_in = idx_i[pl.ds(off_n, LANES)]
        for j in range(JPS):
            slot = j % NSLOT
            jn = j + DEPTH
            slot_n = jn % NSLOT
            if jn < JPS:
                issue(rv_u, rv_i, jn * SB, slot_n, sems[slot_n])
            else:
                issue(rv_un, rv_in, (jn - JPS) * SB, slot_n, sems[slot_n])
            drain(sems[slot])
            compute(rv_u, rv_i, j * SB, slot, nb, j)
        return carry

    lax.fori_loop(0, NSUPER, super_batch, 0)
    for sb in range(DEPTH):
        drain(sems[sb % NSLOT])

    pltpu.sync_copy(out_v, out_hbm.at[pl.ds(base, BPW)])


def kernel(users, items, user_table, item_table):
    return _neumf_sc(users.astype(jnp.int32), items.astype(jnp.int32),
                     user_table.T, item_table.T)

# --- scband reference (transcript-rebuilt; emitter-appended) ---
"""Pipeline reference for scband-neu-mf-53927609369016 (READ-ONLY COPY).

The authoritative reference and input builder live on the scoring server;
editing this copy changes nothing except your own understanding.
"""

import jax, jax.numpy as jnp
import numpy as np

N_USERS = 1000000
N_ITEMS = 1000000
LATENT_DIM = 32
BATCH = 16384

def setup_inputs(seed: int = 0) -> dict:
    key = jax.random.key(seed)
    k1, k2, k3, k4 = jax.random.split(key, 4)
    users = jax.random.randint(k1, (BATCH,), 0, N_USERS, dtype=jnp.int64 if jax.config.jax_enable_x64 else jnp.int32)
    items = jax.random.randint(k2, (BATCH,), 0, N_ITEMS, dtype=jnp.int64 if jax.config.jax_enable_x64 else jnp.int32)
    user_table = jax.random.normal(k3, (N_USERS, LATENT_DIM), dtype=jnp.float32)
    item_table = jax.random.normal(k4, (N_ITEMS, LATENT_DIM), dtype=jnp.float32)
    return {"users": users, "items": items, "user_table": user_table, "item_table": item_table}

def reference(users, items, user_table, item_table):
    user_emb = jnp.take(user_table, users, axis=0)
    item_emb = jnp.take(item_table, items, axis=0)
    return jnp.sum(user_emb * item_emb, axis=1)

if __name__ == "__main__":
    import jax
    _d = setup_inputs()
    print(jax.jit(kernel)(*tuple(_d.values())))

</pallas_src>

<mosaic_0001>
#map = affine_map<(d0, d1) -> (0)>
#map1 = affine_map<(d0, d1) -> (0, 0)>
module attributes {stable_mosaic.version = 14 : i64} {
  func.func @_neumf_sc(%arg0: i32, %arg1: i32, %arg2: memref<16384xi32, #tpu.memory_space<hbm>>, %arg3: memref<16384xi32, #tpu.memory_space<hbm>>, %arg4: memref<32x1000000xf32, #tpu.memory_space<hbm>>, %arg5: memref<32x1000000xf32, #tpu.memory_space<hbm>>, %arg6: memref<16384xf32, #tpu.memory_space<hbm>>, %arg7: memref<528xi32, #tpu.memory_space<vmem>>, %arg8: memref<528xi32, #tpu.memory_space<vmem>>, %arg9: memref<8x1x2x4x8x128xf32, #tpu.memory_space<vmem>>, %arg10: memref<512xf32, #tpu.memory_space<vmem>>, %arg11: memref<!tpu.dma_semaphore, #tpu.memory_space<semaphore_mem>>, %arg12: memref<!tpu.dma_semaphore, #tpu.memory_space<semaphore_mem>>, %arg13: memref<!tpu.dma_semaphore, #tpu.memory_space<semaphore_mem>>, %arg14: memref<!tpu.dma_semaphore, #tpu.memory_space<semaphore_mem>>, %arg15: memref<!tpu.dma_semaphore, #tpu.memory_space<semaphore_mem>>, %arg16: memref<!tpu.dma_semaphore, #tpu.memory_space<semaphore_mem>>, %arg17: memref<!tpu.dma_semaphore, #tpu.memory_space<semaphore_mem>>, %arg18: memref<!tpu.dma_semaphore, #tpu.memory_space<semaphore_mem>>) attributes {dimension_semantics = [#tpu.dimension_semantics<core_parallel>, #tpu.dimension_semantics<subcore_parallel>], iteration_bounds = array<i64: 2, 16>, scalar_prefetch = 0 : i64, scratch_operands = 12 : i64, tpu.core_type = #tpu.core_type<sc_vector_subcore>, window_params = [{transform_indices = #map}, {transform_indices = #map}, {transform_indices = #map1}, {transform_indices = #map1}, {transform_indices = #map}]} {
    %mul3A = arith.constant 2 : i32
    %mul3A_0 = arith.muli %arg1, %mul3A : i32
    %add3A = arith.addi %mul3A_0, %arg0 : i32
    %mul3A_1 = arith.constant 512 : i32
    %mul3A_2 = arith.muli %add3A, %mul3A_1 : i32
    "tpu.region"() ({
      %run_scoped3A = tpu.sem_alloc : memref<!tpu.dma_semaphore, #tpu.memory_space<semaphore_mem>>
      %dma_start3A_937 = arith.constant 0 : i32
      %dma_start3A_938 = tpu.memref_slice %arg7[%dma_start3A_937] : memref<528xi32, #tpu.memory_space<vmem>> -> memref<512xi32, #tpu.memory_space<vmem>>
      %dma_start3A_939 = tpu.memref_slice %arg2[%mul3A_2] : memref<16384xi32, #tpu.memory_space<hbm>> -> memref<512xi32, #tpu.memory_space<hbm>>
      %dma_start3A_940 = arith.constant 0 : i32
      %dma_start3A_941 = tpu.memref_slice %arg7[%dma_start3A_940] : memref<528xi32, #tpu.memory_space<vmem>> -> memref<512xi32, #tpu.memory_space<vmem>>
      %dma_start3A_942 = tpu.memref_slice %arg2[%mul3A_2] : memref<16384xi32, #tpu.memory_space<hbm>> -> memref<512xi32, #tpu.memory_space<hbm>>
      tpu.enqueue_dma source(%dma_start3A_942 : memref<512xi32, #tpu.memory_space<hbm>>) target(%dma_start3A_941 : memref<512xi32, #tpu.memory_space<vmem>>) target_semaphore(%run_scoped3A : memref<!tpu.dma_semaphore, #tpu.memory_space<semaphore_mem>>)
      %dma_wait3A_943 = arith.constant 0 : i32
      %dma_wait3A_944 = tpu.memref_slice %arg7[%dma_wait3A_943] : memref<528xi32, #tpu.memory_space<vmem>> -> memref<512xi32, #tpu.memory_space<vmem>>
      %dma_wait3A_945 = tpu.memref_slice %arg2[%mul3A_2] : memref<16384xi32, #tpu.memory_space<hbm>> -> memref<512xi32, #tpu.memory_space<hbm>>
      %dma_wait3A_946 = arith.constant 0 : i32
      %dma_wait3A_947 = tpu.memref_slice %arg7[%dma_wait3A_946] : memref<528xi32, #tpu.memory_space<vmem>> -> memref<512xi32, #tpu.memory_space<vmem>>
      %dma_wait3A_948 = tpu.memref_slice %arg2[%mul3A_2] : memref<16384xi32, #tpu.memory_space<hbm>> -> memref<512xi32, #tpu.memory_space<hbm>>
      tpu.wait_dma2 semaphore(%run_scoped3A : memref<!tpu.dma_semaphore, #tpu.memory_space<semaphore_mem>>) src(%dma_wait3A_948 : memref<512xi32, #tpu.memory_space<hbm>>) dst(%dma_wait3A_947 : memref<512xi32, #tpu.memory_space<vmem>>)
      tpu.yield
    }) : () -> ()
    "tpu.region"() ({
      %run_scoped3A = tpu.sem_alloc : memref<!tpu.dma_semaphore, #tpu.memory_space<semaphore_mem>>
      %dma_start3A_937 = arith.constant 0 : i32
      %dma_start3A_938 = tpu.memref_slice %arg8[%dma_start3A_937] : memref<528xi32, #tpu.memory_space<vmem>> -> memref<512xi32, #tpu.memory_space<vmem>>
      %dma_start3A_939 = tpu.memref_slice %arg3[%mul3A_2] : memref<16384xi32, #tpu.memory_space<hbm>> -> memref<512xi32, #tpu.memory_space<hbm>>
      %dma_start3A_940 = arith.constant 0 : i32
      %dma_start3A_941 = tpu.memref_slice %arg8[%dma_start3A_940] : memref<528xi32, #tpu.memory_space<vmem>> -> memref<512xi32, #tpu.memory_space<vmem>>
      %dma_start3A_942 = tpu.memref_slice %arg3[%mul3A_2] : memref<16384xi32, #tpu.memory_space<hbm>> -> memref<512xi32, #tpu.memory_space<hbm>>
      tpu.enqueue_dma source(%dma_start3A_942 : memref<512xi32, #tpu.memory_space<hbm>>) target(%dma_start3A_941 : memref<512xi32, #tpu.memory_space<vmem>>) target_semaphore(%run_scoped3A : memref<!tpu.dma_semaphore, #tpu.memory_space<semaphore_mem>>)
      %dma_wait3A_943 = arith.constant 0 : i32
      %dma_wait3A_944 = tpu.memref_slice %arg8[%dma_wait3A_943] : memref<528xi32, #tpu.memory_space<vmem>> -> memref<512xi32, #tpu.memory_space<vmem>>
      %dma_wait3A_945 = tpu.memref_slice %arg3[%mul3A_2] : memref<16384xi32, #tpu.memory_space<hbm>> -> memref<512xi32, #tpu.memory_space<hbm>>
      %dma_wait3A_946 = arith.constant 0 : i32
      %dma_wait3A_947 = tpu.memref_slice %arg8[%dma_wait3A_946] : memref<528xi32, #tpu.memory_space<vmem>> -> memref<512xi32, #tpu.memory_space<vmem>>
      %dma_wait3A_948 = tpu.memref_slice %arg3[%mul3A_2] : memref<16384xi32, #tpu.memory_space<hbm>> -> memref<512xi32, #tpu.memory_space<hbm>>
      tpu.wait_dma2 semaphore(%run_scoped3A : memref<!tpu.dma_semaphore, #tpu.memory_space<semaphore_mem>>) src(%dma_wait3A_948 : memref<512xi32, #tpu.memory_space<hbm>>) dst(%dma_wait3A_947 : memref<512xi32, #tpu.memory_space<vmem>>)
      tpu.yield
    }) : () -> ()
    %broadcast_in_dim3A = arith.constant 0 : i32
    %broadcast_in_dim3A_3 = vector.broadcast %broadcast_in_dim3A : i32 to vector<16xi32>
    %swap3A = arith.constant 512 : index
    %swap3A_4 = tpu.vector_load %arg7[%swap3A] {strides = array<i32>} : memref<528xi32, #tpu.memory_space<vmem>>, vector<16xi32>,
    tpu.vector_store %arg7[%swap3A], %broadcast_in_dim3A_3 {strides = array<i32>} : memref<528xi32, #tpu.memory_space<vmem>>, vector<16xi32>,
    %broadcast_in_dim3A_5 = arith.constant 0 : i32
    %broadcast_in_dim3A_6 = vector.broadcast %broadcast_in_dim3A_5 : i32 to vector<16xi32>
    %swap3A_7 = arith.constant 512 : index
    %swap3A_8 = tpu.vector_load %arg8[%swap3A_7] {strides = array<i32>} : memref<528xi32, #tpu.memory_space<vmem>>, vector<16xi32>,
    tpu.vector_store %arg8[%swap3A_7], %broadcast_in_dim3A_6 {strides = array<i32>} : memref<528xi32, #tpu.memory_space<vmem>>, vector<16xi32>,
    %iota3A = tpu.iota {dimensions = array<i32: 0>} : vector<16xi32>
    %jit3A = arith.constant 8 : i32
    %div3A = vector.broadcast %jit3A : i32 to vector<16xi32>
    %div3A_9 = arith.divsi %iota3A, %div3A : vector<16xi32>
    %sign3A = arith.constant 0 : i32
    %sign3A_10 = vector.broadcast %sign3A : i32 to vector<16xi32>
    %sign3A_11 = arith.cmpi sgt, %iota3A, %sign3A_10 : vector<16xi32>
    %sign3A_12 = arith.extui %sign3A_11 : vector<16xi1> to vector<16xi32>
    %sign3A_13 = arith.constant 0 : i32
    %sign3A_14 = vector.broadcast %sign3A_13 : i32 to vector<16xi32>
    %sign3A_15 = arith.cmpi slt, %iota3A, %sign3A_14 : vector<16xi32>
    %sign3A_16 = arith.extui %sign3A_15 : vector<16xi1> to vector<16xi32>
    %sign3A_17 = arith.subi %sign3A_12, %sign3A_16 : vector<16xi32>
    %sign3A_18 = arith.constant 0 : i32
    %sign3A_19 = arith.cmpi sgt, %jit3A, %sign3A_18 : i32
    %sign3A_20 = arith.extui %sign3A_19 : i1 to i32
    %sign3A_21 = arith.constant 0 : i32
    %sign3A_22 = arith.cmpi slt, %jit3A, %sign3A_21 : i32
    %sign3A_23 = arith.extui %sign3A_22 : i1 to i32
    %sign3A_24 = arith.subi %sign3A_20, %sign3A_23 : i32
    %ne3A = vector.broadcast %sign3A_24 : i32 to vector<16xi32>
    %ne3A_25 = arith.cmpi ne, %sign3A_17, %ne3A : vector<16xi32>
    %rem3A = vector.broadcast %jit3A : i32 to vector<16xi32>
    %rem3A_26 = arith.remsi %iota3A, %rem3A : vector<16xi32>
    %ne3A_27 = arith.constant 0 : i32
    %ne3A_28 = vector.broadcast %ne3A_27 : i32 to vector<16xi32>
    %ne3A_29 = arith.cmpi ne, %rem3A_26, %ne3A_28 : vector<16xi32>
    %and3A = arith.andi %ne3A_25, %ne3A_29 : vector<16xi1>
    %sub3A = arith.constant 1 : i32
    %sub3A_30 = vector.broadcast %sub3A : i32 to vector<16xi32>
    %sub3A_31 = arith.subi %div3A_9, %sub3A_30 : vector<16xi32>
    %select_n3A = arith.select %and3A, %sub3A_31, %div3A_9 : vector<16xi1>, vector<16xi32>
    %add3A_32 = arith.constant 2 : i32
    %add3A_33 = vector.broadcast %add3A_32 : i32 to vector<16xi32>
    %add3A_34 = arith.addi %select_n3A, %add3A_33 : vector<16xi32>
    %jit3A_35 = arith.constant 8 : i32
    %eq3A = arith.constant 0 : i32
    %eq3A_36 = arith.cmpi eq, %jit3A_35, %eq3A : i32
    %jit3A_37 = arith.constant 1 : i32
    %select_n3A_38 = arith.select %eq3A_36, %jit3A_37, %jit3A_35 : i32
    %rem3A_39 = vector.broadcast %select_n3A_38 : i32 to vector<16xi32>
    %rem3A_40 = arith.remsi %iota3A, %rem3A_39 : vector<16xi32>
    %ne3A_41 = arith.constant 0 : i32
    %ne3A_42 = vector.broadcast %ne3A_41 : i32 to vector<16xi32>
    %ne3A_43 = arith.cmpi ne, %rem3A_40, %ne3A_42 : vector<16xi32>
    %lt3A = arith.constant 0 : i32
    %lt3A_44 = vector.broadcast %lt3A : i32 to vector<16xi32>
    %lt3A_45 = arith.cmpi slt, %rem3A_40, %lt3A_44 : vector<16xi32>
    %lt3A_46 = arith.constant 0 : i32
    %lt3A_47 = arith.cmpi slt, %select_n3A_38, %lt3A_46 : i32
    %ne3A_48 = vector.broadcast %lt3A_47 : i1 to vector<16xi1>
    %ne3A_49 = vector.broadcast %ne3A_48 : vector<16xi1> to vector<16xi1>
    %ne3A_50 = arith.xori %lt3A_45, %ne3A_49 : vector<16xi1>
    %and3A_51 = arith.andi %ne3A_50, %ne3A_43 : vector<16xi1>
    %add3A_52 = vector.broadcast %select_n3A_38 : i32 to vector<16xi32>
    %add3A_53 = arith.addi %rem3A_40, %add3A_52 : vector<16xi32>
    %select_n3A_54 = arith.select %and3A_51, %add3A_53, %rem3A_40 : vector<16xi1>, vector<16xi32>
    %eq3A_55 = arith.constant 15 : i32
    %eq3A_56 = vector.broadcast %eq3A_55 : i32 to vector<16xi32>
    %eq3A_57 = arith.cmpi eq, %iota3A, %eq3A_56 : vector<16xi32>
    %get3A = arith.constant 0 : index
    %get3A_58 = tpu.vector_load %arg7[%get3A] {strides = array<i32>} : memref<528xi32, #tpu.memory_space<vmem>>, vector<16xi32>,
    %get3A_59 = arith.constant 0 : index
    %get3A_60 = tpu.vector_load %arg8[%get3A_59] {strides = array<i32>} : memref<528xi32, #tpu.memory_space<vmem>>, vector<16xi32>,
    %slice3A = vector.extract_strided_slice %get3A_58 {offsets = [0], sizes = [1], strides = [1]} : vector<16xi32> to vector<1xi32>
    %squeeze3A = vector.extract %slice3A[0] : i32 from vector<1xi32>
    %slice3A_61 = vector.extract_strided_slice %get3A_60 {offsets = [0], sizes = [1], strides = [1]} : vector<16xi32> to vector<1xi32>
    %squeeze3A_62 = vector.extract %slice3A_61[0] : i32 from vector<1xi32>
    %jit3A_63 = arith.constant 128 : i32
    %div3A_64 = arith.divsi %squeeze3A, %jit3A_63 : i32
    %sign3A_65 = arith.constant 0 : i32
    %sign3A_66 = arith.cmpi sgt, %squeeze3A, %sign3A_65 : i32
    %sign3A_67 = arith.extui %sign3A_66 : i1 to i32
    %sign3A_68 = arith.constant 0 : i32
    %sign3A_69 = arith.cmpi slt, %squeeze3A, %sign3A_68 : i32
    %sign3A_70 = arith.extui %sign3A_69 : i1 to i32
    %sign3A_71 = arith.subi %sign3A_67, %sign3A_70 : i32
    %sign3A_72 = arith.constant 0 : i32
    %sign3A_73 = arith.cmpi sgt, %jit3A_63, %sign3A_72 : i32
    %sign3A_74 = arith.extui %sign3A_73 : i1 to i32
    %sign3A_75 = arith.constant 0 : i32
    %sign3A_76 = arith.cmpi slt, %jit3A_63, %sign3A_75 : i32
    %sign3A_77 = arith.extui %sign3A_76 : i1 to i32
    %sign3A_78 = arith.subi %sign3A_74, %sign3A_77 : i32
    %ne3A_79 = arith.cmpi ne, %sign3A_71, %sign3A_78 : i32
    %rem3A_80 = arith.remsi %squeeze3A, %jit3A_63 : i32
    %ne3A_81 = arith.constant 0 : i32
    %ne3A_82 = arith.cmpi ne, %rem3A_80, %ne3A_81 : i32
    %and3A_83 = arith.andi %ne3A_79, %ne3A_82 : i1
    %sub3A_84 = arith.constant 1 : i32
    %sub3A_85 = arith.subi %div3A_64, %sub3A_84 : i32
    %select_n3A_86 = arith.select %and3A_83, %sub3A_85, %div3A_64 : i32
    %mul3A_87 = arith.constant 128 : i32
    %mul3A_88 = arith.muli %select_n3A_86, %mul3A_87 : i32
    %multiple_of3A = tpu.assume_multiple %mul3A_88, 128 : i32
    %jit3A_89 = arith.constant 128 : i32
    %div3A_90 = arith.divsi %squeeze3A_62, %jit3A_89 : i32
    %sign3A_91 = arith.constant 0 : i32
    %sign3A_92 = arith.cmpi sgt, %squeeze3A_62, %sign3A_91 : i32
    %sign3A_93 = arith.extui %sign3A_92 : i1 to i32
    %sign3A_94 = arith.constant 0 : i32
    %sign3A_95 = arith.cmpi slt, %squeeze3A_62, %sign3A_94 : i32
    %sign3A_96 = arith.extui %sign3A_95 : i1 to i32
    %sign3A_97 = arith.subi %sign3A_93, %sign3A_96 : i32
    %sign3A_98 = arith.constant 0 : i32
    %sign3A_99 = arith.cmpi sgt, %jit3A_89, %sign3A_98 : i32
    %sign3A_100 = arith.extui %sign3A_99 : i1 to i32
    %sign3A_101 = arith.constant 0 : i32
    %sign3A_102 = arith.cmpi slt, %jit3A_89, %sign3A_101 : i32
    %sign3A_103 = arith.extui %sign3A_102 : i1 to i32
    %sign3A_104 = arith.subi %sign3A_100, %sign3A_103 : i32
    %ne3A_105 = arith.cmpi ne, %sign3A_97, %sign3A_104 : i32
    %rem3A_106 = arith.remsi %squeeze3A_62, %jit3A_89 : i32
    %ne3A_107 = arith.constant 0 : i32
    %ne3A_108 = arith.cmpi ne, %rem3A_106, %ne3A_107 : i32
    %and3A_109 = arith.andi %ne3A_105, %ne3A_108 : i1
    %sub3A_110 = arith.constant 1 : i32
    %sub3A_111 = arith.subi %div3A_90, %sub3A_110 : i32
    %select_n3A_112 = arith.select %and3A_109, %sub3A_111, %div3A_90 : i32
    %mul3A_113 = arith.constant 128 : i32
    %mul3A_114 = arith.muli %select_n3A_112, %mul3A_113 : i32
    %multiple_of3A_115 = tpu.assume_multiple %mul3A_114, 128 : i32
    %dma_start3A = arith.constant 0 : i32
    %dma_start3A_116 = arith.constant 0 : i32
    %dma_start3A_117 = arith.constant 0 : i32
    %dma_start3A_118 = arith.constant 0 : i32
    %dma_start3A_119 = arith.constant 0 : i32
    %dma_start3A_120 = arith.constant 0 : i32
    %dma_start3A_121 = tpu.memref_slice %arg9[%dma_start3A, %dma_start3A_116, %dma_start3A_117, %dma_start3A_118, %dma_start3A_119, %dma_start3A_120] : memref<8x1x2x4x8x128xf32, #tpu.memory_space<vmem>> -> memref<1x1x1x4x8x128xf32, #tpu.memory_space<vmem>>
    %dma_start3A_122 = tpu.memref_squeeze %dma_start3A_121 : memref<1x1x1x4x8x128xf32, #tpu.memory_space<vmem>> -> memref<4x8x128xf32, #tpu.memory_space<vmem>>
    %dma_start3A_123 = tpu.memref_reshape %arg4 : memref<32x1000000xf32, #tpu.memory_space<hbm>> -> memref<4x8x1000000xf32, #tpu.memory_space<hbm>>
    %dma_start3A_124 = arith.constant 0 : i32
    %dma_start3A_125 = arith.constant 0 : i32
    %dma_start3A_126 = tpu.memref_slice %dma_start3A_123[%dma_start3A_124, %dma_start3A_125, %multiple_of3A] : memref<4x8x1000000xf32, #tpu.memory_space<hbm>> -> memref<4x8x128xf32, #tpu.memory_space<hbm>>
    %dma_start3A_127 = arith.constant 0 : i32
    %dma_start3A_128 = arith.constant 0 : i32
    %dma_start3A_129 = arith.constant 0 : i32
    %dma_start3A_130 = tpu.memref_slice %arg9[%dma_start3A, %dma_start3A_116, %dma_start3A_117, %dma_start3A_127, %dma_start3A_128, %dma_start3A_129] : memref<8x1x2x4x8x128xf32, #tpu.memory_space<vmem>> -> memref<1x1x1x4x8x128xf32, #tpu.memory_space<vmem>>
    %dma_start3A_131 = tpu.memref_squeeze %dma_start3A_130 : memref<1x1x1x4x8x128xf32, #tpu.memory_space<vmem>> -> memref<4x8x128xf32, #tpu.memory_space<vmem>>
    %dma_start3A_132 = tpu.memref_reshape %arg4 : memref<32x1000000xf32, #tpu.memory_space<hbm>> -> memref<4x8x1000000xf32, #tpu.memory_space<hbm>>
    %dma_start3A_133 = arith.constant 0 : i32
    %dma_start3A_134 = arith.constant 0 : i32
    %dma_start3A_135 = tpu.memref_slice %dma_start3A_132[%dma_start3A_133, %dma_start3A_134, %multiple_of3A] : memref<4x8x1000000xf32, #tpu.memory_space<hbm>> -> memref<4x8x128xf32, #tpu.memory_space<hbm>>
    tpu.enqueue_dma source(%dma_start3A_135 : memref<4x8x128xf32, #tpu.memory_space<hbm>>) target(%dma_start3A_131 : memref<4x8x128xf32, #tpu.memory_space<vmem>>) target_semaphore(%arg11 : memref<!tpu.dma_semaphore, #tpu.memory_space<semaphore_mem>>)
    %dma_start3A_136 = arith.constant 0 : i32
    %dma_start3A_137 = arith.constant 0 : i32
    %dma_start3A_138 = arith.constant 1 : i32
    %dma_start3A_139 = arith.constant 0 : i32
    %dma_start3A_140 = arith.constant 0 : i32
    %dma_start3A_141 = arith.constant 0 : i32
    %dma_start3A_142 = tpu.memref_slice %arg9[%dma_start3A_136, %dma_start3A_137, %dma_start3A_138, %dma_start3A_139, %dma_start3A_140, %dma_start3A_141] : memref<8x1x2x4x8x128xf32, #tpu.memory_space<vmem>> -> memref<1x1x1x4x8x128xf32, #tpu.memory_space<vmem>>
    %dma_start3A_143 = tpu.memref_squeeze %dma_start3A_142 : memref<1x1x1x4x8x128xf32, #tpu.memory_space<vmem>> -> memref<4x8x128xf32, #tpu.memory_space<vmem>>
    %dma_start3A_144 = tpu.memref_reshape %arg5 : memref<32x1000000xf32, #tpu.memory_space<hbm>> -> memref<4x8x1000000xf32, #tpu.memory_space<hbm>>
    %dma_start3A_145 = arith.constant 0 : i32
    %dma_start3A_146 = arith.constant 0 : i32
    %dma_start3A_147 = tpu.memref_slice %dma_start3A_144[%dma_start3A_145, %dma_start3A_146, %multiple_of3A_115] : memref<4x8x1000000xf32, #tpu.memory_space<hbm>> -> memref<4x8x128xf32, #tpu.memory_space<hbm>>
    %dma_start3A_148 = arith.constant 0 : i32
    %dma_start3A_149 = arith.constant 0 : i32
    %dma_start3A_150 = arith.constant 0 : i32
    %dma_start3A_151 = tpu.memref_slice %arg9[%dma_start3A_136, %dma_start3A_137, %dma_start3A_138, %dma_start3A_148, %dma_start3A_149, %dma_start3A_150] : memref<8x1x2x4x8x128xf32, #tpu.memory_space<vmem>> -> memref<1x1x1x4x8x128xf32, #tpu.memory_space<vmem>>
    %dma_start3A_152 = tpu.memref_squeeze %dma_start3A_151 : memref<1x1x1x4x8x128xf32, #tpu.memory_space<vmem>> -> memref<4x8x128xf32, #tpu.memory_space<vmem>>
    %dma_start3A_153 = tpu.memref_reshape %arg5 : memref<32x1000000xf32, #tpu.memory_space<hbm>> -> memref<4x8x1000000xf32, #tpu.memory_space<hbm>>
    %dma_start3A_154 = arith.constant 0 : i32
    %dma_start3A_155 = arith.constant 0 : i32
    %dma_start3A_156 = tpu.memref_slice %dma_start3A_153[%dma_start3A_154, %dma_start3A_155, %multiple_of3A_115] : memref<4x8x1000000xf32, #tpu.memory_space<hbm>> -> memref<4x8x128xf32, #tpu.memory_space<hbm>>
    tpu.enqueue_dma source(%dma_start3A_156 : memref<4x8x128xf32, #tpu.memory_space<hbm>>) target(%dma_start3A_152 : memref<4x8x128xf32, #tpu.memory_space<vmem>>) target_semaphore(%arg11 : memref<!tpu.dma_semaphore, #tpu.memory_space<semaphore_mem>>)
    %slice3A_157 = vector.extract_strided_slice %get3A_58 {offsets = [1], sizes = [1], strides = [1]} : vector<16xi32> to vector<1xi32>
    %squeeze3A_158 = vector.extract %slice3A_157[0] : i32 from vector<1xi32>
    %slice3A_159 = vector.extract_strided_slice %get3A_60 {offsets = [1], sizes = [1], strides = [1]} : vector<16xi32> to vector<1xi32>
    %squeeze3A_160 = vector.extract %slice3A_159[0] : i32 from vector<1xi32>
    %jit3A_161 = arith.constant 128 : i32
    %div3A_162 = arith.divsi %squeeze3A_158, %jit3A_161 : i32
    %sign3A_163 = arith.constant 0 : i32
    %sign3A_164 = arith.cmpi sgt, %squeeze3A_158, %sign3A_163 : i32
    %sign3A_165 = arith.extui %sign3A_164 : i1 to i32
    %sign3A_166 = arith.constant 0 : i32
    %sign3A_167 = arith.cmpi slt, %squeeze3A_158, %sign3A_166 : i32
    %sign3A_168 = arith.extui %sign3A_167 : i1 to i32
    %sign3A_169 = arith.subi %sign3A_165, %sign3A_168 : i32
    %sign3A_170 = arith.constant 0 : i32
    %sign3A_171 = arith.cmpi sgt, %jit3A_161, %sign3A_170 : i32
    %sign3A_172 = arith.extui %sign3A_171 : i1 to i32
    %sign3A_173 = arith.constant 0 : i32
    %sign3A_174 = arith.cmpi slt, %jit3A_161, %sign3A_173 : i32
    %sign3A_175 = arith.extui %sign3A_174 : i1 to i32
    %sign3A_176 = arith.subi %sign3A_172, %sign3A_175 : i32
    %ne3A_177 = arith.cmpi ne, %sign3A_169, %sign3A_176 : i32
    %rem3A_178 = arith.remsi %squeeze3A_158, %jit3A_161 : i32
    %ne3A_179 = arith.constant 0 : i32
    %ne3A_180 = arith.cmpi ne, %rem3A_178, %ne3A_179 : i32
    %and3A_181 = arith.andi %ne3A_177, %ne3A_180 : i1
    %sub3A_182 = arith.constant 1 : i32
    %sub3A_183 = arith.subi %div3A_162, %sub3A_182 : i32
    %select_n3A_184 = arith.select %and3A_181, %sub3A_183, %div3A_162 : i32
    %mul3A_185 = arith.constant 128 : i32
    %mul3A_186 = arith.muli %select_n3A_184, %mul3A_185 : i32
    %multiple_of3A_187 = tpu.assume_multiple %mul3A_186, 128 : i32
    %jit3A_188 = arith.constant 128 : i32
    %div3A_189 = arith.divsi %squeeze3A_160, %jit3A_188 : i32
    %sign3A_190 = arith.constant 0 : i32
    %sign3A_191 = arith.cmpi sgt, %squeeze3A_160, %sign3A_190 : i32
    %sign3A_192 = arith.extui %sign3A_191 : i1 to i32
    %sign3A_193 = arith.constant 0 : i32
    %sign3A_194 = arith.cmpi slt, %squeeze3A_160, %sign3A_193 : i32
    %sign3A_195 = arith.extui %sign3A_194 : i1 to i32
    %sign3A_196 = arith.subi %sign3A_192, %sign3A_195 : i32
    %sign3A_197 = arith.constant 0 : i32
    %sign3A_198 = arith.cmpi sgt, %jit3A_188, %sign3A_197 : i32
    %sign3A_199 = arith.extui %sign3A_198 : i1 to i32
    %sign3A_200 = arith.constant 0 : i32
    %sign3A_201 = arith.cmpi slt, %jit3A_188, %sign3A_200 : i32
    %sign3A_202 = arith.extui %sign3A_201 : i1 to i32
    %sign3A_203 = arith.subi %sign3A_199, %sign3A_202 : i32
    %ne3A_204 = arith.cmpi ne, %sign3A_196, %sign3A_203 : i32
    %rem3A_205 = arith.remsi %squeeze3A_160, %jit3A_188 : i32
    %ne3A_206 = arith.constant 0 : i32
    %ne3A_207 = arith.cmpi ne, %rem3A_205, %ne3A_206 : i32
    %and3A_208 = arith.andi %ne3A_204, %ne3A_207 : i1
    %sub3A_209 = arith.constant 1 : i32
    %sub3A_210 = arith.subi %div3A_189, %sub3A_209 : i32
    %select_n3A_211 = arith.select %and3A_208, %sub3A_210, %div3A_189 : i32
    %mul3A_212 = arith.constant 128 : i32
    %mul3A_213 = arith.muli %select_n3A_211, %mul3A_212 : i32
    %multiple_of3A_214 = tpu.assume_multiple %mul3A_213, 128 : i32
    %dma_start3A_215 = arith.constant 1 : i32
    %dma_start3A_216 = arith.constant 0 : i32
    %dma_start3A_217 = arith.constant 0 : i32
    %dma_start3A_218 = arith.constant 0 : i32
    %dma_start3A_219 = arith.constant 0 : i32
    %dma_start3A_220 = arith.constant 0 : i32
    %dma_start3A_221 = tpu.memref_slice %arg9[%dma_start3A_215, %dma_start3A_216, %dma_start3A_217, %dma_start3A_218, %dma_start3A_219, %dma_start3A_220] : memref<8x1x2x4x8x128xf32, #tpu.memory_space<vmem>> -> memref<1x1x1x4x8x128xf32, #tpu.memory_space<vmem>>
    %dma_start3A_222 = tpu.memref_squeeze %dma_start3A_221 : memref<1x1x1x4x8x128xf32, #tpu.memory_space<vmem>> -> memref<4x8x128xf32, #tpu.memory_space<vmem>>
    %dma_start3A_223 = tpu.memref_reshape %arg4 : memref<32x1000000xf32, #tpu.memory_space<hbm>> -> memref<4x8x1000000xf32, #tpu.memory_space<hbm>>
    %dma_start3A_224 = arith.constant 0 : i32
    %dma_start3A_225 = arith.constant 0 : i32
    %dma_start3A_226 = tpu.memref_slice %dma_start3A_223[%dma_start3A_224, %dma_start3A_225, %multiple_of3A_187] : memref<4x8x1000000xf32, #tpu.memory_space<hbm>> -> memref<4x8x128xf32, #tpu.memory_space<hbm>>
    %dma_start3A_227 = arith.constant 0 : i32
    %dma_start3A_228 = arith.constant 0 : i32
    %dma_start3A_229 = arith.constant 0 : i32
    %dma_start3A_230 = tpu.memref_slice %arg9[%dma_start3A_215, %dma_start3A_216, %dma_start3A_217, %dma_start3A_227, %dma_start3A_228, %dma_start3A_229] : memref<8x1x2x4x8x128xf32, #tpu.memory_space<vmem>> -> memref<1x1x1x4x8x128xf32, #tpu.memory_space<vmem>>
    %dma_start3A_231 = tpu.memref_squeeze %dma_start3A_230 : memref<1x1x1x4x8x128xf32, #tpu.memory_space<vmem>> -> memref<4x8x128xf32, #tpu.memory_space<vmem>>
    %dma_start3A_232 = tpu.memref_reshape %arg4 : memref<32x1000000xf32, #tpu.memory_space<hbm>> -> memref<4x8x1000000xf32, #tpu.memory_space<hbm>>
    %dma_start3A_233 = arith.constant 0 : i32
    %dma_start3A_234 = arith.constant 0 : i32
    %dma_start3A_235 = tpu.memref_slice %dma_start3A_232[%dma_start3A_233, %dma_start3A_234, %multiple_of3A_187] : memref<4x8x1000000xf32, #tpu.memory_space<hbm>> -> memref<4x8x128xf32, #tpu.memory_space<hbm>>
    tpu.enqueue_dma source(%dma_start3A_235 : memref<4x8x128xf32, #tpu.memory_space<hbm>>) target(%dma_start3A_231 : memref<4x8x128xf32, #tpu.memory_space<vmem>>) target_semaphore(%arg12 : memref<!tpu.dma_semaphore, #tpu.memory_space<semaphore_mem>>)
    %dma_start3A_236 = arith.constant 1 : i32
    %dma_start3A_237 = arith.constant 0 : i32
    %dma_start3A_238 = arith.constant 1 : i32
    %dma_start3A_239 = arith.constant 0 : i32
    %dma_start3A_240 = arith.constant 0 : i32
    %dma_start3A_241 = arith.constant 0 : i32
    %dma_start3A_242 = tpu.memref_slice %arg9[%dma_start3A_236, %dma_start3A_237, %dma_start3A_238, %dma_start3A_239, %dma_start3A_240, %dma_start3A_241] : memref<8x1x2x4x8x128xf32, #tpu.memory_space<vmem>> -> memref<1x1x1x4x8x128xf32, #tpu.memory_space<vmem>>
    %dma_start3A_243 = tpu.memref_squeeze %dma_start3A_242 : memref<1x1x1x4x8x128xf32, #tpu.memory_space<vmem>> -> memref<4x8x128xf32, #tpu.memory_space<vmem>>
    %dma_start3A_244 = tpu.memref_reshape %arg5 : memref<32x1000000xf32, #tpu.memory_space<hbm>> -> memref<4x8x1000000xf32, #tpu.memory_space<hbm>>
    %dma_start3A_245 = arith.constant 0 : i32
    %dma_start3A_246 = arith.constant 0 : i32
    %dma_start3A_247 = tpu.memref_slice %dma_start3A_244[%dma_start3A_245, %dma_start3A_246, %multiple_of3A_214] : memref<4x8x1000000xf32, #tpu.memory_space<hbm>> -> memref<4x8x128xf32, #tpu.memory_space<hbm>>
    %dma_start3A_248 = arith.constant 0 : i32
    %dma_start3A_249 = arith.constant 0 : i32
    %dma_start3A_250 = arith.constant 0 : i32
    %dma_start3A_251 = tpu.memref_slice %arg9[%dma_start3A_236, %dma_start3A_237, %dma_start3A_238, %dma_start3A_248, %dma_start3A_249, %dma_start3A_250] : memref<8x1x2x4x8x128xf32, #tpu.memory_space<vmem>> -> memref<1x1x1x4x8x128xf32, #tpu.memory_space<vmem>>
    %dma_start3A_252 = tpu.memref_squeeze %dma_start3A_251 : memref<1x1x1x4x8x128xf32, #tpu.memory_space<vmem>> -> memref<4x8x128xf32, #tpu.memory_space<vmem>>
    %dma_start3A_253 = tpu.memref_reshape %arg5 : memref<32x1000000xf32, #tpu.memory_space<hbm>> -> memref<4x8x1000000xf32, #tpu.memory_space<hbm>>
    %dma_start3A_254 = arith.constant 0 : i32
    %dma_start3A_255 = arith.constant 0 : i32
    %dma_start3A_256 = tpu.memref_slice %dma_start3A_253[%dma_start3A_254, %dma_start3A_255, %multiple_of3A_214] : memref<4x8x1000000xf32, #tpu.memory_space<hbm>> -> memref<4x8x128xf32, #tpu.memory_space<hbm>>
    tpu.enqueue_dma source(%dma_start3A_256 : memref<4x8x128xf32, #tpu.memory_space<hbm>>) target(%dma_start3A_252 : memref<4x8x128xf32, #tpu.memory_space<vmem>>) target_semaphore(%arg12 : memref<!tpu.dma_semaphore, #tpu.memory_space<semaphore_mem>>)
    %slice3A_257 = vector.extract_strided_slice %get3A_58 {offsets = [2], sizes = [1], strides = [1]} : vector<16xi32> to vector<1xi32>
    %squeeze3A_258 = vector.extract %slice3A_257[0] : i32 from vector<1xi32>
    %slice3A_259 = vector.extract_strided_slice %get3A_60 {offsets = [2], sizes = [1], strides = [1]} : vector<16xi32> to vector<1xi32>
    %squeeze3A_260 = vector.extract %slice3A_259[0] : i32 from vector<1xi32>
    %jit3A_261 = arith.constant 128 : i32
    %div3A_262 = arith.divsi %squeeze3A_258, %jit3A_261 : i32
    %sign3A_263 = arith.constant 0 : i32
    %sign3A_264 = arith.cmpi sgt, %squeeze3A_258, %sign3A_263 : i32
    %sign3A_265 = arith.extui %sign3A_264 : i1 to i32
    %sign3A_266 = arith.constant 0 : i32
    %sign3A_267 = arith.cmpi slt, %squeeze3A_258, %sign3A_266 : i32
    %sign3A_268 = arith.extui %sign3A_267 : i1 to i32
    %sign3A_269 = arith.subi %sign3A_265, %sign3A_268 : i32
    %sign3A_270 = arith.constant 0 : i32
    %sign3A_271 = arith.cmpi sgt, %jit3A_261, %sign3A_270 : i32
    %sign3A_272 = arith.extui %sign3A_271 : i1 to i32
    %sign3A_273 = arith.constant 0 : i32
    %sign3A_274 = arith.cmpi slt, %jit3A_261, %sign3A_273 : i32
    %sign3A_275 = arith.extui %sign3A_274 : i1 to i32
    %sign3A_276 = arith.subi %sign3A_272, %sign3A_275 : i32
    %ne3A_277 = arith.cmpi ne, %sign3A_269, %sign3A_276 : i32
    %rem3A_278 = arith.remsi %squeeze3A_258, %jit3A_261 : i32
    %ne3A_279 = arith.constant 0 : i32
    %ne3A_280 = arith.cmpi ne, %rem3A_278, %ne3A_279 : i32
    %and3A_281 = arith.andi %ne3A_277, %ne3A_280 : i1
    %sub3A_282 = arith.constant 1 : i32
    %sub3A_283 = arith.subi %div3A_262, %sub3A_282 : i32
    %select_n3A_284 = arith.select %and3A_281, %sub3A_283, %div3A_262 : i32
    %mul3A_285 = arith.constant 128 : i32
    %mul3A_286 = arith.muli %select_n3A_284, %mul3A_285 : i32
    %multiple_of3A_287 = tpu.assume_multiple %mul3A_286, 128 : i32
    %jit3A_288 = arith.constant 128 : i32
    %div3A_289 = arith.divsi %squeeze3A_260, %jit3A_288 : i32
    %sign3A_290 = arith.constant 0 : i32
    %sign3A_291 = arith.cmpi sgt, %squeeze3A_260, %sign3A_290 : i32
    %sign3A_292 = arith.extui %sign3A_291 : i1 to i32
    %sign3A_293 = arith.constant 0 : i32
    %sign3A_294 = arith.cmpi slt, %squeeze3A_260, %sign3A_293 : i32
    %sign3A_295 = arith.extui %sign3A_294 : i1 to i32
    %sign3A_296 = arith.subi %sign3A_292, %sign3A_295 : i32
    %sign3A_297 = arith.constant 0 : i32
    %sign3A_298 = arith.cmpi sgt, %jit3A_288, %sign3A_297 : i32
    %sign3A_299 = arith.extui %sign3A_298 : i1 to i32
    %sign3A_300 = arith.constant 0 : i32
    %sign3A_301 = arith.cmpi slt, %jit3A_288, %sign3A_300 : i32
    %sign3A_302 = arith.extui %sign3A_301 : i1 to i32
    %sign3A_303 = arith.subi %sign3A_299, %sign3A_302 : i32
    %ne3A_304 = arith.cmpi ne, %sign3A_296, %sign3A_303 : i32
    %rem3A_305 = arith.remsi %squeeze3A_260, %jit3A_288 : i32
    %ne3A_306 = arith.constant 0 : i32
    %ne3A_307 = arith.cmpi ne, %rem3A_305, %ne3A_306 : i32
    %and3A_308 = arith.andi %ne3A_304, %ne3A_307 : i1
    %sub3A_309 = arith.constant 1 : i32
    %sub3A_310 = arith.subi %div3A_289, %sub3A_309 : i32
    %select_n3A_311 = arith.select %and3A_308, %sub3A_310, %div3A_289 : i32
    %mul3A_312 = arith.constant 128 : i32
    %mul3A_313 = arith.muli %select_n3A_311, %mul3A_312 : i32
    %multiple_of3A_314 = tpu.assume_multiple %mul3A_313, 128 : i32
    %dma_start3A_315 = arith.constant 2 : i32
    %dma_start3A_316 = arith.constant 0 : i32
    %dma_start3A_317 = arith.constant 0 : i32
    %dma_start3A_318 = arith.constant 0 : i32
    %dma_start3A_319 = arith.constant 0 : i32
    %dma_start3A_320 = arith.constant 0 : i32
    %dma_start3A_321 = tpu.memref_slice %arg9[%dma_start3A_315, %dma_start3A_316, %dma_start3A_317, %dma_start3A_318, %dma_start3A_319, %dma_start3A_320] : memref<8x1x2x4x8x128xf32, #tpu.memory_space<vmem>> -> memref<1x1x1x4x8x128xf32, #tpu.memory_space<vmem>>
    %dma_start3A_322 = tpu.memref_squeeze %dma_start3A_321 : memref<1x1x1x4x8x128xf32, #tpu.memory_space<vmem>> -> memref<4x8x128xf32, #tpu.memory_space<vmem>>
    %dma_start3A_323 = tpu.memref_reshape %arg4 : memref<32x1000000xf32, #tpu.memory_space<hbm>> -> memref<4x8x1000000xf32, #tpu.memory_space<hbm>>
    %dma_start3A_324 = arith.constant 0 : i32
    %dma_start3A_325 = arith.constant 0 : i32
    %dma_start3A_326 = tpu.memref_slice %dma_start3A_323[%dma_start3A_324, %dma_start3A_325, %multiple_of3A_287] : memref<4x8x1000000xf32, #tpu.memory_space<hbm>> -> memref<4x8x128xf32, #tpu.memory_space<hbm>>
    %dma_start3A_327 = arith.constant 0 : i32
    %dma_start3A_328 = arith.constant 0 : i32
    %dma_start3A_329 = arith.constant 0 : i32
    %dma_start3A_330 = tpu.memref_slice %arg9[%dma_start3A_315, %dma_start3A_316, %dma_start3A_317, %dma_start3A_327, %dma_start3A_328, %dma_start3A_329] : memref<8x1x2x4x8x128xf32, #tpu.memory_space<vmem>> -> memref<1x1x1x4x8x128xf32, #tpu.memory_space<vmem>>
    %dma_start3A_331 = tpu.memref_squeeze %dma_start3A_330 : memref<1x1x1x4x8x128xf32, #tpu.memory_space<vmem>> -> memref<4x8x128xf32, #tpu.memory_space<vmem>>
    %dma_start3A_332 = tpu.memref_reshape %arg4 : memref<32x1000000xf32, #tpu.memory_space<hbm>> -> memref<4x8x1000000xf32, #tpu.memory_space<hbm>>
    %dma_start3A_333 = arith.constant 0 : i32
    %dma_start3A_334 = arith.constant 0 : i32
    %dma_start3A_335 = tpu.memref_slice %dma_start3A_332[%dma_start3A_333, %dma_start3A_334, %multiple_of3A_287] : memref<4x8x1000000xf32, #tpu.memory_space<hbm>> -> memref<4x8x128xf32, #tpu.memory_space<hbm>>
    tpu.enqueue_dma source(%dma_start3A_335 : memref<4x8x128xf32, #tpu.memory_space<hbm>>) target(%dma_start3A_331 : memref<4x8x128xf32, #tpu.memory_space<vmem>>) target_semaphore(%arg13 : memref<!tpu.dma_semaphore, #tpu.memory_space<semaphore_mem>>)
    %dma_start3A_336 = arith.constant 2 : i32
    %dma_start3A_337 = arith.constant 0 : i32
    %dma_start3A_338 = arith.constant 1 : i32
    %dma_start3A_339 = arith.constant 0 : i32
    %dma_start3A_340 = arith.constant 0 : i32
    %dma_start3A_341 = arith.constant 0 : i32
    %dma_start3A_342 = tpu.memref_slice %arg9[%dma_start3A_336, %dma_start3A_337, %dma_start3A_338, %dma_start3A_339, %dma_start3A_340, %dma_start3A_341] : memref<8x1x2x4x8x128xf32, #tpu.memory_space<vmem>> -> memref<1x1x1x4x8x128xf32, #tpu.memory_space<vmem>>
    %dma_start3A_343 = tpu.memref_squeeze %dma_start3A_342 : memref<1x1x1x4x8x128xf32, #tpu.memory_space<vmem>> -> memref<4x8x128xf32, #tpu.memory_space<vmem>>
    %dma_start3A_344 = tpu.memref_reshape %arg5 : memref<32x1000000xf32, #tpu.memory_space<hbm>> -> memref<4x8x1000000xf32, #tpu.memory_space<hbm>>
    %dma_start3A_345 = arith.constant 0 : i32
    %dma_start3A_346 = arith.constant 0 : i32
    %dma_start3A_347 = tpu.memref_slice %dma_start3A_344[%dma_start3A_345, %dma_start3A_346, %multiple_of3A_314] : memref<4x8x1000000xf32, #tpu.memory_space<hbm>> -> memref<4x8x128xf32, #tpu.memory_space<hbm>>
    %dma_start3A_348 = arith.constant 0 : i32
    %dma_start3A_349 = arith.constant 0 : i32
    %dma_start3A_350 = arith.constant 0 : i32
    %dma_start3A_351 = tpu.memref_slice %arg9[%dma_start3A_336, %dma_start3A_337, %dma_start3A_338, %dma_start3A_348, %dma_start3A_349, %dma_start3A_350] : memref<8x1x2x4x8x128xf32, #tpu.memory_space<vmem>> -> memref<1x1x1x4x8x128xf32, #tpu.memory_space<vmem>>
    %dma_start3A_352 = tpu.memref_squeeze %dma_start3A_351 : memref<1x1x1x4x8x128xf32, #tpu.memory_space<vmem>> -> memref<4x8x128xf32, #tpu.memory_space<vmem>>
    %dma_start3A_353 = tpu.memref_reshape %arg5 : memref<32x1000000xf32, #tpu.memory_space<hbm>> -> memref<4x8x1000000xf32, #tpu.memory_space<hbm>>
    %dma_start3A_354 = arith.constant 0 : i32
    %dma_start3A_355 = arith.constant 0 : i32
    %dma_start3A_356 = tpu.memref_slice %dma_start3A_353[%dma_start3A_354, %dma_start3A_355, %multiple_of3A_314] : memref<4x8x1000000xf32, #tpu.memory_space<hbm>> -> memref<4x8x128xf32, #tpu.memory_space<hbm>>
    tpu.enqueue_dma source(%dma_start3A_356 : memref<4x8x128xf32, #tpu.memory_space<hbm>>) target(%dma_start3A_352 : memref<4x8x128xf32, #tpu.memory_space<vmem>>) target_semaphore(%arg13 : memref<!tpu.dma_semaphore, #tpu.memory_space<semaphore_mem>>)
    %slice3A_357 = vector.extract_strided_slice %get3A_58 {offsets = [3], sizes = [1], strides = [1]} : vector<16xi32> to vector<1xi32>
    %squeeze3A_358 = vector.extract %slice3A_357[0] : i32 from vector<1xi32>
    %slice3A_359 = vector.extract_strided_slice %get3A_60 {offsets = [3], sizes = [1], strides = [1]} : vector<16xi32> to vector<1xi32>
    %squeeze3A_360 = vector.extract %slice3A_359[0] : i32 from vector<1xi32>
    %jit3A_361 = arith.constant 128 : i32
    %div3A_362 = arith.divsi %squeeze3A_358, %jit3A_361 : i32
    %sign3A_363 = arith.constant 0 : i32
    %sign3A_364 = arith.cmpi sgt, %squeeze3A_358, %sign3A_363 : i32
    %sign3A_365 = arith.extui %sign3A_364 : i1 to i32
    %sign3A_366 = arith.constant 0 : i32
    %sign3A_367 = arith.cmpi slt, %squeeze3A_358, %sign3A_366 : i32
    %sign3A_368 = arith.extui %sign3A_367 : i1 to i32
    %sign3A_369 = arith.subi %sign3A_365, %sign3A_368 : i32
    %sign3A_370 = arith.constant 0 : i32
    %sign3A_371 = arith.cmpi sgt, %jit3A_361, %sign3A_370 : i32
    %sign3A_372 = arith.extui %sign3A_371 : i1 to i32
    %sign3A_373 = arith.constant 0 : i32
    %sign3A_374 = arith.cmpi slt, %jit3A_361, %sign3A_373 : i32
    %sign3A_375 = arith.extui %sign3A_374 : i1 to i32
    %sign3A_376 = arith.subi %sign3A_372, %sign3A_375 : i32
    %ne3A_377 = arith.cmpi ne, %sign3A_369, %sign3A_376 : i32
    %rem3A_378 = arith.remsi %squeeze3A_358, %jit3A_361 : i32
    %ne3A_379 = arith.constant 0 : i32
    %ne3A_380 = arith.cmpi ne, %rem3A_378, %ne3A_379 : i32
    %and3A_381 = arith.andi %ne3A_377, %ne3A_380 : i1
    %sub3A_382 = arith.constant 1 : i32
    %sub3A_383 = arith.subi %div3A_362, %sub3A_382 : i32
    %select_n3A_384 = arith.select %and3A_381, %sub3A_383, %div3A_362 : i32
    %mul3A_385 = arith.constant 128 : i32
    %mul3A_386 = arith.muli %select_n3A_384, %mul3A_385 : i32
    %multiple_of3A_387 = tpu.assume_multiple %mul3A_386, 128 : i32
    %jit3A_388 = arith.constant 128 : i32
    %div3A_389 = arith.divsi %squeeze3A_360, %jit3A_388 : i32
    %sign3A_390 = arith.constant 0 : i32
    %sign3A_391 = arith.cmpi sgt, %squeeze3A_360, %sign3A_390 : i32
    %sign3A_392 = arith.extui %sign3A_391 : i1 to i32
    %sign3A_393 = arith.constant 0 : i32
    %sign3A_394 = arith.cmpi slt, %squeeze3A_360, %sign3A_393 : i32
    %sign3A_395 = arith.extui %sign3A_394 : i1 to i32
    %sign3A_396 = arith.subi %sign3A_392, %sign3A_395 : i32
    %sign3A_397 = arith.constant 0 : i32
    %sign3A_398 = arith.cmpi sgt, %jit3A_388, %sign3A_397 : i32
    %sign3A_399 = arith.extui %sign3A_398 : i1 to i32
    %sign3A_400 = arith.constant 0 : i32
    %sign3A_401 = arith.cmpi slt, %jit3A_388, %sign3A_400 : i32
    %sign3A_402 = arith.extui %sign3A_401 : i1 to i32
    %sign3A_403 = arith.subi %sign3A_399, %sign3A_402 : i32
    %ne3A_404 = arith.cmpi ne, %sign3A_396, %sign3A_403 : i32
    %rem3A_405 = arith.remsi %squeeze3A_360, %jit3A_388 : i32
    %ne3A_406 = arith.constant 0 : i32
    %ne3A_407 = arith.cmpi ne, %rem3A_405, %ne3A_406 : i32
    %and3A_408 = arith.andi %ne3A_404, %ne3A_407 : i1
    %sub3A_409 = arith.constant 1 : i32
    %sub3A_410 = arith.subi %div3A_389, %sub3A_409 : i32
    %select_n3A_411 = arith.select %and3A_408, %sub3A_410, %div3A_389 : i32
    %mul3A_412 = arith.constant 128 : i32
    %mul3A_413 = arith.muli %select_n3A_411, %mul3A_412 : i32
    %multiple_of3A_414 = tpu.assume_multiple %mul3A_413, 128 : i32
    %dma_start3A_415 = arith.constant 3 : i32
    %dma_start3A_416 = arith.constant 0 : i32
    %dma_start3A_417 = arith.constant 0 : i32
    %dma_start3A_418 = arith.constant 0 : i32
    %dma_start3A_419 = arith.constant 0 : i32
    %dma_start3A_420 = arith.constant 0 : i32
    %dma_start3A_421 = tpu.memref_slice %arg9[%dma_start3A_415, %dma_start3A_416, %dma_start3A_417, %dma_start3A_418, %dma_start3A_419, %dma_start3A_420] : memref<8x1x2x4x8x128xf32, #tpu.memory_space<vmem>> -> memref<1x1x1x4x8x128xf32, #tpu.memory_space<vmem>>
    %dma_start3A_422 = tpu.memref_squeeze %dma_start3A_421 : memref<1x1x1x4x8x128xf32, #tpu.memory_space<vmem>> -> memref<4x8x128xf32, #tpu.memory_space<vmem>>
    %dma_start3A_423 = tpu.memref_reshape %arg4 : memref<32x1000000xf32, #tpu.memory_space<hbm>> -> memref<4x8x1000000xf32, #tpu.memory_space<hbm>>
    %dma_start3A_424 = arith.constant 0 : i32
    %dma_start3A_425 = arith.constant 0 : i32
    %dma_start3A_426 = tpu.memref_slice %dma_start3A_423[%dma_start3A_424, %dma_start3A_425, %multiple_of3A_387] : memref<4x8x1000000xf32, #tpu.memory_space<hbm>> -> memref<4x8x128xf32, #tpu.memory_space<hbm>>
    %dma_start3A_427 = arith.constant 0 : i32
    %dma_start3A_428 = arith.constant 0 : i32
    %dma_start3A_429 = arith.constant 0 : i32
    %dma_start3A_430 = tpu.memref_slice %arg9[%dma_start3A_415, %dma_start3A_416, %dma_start3A_417, %dma_start3A_427, %dma_start3A_428, %dma_start3A_429] : memref<8x1x2x4x8x128xf32, #tpu.memory_space<vmem>> -> memref<1x1x1x4x8x128xf32, #tpu.memory_space<vmem>>
    %dma_start3A_431 = tpu.memref_squeeze %dma_start3A_430 : memref<1x1x1x4x8x128xf32, #tpu.memory_space<vmem>> -> memref<4x8x128xf32, #tpu.memory_space<vmem>>
    %dma_start3A_432 = tpu.memref_reshape %arg4 : memref<32x1000000xf32, #tpu.memory_space<hbm>> -> memref<4x8x1000000xf32, #tpu.memory_space<hbm>>
    %dma_start3A_433 = arith.constant 0 : i32
    %dma_start3A_434 = arith.constant 0 : i32
    %dma_start3A_435 = tpu.memref_slice %dma_start3A_432[%dma_start3A_433, %dma_start3A_434, %multiple_of3A_387] : memref<4x8x1000000xf32, #tpu.memory_space<hbm>> -> memref<4x8x128xf32, #tpu.memory_space<hbm>>
    tpu.enqueue_dma source(%dma_start3A_435 : memref<4x8x128xf32, #tpu.memory_space<hbm>>) target(%dma_start3A_431 : memref<4x8x128xf32, #tpu.memory_space<vmem>>) target_semaphore(%arg14 : memref<!tpu.dma_semaphore, #tpu.memory_space<semaphore_mem>>)
    %dma_start3A_436 = arith.constant 3 : i32
    %dma_start3A_437 = arith.constant 0 : i32
    %dma_start3A_438 = arith.constant 1 : i32
    %dma_start3A_439 = arith.constant 0 : i32
    %dma_start3A_440 = arith.constant 0 : i32
    %dma_start3A_441 = arith.constant 0 : i32
    %dma_start3A_442 = tpu.memref_slice %arg9[%dma_start3A_436, %dma_start3A_437, %dma_start3A_438, %dma_start3A_439, %dma_start3A_440, %dma_start3A_441] : memref<8x1x2x4x8x128xf32, #tpu.memory_space<vmem>> -> memref<1x1x1x4x8x128xf32, #tpu.memory_space<vmem>>
    %dma_start3A_443 = tpu.memref_squeeze %dma_start3A_442 : memref<1x1x1x4x8x128xf32, #tpu.memory_space<vmem>> -> memref<4x8x128xf32, #tpu.memory_space<vmem>>
    %dma_start3A_444 = tpu.memref_reshape %arg5 : memref<32x1000000xf32, #tpu.memory_space<hbm>> -> memref<4x8x1000000xf32, #tpu.memory_space<hbm>>
    %dma_start3A_445 = arith.constant 0 : i32
    %dma_start3A_446 = arith.constant 0 : i32
    %dma_start3A_447 = tpu.memref_slice %dma_start3A_444[%dma_start3A_445, %dma_start3A_446, %multiple_of3A_414] : memref<4x8x1000000xf32, #tpu.memory_space<hbm>> -> memref<4x8x128xf32, #tpu.memory_space<hbm>>
    %dma_start3A_448 = arith.constant 0 : i32
    %dma_start3A_449 = arith.constant 0 : i32
    %dma_start3A_450 = arith.constant 0 : i32
    %dma_start3A_451 = tpu.memref_slice %arg9[%dma_start3A_436, %dma_start3A_437, %dma_start3A_438, %dma_start3A_448, %dma_start3A_449, %dma_start3A_450] : memref<8x1x2x4x8x128xf32, #tpu.memory_space<vmem>> -> memref<1x1x1x4x8x128xf32, #tpu.memory_space<vmem>>
    %dma_start3A_452 = tpu.memref_squeeze %dma_start3A_451 : memref<1x1x1x4x8x128xf32, #tpu.memory_space<vmem>> -> memref<4x8x128xf32, #tpu.memory_space<vmem>>
    %dma_start3A_453 = tpu.memref_reshape %arg5 : memref<32x1000000xf32, #tpu.memory_space<hbm>> -> memref<4x8x1000000xf32, #tpu.memory_space<hbm>>
    %dma_start3A_454 = arith.constant 0 : i32
    %dma_start3A_455 = arith.constant 0 : i32
    %dma_start3A_456 = tpu.memref_slice %dma_start3A_453[%dma_start3A_454, %dma_start3A_455, %multiple_of3A_414] : memref<4x8x1000000xf32, #tpu.memory_space<hbm>> -> memref<4x8x128xf32, #tpu.memory_space<hbm>>
    tpu.enqueue_dma source(%dma_start3A_456 : memref<4x8x128xf32, #tpu.memory_space<hbm>>) target(%dma_start3A_452 : memref<4x8x128xf32, #tpu.memory_space<vmem>>) target_semaphore(%arg14 : memref<!tpu.dma_semaphore, #tpu.memory_space<semaphore_mem>>)
    %slice3A_457 = vector.extract_strided_slice %get3A_58 {offsets = [4], sizes = [1], strides = [1]} : vector<16xi32> to vector<1xi32>
    %squeeze3A_458 = vector.extract %slice3A_457[0] : i32 from vector<1xi32>
    %slice3A_459 = vector.extract_strided_slice %get3A_60 {offsets = [4], sizes = [1], strides = [1]} : vector<16xi32> to vector<1xi32>
    %squeeze3A_460 = vector.extract %slice3A_459[0] : i32 from vector<1xi32>
    %jit3A_461 = arith.constant 128 : i32
    %div3A_462 = arith.divsi %squeeze3A_458, %jit3A_461 : i32
    %sign3A_463 = arith.constant 0 : i32
    %sign3A_464 = arith.cmpi sgt, %squeeze3A_458, %sign3A_463 : i32
    %sign3A_465 = arith.extui %sign3A_464 : i1 to i32
    %sign3A_466 = arith.constant 0 : i32
    %sign3A_467 = arith.cmpi slt, %squeeze3A_458, %sign3A_466 : i32
    %sign3A_468 = arith.extui %sign3A_467 : i1 to i32
    %sign3A_469 = arith.subi %sign3A_465, %sign3A_468 : i32
    %sign3A_470 = arith.constant 0 : i32
    %sign3A_471 = arith.cmpi sgt, %jit3A_461, %sign3A_470 : i32
    %sign3A_472 = arith.extui %sign3A_471 : i1 to i32
    %sign3A_473 = arith.constant 0 : i32
    %sign3A_474 = arith.cmpi slt, %jit3A_461, %sign3A_473 : i32
    %sign3A_475 = arith.extui %sign3A_474 : i1 to i32
    %sign3A_476 = arith.subi %sign3A_472, %sign3A_475 : i32
    %ne3A_477 = arith.cmpi ne, %sign3A_469, %sign3A_476 : i32
    %rem3A_478 = arith.remsi %squeeze3A_458, %jit3A_461 : i32
    %ne3A_479 = arith.constant 0 : i32
    %ne3A_480 = arith.cmpi ne, %rem3A_478, %ne3A_479 : i32
    %and3A_481 = arith.andi %ne3A_477, %ne3A_480 : i1
    %sub3A_482 = arith.constant 1 : i32
    %sub3A_483 = arith.subi %div3A_462, %sub3A_482 : i32
    %select_n3A_484 = arith.select %and3A_481, %sub3A_483, %div3A_462 : i32
    %mul3A_485 = arith.constant 128 : i32
    %mul3A_486 = arith.muli %select_n3A_484, %mul3A_485 : i32
    %multiple_of3A_487 = tpu.assume_multiple %mul3A_486, 128 : i32
    %jit3A_488 = arith.constant 128 : i32
    %div3A_489 = arith.divsi %squeeze3A_460, %jit3A_488 : i32
    %sign3A_490 = arith.constant 0 : i32
    %sign3A_491 = arith.cmpi sgt, %squeeze3A_460, %sign3A_490 : i32
    %sign3A_492 = arith.extui %sign3A_491 : i1 to i32
    %sign3A_493 = arith.constant 0 : i32
    %sign3A_494 = arith.cmpi slt, %squeeze3A_460, %sign3A_493 : i32
    %sign3A_495 = arith.extui %sign3A_494 : i1 to i32
    %sign3A_496 = arith.subi %sign3A_492, %sign3A_495 : i32
    %sign3A_497 = arith.constant 0 : i32
    %sign3A_498 = arith.cmpi sgt, %jit3A_488, %sign3A_497 : i32
    %sign3A_499 = arith.extui %sign3A_498 : i1 to i32
    %sign3A_500 = arith.constant 0 : i32
    %sign3A_501 = arith.cmpi slt, %jit3A_488, %sign3A_500 : i32
    %sign3A_502 = arith.extui %sign3A_501 : i1 to i32
    %sign3A_503 = arith.subi %sign3A_499, %sign3A_502 : i32
    %ne3A_504 = arith.cmpi ne, %sign3A_496, %sign3A_503 : i32
    %rem3A_505 = arith.remsi %squeeze3A_460, %jit3A_488 : i32
    %ne3A_506 = arith.constant 0 : i32
    %ne3A_507 = arith.cmpi ne, %rem3A_505, %ne3A_506 : i32
    %and3A_508 = arith.andi %ne3A_504, %ne3A_507 : i1
    %sub3A_509 = arith.constant 1 : i32
    %sub3A_510 = arith.subi %div3A_489, %sub3A_509 : i32
    %select_n3A_511 = arith.select %and3A_508, %sub3A_510, %div3A_489 : i32
    %mul3A_512 = arith.constant 128 : i32
    %mul3A_513 = arith.muli %select_n3A_511, %mul3A_512 : i32
    %multiple_of3A_514 = tpu.assume_multiple %mul3A_513, 128 : i32
    %dma_start3A_515 = arith.constant 4 : i32
    %dma_start3A_516 = arith.constant 0 : i32
    %dma_start3A_517 = arith.constant 0 : i32
    %dma_start3A_518 = arith.constant 0 : i32
    %dma_start3A_519 = arith.constant 0 : i32
    %dma_start3A_520 = arith.constant 0 : i32
    %dma_start3A_521 = tpu.memref_slice %arg9[%dma_start3A_515, %dma_start3A_516, %dma_start3A_517, %dma_start3A_518, %dma_start3A_519, %dma_start3A_520] : memref<8x1x2x4x8x128xf32, #tpu.memory_space<vmem>> -> memref<1x1x1x4x8x128xf32, #tpu.memory_space<vmem>>
    %dma_start3A_522 = tpu.memref_squeeze %dma_start3A_521 : memref<1x1x1x4x8x128xf32, #tpu.memory_space<vmem>> -> memref<4x8x128xf32, #tpu.memory_space<vmem>>
    %dma_start3A_523 = tpu.memref_reshape %arg4 : memref<32x1000000xf32, #tpu.memory_space<hbm>> -> memref<4x8x1000000xf32, #tpu.memory_space<hbm>>
    %dma_start3A_524 = arith.constant 0 : i32
    %dma_start3A_525 = arith.constant 0 : i32
    %dma_start3A_526 = tpu.memref_slice %dma_start3A_523[%dma_start3A_524, %dma_start3A_525, %multiple_of3A_487] : memref<4x8x1000000xf32, #tpu.memory_space<hbm>> -> memref<4x8x128xf32, #tpu.memory_space<hbm>>
    %dma_start3A_527 = arith.constant 0 : i32
    %dma_start3A_528 = arith.constant 0 : i32
    %dma_start3A_529 = arith.constant 0 : i32
    %dma_start3A_530 = tpu.memref_slice %arg9[%dma_start3A_515, %dma_start3A_516, %dma_start3A_517, %dma_start3A_527, %dma_start3A_528, %dma_start3A_529] : memref<8x1x2x4x8x128xf32, #tpu.memory_space<vmem>> -> memref<1x1x1x4x8x128xf32, #tpu.memory_space<vmem>>
    %dma_start3A_531 = tpu.memref_squeeze %dma_start3A_530 : memref<1x1x1x4x8x128xf32, #tpu.memory_space<vmem>> -> memref<4x8x128xf32, #tpu.memory_space<vmem>>
    %dma_start3A_532 = tpu.memref_reshape %arg4 : memref<32x1000000xf32, #tpu.memory_space<hbm>> -> memref<4x8x1000000xf32, #tpu.memory_space<hbm>>
    %dma_start3A_533 = arith.constant 0 : i32
    %dma_start3A_534 = arith.constant 0 : i32
    %dma_start3A_535 = tpu.memref_slice %dma_start3A_532[%dma_start3A_533, %dma_start3A_534, %multiple_of3A_487] : memref<4x8x1000000xf32, #tpu.memory_space<hbm>> -> memref<4x8x128xf32, #tpu.memory_space<hbm>>
    tpu.enqueue_dma source(%dma_start3A_535 : memref<4x8x128xf32, #tpu.memory_space<hbm>>) target(%dma_start3A_531 : memref<4x8x128xf32, #tpu.memory_space<vmem>>) target_semaphore(%arg15 : memref<!tpu.dma_semaphore, #tpu.memory_space<semaphore_mem>>)
    %dma_start3A_536 = arith.constant 4 : i32
    %dma_start3A_537 = arith.constant 0 : i32
    %dma_start3A_538 = arith.constant 1 : i32
    %dma_start3A_539 = arith.constant 0 : i32
    %dma_start3A_540 = arith.constant 0 : i32
    %dma_start3A_541 = arith.constant 0 : i32
    %dma_start3A_542 = tpu.memref_slice %arg9[%dma_start3A_536, %dma_start3A_537, %dma_start3A_538, %dma_start3A_539, %dma_start3A_540, %dma_start3A_541] : memref<8x1x2x4x8x128xf32, #tpu.memory_space<vmem>> -> memref<1x1x1x4x8x128xf32, #tpu.memory_space<vmem>>
    %dma_start3A_543 = tpu.memref_squeeze %dma_start3A_542 : memref<1x1x1x4x8x128xf32, #tpu.memory_space<vmem>> -> memref<4x8x128xf32, #tpu.memory_space<vmem>>
    %dma_start3A_544 = tpu.memref_reshape %arg5 : memref<32x1000000xf32, #tpu.memory_space<hbm>> -> memref<4x8x1000000xf32, #tpu.memory_space<hbm>>
    %dma_start3A_545 = arith.constant 0 : i32
    %dma_start3A_546 = arith.constant 0 : i32
    %dma_start3A_547 = tpu.memref_slice %dma_start3A_544[%dma_start3A_545, %dma_start3A_546, %multiple_of3A_514] : memref<4x8x1000000xf32, #tpu.memory_space<hbm>> -> memref<4x8x128xf32, #tpu.memory_space<hbm>>
    %dma_start3A_548 = arith.constant 0 : i32
    %dma_start3A_549 = arith.constant 0 : i32
    %dma_start3A_550 = arith.constant 0 : i32
    %dma_start3A_551 = tpu.memref_slice %arg9[%dma_start3A_536, %dma_start3A_537, %dma_start3A_538, %dma_start3A_548, %dma_start3A_549, %dma_start3A_550] : memref<8x1x2x4x8x128xf32, #tpu.memory_space<vmem>> -> memref<1x1x1x4x8x128xf32, #tpu.memory_space<vmem>>
    %dma_start3A_552 = tpu.memref_squeeze %dma_start3A_551 : memref<1x1x1x4x8x128xf32, #tpu.memory_space<vmem>> -> memref<4x8x128xf32, #tpu.memory_space<vmem>>
    %dma_start3A_553 = tpu.memref_reshape %arg5 : memref<32x1000000xf32, #tpu.memory_space<hbm>> -> memref<4x8x1000000xf32, #tpu.memory_space<hbm>>
    %dma_start3A_554 = arith.constant 0 : i32
    %dma_start3A_555 = arith.constant 0 : i32
    %dma_start3A_556 = tpu.memref_slice %dma_start3A_553[%dma_start3A_554, %dma_start3A_555, %multiple_of3A_514] : memref<4x8x1000000xf32, #tpu.memory_space<hbm>> -> memref<4x8x128xf32, #tpu.memory_space<hbm>>
    tpu.enqueue_dma source(%dma_start3A_556 : memref<4x8x128xf32, #tpu.memory_space<hbm>>) target(%dma_start3A_552 : memref<4x8x128xf32, #tpu.memory_space<vmem>>) target_semaphore(%arg15 : memref<!tpu.dma_semaphore, #tpu.memory_space<semaphore_mem>>)
    %slice3A_557 = vector.extract_strided_slice %get3A_58 {offsets = [5], sizes = [1], strides = [1]} : vector<16xi32> to vector<1xi32>
    %squeeze3A_558 = vector.extract %slice3A_557[0] : i32 from vector<1xi32>
    %slice3A_559 = vector.extract_strided_slice %get3A_60 {offsets = [5], sizes = [1], strides = [1]} : vector<16xi32> to vector<1xi32>
    %squeeze3A_560 = vector.extract %slice3A_559[0] : i32 from vector<1xi32>
    %jit3A_561 = arith.constant 128 : i32
    %div3A_562 = arith.divsi %squeeze3A_558, %jit3A_561 : i32
    %sign3A_563 = arith.constant 0 : i32
    %sign3A_564 = arith.cmpi sgt, %squeeze3A_558, %sign3A_563 : i32
    %sign3A_565 = arith.extui %sign3A_564 : i1 to i32
    %sign3A_566 = arith.constant 0 : i32
    %sign3A_567 = arith.cmpi slt, %squeeze3A_558, %sign3A_566 : i32
    %sign3A_568 = arith.extui %sign3A_567 : i1 to i32
    %sign3A_569 = arith.subi %sign3A_565, %sign3A_568 : i32
    %sign3A_570 = arith.constant 0 : i32
    %sign3A_571 = arith.cmpi sgt, %jit3A_561, %sign3A_570 : i32
    %sign3A_572 = arith.extui %sign3A_571 : i1 to i32
    %sign3A_573 = arith.constant 0 : i32
    %sign3A_574 = arith.cmpi slt, %jit3A_561, %sign3A_573 : i32
    %sign3A_575 = arith.extui %sign3A_574 : i1 to i32
    %sign3A_576 = arith.subi %sign3A_572, %sign3A_575 : i32
    %ne3A_577 = arith.cmpi ne, %sign3A_569, %sign3A_576 : i32
    %rem3A_578 = arith.remsi %squeeze3A_558, %jit3A_561 : i32
    %ne3A_579 = arith.constant 0 : i32
    %ne3A_580 = arith.cmpi ne, %rem3A_578, %ne3A_579 : i32
    %and3A_581 = arith.andi %ne3A_577, %ne3A_580 : i1
    %sub3A_582 = arith.constant 1 : i32
    %sub3A_583 = arith.subi %div3A_562, %sub3A_582 : i32
    %select_n3A_584 = arith.select %and3A_581, %sub3A_583, %div3A_562 : i32
    %mul3A_585 = arith.constant 128 : i32
    %mul3A_586 = arith.muli %select_n3A_584, %mul3A_585 : i32
    %multiple_of3A_587 = tpu.assume_multiple %mul3A_586, 128 : i32
    %jit3A_588 = arith.constant 128 : i32
    %div3A_589 = arith.divsi %squeeze3A_560, %jit3A_588 : i32
    %sign3A_590 = arith.constant 0 : i32
    %sign3A_591 = arith.cmpi sgt, %squeeze3A_560, %sign3A_590 : i32
    %sign3A_592 = arith.extui %sign3A_591 : i1 to i32
    %sign3A_593 = arith.constant 0 : i32
    %sign3A_594 = arith.cmpi slt, %squeeze3A_560, %sign3A_593 : i32
    %sign3A_595 = arith.extui %sign3A_594 : i1 to i32
    %sign3A_596 = arith.subi %sign3A_592, %sign3A_595 : i32
    %sign3A_597 = arith.constant 0 : i32
    %sign3A_598 = arith.cmpi sgt, %jit3A_588, %sign3A_597 : i32
    %sign3A_599 = arith.extui %sign3A_598 : i1 to i32
    %sign3A_600 = arith.constant 0 : i32
    %sign3A_601 = arith.cmpi slt, %jit3A_588, %sign3A_600 : i32
    %sign3A_602 = arith.extui %sign3A_601 : i1 to i32
    %sign3A_603 = arith.subi %sign3A_599, %sign3A_602 : i32
    %ne3A_604 = arith.cmpi ne, %sign3A_596, %sign3A_603 : i32
    %rem3A_605 = arith.remsi %squeeze3A_560, %jit3A_588 : i32
    %ne3A_606 = arith.constant 0 : i32
    %ne3A_607 = arith.cmpi ne, %rem3A_605, %ne3A_606 : i32
    %and3A_608 = arith.andi %ne3A_604, %ne3A_607 : i1
    %sub3A_609 = arith.constant 1 : i32
    %sub3A_610 = arith.subi %div3A_589, %sub3A_609 : i32
    %select_n3A_611 = arith.select %and3A_608, %sub3A_610, %div3A_589 : i32
    %mul3A_612 = arith.constant 128 : i32
    %mul3A_613 = arith.muli %select_n3A_611, %mul3A_612 : i32
    %multiple_of3A_614 = tpu.assume_multiple %mul3A_613, 128 : i32
    %dma_start3A_615 = arith.constant 5 : i32
    %dma_start3A_616 = arith.constant 0 : i32
    %dma_start3A_617 = arith.constant 0 : i32
    %dma_start3A_618 = arith.constant 0 : i32
    %dma_start3A_619 = arith.constant 0 : i32
    %dma_start3A_620 = arith.constant 0 : i32
    %dma_start3A_621 = tpu.memref_slice %arg9[%dma_start3A_615, %dma_start3A_616, %dma_start3A_617, %dma_start3A_618, %dma_start3A_619, %dma_start3A_620] : memref<8x1x2x4x8x128xf32, #tpu.memory_space<vmem>> -> memref<1x1x1x4x8x128xf32, #tpu.memory_space<vmem>>
    %dma_start3A_622 = tpu.memref_squeeze %dma_start3A_621 : memref<1x1x1x4x8x128xf32, #tpu.memory_space<vmem>> -> memref<4x8x128xf32, #tpu.memory_space<vmem>>
    %dma_start3A_623 = tpu.memref_reshape %arg4 : memref<32x1000000xf32, #tpu.memory_space<hbm>> -> memref<4x8x1000000xf32, #tpu.memory_space<hbm>>
    %dma_start3A_624 = arith.constant 0 : i32
    %dma_start3A_625 = arith.constant 0 : i32
    %dma_start3A_626 = tpu.memref_slice %dma_start3A_623[%dma_start3A_624, %dma_start3A_625, %multiple_of3A_587] : memref<4x8x1000000xf32, #tpu.memory_space<hbm>> -> memref<4x8x128xf32, #tpu.memory_space<hbm>>
    %dma_start3A_627 = arith.constant 0 : i32
    %dma_start3A_628 = arith.constant 0 : i32
    %dma_start3A_629 = arith.constant 0 : i32
    %dma_start3A_630 = tpu.memref_slice %arg9[%dma_start3A_615, %dma_start3A_616, %dma_start3A_617, %dma_start3A_627, %dma_start3A_628, %dma_start3A_629] : memref<8x1x2x4x8x128xf32, #tpu.memory_space<vmem>> -> memref<1x1x1x4x8x128xf32, #tpu.memory_space<vmem>>
    %dma_start3A_631 = tpu.memref_squeeze %dma_start3A_630 : memref<1x1x1x4x8x128xf32, #tpu.memory_space<vmem>> -> memref<4x8x128xf32, #tpu.memory_space<vmem>>
    %dma_start3A_632 = tpu.memref_reshape %arg4 : memref<32x1000000xf32, #tpu.memory_space<hbm>> -> memref<4x8x1000000xf32, #tpu.memory_space<hbm>>
    %dma_start3A_633 = arith.constant 0 : i32
    %dma_start3A_634 = arith.constant 0 : i32
    %dma_start3A_635 = tpu.memref_slice %dma_start3A_632[%dma_start3A_633, %dma_start3A_634, %multiple_of3A_587] : memref<4x8x1000000xf32, #tpu.memory_space<hbm>> -> memref<4x8x128xf32, #tpu.memory_space<hbm>>
    tpu.enqueue_dma source(%dma_start3A_635 : memref<4x8x128xf32, #tpu.memory_space<hbm>>) target(%dma_start3A_631 : memref<4x8x128xf32, #tpu.memory_space<vmem>>) target_semaphore(%arg16 : memref<!tpu.dma_semaphore, #tpu.memory_space<semaphore_mem>>)
    %dma_start3A_636 = arith.constant 5 : i32
    %dma_start3A_637 = arith.constant 0 : i32
    %dma_start3A_638 = arith.constant 1 : i32
    %dma_start3A_639 = arith.constant 0 : i32
    %dma_start3A_640 = arith.constant 0 : i32
    %dma_start3A_641 = arith.constant 0 : i32
    %dma_start3A_642 = tpu.memref_slice %arg9[%dma_start3A_636, %dma_start3A_637, %dma_start3A_638, %dma_start3A_639, %dma_start3A_640, %dma_start3A_641] : memref<8x1x2x4x8x128xf32, #tpu.memory_space<vmem>> -> memref<1x1x1x4x8x128xf32, #tpu.memory_space<vmem>>
    %dma_start3A_643 = tpu.memref_squeeze %dma_start3A_642 : memref<1x1x1x4x8x128xf32, #tpu.memory_space<vmem>> -> memref<4x8x128xf32, #tpu.memory_space<vmem>>
    %dma_start3A_644 = tpu.memref_reshape %arg5 : memref<32x1000000xf32, #tpu.memory_space<hbm>> -> memref<4x8x1000000xf32, #tpu.memory_space<hbm>>
    %dma_start3A_645 = arith.constant 0 : i32
    %dma_start3A_646 = arith.constant 0 : i32
    %dma_start3A_647 = tpu.memref_slice %dma_start3A_644[%dma_start3A_645, %dma_start3A_646, %multiple_of3A_614] : memref<4x8x1000000xf32, #tpu.memory_space<hbm>> -> memref<4x8x128xf32, #tpu.memory_space<hbm>>
    %dma_start3A_648 = arith.constant 0 : i32
    %dma_start3A_649 = arith.constant 0 : i32
    %dma_start3A_650 = arith.constant 0 : i32
    %dma_start3A_651 = tpu.memref_slice %arg9[%dma_start3A_636, %dma_start3A_637, %dma_start3A_638, %dma_start3A_648, %dma_start3A_649, %dma_start3A_650] : memref<8x1x2x4x8x128xf32, #tpu.memory_space<vmem>> -> memref<1x1x1x4x8x128xf32, #tpu.memory_space<vmem>>
    %dma_start3A_652 = tpu.memref_squeeze %dma_start3A_651 : memref<1x1x1x4x8x128xf32, #tpu.memory_space<vmem>> -> memref<4x8x128xf32, #tpu.memory_space<vmem>>
    %dma_start3A_653 = tpu.memref_reshape %arg5 : memref<32x1000000xf32, #tpu.memory_space<hbm>> -> memref<4x8x1000000xf32, #tpu.memory_space<hbm>>
    %dma_start3A_654 = arith.constant 0 : i32
    %dma_start3A_655 = arith.constant 0 : i32
    %dma_start3A_656 = tpu.memref_slice %dma_start3A_653[%dma_start3A_654, %dma_start3A_655, %multiple_of3A_614] : memref<4x8x1000000xf32, #tpu.memory_space<hbm>> -> memref<4x8x128xf32, #tpu.memory_space<hbm>>
    tpu.enqueue_dma source(%dma_start3A_656 : memref<4x8x128xf32, #tpu.memory_space<hbm>>) target(%dma_start3A_652 : memref<4x8x128xf32, #tpu.memory_space<vmem>>) target_semaphore(%arg16 : memref<!tpu.dma_semaphore, #tpu.memory_space<semaphore_mem>>)
    %scan3A = arith.constant 0 : i32
    %scan3A_657 = arith.constant 0 : i32
    %scan3A_658 = arith.constant 32 : i32
    %scan3A_659 = arith.addi %scan3A_657, %scan3A_658 : i32
    %scan3A_660 = arith.constant 1 : i32
    scf.for %scan3A_937 = %scan3A_657 to %scan3A_659 step %scan3A_660  : i32 {
      %mul3A_938 = arith.constant 16 : i32
      %mul3A_939 = arith.muli %scan3A_937, %mul3A_938 : i32
      %multiple_of3A_940 = tpu.assume_multiple %mul3A_939, 16 : i32
      %get3A_941 = arith.index_cast %multiple_of3A_940 : i32 to index
      %get3A_942 = tpu.vector_load %arg7[%get3A_941] {strides = array<i32>} : memref<528xi32, #tpu.memory_space<vmem>>, vector<16xi32>,
      %get3A_943 = arith.index_cast %multiple_of3A_940 : i32 to index
      %get3A_944 = tpu.vector_load %arg8[%get3A_943] {strides = array<i32>} : memref<528xi32, #tpu.memory_space<vmem>>, vector<16xi32>,
      %mul3A_945 = arith.constant 16 : i32
      %mul3A_946 = arith.muli %scan3A_937, %mul3A_945 : i32
      %add3A_947 = arith.constant 16 : i32
      %add3A_948 = arith.addi %mul3A_946, %add3A_947 : i32
      %multiple_of3A_949 = tpu.assume_multiple %add3A_948, 16 : i32
      %get3A_950 = arith.index_cast %multiple_of3A_949 : i32 to index
      %get3A_951 = tpu.vector_load %arg7[%get3A_950] {strides = array<i32>} : memref<528xi32, #tpu.memory_space<vmem>>, vector<16xi32>,
      %get3A_952 = arith.index_cast %multiple_of3A_949 : i32 to index
      %get3A_953 = tpu.vector_load %arg8[%get3A_952] {strides = array<i32>} : memref<528xi32, #tpu.memory_space<vmem>>, vector<16xi32>,
      %slice3A_954 = vector.extract_strided_slice %get3A_942 {offsets = [6], sizes = [1], strides = [1]} : vector<16xi32> to vector<1xi32>
      %squeeze3A_955 = vector.extract %slice3A_954[0] : i32 from vector<1xi32>
      %slice3A_956 = vector.extract_strided_slice %get3A_944 {offsets = [6], sizes = [1], strides = [1]} : vector<16xi32> to vector<1xi32>
      %squeeze3A_957 = vector.extract %slice3A_956[0] : i32 from vector<1xi32>
      %jit3A_958 = arith.constant 128 : i32
      %div3A_959 = arith.divsi %squeeze3A_955, %jit3A_958 : i32
      %sign3A_960 = arith.constant 0 : i32
      %sign3A_961 = arith.cmpi sgt, %squeeze3A_955, %sign3A_960 : i32
      %sign3A_962 = arith.extui %sign3A_961 : i1 to i32
      %sign3A_963 = arith.constant 0 : i32
      %sign3A_964 = arith.cmpi slt, %squeeze3A_955, %sign3A_963 : i32
      %sign3A_965 = arith.extui %sign3A_964 : i1 to i32
      %sign3A_966 = arith.subi %sign3A_962, %sign3A_965 : i32
      %sign3A_967 = arith.constant 0 : i32
      %sign3A_968 = arith.cmpi sgt, %jit3A_958, %sign3A_967 : i32
      %sign3A_969 = arith.extui %sign3A_968 : i1 to i32
      %sign3A_970 = arith.constant 0 : i32
      %sign3A_971 = arith.cmpi slt, %jit3A_958, %sign3A_970 : i32
      %sign3A_972 = arith.extui %sign3A_971 : i1 to i32
      %sign3A_973 = arith.subi %sign3A_969, %sign3A_972 : i32
      %ne3A_974 = arith.cmpi ne, %sign3A_966, %sign3A_973 : i32
      %rem3A_975 = arith.remsi %squeeze3A_955, %jit3A_958 : i32
      %ne3A_976 = arith.constant 0 : i32
      %ne3A_977 = arith.cmpi ne, %rem3A_975, %ne3A_976 : i32
      %and3A_978 = arith.andi %ne3A_974, %ne3A_977 : i1
      %sub3A_979 = arith.constant 1 : i32
      %sub3A_980 = arith.subi %div3A_959, %sub3A_979 : i32
      %select_n3A_981 = arith.select %and3A_978, %sub3A_980, %div3A_959 : i32
      %mul3A_982 = arith.constant 128 : i32
      %mul3A_983 = arith.muli %select_n3A_981, %mul3A_982 : i32
      %multiple_of3A_984 = tpu.assume_multiple %mul3A_983, 128 : i32
      %jit3A_985 = arith.constant 128 : i32
      %div3A_986 = arith.divsi %squeeze3A_957, %jit3A_985 : i32
      %sign3A_987 = arith.constant 0 : i32
      %sign3A_988 = arith.cmpi sgt, %squeeze3A_957, %sign3A_987 : i32
      %sign3A_989 = arith.extui %sign3A_988 : i1 to i32
      %sign3A_990 = arith.constant 0 : i32
      %sign3A_991 = arith.cmpi slt, %squeeze3A_957, %sign3A_990 : i32
      %sign3A_992 = arith.extui %sign3A_991 : i1 to i32
      %sign3A_993 = arith.subi %sign3A_989, %sign3A_992 : i32
      %sign3A_994 = arith.constant 0 : i32
      %sign3A_995 = arith.cmpi sgt, %jit3A_985, %sign3A_994 : i32
      %sign3A_996 = arith.extui %sign3A_995 : i1 to i32
      %sign3A_997 = arith.constant 0 : i32
      %sign3A_998 = arith.cmpi slt, %jit3A_985, %sign3A_997 : i32
      %sign3A_999 = arith.extui %sign3A_998 : i1 to i32
      %sign3A_1000 = arith.subi %sign3A_996, %sign3A_999 : i32
      %ne3A_1001 = arith.cmpi ne, %sign3A_993, %sign3A_1000 : i32
      %rem3A_1002 = arith.remsi %squeeze3A_957, %jit3A_985 : i32
      %ne3A_1003 = arith.constant 0 : i32
      %ne3A_1004 = arith.cmpi ne, %rem3A_1002, %ne3A_1003 : i32
      %and3A_1005 = arith.andi %ne3A_1001, %ne3A_1004 : i1
      %sub3A_1006 = arith.constant 1 : i32
      %sub3A_1007 = arith.subi %div3A_986, %sub3A_1006 : i32
      %select_n3A_1008 = arith.select %and3A_1005, %sub3A_1007, %div3A_986 : i32
      %mul3A_1009 = arith.constant 128 : i32
      %mul3A_1010 = arith.muli %select_n3A_1008, %mul3A_1009 : i32
      %multiple_of3A_1011 = tpu.assume_multiple %mul3A_1010, 128 : i32
      %dma_start3A_1012 = arith.constant 6 : i32
      %dma_start3A_1013 = arith.constant 0 : i32
      %dma_start3A_1014 = arith.constant 0 : i32
      %dma_start3A_1015 = arith.constant 0 : i32
      %dma_start3A_1016 = arith.constant 0 : i32
      %dma_start3A_1017 = arith.constant 0 : i32
      %dma_start3A_1018 = tpu.memref_slice %arg9[%dma_start3A_1012, %dma_start3A_1013, %dma_start3A_1014, %dma_start3A_1015, %dma_start3A_1016, %dma_start3A_1017] : memref<8x1x2x4x8x128xf32, #tpu.memory_space<vmem>> -> memref<1x1x1x4x8x128xf32, #tpu.memory_space<vmem>>
      %dma_start3A_1019 = tpu.memref_squeeze %dma_start3A_1018 : memref<1x1x1x4x8x128xf32, #tpu.memory_space<vmem>> -> memref<4x8x128xf32, #tpu.memory_space<vmem>>
      %dma_start3A_1020 = tpu.memref_reshape %arg4 : memref<32x1000000xf32, #tpu.memory_space<hbm>> -> memref<4x8x1000000xf32, #tpu.memory_space<hbm>>
      %dma_start3A_1021 = arith.constant 0 : i32
      %dma_start3A_1022 = arith.constant 0 : i32
      %dma_start3A_1023 = tpu.memref_slice %dma_start3A_1020[%dma_start3A_1021, %dma_start3A_1022, %multiple_of3A_984] : memref<4x8x1000000xf32, #tpu.memory_space<hbm>> -> memref<4x8x128xf32, #tpu.memory_space<hbm>>
      %dma_start3A_1024 = arith.constant 0 : i32
      %dma_start3A_1025 = arith.constant 0 : i32
      %dma_start3A_1026 = arith.constant 0 : i32
      %dma_start3A_1027 = tpu.memref_slice %arg9[%dma_start3A_1012, %dma_start3A_1013, %dma_start3A_1014, %dma_start3A_1024, %dma_start3A_1025, %dma_start3A_1026] : memref<8x1x2x4x8x128xf32, #tpu.memory_space<vmem>> -> memref<1x1x1x4x8x128xf32, #tpu.memory_space<vmem>>
      %dma_start3A_1028 = tpu.memref_squeeze %dma_start3A_1027 : memref<1x1x1x4x8x128xf32, #tpu.memory_space<vmem>> -> memref<4x8x128xf32, #tpu.memory_space<vmem>>
      %dma_start3A_1029 = tpu.memref_reshape %arg4 : memref<32x1000000xf32, #tpu.memory_space<hbm>> -> memref<4x8x1000000xf32, #tpu.memory_space<hbm>>
      %dma_start3A_1030 = arith.constant 0 : i32
      %dma_start3A_1031 = arith.constant 0 : i32
      %dma_start3A_1032 = tpu.memref_slice %dma_start3A_1029[%dma_start3A_1030, %dma_start3A_1031, %multiple_of3A_984] : memref<4x8x1000000xf32, #tpu.memory_space<hbm>> -> memref<4x8x128xf32, #tpu.memory_space<hbm>>
      tpu.enqueue_dma source(%dma_start3A_1032 : memref<4x8x128xf32, #tpu.memory_space<hbm>>) target(%dma_start3A_1028 : memref<4x8x128xf32, #tpu.memory_space<vmem>>) target_semaphore(%arg17 : memref<!tpu.dma_semaphore, #tpu.memory_space<semaphore_mem>>)
      %dma_start3A_1033 = arith.constant 6 : i32
      %dma_start3A_1034 = arith.constant 0 : i32
      %dma_start3A_1035 = arith.constant 1 : i32
      %dma_start3A_1036 = arith.constant 0 : i32
      %dma_start3A_1037 = arith.constant 0 : i32
      %dma_start3A_1038 = arith.constant 0 : i32
      %dma_start3A_1039 = tpu.memref_slice %arg9[%dma_start3A_1033, %dma_start3A_1034, %dma_start3A_1035, %dma_start3A_1036, %dma_start3A_1037, %dma_start3A_1038] : memref<8x1x2x4x8x128xf32, #tpu.memory_space<vmem>> -> memref<1x1x1x4x8x128xf32, #tpu.memory_space<vmem>>
      %dma_start3A_1040 = tpu.memref_squeeze %dma_start3A_1039 : memref<1x1x1x4x8x128xf32, #tpu.memory_space<vmem>> -> memref<4x8x128xf32, #tpu.memory_space<vmem>>
      %dma_start3A_1041 = tpu.memref_reshape %arg5 : memref<32x1000000xf32, #tpu.memory_space<hbm>> -> memref<4x8x1000000xf32, #tpu.memory_space<hbm>>
      %dma_start3A_1042 = arith.constant 0 : i32
      %dma_start3A_1043 = arith.constant 0 : i32
      %dma_start3A_1044 = tpu.memref_slice %dma_start3A_1041[%dma_start3A_1042, %dma_start3A_1043, %multiple_of3A_1011] : memref<4x8x1000000xf32, #tpu.memory_space<hbm>> -> memref<4x8x128xf32, #tpu.memory_space<hbm>>
      %dma_start3A_1045 = arith.constant 0 : i32
      %dma_start3A_1046 = arith.constant 0 : i32
      %dma_start3A_1047 = arith.constant 0 : i32
      %dma_start3A_1048 = tpu.memref_slice %arg9[%dma_start3A_1033, %dma_start3A_1034, %dma_start3A_1035, %dma_start3A_1045, %dma_start3A_1046, %dma_start3A_1047] : memref<8x1x2x4x8x128xf32, #tpu.memory_space<vmem>> -> memref<1x1x1x4x8x128xf32, #tpu.memory_space<vmem>>
      %dma_start3A_1049 = tpu.memref_squeeze %dma_start3A_1048 : memref<1x1x1x4x8x128xf32, #tpu.memory_space<vmem>> -> memref<4x8x128xf32, #tpu.memory_space<vmem>>
      %dma_start3A_1050 = tpu.memref_reshape %arg5 : memref<32x1000000xf32, #tpu.memory_space<hbm>> -> memref<4x8x1000000xf32, #tpu.memory_space<hbm>>
      %dma_start3A_1051 = arith.constant 0 : i32
      %dma_start3A_1052 = arith.constant 0 : i32
      %dma_start3A_1053 = tpu.memref_slice %dma_start3A_1050[%dma_start3A_1051, %dma_start3A_1052, %multiple_of3A_1011] : memref<4x8x1000000xf32, #tpu.memory_space<hbm>> -> memref<4x8x128xf32, #tpu.memory_space<hbm>>
      tpu.enqueue_dma source(%dma_start3A_1053 : memref<4x8x128xf32, #tpu.memory_space<hbm>>) target(%dma_start3A_1049 : memref<4x8x128xf32, #tpu.memory_space<vmem>>) target_semaphore(%arg17 : memref<!tpu.dma_semaphore, #tpu.memory_space<semaphore_mem>>)
      %dma_wait3A_1054 = arith.constant 0 : i32
      %dma_wait3A_1055 = arith.constant 0 : i32
      %dma_wait3A_1056 = arith.constant 0 : i32
      %dma_wait3A_1057 = arith.constant 0 : i32
      %dma_wait3A_1058 = arith.constant 0 : i32
      %dma_wait3A_1059 = arith.constant 0 : i32
      %dma_wait3A_1060 = tpu.memref_slice %arg9[%dma_wait3A_1054, %dma_wait3A_1055, %dma_wait3A_1056, %dma_wait3A_1057, %dma_wait3A_1058, %dma_wait3A_1059] : memref<8x1x2x4x8x128xf32, #tpu.memory_space<vmem>> -> memref<1x1x1x4x8x128xf32, #tpu.memory_space<vmem>>
      %dma_wait3A_1061 = tpu.memref_squeeze %dma_wait3A_1060 : memref<1x1x1x4x8x128xf32, #tpu.memory_space<vmem>> -> memref<4x8x128xf32, #tpu.memory_space<vmem>>
      %dma_wait3A_1062 = tpu.memref_reshape %arg4 : memref<32x1000000xf32, #tpu.memory_space<hbm>> -> memref<4x8x1000000xf32, #tpu.memory_space<hbm>>
      %dma_wait3A_1063 = arith.constant 0 : i32
      %dma_wait3A_1064 = arith.constant 0 : i32
      %dma_wait3A_1065 = arith.constant 0 : i32
      %dma_wait3A_1066 = tpu.memref_slice %dma_wait3A_1062[%dma_wait3A_1063, %dma_wait3A_1064, %dma_wait3A_1065] : memref<4x8x1000000xf32, #tpu.memory_space<hbm>> -> memref<4x8x128xf32, #tpu.memory_space<hbm>>
      %dma_wait3A_1067 = arith.constant 0 : i32
      %dma_wait3A_1068 = arith.constant 0 : i32
      %dma_wait3A_1069 = arith.constant 0 : i32
      %dma_wait3A_1070 = tpu.memref_slice %arg9[%dma_wait3A_1054, %dma_wait3A_1055, %dma_wait3A_1056, %dma_wait3A_1067, %dma_wait3A_1068, %dma_wait3A_1069] : memref<8x1x2x4x8x128xf32, #tpu.memory_space<vmem>> -> memref<1x1x1x4x8x128xf32, #tpu.memory_space<vmem>>
      %dma_wait3A_1071 = tpu.memref_squeeze %dma_wait3A_1070 : memref<1x1x1x4x8x128xf32, #tpu.memory_space<vmem>> -> memref<4x8x128xf32, #tpu.memory_space<vmem>>
      %dma_wait3A_1072 = tpu.memref_reshape %arg4 : memref<32x1000000xf32, #tpu.memory_space<hbm>> -> memref<4x8x1000000xf32, #tpu.memory_space<hbm>>
      %dma_wait3A_1073 = arith.constant 0 : i32
      %dma_wait3A_1074 = arith.constant 0 : i32
      %dma_wait3A_1075 = arith.constant 0 : i32
      %dma_wait3A_1076 = tpu.memref_slice %dma_wait3A_1072[%dma_wait3A_1073, %dma_wait3A_1074, %dma_wait3A_1075] : memref<4x8x1000000xf32, #tpu.memory_space<hbm>> -> memref<4x8x128xf32, #tpu.memory_space<hbm>>
      tpu.wait_dma2 semaphore(%arg11 : memref<!tpu.dma_semaphore, #tpu.memory_space<semaphore_mem>>) src(%dma_wait3A_1076 : memref<4x8x128xf32, #tpu.memory_space<hbm>>) dst(%dma_wait3A_1071 : memref<4x8x128xf32, #tpu.memory_space<vmem>>)
      %dma_wait3A_1077 = arith.constant 0 : i32
      %dma_wait3A_1078 = arith.constant 0 : i32
      %dma_wait3A_1079 = arith.constant 0 : i32
      %dma_wait3A_1080 = arith.constant 0 : i32
      %dma_wait3A_1081 = arith.constant 0 : i32
      %dma_wait3A_1082 = arith.constant 0 : i32
      %dma_wait3A_1083 = tpu.memref_slice %arg9[%dma_wait3A_1077, %dma_wait3A_1078, %dma_wait3A_1079, %dma_wait3A_1080, %dma_wait3A_1081, %dma_wait3A_1082] : memref<8x1x2x4x8x128xf32, #tpu.memory_space<vmem>> -> memref<1x1x1x4x8x128xf32, #tpu.memory_space<vmem>>
      %dma_wait3A_1084 = tpu.memref_squeeze %dma_wait3A_1083 : memref<1x1x1x4x8x128xf32, #tpu.memory_space<vmem>> -> memref<4x8x128xf32, #tpu.memory_space<vmem>>
      %dma_wait3A_1085 = tpu.memref_reshape %arg4 : memref<32x1000000xf32, #tpu.memory_space<hbm>> -> memref<4x8x1000000xf32, #tpu.memory_space<hbm>>
      %dma_wait3A_1086 = arith.constant 0 : i32
      %dma_wait3A_1087 = arith.constant 0 : i32
      %dma_wait3A_1088 = arith.constant 0 : i32
      %dma_wait3A_1089 = tpu.memref_slice %dma_wait3A_1085[%dma_wait3A_1086, %dma_wait3A_1087, %dma_wait3A_1088] : memref<4x8x1000000xf32, #tpu.memory_space<hbm>> -> memref<4x8x128xf32, #tpu.memory_space<hbm>>
      %dma_wait3A_1090 = arith.constant 0 : i32
      %dma_wait3A_1091 = arith.constant 0 : i32
      %dma_wait3A_1092 = arith.constant 0 : i32
      %dma_wait3A_1093 = tpu.memref_slice %arg9[%dma_wait3A_1077, %dma_wait3A_1078, %dma_wait3A_1079, %dma_wait3A_1090, %dma_wait3A_1091, %dma_wait3A_1092] : memref<8x1x2x4x8x128xf32, #tpu.memory_space<vmem>> -> memref<1x1x1x4x8x128xf32, #tpu.memory_space<vmem>>
      %dma_wait3A_1094 = tpu.memref_squeeze %dma_wait3A_1093 : memref<1x1x1x4x8x128xf32, #tpu.memory_space<vmem>> -> memref<4x8x128xf32, #tpu.memory_space<vmem>>
      %dma_wait3A_1095 = tpu.memref_reshape %arg4 : memref<32x1000000xf32, #tpu.memory_space<hbm>> -> memref<4x8x1000000xf32, #tpu.memory_space<hbm>>
      %dma_wait3A_1096 = arith.constant 0 : i32
      %dma_wait3A_1097 = arith.constant 0 : i32
      %dma_wait3A_1098 = arith.constant 0 : i32
      %dma_wait3A_1099 = tpu.memref_slice %dma_wait3A_1095[%dma_wait3A_1096, %dma_wait3A_1097, %dma_wait3A_1098] : memref<4x8x1000000xf32, #tpu.memory_space<hbm>> -> memref<4x8x128xf32, #tpu.memory_space<hbm>>
      tpu.wait_dma2 semaphore(%arg11 : memref<!tpu.dma_semaphore, #tpu.memory_space<semaphore_mem>>) src(%dma_wait3A_1099 : memref<4x8x128xf32, #tpu.memory_space<hbm>>) dst(%dma_wait3A_1094 : memref<4x8x128xf32, #tpu.memory_space<vmem>>)
      %slice3A_1100 = vector.extract_strided_slice %get3A_942 {offsets = [0], sizes = [1], strides = [1]} : vector<16xi32> to vector<1xi32>
      %squeeze3A_1101 = vector.extract %slice3A_1100[0] : i32 from vector<1xi32>
      %jit3A_1102 = arith.constant 128 : i32
      %eq3A_1103 = arith.constant 0 : i32
      %eq3A_1104 = arith.cmpi eq, %jit3A_1102, %eq3A_1103 : i32
      %jit3A_1105 = arith.constant 1 : i32
      %select_n3A_1106 = arith.select %eq3A_1104, %jit3A_1105, %jit3A_1102 : i32
      %rem3A_1107 = arith.remsi %squeeze3A_1101, %select_n3A_1106 : i32
      %ne3A_1108 = arith.constant 0 : i32
      %ne3A_1109 = arith.cmpi ne, %rem3A_1107, %ne3A_1108 : i32
      %lt3A_1110 = arith.constant 0 : i32
      %lt3A_1111 = arith.cmpi slt, %rem3A_1107, %lt3A_1110 : i32
      %lt3A_1112 = arith.constant 0 : i32
      %lt3A_1113 = arith.cmpi slt, %select_n3A_1106, %lt3A_1112 : i32
      %ne3A_1114 = arith.xori %lt3A_1111, %lt3A_1113 : i1
      %and3A_1115 = arith.andi %ne3A_1114, %ne3A_1109 : i1
      %add3A_1116 = arith.addi %rem3A_1107, %select_n3A_1106 : i32
      %select_n3A_1117 = arith.select %and3A_1115, %add3A_1116, %rem3A_1107 : i32
      %broadcast_in_dim3A_1118 = vector.broadcast %select_n3A_1117 : i32 to vector<16xi32>
      %slice3A_1119 = vector.extract_strided_slice %get3A_944 {offsets = [0], sizes = [1], strides = [1]} : vector<16xi32> to vector<1xi32>
      %squeeze3A_1120 = vector.extract %slice3A_1119[0] : i32 from vector<1xi32>
      %jit3A_1121 = arith.constant 128 : i32
      %eq3A_1122 = arith.constant 0 : i32
      %eq3A_1123 = arith.cmpi eq, %jit3A_1121, %eq3A_1122 : i32
      %jit3A_1124 = arith.constant 1 : i32
      %select_n3A_1125 = arith.select %eq3A_1123, %jit3A_1124, %jit3A_1121 : i32
      %rem3A_1126 = arith.remsi %squeeze3A_1120, %select_n3A_1125 : i32
      %ne3A_1127 = arith.constant 0 : i32
      %ne3A_1128 = arith.cmpi ne, %rem3A_1126, %ne3A_1127 : i32
      %lt3A_1129 = arith.constant 0 : i32
      %lt3A_1130 = arith.cmpi slt, %rem3A_1126, %lt3A_1129 : i32
      %lt3A_1131 = arith.constant 0 : i32
      %lt3A_1132 = arith.cmpi slt, %select_n3A_1125, %lt3A_1131 : i32
      %ne3A_1133 = arith.xori %lt3A_1130, %lt3A_1132 : i1
      %and3A_1134 = arith.andi %ne3A_1133, %ne3A_1128 : i1
      %add3A_1135 = arith.addi %rem3A_1126, %select_n3A_1125 : i32
      %select_n3A_1136 = arith.select %and3A_1134, %add3A_1135, %rem3A_1126 : i32
      %broadcast_in_dim3A_1137 = vector.broadcast %select_n3A_1136 : i32 to vector<16xi32>
      %broadcast_in_dim3A_1138 = arith.constant 0 : i32
      %broadcast_in_dim3A_1139 = vector.broadcast %broadcast_in_dim3A_1138 : i32 to vector<16xi32>
      %broadcast_in_dim3A_1140 = arith.constant 0 : i32
      %broadcast_in_dim3A_1141 = vector.broadcast %broadcast_in_dim3A_1140 : i32 to vector<16xi32>
      %broadcast_in_dim3A_1142 = arith.constant 0 : i32
      %broadcast_in_dim3A_1143 = vector.broadcast %broadcast_in_dim3A_1142 : i32 to vector<16xi32>
      %broadcast_in_dim3A_1144 = arith.constant 1 : i32
      %broadcast_in_dim3A_1145 = vector.broadcast %broadcast_in_dim3A_1144 : i32 to vector<16xi32>
      %gather3A = tpu.vector_load_idx %arg9[%broadcast_in_dim3A_1139, %broadcast_in_dim3A_1141, %broadcast_in_dim3A_1143, %select_n3A, %select_n3A_54, %broadcast_in_dim3A_1118] : memref<8x1x2x4x8x128xf32, #tpu.memory_space<vmem>>[vector<16xi32>, vector<16xi32>, vector<16xi32>, vector<16xi32>, vector<16xi32>, vector<16xi32>], vector<16xf32>,
      %gather3A_1146 = tpu.vector_load_idx %arg9[%broadcast_in_dim3A_1139, %broadcast_in_dim3A_1141, %broadcast_in_dim3A_1143, %add3A_34, %select_n3A_54, %broadcast_in_dim3A_1118] : memref<8x1x2x4x8x128xf32, #tpu.memory_space<vmem>>[vector<16xi32>, vector<16xi32>, vector<16xi32>, vector<16xi32>, vector<16xi32>, vector<16xi32>], vector<16xf32>,
      %gather3A_1147 = tpu.vector_load_idx %arg9[%broadcast_in_dim3A_1139, %broadcast_in_dim3A_1141, %broadcast_in_dim3A_1145, %select_n3A, %select_n3A_54, %broadcast_in_dim3A_1137] : memref<8x1x2x4x8x128xf32, #tpu.memory_space<vmem>>[vector<16xi32>, vector<16xi32>, vector<16xi32>, vector<16xi32>, vector<16xi32>, vector<16xi32>], vector<16xf32>,
      %gather3A_1148 = tpu.vector_load_idx %arg9[%broadcast_in_dim3A_1139, %broadcast_in_dim3A_1141, %broadcast_in_dim3A_1145, %add3A_34, %select_n3A_54, %broadcast_in_dim3A_1137] : memref<8x1x2x4x8x128xf32, #tpu.memory_space<vmem>>[vector<16xi32>, vector<16xi32>, vector<16xi32>, vector<16xi32>, vector<16xi32>, vector<16xi32>], vector<16xf32>,
      %mul3A_1149 = arith.mulf %gather3A, %gather3A_1147 : vector<16xf32>
      %mul3A_1150 = arith.mulf %gather3A_1146, %gather3A_1148 : vector<16xf32>
      %add3A_1151 = arith.addf %mul3A_1149, %mul3A_1150 : vector<16xf32>
      %cumsum3A = arith.constant true
      %cumsum3A_1152 = vector.broadcast %cumsum3A : i1 to vector<16xi1>
      %cumsum3A_1153 = tpu.scan <sum>, %add3A_1151 masked %cumsum3A_1152 : vector<16xf32>, vector<16xi1> -> vector<16xf32>
      %mul3A_1154 = arith.constant 16 : i32
      %mul3A_1155 = arith.muli %scan3A_937, %mul3A_1154 : i32
      %add3A_1156 = arith.constant 0 : i32
      %add3A_1157 = arith.addi %mul3A_1155, %add3A_1156 : i32
      %add3A_1158 = arith.constant 0 : i32
      %add3A_1159 = arith.addi %add3A_1157, %add3A_1158 : i32
      %broadcast_in_dim3A_1160 = vector.broadcast %add3A_1159 : i32 to vector<16xi32>
      tpu.vector_store_idx %arg10[%broadcast_in_dim3A_1160], %cumsum3A_1153 masked %eq3A_57 : memref<512xf32, #tpu.memory_space<vmem>>[vector<16xi32>], vector<16xf32>, vector<16xi1>
      %slice3A_1161 = vector.extract_strided_slice %get3A_942 {offsets = [7], sizes = [1], strides = [1]} : vector<16xi32> to vector<1xi32>
      %squeeze3A_1162 = vector.extract %slice3A_1161[0] : i32 from vector<1xi32>
      %slice3A_1163 = vector.extract_strided_slice %get3A_944 {offsets = [7], sizes = [1], strides = [1]} : vector<16xi32> to vector<1xi32>
      %squeeze3A_1164 = vector.extract %slice3A_1163[0] : i32 from vector<1xi32>
      %jit3A_1165 = arith.constant 128 : i32
      %div3A_1166 = arith.divsi %squeeze3A_1162, %jit3A_1165 : i32
      %sign3A_1167 = arith.constant 0 : i32
      %sign3A_1168 = arith.cmpi sgt, %squeeze3A_1162, %sign3A_1167 : i32
      %sign3A_1169 = arith.extui %sign3A_1168 : i1 to i32
      %sign3A_1170 = arith.constant 0 : i32
      %sign3A_1171 = arith.cmpi slt, %squeeze3A_1162, %sign3A_1170 : i32
      %sign3A_1172 = arith.extui %sign3A_1171 : i1 to i32
      %sign3A_1173 = arith.subi %sign3A_1169, %sign3A_1172 : i32
      %sign3A_1174 = arith.constant 0 : i32
      %sign3A_1175 = arith.cmpi sgt, %jit3A_1165, %sign3A_1174 : i32
      %sign3A_1176 = arith.extui %sign3A_1175 : i1 to i32
      %sign3A_1177 = arith.constant 0 : i32
      %sign3A_1178 = arith.cmpi slt, %jit3A_1165, %sign3A_1177 : i32
      %sign3A_1179 = arith.extui %sign3A_1178 : i1 to i32
      %sign3A_1180 = arith.subi %sign3A_1176, %sign3A_1179 : i32
      %ne3A_1181 = arith.cmpi ne, %sign3A_1173, %sign3A_1180 : i32
      %rem3A_1182 = arith.remsi %squeeze3A_1162, %jit3A_1165 : i32
      %ne3A_1183 = arith.constant 0 : i32
      %ne3A_1184 = arith.cmpi ne, %rem3A_1182, %ne3A_1183 : i32
      %and3A_1185 = arith.andi %ne3A_1181, %ne3A_1184 : i1
      %sub3A_1186 = arith.constant 1 : i32
      %sub3A_1187 = arith.subi %div3A_1166, %sub3A_1186 : i32
      %select_n3A_1188 = arith.select %and3A_1185, %sub3A_1187, %div3A_1166 : i32
      %mul3A_1189 = arith.constant 128 : i32
      %mul3A_1190 = arith.muli %select_n3A_1188, %mul3A_1189 : i32
      %multiple_of3A_1191 = tpu.assume_multiple %mul3A_1190, 128 : i32
      %jit3A_1192 = arith.constant 128 : i32
      %div3A_1193 = arith.divsi %squeeze3A_1164, %jit3A_1192 : i32
      %sign3A_1194 = arith.constant 0 : i32
      %sign3A_1195 = arith.cmpi sgt, %squeeze3A_1164, %sign3A_1194 : i32
      %sign3A_1196 = arith.extui %sign3A_1195 : i1 to i32
      %sign3A_1197 = arith.constant 0 : i32
      %sign3A_1198 = arith.cmpi slt, %squeeze3A_1164, %sign3A_1197 : i32
      %sign3A_1199 = arith.extui %sign3A_1198 : i1 to i32
      %sign3A_1200 = arith.subi %sign3A_1196, %sign3A_1199 : i32
      %sign3A_1201 = arith.constant 0 : i32
      %sign3A_1202 = arith.cmpi sgt, %jit3A_1192, %sign3A_1201 : i32
      %sign3A_1203 = arith.extui %sign3A_1202 : i1 to i32
      %sign3A_1204 = arith.constant 0 : i32
      %sign3A_1205 = arith.cmpi slt, %jit3A_1192, %sign3A_1204 : i32
      %sign3A_1206 = arith.extui %sign3A_1205 : i1 to i32
      %sign3A_1207 = arith.subi %sign3A_1203, %sign3A_1206 : i32
      %ne3A_1208 = arith.cmpi ne, %sign3A_1200, %sign3A_1207 : i32
      %rem3A_1209 = arith.remsi %squeeze3A_1164, %jit3A_1192 : i32
      %ne3A_1210 = arith.constant 0 : i32
      %ne3A_1211 = arith.cmpi ne, %rem3A_1209, %ne3A_1210 : i32
      %and3A_1212 = arith.andi %ne3A_1208, %ne3A_1211 : i1
      %sub3A_1213 = arith.constant 1 : i32
      %sub3A_1214 = arith.subi %div3A_1193, %sub3A_1213 : i32
      %select_n3A_1215 = arith.select %and3A_1212, %sub3A_1214, %div3A_1193 : i32
      %mul3A_1216 = arith.constant 128 : i32
      %mul3A_1217 = arith.muli %select_n3A_1215, %mul3A_1216 : i32
      %multiple_of3A_1218 = tpu.assume_multiple %mul3A_1217, 128 : i32
      %dma_start3A_1219 = arith.constant 7 : i32
      %dma_start3A_1220 = arith.constant 0 : i32
      %dma_start3A_1221 = arith.constant 0 : i32
      %dma_start3A_1222 = arith.constant 0 : i32
      %dma_start3A_1223 = arith.constant 0 : i32
      %dma_start3A_1224 = arith.constant 0 : i32
      %dma_start3A_1225 = tpu.memref_slice %arg9[%dma_start3A_1219, %dma_start3A_1220, %dma_start3A_1221, %dma_start3A_1222, %dma_start3A_1223, %dma_start3A_1224] : memref<8x1x2x4x8x128xf32, #tpu.memory_space<vmem>> -> memref<1x1x1x4x8x128xf32, #tpu.memory_space<vmem>>
      %dma_start3A_1226 = tpu.memref_squeeze %dma_start3A_1225 : memref<1x1x1x4x8x128xf32, #tpu.memory_space<vmem>> -> memref<4x8x128xf32, #tpu.memory_space<vmem>>
      %dma_start3A_1227 = tpu.memref_reshape %arg4 : memref<32x1000000xf32, #tpu.memory_space<hbm>> -> memref<4x8x1000000xf32, #tpu.memory_space<hbm>>
      %dma_start3A_1228 = arith.constant 0 : i32
      %dma_start3A_1229 = arith.constant 0 : i32
      %dma_start3A_1230 = tpu.memref_slice %dma_start3A_1227[%dma_start3A_1228, %dma_start3A_1229, %multiple_of3A_1191] : memref<4x8x1000000xf32, #tpu.memory_space<hbm>> -> memref<4x8x128xf32, #tpu.memory_space<hbm>>
      %dma_start3A_1231 = arith.constant 0 : i32
      %dma_start3A_1232 = arith.constant 0 : i32
      %dma_start3A_1233 = arith.constant 0 : i32
      %dma_start3A_1234 = tpu.memref_slice %arg9[%dma_start3A_1219, %dma_start3A_1220, %dma_start3A_1221, %dma_start3A_1231, %dma_start3A_1232, %dma_start3A_1233] : memref<8x1x2x4x8x128xf32, #tpu.memory_space<vmem>> -> memref<1x1x1x4x8x128xf32, #tpu.memory_space<vmem>>
      %dma_start3A_1235 = tpu.memref_squeeze %dma_start3A_1234 : memref<1x1x1x4x8x128xf32, #tpu.memory_space<vmem>> -> memref<4x8x128xf32, #tpu.memory_space<vmem>>
      %dma_start3A_1236 = tpu.memref_reshape %arg4 : memref<32x1000000xf32, #tpu.memory_space<hbm>> -> memref<4x8x1000000xf32, #tpu.memory_space<hbm>>
      %dma_start3A_1237 = arith.constant 0 : i32
      %dma_start3A_1238 = arith.constant 0 : i32
      %dma_start3A_1239 = tpu.memref_slice %dma_start3A_1236[%dma_start3A_1237, %dma_start3A_1238, %multiple_of3A_1191] : memref<4x8x1000000xf32, #tpu.memory_space<hbm>> -> memref<4x8x128xf32, #tpu.memory_space<hbm>>
      tpu.enqueue_dma source(%dma_start3A_1239 : memref<4x8x128xf32, #tpu.memory_space<hbm>>) target(%dma_start3A_1235 : memref<4x8x128xf32, #tpu.memory_space<vmem>>) target_semaphore(%arg18 : memref<!tpu.dma_semaphore, #tpu.memory_space<semaphore_mem>>)
      %dma_start3A_1240 = arith.constant 7 : i32
      %dma_start3A_1241 = arith.constant 0 : i32
      %dma_start3A_1242 = arith.constant 1 : i32
      %dma_start3A_1243 = arith.constant 0 : i32
      %dma_start3A_1244 = arith.constant 0 : i32
      %dma_start3A_1245 = arith.constant 0 : i32
      %dma_start3A_1246 = tpu.memref_slice %arg9[%dma_start3A_1240, %dma_start3A_1241, %dma_start3A_1242, %dma_start3A_1243, %dma_start3A_1244, %dma_start3A_1245] : memref<8x1x2x4x8x128xf32, #tpu.memory_space<vmem>> -> memref<1x1x1x4x8x128xf32, #tpu.memory_space<vmem>>
      %dma_start3A_1247 = tpu.memref_squeeze %dma_start3A_1246 : memref<1x1x1x4x8x128xf32, #tpu.memory_space<vmem>> -> memref<4x8x128xf32, #tpu.memory_space<vmem>>
      %dma_start3A_1248 = tpu.memref_reshape %arg5 : memref<32x1000000xf32, #tpu.memory_space<hbm>> -> memref<4x8x1000000xf32, #tpu.memory_space<hbm>>
      %dma_start3A_1249 = arith.constant 0 : i32
      %dma_start3A_1250 = arith.constant 0 : i32
      %dma_start3A_1251 = tpu.memref_slice %dma_start3A_1248[%dma_start3A_1249, %dma_start3A_1250, %multiple_of3A_1218] : memref<4x8x1000000xf32, #tpu.memory_space<hbm>> -> memref<4x8x128xf32, #tpu.memory_space<hbm>>
      %dma_start3A_1252 = arith.constant 0 : i32
      %dma_start3A_1253 = arith.constant 0 : i32
      %dma_start3A_1254 = arith.constant 0 : i32
      %dma_start3A_1255 = tpu.memref_slice %arg9[%dma_start3A_1240, %dma_start3A_1241, %dma_start3A_1242, %dma_start3A_1252, %dma_start3A_1253, %dma_start3A_1254] : memref<8x1x2x4x8x128xf32, #tpu.memory_space<vmem>> -> memref<1x1x1x4x8x128xf32, #tpu.memory_space<vmem>>
      %dma_start3A_1256 = tpu.memref_squeeze %dma_start3A_1255 : memref<1x1x1x4x8x128xf32, #tpu.memory_space<vmem>> -> memref<4x8x128xf32, #tpu.memory_space<vmem>>
      %dma_start3A_1257 = tpu.memref_reshape %arg5 : memref<32x1000000xf32, #tpu.memory_space<hbm>> -> memref<4x8x1000000xf32, #tpu.memory_space<hbm>>
      %dma_start3A_1258 = arith.constant 0 : i32
      %dma_start3A_1259 = arith.constant 0 : i32
      %dma_start3A_1260 = tpu.memref_slice %dma_start3A_1257[%dma_start3A_1258, %dma_start3A_1259, %multiple_of3A_1218] : memref<4x8x1000000xf32, #tpu.memory_space<hbm>> -> memref<4x8x128xf32, #tpu.memory_space<hbm>>
      tpu.enqueue_dma source(%dma_start3A_1260 : memref<4x8x128xf32, #tpu.memory_space<hbm>>) target(%dma_start3A_1256 : memref<4x8x128xf32, #tpu.memory_space<vmem>>) target_semaphore(%arg18 : memref<!tpu.dma_semaphore, #tpu.memory_space<semaphore_mem>>)
      %dma_wait3A_1261 = arith.constant 0 : i32
      %dma_wait3A_1262 = arith.constant 0 : i32
      %dma_wait3A_1263 = arith.constant 0 : i32
      %dma_wait3A_1264 = arith.constant 0 : i32
      %dma_wait3A_1265 = arith.constant 0 : i32
      %dma_wait3A_1266 = arith.constant 0 : i32
      %dma_wait3A_1267 = tpu.memref_slice %arg9[%dma_wait3A_1261, %dma_wait3A_1262, %dma_wait3A_1263, %dma_wait3A_1264, %dma_wait3A_1265, %dma_wait3A_1266] : memref<8x1x2x4x8x128xf32, #tpu.memory_space<vmem>> -> memref<1x1x1x4x8x128xf32, #tpu.memory_space<vmem>>
      %dma_wait3A_1268 = tpu.memref_squeeze %dma_wait3A_1267 : memref<1x1x1x4x8x128xf32, #tpu.memory_space<vmem>> -> memref<4x8x128xf32, #tpu.memory_space<vmem>>
      %dma_wait3A_1269 = tpu.memref_reshape %arg4 : memref<32x1000000xf32, #tpu.memory_space<hbm>> -> memref<4x8x1000000xf32, #tpu.memory_space<hbm>>
      %dma_wait3A_1270 = arith.constant 0 : i32
      %dma_wait3A_1271 = arith.constant 0 : i32
      %dma_wait3A_1272 = arith.constant 0 : i32
      %dma_wait3A_1273 = tpu.memref_slice %dma_wait3A_1269[%dma_wait3A_1270, %dma_wait3A_1271, %dma_wait3A_1272] : memref<4x8x1000000xf32, #tpu.memory_space<hbm>> -> memref<4x8x128xf32, #tpu.memory_space<hbm>>
      %dma_wait3A_1274 = arith.constant 0 : i32
      %dma_wait3A_1275 = arith.constant 0 : i32
      %dma_wait3A_1276 = arith.constant 0 : i32
      %dma_wait3A_1277 = tpu.memref_slice %arg9[%dma_wait3A_1261, %dma_wait3A_1262, %dma_wait3A_1263, %dma_wait3A_1274, %dma_wait3A_1275, %dma_wait3A_1276] : memref<8x1x2x4x8x128xf32, #tpu.memory_space<vmem>> -> memref<1x1x1x4x8x128xf32, #tpu.memory_space<vmem>>
      %dma_wait3A_1278 = tpu.memref_squeeze %dma_wait3A_1277 : memref<1x1x1x4x8x128xf32, #tpu.memory_space<vmem>> -> memref<4x8x128xf32, #tpu.memory_space<vmem>>
      %dma_wait3A_1279 = tpu.memref_reshape %arg4 : memref<32x1000000xf32, #tpu.memory_space<hbm>> -> memref<4x8x1000000xf32, #tpu.memory_space<hbm>>
      %dma_wait3A_1280 = arith.constant 0 : i32
      %dma_wait3A_1281 = arith.constant 0 : i32
      %dma_wait3A_1282 = arith.constant 0 : i32
      %dma_wait3A_1283 = tpu.memref_slice %dma_wait3A_1279[%dma_wait3A_1280, %dma_wait3A_1281, %dma_wait3A_1282] : memref<4x8x1000000xf32, #tpu.memory_space<hbm>> -> memref<4x8x128xf32, #tpu.memory_space<hbm>>
      tpu.wait_dma2 semaphore(%arg12 : memref<!tpu.dma_semaphore, #tpu.memory_space<semaphore_mem>>) src(%dma_wait3A_1283 : memref<4x8x128xf32, #tpu.memory_space<hbm>>) dst(%dma_wait3A_1278 : memref<4x8x128xf32, #tpu.memory_space<vmem>>)
      %dma_wait3A_1284 = arith.constant 0 : i32
      %dma_wait3A_1285 = arith.constant 0 : i32
      %dma_wait3A_1286 = arith.constant 0 : i32
      %dma_wait3A_1287 = arith.constant 0 : i32
      %dma_wait3A_1288 = arith.constant 0 : i32
      %dma_wait3A_1289 = arith.constant 0 : i32
      %dma_wait3A_1290 = tpu.memref_slice %arg9[%dma_wait3A_1284, %dma_wait3A_1285, %dma_wait3A_1286, %dma_wait3A_1287, %dma_wait3A_1288, %dma_wait3A_1289] : memref<8x1x2x4x8x128xf32, #tpu.memory_space<vmem>> -> memref<1x1x1x4x8x128xf32, #tpu.memory_space<vmem>>
      %dma_wait3A_1291 = tpu.memref_squeeze %dma_wait3A_1290 : memref<1x1x1x4x8x128xf32, #tpu.memory_space<vmem>> -> memref<4x8x128xf32, #tpu.memory_space<vmem>>
      %dma_wait3A_1292 = tpu.memref_reshape %arg4 : memref<32x1000000xf32, #tpu.memory_space<hbm>> -> memref<4x8x1000000xf32, #tpu.memory_space<hbm>>
      %dma_wait3A_1293 = arith.constant 0 : i32
      %dma_wait3A_1294 = arith.constant 0 : i32
      %dma_wait3A_1295 = arith.constant 0 : i32
      %dma_wait3A_1296 = tpu.memref_slice %dma_wait3A_1292[%dma_wait3A_1293, %dma_wait3A_1294, %dma_wait3A_1295] : memref<4x8x1000000xf32, #tpu.memory_space<hbm>> -> memref<4x8x128xf32, #tpu.memory_space<hbm>>
      %dma_wait3A_1297 = arith.constant 0 : i32
      %dma_wait3A_1298 = arith.constant 0 : i32
      %dma_wait3A_1299 = arith.constant 0 : i32
      %dma_wait3A_1300 = tpu.memref_slice %arg9[%dma_wait3A_1284, %dma_wait3A_1285, %dma_wait3A_1286, %dma_wait3A_1297, %dma_wait3A_1298, %dma_wait3A_1299] : memref<8x1x2x4x8x128xf32, #tpu.memory_space<vmem>> -> memref<1x1x1x4x8x128xf32, #tpu.memory_space<vmem>>
      %dma_wait3A_1301 = tpu.memref_squeeze %dma_wait3A_1300 : memref<1x1x1x4x8x128xf32, #tpu.memory_space<vmem>> -> memref<4x8x128xf32, #tpu.memory_space<vmem>>
      %dma_wait3A_1302 = tpu.memref_reshape %arg4 : memref<32x1000000xf32, #tpu.memory_space<hbm>> -> memref<4x8x1000000xf32, #tpu.memory_space<hbm>>
      %dma_wait3A_1303 = arith.constant 0 : i32
      %dma_wait3A_1304 = arith.constant 0 : i32
      %dma_wait3A_1305 = arith.constant 0 : i32
      %dma_wait3A_1306 = tpu.memref_slice %dma_wait3A_1302[%dma_wait3A_1303, %dma_wait3A_1304, %dma_wait3A_1305] : memref<4x8x1000000xf32, #tpu.memory_space<hbm>> -> memref<4x8x128xf32, #tpu.memory_space<hbm>>
      tpu.wait_dma2 semaphore(%arg12 : memref<!tpu.dma_semaphore, #tpu.memory_space<semaphore_mem>>) src(%dma_wait3A_1306 : memref<4x8x128xf32, #tpu.memory_space<hbm>>) dst(%dma_wait3A_1301 : memref<4x8x128xf32, #tpu.memory_space<vmem>>)
      %slice3A_1307 = vector.extract_strided_slice %get3A_942 {offsets = [1], sizes = [1], strides = [1]} : vector<16xi32> to vector<1xi32>
      %squeeze3A_1308 = vector.extract %slice3A_1307[0] : i32 from vector<1xi32>
      %jit3A_1309 = arith.constant 128 : i32
      %eq3A_1310 = arith.constant 0 : i32
      %eq3A_1311 = arith.cmpi eq, %jit3A_1309, %eq3A_1310 : i32
      %jit3A_1312 = arith.constant 1 : i32
      %select_n3A_1313 = arith.select %eq3A_1311, %jit3A_1312, %jit3A_1309 : i32
      %rem3A_1314 = arith.remsi %squeeze3A_1308, %select_n3A_1313 : i32
      %ne3A_1315 = arith.constant 0 : i32
      %ne3A_1316 = arith.cmpi ne, %rem3A_1314, %ne3A_1315 : i32
      %lt3A_1317 = arith.constant 0 : i32
      %lt3A_1318 = arith.cmpi slt, %rem3A_1314, %lt3A_1317 : i32
      %lt3A_1319 = arith.constant 0 : i32
      %lt3A_1320 = arith.cmpi slt, %select_n3A_1313, %lt3A_1319 : i32
      %ne3A_1321 = arith.xori %lt3A_1318, %lt3A_1320 : i1
      %and3A_1322 = arith.andi %ne3A_1321, %ne3A_1316 : i1
      %add3A_1323 = arith.addi %rem3A_1314, %select_n3A_1313 : i32
      %select_n3A_1324 = arith.select %and3A_1322, %add3A_1323, %rem3A_1314 : i32
      %broadcast_in_dim3A_1325 = vector.broadcast %select_n3A_1324 : i32 to vector<16xi32>
      %slice3A_1326 = vector.extract_strided_slice %get3A_944 {offsets = [1], sizes = [1], strides = [1]} : vector<16xi32> to vector<1xi32>
      %squeeze3A_1327 = vector.extract %slice3A_1326[0] : i32 from vector<1xi32>
      %jit3A_1328 = arith.constant 128 : i32
      %eq3A_1329 = arith.constant 0 : i32
      %eq3A_1330 = arith.cmpi eq, %jit3A_1328, %eq3A_1329 : i32
      %jit3A_1331 = arith.constant 1 : i32
      %select_n3A_1332 = arith.select %eq3A_1330, %jit3A_1331, %jit3A_1328 : i32
      %rem3A_1333 = arith.remsi %squeeze3A_1327, %select_n3A_1332 : i32
      %ne3A_1334 = arith.constant 0 : i32
      %ne3A_1335 = arith.cmpi ne, %rem3A_1333, %ne3A_1334 : i32
      %lt3A_1336 = arith.constant 0 : i32
      %lt3A_1337 = arith.cmpi slt, %rem3A_1333, %lt3A_1336 : i32
      %lt3A_1338 = arith.constant 0 : i32
      %lt3A_1339 = arith.cmpi slt, %select_n3A_1332, %lt3A_1338 : i32
      %ne3A_1340 = arith.xori %lt3A_1337, %lt3A_1339 : i1
      %and3A_1341 = arith.andi %ne3A_1340, %ne3A_1335 : i1
      %add3A_1342 = arith.addi %rem3A_1333, %select_n3A_1332 : i32
      %select_n3A_1343 = arith.select %and3A_1341, %add3A_1342, %rem3A_1333 : i32
      %broadcast_in_dim3A_1344 = vector.broadcast %select_n3A_1343 : i32 to vector<16xi32>
      %broadcast_in_dim3A_1345 = arith.constant 1 : i32
      %broadcast_in_dim3A_1346 = vector.broadcast %broadcast_in_dim3A_1345 : i32 to vector<16xi32>
      %broadcast_in_dim3A_1347 = arith.constant 0 : i32
      %broadcast_in_dim3A_1348 = vector.broadcast %broadcast_in_dim3A_1347 : i32 to vector<16xi32>
      %broadcast_in_dim3A_1349 = arith.constant 0 : i32
      %broadcast_in_dim3A_1350 = vector.broadcast %broadcast_in_dim3A_1349 : i32 to vector<16xi32>
      %broadcast_in_dim3A_1351 = arith.constant 1 : i32
      %broadcast_in_dim3A_1352 = vector.broadcast %broadcast_in_dim3A_1351 : i32 to vector<16xi32>
      %gather3A_1353 = tpu.vector_load_idx %arg9[%broadcast_in_dim3A_1346, %broadcast_in_dim3A_1348, %broadcast_in_dim3A_1350, %select_n3A, %select_n3A_54, %broadcast_in_dim3A_1325] : memref<8x1x2x4x8x128xf32, #tpu.memory_space<vmem>>[vector<16xi32>, vector<16xi32>, vector<16xi32>, vector<16xi32>, vector<16xi32>, vector<16xi32>], vector<16xf32>,
      %gather3A_1354 = tpu.vector_load_idx %arg9[%broadcast_in_dim3A_1346, %broadcast_in_dim3A_1348, %broadcast_in_dim3A_1350, %add3A_34, %select_n3A_54, %broadcast_in_dim3A_1325] : memref<8x1x2x4x8x128xf32, #tpu.memory_space<vmem>>[vector<16xi32>, vector<16xi32>, vector<16xi32>, vector<16xi32>, vector<16xi32>, vector<16xi32>], vector<16xf32>,
      %gather3A_1355 = tpu.vector_load_idx %arg9[%broadcast_in_dim3A_1346, %broadcast_in_dim3A_1348, %broadcast_in_dim3A_1352, %select_n3A, %select_n3A_54, %broadcast_in_dim3A_1344] : memref<8x1x2x4x8x128xf32, #tpu.memory_space<vmem>>[vector<16xi32>, vector<16xi32>, vector<16xi32>, vector<16xi32>, vector<16xi32>, vector<16xi32>], vector<16xf32>,
      %gather3A_1356 = tpu.vector_load_idx %arg9[%broadcast_in_dim3A_1346, %broadcast_in_dim3A_1348, %broadcast_in_dim3A_1352, %add3A_34, %select_n3A_54, %broadcast_in_dim3A_1344] : memref<8x1x2x4x8x128xf32, #tpu.memory_space<vmem>>[vector<16xi32>, vector<16xi32>, vector<16xi32>, vector<16xi32>, vector<16xi32>, vector<16xi32>], vector<16xf32>,
      %mul3A_1357 = arith.mulf %gather3A_1353, %gather3A_1355 : vector<16xf32>
      %mul3A_1358 = arith.mulf %gather3A_1354, %gather3A_1356 : vector<16xf32>
      %add3A_1359 = arith.addf %mul3A_1357, %mul3A_1358 : vector<16xf32>
      %cumsum3A_1360 = arith.constant true
      %cumsum3A_1361 = vector.broadcast %cumsum3A_1360 : i1 to vector<16xi1>
      %cumsum3A_1362 = tpu.scan <sum>, %add3A_1359 masked %cumsum3A_1361 : vector<16xf32>, vector<16xi1> -> vector<16xf32>
      %mul3A_1363 = arith.constant 16 : i32
      %mul3A_1364 = arith.muli %scan3A_937, %mul3A_1363 : i32
      %add3A_1365 = arith.constant 1 : i32
      %add3A_1366 = arith.addi %mul3A_1364, %add3A_1365 : i32
      %add3A_1367 = arith.constant 0 : i32
      %add3A_1368 = arith.addi %add3A_1366, %add3A_1367 : i32
      %broadcast_in_dim3A_1369 = vector.broadcast %add3A_1368 : i32 to vector<16xi32>
      tpu.vector_store_idx %arg10[%broadcast_in_dim3A_1369], %cumsum3A_1362 masked %eq3A_57 : memref<512xf32, #tpu.memory_space<vmem>>[vector<16xi32>], vector<16xf32>, vector<16xi1>
      %slice3A_1370 = vector.extract_strided_slice %get3A_942 {offsets = [8], sizes = [1], strides = [1]} : vector<16xi32> to vector<1xi32>
      %squeeze3A_1371 = vector.extract %slice3A_1370[0] : i32 from vector<1xi32>
      %slice3A_1372 = vector.extract_strided_slice %get3A_944 {offsets = [8], sizes = [1], strides = [1]} : vector<16xi32> to vector<1xi32>
      %squeeze3A_1373 = vector.extract %slice3A_1372[0] : i32 from vector<1xi32>
      %jit3A_1374 = arith.constant 128 : i32
      %div3A_1375 = arith.divsi %squeeze3A_1371, %jit3A_1374 : i32
      %sign3A_1376 = arith.constant 0 : i32
      %sign3A_1377 = arith.cmpi sgt, %squeeze3A_1371, %sign3A_1376 : i32
      %sign3A_1378 = arith.extui %sign3A_1377 : i1 to i32
      %sign3A_1379 = arith.constant 0 : i32
      %sign3A_1380 = arith.cmpi slt, %squeeze3A_1371, %sign3A_1379 : i32
      %sign3A_1381 = arith.extui %sign3A_1380 : i1 to i32
      %sign3A_1382 = arith.subi %sign3A_1378, %sign3A_1381 : i32
      %sign3A_1383 = arith.constant 0 : i32
      %sign3A_1384 = arith.cmpi sgt, %jit3A_1374, %sign3A_1383 : i32
      %sign3A_1385 = arith.extui %sign3A_1384 : i1 to i32
      %sign3A_1386 = arith.constant 0 : i32
      %sign3A_1387 = arith.cmpi slt, %jit3A_1374, %sign3A_1386 : i32
      %sign3A_1388 = arith.extui %sign3A_1387 : i1 to i32
      %sign3A_1389 = arith.subi %sign3A_1385, %sign3A_1388 : i32
      %ne3A_1390 = arith.cmpi ne, %sign3A_1382, %sign3A_1389 : i32
      %rem3A_1391 = arith.remsi %squeeze3A_1371, %jit3A_1374 : i32
      %ne3A_1392 = arith.constant 0 : i32
      %ne3A_1393 = arith.cmpi ne, %rem3A_1391, %ne3A_1392 : i32
      %and3A_1394 = arith.andi %ne3A_1390, %ne3A_1393 : i1
      %sub3A_1395 = arith.constant 1 : i32
      %sub3A_1396 = arith.subi %div3A_1375, %sub3A_1395 : i32
      %select_n3A_1397 = arith.select %and3A_1394, %sub3A_1396, %div3A_1375 : i32
      %mul3A_1398 = arith.constant 128 : i32
      %mul3A_1399 = arith.muli %select_n3A_1397, %mul3A_1398 : i32
      %multiple_of3A_1400 = tpu.assume_multiple %mul3A_1399, 128 : i32
      %jit3A_1401 = arith.constant 128 : i32
      %div3A_1402 = arith.divsi %squeeze3A_1373, %jit3A_1401 : i32
      %sign3A_1403 = arith.constant 0 : i32
      %sign3A_1404 = arith.cmpi sgt, %squeeze3A_1373, %sign3A_1403 : i32
      %sign3A_1405 = arith.extui %sign3A_1404 : i1 to i32
      %sign3A_1406 = arith.constant 0 : i32
      %sign3A_1407 = arith.cmpi slt, %squeeze3A_1373, %sign3A_1406 : i32
      %sign3A_1408 = arith.extui %sign3A_1407 : i1 to i32
      %sign3A_1409 = arith.subi %sign3A_1405, %sign3A_1408 : i32
      %sign3A_1410 = arith.constant 0 : i32
      %sign3A_1411 = arith.cmpi sgt, %jit3A_1401, %sign3A_1410 : i32
      %sign3A_1412 = arith.extui %sign3A_1411 : i1 to i32
      %sign3A_1413 = arith.constant 0 : i32
      %sign3A_1414 = arith.cmpi slt, %jit3A_1401, %sign3A_1413 : i32
      %sign3A_1415 = arith.extui %sign3A_1414 : i1 to i32
      %sign3A_1416 = arith.subi %sign3A_1412, %sign3A_1415 : i32
      %ne3A_1417 = arith.cmpi ne, %sign3A_1409, %sign3A_1416 : i32
      %rem3A_1418 = arith.remsi %squeeze3A_1373, %jit3A_1401 : i32
      %ne3A_1419 = arith.constant 0 : i32
      %ne3A_1420 = arith.cmpi ne, %rem3A_1418, %ne3A_1419 : i32
      %and3A_1421 = arith.andi %ne3A_1417, %ne3A_1420 : i1
      %sub3A_1422 = arith.constant 1 : i32
      %sub3A_1423 = arith.subi %div3A_1402, %sub3A_1422 : i32
      %select_n3A_1424 = arith.select %and3A_1421, %sub3A_1423, %div3A_1402 : i32
      %mul3A_1425 = arith.constant 128 : i32
      %mul3A_1426 = arith.muli %select_n3A_1424, %mul3A_1425 : i32
      %multiple_of3A_1427 = tpu.assume_multiple %mul3A_1426, 128 : i32
      %dma_start3A_1428 = arith.constant 0 : i32
      %dma_start3A_1429 = arith.constant 0 : i32
      %dma_start3A_1430 = arith.constant 0 : i32
      %dma_start3A_1431 = arith.constant 0 : i32
      %dma_start3A_1432 = arith.constant 0 : i32
      %dma_start3A_1433 = arith.constant 0 : i32
      %dma_start3A_1434 = tpu.memref_slice %arg9[%dma_start3A_1428, %dma_start3A_1429, %dma_start3A_1430, %dma_start3A_1431, %dma_start3A_1432, %dma_start3A_1433] : memref<8x1x2x4x8x128xf32, #tpu.memory_space<vmem>> -> memref<1x1x1x4x8x128xf32, #tpu.memory_space<vmem>>
      %dma_start3A_1435 = tpu.memref_squeeze %dma_start3A_1434 : memref<1x1x1x4x8x128xf32, #tpu.memory_space<vmem>> -> memref<4x8x128xf32, #tpu.memory_space<vmem>>
      %dma_start3A_1436 = tpu.memref_reshape %arg4 : memref<32x1000000xf32, #tpu.memory_space<hbm>> -> memref<4x8x1000000xf32, #tpu.memory_space<hbm>>
      %dma_start3A_1437 = arith.constant 0 : i32
      %dma_start3A_1438 = arith.constant 0 : i32
      %dma_start3A_1439 = tpu.memref_slice %dma_start3A_1436[%dma_start3A_1437, %dma_start3A_1438, %multiple_of3A_1400] : memref<4x8x1000000xf32, #tpu.memory_space<hbm>> -> memref<4x8x128xf32, #tpu.memory_space<hbm>>
      %dma_start3A_1440 = arith.constant 0 : i32
      %dma_start3A_1441 = arith.constant 0 : i32
      %dma_start3A_1442 = arith.constant 0 : i32
      %dma_start3A_1443 = tpu.memref_slice %arg9[%dma_start3A_1428, %dma_start3A_1429, %dma_start3A_1430, %dma_start3A_1440, %dma_start3A_1441, %dma_start3A_1442] : memref<8x1x2x4x8x128xf32, #tpu.memory_space<vmem>> -> memref<1x1x1x4x8x128xf32, #tpu.memory_space<vmem>>
      %dma_start3A_1444 = tpu.memref_squeeze %dma_start3A_1443 : memref<1x1x1x4x8x128xf32, #tpu.memory_space<vmem>> -> memref<4x8x128xf32, #tpu.memory_space<vmem>>
      %dma_start3A_1445 = tpu.memref_reshape %arg4 : memref<32x1000000xf32, #tpu.memory_space<hbm>> -> memref<4x8x1000000xf32, #tpu.memory_space<hbm>>
      %dma_start3A_1446 = arith.constant 0 : i32
      %dma_start3A_1447 = arith.constant 0 : i32
      %dma_start3A_1448 = tpu.memref_slice %dma_start3A_1445[%dma_start3A_1446, %dma_start3A_1447, %multiple_of3A_1400] : memref<4x8x1000000xf32, #tpu.memory_space<hbm>> -> memref<4x8x128xf32, #tpu.memory_space<hbm>>
      tpu.enqueue_dma source(%dma_start3A_1448 : memref<4x8x128xf32, #tpu.memory_space<hbm>>) target(%dma_start3A_1444 : memref<4x8x128xf32, #tpu.memory_space<vmem>>) target_semaphore(%arg11 : memref<!tpu.dma_semaphore, #tpu.memory_space<semaphore_mem>>)
      %dma_start3A_1449 = arith.constant 0 : i32
      %dma_start3A_1450 = arith.constant 0 : i32
      %dma_start3A_1451 = arith.constant 1 : i32
      %dma_start3A_1452 = arith.constant 0 : i32
      %dma_start3A_1453 = arith.constant 0 : i32
      %dma_start3A_1454 = arith.constant 0 : i32
      %dma_start3A_1455 = tpu.memref_slice %arg9[%dma_start3A_1449, %dma_start3A_1450, %dma_start3A_1451, %dma_start3A_1452, %dma_start3A_1453, %dma_start3A_1454] : memref<8x1x2x4x8x128xf32, #tpu.memory_space<vmem>> -> memref<1x1x1x4x8x128xf32, #tpu.memory_space<vmem>>
      %dma_start3A_1456 = tpu.memref_squeeze %dma_start3A_1455 : memref<1x1x1x4x8x128xf32, #tpu.memory_space<vmem>> -> memref<4x8x128xf32, #tpu.memory_space<vmem>>
      %dma_start3A_1457 = tpu.memref_reshape %arg5 : memref<32x1000000xf32, #tpu.memory_space<hbm>> -> memref<4x8x1000000xf32, #tpu.memory_space<hbm>>
      %dma_start3A_1458 = arith.constant 0 : i32
      %dma_start3A_1459 = arith.constant 0 : i32
      %dma_start3A_1460 = tpu.memref_slice %dma_start3A_1457[%dma_start3A_1458, %dma_start3A_1459, %multiple_of3A_1427] : memref<4x8x1000000xf32, #tpu.memory_space<hbm>> -> memref<4x8x128xf32, #tpu.memory_space<hbm>>
      %dma_start3A_1461 = arith.constant 0 : i32
      %dma_start3A_1462 = arith.constant 0 : i32
      %dma_start3A_1463 = arith.constant 0 : i32
      %dma_start3A_1464 = tpu.memref_slice %arg9[%dma_start3A_1449, %dma_start3A_1450, %dma_start3A_1451, %dma_start3A_1461, %dma_start3A_1462, %dma_start3A_1463] : memref<8x1x2x4x8x128xf32, #tpu.memory_space<vmem>> -> memref<1x1x1x4x8x128xf32, #tpu.memory_space<vmem>>
      %dma_start3A_1465 = tpu.memref_squeeze %dma_start3A_1464 : memref<1x1x1x4x8x128xf32, #tpu.memory_space<vmem>> -> memref<4x8x128xf32, #tpu.memory_space<vmem>>
      %dma_start3A_1466 = tpu.memref_reshape %arg5 : memref<32x1000000xf32, #tpu.memory_space<hbm>> -> memref<4x8x1000000xf32, #tpu.memory_space<hbm>>
      %dma_start3A_1467 = arith.constant 0 : i32
      %dma_start3A_1468 = arith.constant 0 : i32
      %dma_start3A_1469 = tpu.memref_slice %dma_start3A_1466[%dma_start3A_1467, %dma_start3A_1468, %multiple_of3A_1427] : memref<4x8x1000000xf32, #tpu.memory_space<hbm>> -> memref<4x8x128xf32, #tpu.memory_space<hbm>>
      tpu.enqueue_dma source(%dma_start3A_1469 : memref<4x8x128xf32, #tpu.memory_space<hbm>>) target(%dma_start3A_1465 : memref<4x8x128xf32, #tpu.memory_space<vmem>>) target_semaphore(%arg11 : memref<!tpu.dma_semaphore, #tpu.memory_space<semaphore_mem>>)
      %dma_wait3A_1470 = arith.constant 0 : i32
      %dma_wait3A_1471 = arith.constant 0 : i32
      %dma_wait3A_1472 = arith.constant 0 : i32
      %dma_wait3A_1473 = arith.constant 0 : i32
      %dma_wait3A_1474 = arith.constant 0 : i32
      %dma_wait3A_1475 = arith.constant 0 : i32
      %dma_wait3A_1476 = tpu.memref_slice %arg9[%dma_wait3A_1470, %dma_wait3A_1471, %dma_wait3A_1472, %dma_wait3A_1473, %dma_wait3A_1474, %dma_wait3A_1475] : memref<8x1x2x4x8x128xf32, #tpu.memory_space<vmem>> -> memref<1x1x1x4x8x128xf32, #tpu.memory_space<vmem>>
      %dma_wait3A_1477 = tpu.memref_squeeze %dma_wait3A_1476 : memref<1x1x1x4x8x128xf32, #tpu.memory_space<vmem>> -> memref<4x8x128xf32, #tpu.memory_space<vmem>>
      %dma_wait3A_1478 = tpu.memref_reshape %arg4 : memref<32x1000000xf32, #tpu.memory_space<hbm>> -> memref<4x8x1000000xf32, #tpu.memory_space<hbm>>
      %dma_wait3A_1479 = arith.constant 0 : i32
      %dma_wait3A_1480 = arith.constant 0 : i32
      %dma_wait3A_1481 = arith.constant 0 : i32
      %dma_wait3A_1482 = tpu.memref_slice %dma_wait3A_1478[%dma_wait3A_1479, %dma_wait3A_1480, %dma_wait3A_1481] : memref<4x8x1000000xf32, #tpu.memory_space<hbm>> -> memref<4x8x128xf32, #tpu.memory_space<hbm>>
      %dma_wait3A_1483 = arith.constant 0 : i32
      %dma_wait3A_1484 = arith.constant 0 : i32
      %dma_wait3A_1485 = arith.constant 0 : i32
      %dma_wait3A_1486 = tpu.memref_slice %arg9[%dma_wait3A_1470, %dma_wait3A_1471, %dma_wait3A_1472, %dma_wait3A_1483, %dma_wait3A_1484, %dma_wait3A_1485] : memref<8x1x2x4x8x128xf32, #tpu.memory_space<vmem>> -> memref<1x1x1x4x8x128xf32, #tpu.memory_space<vmem>>
      %dma_wait3A_1487 = tpu.memref_squeeze %dma_wait3A_1486 : memref<1x1x1x4x8x128xf32, #tpu.memory_space<vmem>> -> memref<4x8x128xf32, #tpu.memory_space<vmem>>
      %dma_wait3A_1488 = tpu.memref_reshape %arg4 : memref<32x1000000xf32, #tpu.memory_space<hbm>> -> memref<4x8x1000000xf32, #tpu.memory_space<hbm>>
      %dma_wait3A_1489 = arith.constant 0 : i32
      %dma_wait3A_1490 = arith.constant 0 : i32
      %dma_wait3A_1491 = arith.constant 0 : i32
      %dma_wait3A_1492 = tpu.memref_slice %dma_wait3A_1488[%dma_wait3A_1489, %dma_wait3A_1490, %dma_wait3A_1491] : memref<4x8x1000000xf32, #tpu.memory_space<hbm>> -> memref<4x8x128xf32, #tpu.memory_space<hbm>>
      tpu.wait_dma2 semaphore(%arg13 : memref<!tpu.dma_semaphore, #tpu.memory_space<semaphore_mem>>) src(%dma_wait3A_1492 : memref<4x8x128xf32, #tpu.memory_space<hbm>>) dst(%dma_wait3A_1487 : memref<4x8x128xf32, #tpu.memory_space<vmem>>)
      %dma_wait3A_1493 = arith.constant 0 : i32
      %dma_wait3A_1494 = arith.constant 0 : i32
      %dma_wait3A_1495 = arith.constant 0 : i32
      %dma_wait3A_1496 = arith.constant 0 : i32
      %dma_wait3A_1497 = arith.constant 0 : i32
      %dma_wait3A_1498 = arith.constant 0 : i32
      %dma_wait3A_1499 = tpu.memref_slice %arg9[%dma_wait3A_1493, %dma_wait3A_1494, %dma_wait3A_1495, %dma_wait3A_1496, %dma_wait3A_1497, %dma_wait3A_1498] : memref<8x1x2x4x8x128xf32, #tpu.memory_space<vmem>> -> memref<1x1x1x4x8x128xf32, #tpu.memory_space<vmem>>
      %dma_wait3A_1500 = tpu.memref_squeeze %dma_wait3A_1499 : memref<1x1x1x4x8x128xf32, #tpu.memory_space<vmem>> -> memref<4x8x128xf32, #tpu.memory_space<vmem>>
      %dma_wait3A_1501 = tpu.memref_reshape %arg4 : memref<32x1000000xf32, #tpu.memory_space<hbm>> -> memref<4x8x1000000xf32, #tpu.memory_space<hbm>>
      %dma_wait3A_1502 = arith.constant 0 : i32
      %dma_wait3A_1503 = arith.constant 0 : i32
      %dma_wait3A_1504 = arith.constant 0 : i32
      %dma_wait3A_1505 = tpu.memref_slice %dma_wait3A_1501[%dma_wait3A_1502, %dma_wait3A_1503, %dma_wait3A_1504] : memref<4x8x1000000xf32, #tpu.memory_space<hbm>> -> memref<4x8x128xf32, #tpu.memory_space<hbm>>
      %dma_wait3A_1506 = arith.constant 0 : i32
      %dma_wait3A_1507 = arith.constant 0 : i32
      %dma_wait3A_1508 = arith.constant 0 : i32
      %dma_wait3A_1509 = tpu.memref_slice %arg9[%dma_wait3A_1493, %dma_wait3A_1494, %dma_wait3A_1495, %dma_wait3A_1506, %dma_wait3A_1507, %dma_wait3A_1508] : memref<8x1x2x4x8x128xf32, #tpu.memory_space<vmem>> -> memref<1x1x1x4x8x128xf32, #tpu.memory_space<vmem>>
      %dma_wait3A_1510 = tpu.memref_squeeze %dma_wait3A_1509 : memref<1x1x1x4x8x128xf32, #tpu.memory_space<vmem>> -> memref<4x8x128xf32, #tpu.memory_space<vmem>>
      %dma_wait3A_1511 = tpu.memref_reshape %arg4 : memref<32x1000000xf32, #tpu.memory_space<hbm>> -> memref<4x8x1000000xf32, #tpu.memory_space<hbm>>
      %dma_wait3A_1512 = arith.constant 0 : i32
      %dma_wait3A_1513 = arith.constant 0 : i32
      %dma_wait3A_1514 = arith.constant 0 : i32
      %dma_wait3A_1515 = tpu.memref_slice %dma_wait3A_1511[%dma_wait3A_1512, %dma_wait3A_1513, %dma_wait3A_1514] : memref<4x8x1000000xf32, #tpu.memory_space<hbm>> -> memref<4x8x128xf32, #tpu.memory_space<hbm>>
      tpu.wait_dma2 semaphore(%arg13 : memref<!tpu.dma_semaphore, #tpu.memory_space<semaphore_mem>>) src(%dma_wait3A_1515 : memref<4x8x128xf32, #tpu.memory_space<hbm>>) dst(%dma_wait3A_1510 : memref<4x8x128xf32, #tpu.memory_space<vmem>>)
      %slice3A_1516 = vector.extract_strided_slice %get3A_942 {offsets = [2], sizes = [1], strides = [1]} : vector<16xi32> to vector<1xi32>
      %squeeze3A_1517 = vector.extract %slice3A_1516[0] : i32 from vector<1xi32>
      %jit3A_1518 = arith.constant 128 : i32
      %eq3A_1519 = arith.constant 0 : i32
      %eq3A_1520 = arith.cmpi eq, %jit3A_1518, %eq3A_1519 : i32
      %jit3A_1521 = arith.constant 1 : i32
      %select_n3A_1522 = arith.select %eq3A_1520, %jit3A_1521, %jit3A_1518 : i32
      %rem3A_1523 = arith.remsi %squeeze3A_1517, %select_n3A_1522 : i32
      %ne3A_1524 = arith.constant 0 : i32
      %ne3A_1525 = arith.cmpi ne, %rem3A_1523, %ne3A_1524 : i32
      %lt3A_1526 = arith.constant 0 : i32
      %lt3A_1527 = arith.cmpi slt, %rem3A_1523, %lt3A_1526 : i32
      %lt3A_1528 = arith.constant 0 : i32
      %lt3A_1529 = arith.cmpi slt, %select_n3A_1522, %lt3A_1528 : i32
      %ne3A_1530 = arith.xori %lt3A_1527, %lt3A_1529 : i1
      %and3A_1531 = arith.andi %ne3A_1530, %ne3A_1525 : i1
      %add3A_1532 = arith.addi %rem3A_1523, %select_n3A_1522 : i32
      %select_n3A_1533 = arith.select %and3A_1531, %add3A_1532, %rem3A_1523 : i32
      %broadcast_in_dim3A_1534 = vector.broadcast %select_n3A_1533 : i32 to vector<16xi32>
      %slice3A_1535 = vector.extract_strided_slice %get3A_944 {offsets = [2], sizes = [1], strides = [1]} : vector<16xi32> to vector<1xi32>
      %squeeze3A_1536 = vector.extract %slice3A_1535[0] : i32 from vector<1xi32>
      %jit3A_1537 = arith.constant 128 : i32
      %eq3A_1538 = arith.constant 0 : i32
      %eq3A_1539 = arith.cmpi eq, %jit3A_1537, %eq3A_1538 : i32
      %jit3A_1540 = arith.constant 1 : i32
      %select_n3A_1541 = arith.select %eq3A_1539, %jit3A_1540, %jit3A_1537 : i32
      %rem3A_1542 = arith.remsi %squeeze3A_1536, %select_n3A_1541 : i32
      %ne3A_1543 = arith.constant 0 : i32
      %ne3A_1544 = arith.cmpi ne, %rem3A_1542, %ne3A_1543 : i32
      %lt3A_1545 = arith.constant 0 : i32
      %lt3A_1546 = arith.cmpi slt, %rem3A_1542, %lt3A_1545 : i32
      %lt3A_1547 = arith.constant 0 : i32
      %lt3A_1548 = arith.cmpi slt, %select_n3A_1541, %lt3A_1547 : i32
      %ne3A_1549 = arith.xori %lt3A_1546, %lt3A_1548 : i1
      %and3A_1550 = arith.andi %ne3A_1549, %ne3A_1544 : i1
      %add3A_1551 = arith.addi %rem3A_1542, %select_n3A_1541 : i32
      %select_n3A_1552 = arith.select %and3A_1550, %add3A_1551, %rem3A_1542 : i32
      %broadcast_in_dim3A_1553 = vector.broadcast %select_n3A_1552 : i32 to vector<16xi32>
      %broadcast_in_dim3A_1554 = arith.constant 2 : i32
      %broadcast_in_dim3A_1555 = vector.broadcast %broadcast_in_dim3A_1554 : i32 to vector<16xi32>
      %broadcast_in_dim3A_1556 = arith.constant 0 : i32
      %broadcast_in_dim3A_1557 = vector.broadcast %broadcast_in_dim3A_1556 : i32 to vector<16xi32>
      %broadcast_in_dim3A_1558 = arith.constant 0 : i32
      %broadcast_in_dim3A_1559 = vector.broadcast %broadcast_in_dim3A_1558 : i32 to vector<16xi32>
      %broadcast_in_dim3A_1560 = arith.constant 1 : i32
      %broadcast_in_dim3A_1561 = vector.broadcast %broadcast_in_dim3A_1560 : i32 to vector<16xi32>
      %gather3A_1562 = tpu.vector_load_idx %arg9[%broadcast_in_dim3A_1555, %broadcast_in_dim3A_1557, %broadcast_in_dim3A_1559, %select_n3A, %select_n3A_54, %broadcast_in_dim3A_1534] : memref<8x1x2x4x8x128xf32, #tpu.memory_space<vmem>>[vector<16xi32>, vector<16xi32>, vector<16xi32>, vector<16xi32>, vector<16xi32>, vector<16xi32>], vector<16xf32>,
      %gather3A_1563 = tpu.vector_load_idx %arg9[%broadcast_in_dim3A_1555, %broadcast_in_dim3A_1557, %broadcast_in_dim3A_1559, %add3A_34, %select_n3A_54, %broadcast_in_dim3A_1534] : memref<8x1x2x4x8x128xf32, #tpu.memory_space<vmem>>[vector<16xi32>, vector<16xi32>, vector<16xi32>, vector<16xi32>, vector<16xi32>, vector<16xi32>], vector<16xf32>,
      %gather3A_1564 = tpu.vector_load_idx %arg9[%broadcast_in_dim3A_1555, %broadcast_in_dim3A_1557, %broadcast_in_dim3A_1561, %select_n3A, %select_n3A_54, %broadcast_in_dim3A_1553] : memref<8x1x2x4x8x128xf32, #tpu.memory_space<vmem>>[vector<16xi32>, vector<16xi32>, vector<16xi32>, vector<16xi32>, vector<16xi32>, vector<16xi32>], vector<16xf32>,
      %gather3A_1565 = tpu.vector_load_idx %arg9[%broadcast_in_dim3A_1555, %broadcast_in_dim3A_1557, %broadcast_in_dim3A_1561, %add3A_34, %select_n3A_54, %broadcast_in_dim3A_1553] : memref<8x1x2x4x8x128xf32, #tpu.memory_space<vmem>>[vector<16xi32>, vector<16xi32>, vector<16xi32>, vector<16xi32>, vector<16xi32>, vector<16xi32>], vector<16xf32>,
      %mul3A_1566 = arith.mulf %gather3A_1562, %gather3A_1564 : vector<16xf32>
      %mul3A_1567 = arith.mulf %gather3A_1563, %gather3A_1565 : vector<16xf32>
      %add3A_1568 = arith.addf %mul3A_1566, %mul3A_1567 : vector<16xf32>
      %cumsum3A_1569 = arith.constant true
      %cumsum3A_1570 = vector.broadcast %cumsum3A_1569 : i1 to vector<16xi1>
      %cumsum3A_1571 = tpu.scan <sum>, %add3A_1568 masked %cumsum3A_1570 : vector<16xf32>, vector<16xi1> -> vector<16xf32>
      %mul3A_1572 = arith.constant 16 : i32
      %mul3A_1573 = arith.muli %scan3A_937, %mul3A_1572 : i32
      %add3A_1574 = arith.constant 2 : i32
      %add3A_1575 = arith.addi %mul3A_1573, %add3A_1574 : i32
      %add3A_1576 = arith.constant 0 : i32
      %add3A_1577 = arith.addi %add3A_1575, %add3A_1576 : i32
      %broadcast_in_dim3A_1578 = vector.broadcast %add3A_1577 : i32 to vector<16xi32>
      tpu.vector_store_idx %arg10[%broadcast_in_dim3A_1578], %cumsum3A_1571 masked %eq3A_57 : memref<512xf32, #tpu.memory_space<vmem>>[vector<16xi32>], vector<16xf32>, vector<16xi1>
      %slice3A_1579 = vector.extract_strided_slice %get3A_942 {offsets = [9], sizes = [1], strides = [1]} : vector<16xi32> to vector<1xi32>
      %squeeze3A_1580 = vector.extract %slice3A_1579[0] : i32 from vector<1xi32>
      %slice3A_1581 = vector.extract_strided_slice %get3A_944 {offsets = [9], sizes = [1], strides = [1]} : vector<16xi32> to vector<1xi32>
      %squeeze3A_1582 = vector.extract %slice3A_1581[0] : i32 from vector<1xi32>
      %jit3A_1583 = arith.constant 128 : i32
      %div3A_1584 = arith.divsi %squeeze3A_1580, %jit3A_1583 : i32
      %sign3A_1585 = arith.constant 0 : i32
      %sign3A_1586 = arith.cmpi sgt, %squeeze3A_1580, %sign3A_1585 : i32
      %sign3A_1587 = arith.extui %sign3A_1586 : i1 to i32
      %sign3A_1588 = arith.constant 0 : i32
      %sign3A_1589 = arith.cmpi slt, %squeeze3A_1580, %sign3A_1588 : i32
      %sign3A_1590 = arith.extui %sign3A_1589 : i1 to i32
      %sign3A_1591 = arith.subi %sign3A_1587, %sign3A_1590 : i32
      %sign3A_1592 = arith.constant 0 : i32
      %sign3A_1593 = arith.cmpi sgt, %jit3A_1583, %sign3A_1592 : i32
      %sign3A_1594 = arith.extui %sign3A_1593 : i1 to i32
      %sign3A_1595 = arith.constant 0 : i32
      %sign3A_1596 = arith.cmpi slt, %jit3A_1583, %sign3A_1595 : i32
      %sign3A_1597 = arith.extui %sign3A_1596 : i1 to i32
      %sign3A_1598 = arith.subi %sign3A_1594, %sign3A_1597 : i32
      %ne3A_1599 = arith.cmpi ne, %sign3A_1591, %sign3A_1598 : i32
      %rem3A_1600 = arith.remsi %squeeze3A_1580, %jit3A_1583 : i32
      %ne3A_1601 = arith.constant 0 : i32
      %ne3A_1602 = arith.cmpi ne, %rem3A_1600, %ne3A_1601 : i32
      %and3A_1603 = arith.andi %ne3A_1599, %ne3A_1602 : i1
      %sub3A_1604 = arith.constant 1 : i32
      %sub3A_1605 = arith.subi %div3A_1584, %sub3A_1604 : i32
      %select_n3A_1606 = arith.select %and3A_1603, %sub3A_1605, %div3A_1584 : i32
      %mul3A_1607 = arith.constant 128 : i32
      %mul3A_1608 = arith.muli %select_n3A_1606, %mul3A_1607 : i32
      %multiple_of3A_1609 = tpu.assume_multiple %mul3A_1608, 128 : i32
      %jit3A_1610 = arith.constant 128 : i32
      %div3A_1611 = arith.divsi %squeeze3A_1582, %jit3A_1610 : i32
      %sign3A_1612 = arith.constant 0 : i32
      %sign3A_1613 = arith.cmpi sgt, %squeeze3A_1582, %sign3A_1612 : i32
      %sign3A_1614 = arith.extui %sign3A_1613 : i1 to i32
      %sign3A_1615 = arith.constant 0 : i32
      %sign3A_1616 = arith.cmpi slt, %squeeze3A_1582, %sign3A_1615 : i32
      %sign3A_1617 = arith.extui %sign3A_1616 : i1 to i32
      %sign3A_1618 = arith.subi %sign3A_1614, %sign3A_1617 : i32
      %sign3A_1619 = arith.constant 0 : i32
      %sign3A_1620 = arith.cmpi sgt, %jit3A_1610, %sign3A_1619 : i32
      %sign3A_1621 = arith.extui %sign3A_1620 : i1 to i32
      %sign3A_1622 = arith.constant 0 : i32
      %sign3A_1623 = arith.cmpi slt, %jit3A_1610, %sign3A_1622 : i32
      %sign3A_1624 = arith.extui %sign3A_1623 : i1 to i32
      %sign3A_1625 = arith.subi %sign3A_1621, %sign3A_1624 : i32
      %ne3A_1626 = arith.cmpi ne, %sign3A_1618, %sign3A_1625 : i32
      %rem3A_1627 = arith.remsi %squeeze3A_1582, %jit3A_1610 : i32
      %ne3A_1628 = arith.constant 0 : i32
      %ne3A_1629 = arith.cmpi ne, %rem3A_1627, %ne3A_1628 : i32
      %and3A_1630 = arith.andi %ne3A_1626, %ne3A_1629 : i1
      %sub3A_1631 = arith.constant 1 : i32
      %sub3A_1632 = arith.subi %div3A_1611, %sub3A_1631 : i32
      %select_n3A_1633 = arith.select %and3A_1630, %sub3A_1632, %div3A_1611 : i32
      %mul3A_1634 = arith.constant 128 : i32
      %mul3A_1635 = arith.muli %select_n3A_1633, %mul3A_1634 : i32
      %multiple_of3A_1636 = tpu.assume_multiple %mul3A_1635, 128 : i32
      %dma_start3A_1637 = arith.constant 1 : i32
      %dma_start3A_1638 = arith.constant 0 : i32
      %dma_start3A_1639 = arith.constant 0 : i32
      %dma_start3A_1640 = arith.constant 0 : i32
      %dma_start3A_1641 = arith.constant 0 : i32
      %dma_start3A_1642 = arith.constant 0 : i32
      %dma_start3A_1643 = tpu.memref_slice %arg9[%dma_start3A_1637, %dma_start3A_1638, %dma_start3A_1639, %dma_start3A_1640, %dma_start3A_1641, %dma_start3A_1642] : memref<8x1x2x4x8x128xf32, #tpu.memory_space<vmem>> -> memref<1x1x1x4x8x128xf32, #tpu.memory_space<vmem>>
      %dma_start3A_1644 = tpu.memref_squeeze %dma_start3A_1643 : memref<1x1x1x4x8x128xf32, #tpu.memory_space<vmem>> -> memref<4x8x128xf32, #tpu.memory_space<vmem>>
      %dma_start3A_1645 = tpu.memref_reshape %arg4 : memref<32x1000000xf32, #tpu.memory_space<hbm>> -> memref<4x8x1000000xf32, #tpu.memory_space<hbm>>
      %dma_start3A_1646 = arith.constant 0 : i32
      %dma_start3A_1647 = arith.constant 0 : i32
      %dma_start3A_1648 = tpu.memref_slice %dma_start3A_1645[%dma_start3A_1646, %dma_start3A_1647, %multiple_of3A_1609] : memref<4x8x1000000xf32, #tpu.memory_space<hbm>> -> memref<4x8x128xf32, #tpu.memory_space<hbm>>
      %dma_start3A_1649 = arith.constant 0 : i32
      %dma_start3A_1650 = arith.constant 0 : i32
      %dma_start3A_1651 = arith.constant 0 : i32
      %dma_start3A_1652 = tpu.memref_slice %arg9[%dma_start3A_1637, %dma_start3A_1638, %dma_start3A_1639, %dma_start3A_1649, %dma_start3A_1650, %dma_start3A_1651] : memref<8x1x2x4x8x128xf32, #tpu.memory_space<vmem>> -> memref<1x1x1x4x8x128xf32, #tpu.memory_space<vmem>>
      %dma_start3A_1653 = tpu.memref_squeeze %dma_start3A_1652 : memref<1x1x1x4x8x128xf32, #tpu.memory_space<vmem>> -> memref<4x8x128xf32, #tpu.memory_space<vmem>>
      %dma_start3A_1654 = tpu.memref_reshape %arg4 : memref<32x1000000xf32, #tpu.memory_space<hbm>> -> memref<4x8x1000000xf32, #tpu.memory_space<hbm>>
      %dma_start3A_1655 = arith.constant 0 : i32
      %dma_start3A_1656 = arith.constant 0 : i32
      %dma_start3A_1657 = tpu.memref_slice %dma_start3A_1654[%dma_start3A_1655, %dma_start3A_1656, %multiple_of3A_1609] : memref<4x8x1000000xf32, #tpu.memory_space<hbm>> -> memref<4x8x128xf32, #tpu.memory_space<hbm>>
      tpu.enqueue_dma source(%dma_start3A_1657 : memref<4x8x128xf32, #tpu.memory_space<hbm>>) target(%dma_start3A_1653 : memref<4x8x128xf32, #tpu.memory_space<vmem>>) target_semaphore(%arg12 : memref<!tpu.dma_semaphore, #tpu.memory_space<semaphore_mem>>)
      %dma_start3A_1658 = arith.constant 1 : i32
      %dma_start3A_1659 = arith.constant 0 : i32
      %dma_start3A_1660 = arith.constant 1 : i32
      %dma_start3A_1661 = arith.constant 0 : i32
      %dma_start3A_1662 = arith.constant 0 : i32
      %dma_start3A_1663 = arith.constant 0 : i32
      %dma_start3A_1664 = tpu.memref_slice %arg9[%dma_start3A_1658, %dma_start3A_1659, %dma_start3A_1660, %dma_start3A_1661, %dma_start3A_1662, %dma_start3A_1663] : memref<8x1x2x4x8x128xf32, #tpu.memory_space<vmem>> -> memref<1x1x1x4x8x128xf32, #tpu.memory_space<vmem>>
      %dma_start3A_1665 = tpu.memref_squeeze %dma_start3A_1664 : memref<1x1x1x4x8x128xf32, #tpu.memory_space<vmem>> -> memref<4x8x128xf32, #tpu.memory_space<vmem>>
      %dma_start3A_1666 = tpu.memref_reshape %arg5 : memref<32x1000000xf32, #tpu.memory_space<hbm>> -> memref<4x8x1000000xf32, #tpu.memory_space<hbm>>
      %dma_start3A_1667 = arith.constant 0 : i32
      %dma_start3A_1668 = arith.constant 0 : i32
      %dma_start3A_1669 = tpu.memref_slice %dma_start3A_1666[%dma_start3A_1667, %dma_start3A_1668, %multiple_of3A_1636] : memref<4x8x1000000xf32, #tpu.memory_space<hbm>> -> memref<4x8x128xf32, #tpu.memory_space<hbm>>
      %dma_start3A_1670 = arith.constant 0 : i32
      %dma_start3A_1671 = arith.constant 0 : i32
      %dma_start3A_1672 = arith.constant 0 : i32
      %dma_start3A_1673 = tpu.memref_slice %arg9[%dma_start3A_1658, %dma_start3A_1659, %dma_start3A_1660, %dma_start3A_1670, %dma_start3A_1671, %dma_start3A_1672] : memref<8x1x2x4x8x128xf32, #tpu.memory_space<vmem>> -> memref<1x1x1x4x8x128xf32, #tpu.memory_space<vmem>>
      %dma_start3A_1674 = tpu.memref_squeeze %dma_start3A_1673 : memref<1x1x1x4x8x128xf32, #tpu.memory_space<vmem>> -> memref<4x8x128xf32, #tpu.memory_space<vmem>>
      %dma_start3A_1675 = tpu.memref_reshape %arg5 : memref<32x1000000xf32, #tpu.memory_space<hbm>> -> memref<4x8x1000000xf32, #tpu.memory_space<hbm>>
      %dma_start3A_1676 = arith.constant 0 : i32
      %dma_start3A_1677 = arith.constant 0 : i32
      %dma_start3A_1678 = tpu.memref_slice %dma_start3A_1675[%dma_start3A_1676, %dma_start3A_1677, %multiple_of3A_1636] : memref<4x8x1000000xf32, #tpu.memory_space<hbm>> -> memref<4x8x128xf32, #tpu.memory_space<hbm>>
      tpu.enqueue_dma source(%dma_start3A_1678 : memref<4x8x128xf32, #tpu.memory_space<hbm>>) target(%dma_start3A_1674 : memref<4x8x128xf32, #tpu.memory_space<vmem>>) target_semaphore(%arg12 : memref<!tpu.dma_semaphore, #tpu.memory_space<semaphore_mem>>)
      %dma_wait3A_1679 = arith.constant 0 : i32
      %dma_wait3A_1680 = arith.constant 0 : i32
      %dma_wait3A_1681 = arith.constant 0 : i32
      %dma_wait3A_1682 = arith.constant 0 : i32
      %dma_wait3A_1683 = arith.constant 0 : i32
      %dma_wait3A_1684 = arith.constant 0 : i32
      %dma_wait3A_1685 = tpu.memref_slice %arg9[%dma_wait3A_1679, %dma_wait3A_1680, %dma_wait3A_1681, %dma_wait3A_1682, %dma_wait3A_1683, %dma_wait3A_1684] : memref<8x1x2x4x8x128xf32, #tpu.memory_space<vmem>> -> memref<1x1x1x4x8x128xf32, #tpu.memory_space<vmem>>
      %dma_wait3A_1686 = tpu.memref_squeeze %dma_wait3A_1685 : memref<1x1x1x4x8x128xf32, #tpu.memory_space<vmem>> -> memref<4x8x128xf32, #tpu.memory_space<vmem>>
      %dma_wait3A_1687 = tpu.memref_reshape %arg4 : memref<32x1000000xf32, #tpu.memory_space<hbm>> -> memref<4x8x1000000xf32, #tpu.memory_space<hbm>>
      %dma_wait3A_1688 = arith.constant 0 : i32
      %dma_wait3A_1689 = arith.constant 0 : i32
      %dma_wait3A_1690 = arith.constant 0 : i32
      %dma_wait3A_1691 = tpu.memref_slice %dma_wait3A_1687[%dma_wait3A_1688, %dma_wait3A_1689, %dma_wait3A_1690] : memref<4x8x1000000xf32, #tpu.memory_space<hbm>> -> memref<4x8x128xf32, #tpu.memory_space<hbm>>
      %dma_wait3A_1692 = arith.constant 0 : i32
      %dma_wait3A_1693 = arith.constant 0 : i32
      %dma_wait3A_1694 = arith.constant 0 : i32
      %dma_wait3A_1695 = tpu.memref_slice %arg9[%dma_wait3A_1679, %dma_wait3A_1680, %dma_wait3A_1681, %dma_wait3A_1692, %dma_wait3A_1693, %dma_wait3A_1694] : memref<8x1x2x4x8x128xf32, #tpu.memory_space<vmem>> -> memref<1x1x1x4x8x128xf32, #tpu.memory_space<vmem>>
      %dma_wait3A_1696 = tpu.memref_squeeze %dma_wait3A_1695 : memref<1x1x1x4x8x128xf32, #tpu.memory_space<vmem>> -> memref<4x8x128xf32, #tpu.memory_space<vmem>>
      %dma_wait3A_1697 = tpu.memref_reshape %arg4 : memref<32x1000000xf32, #tpu.memory_space<hbm>> -> memref<4x8x1000000xf32, #tpu.memory_space<hbm>>
      %dma_wait3A_1698 = arith.constant 0 : i32
      %dma_wait3A_1699 = arith.constant 0 : i32
      %dma_wait3A_1700 = arith.constant 0 : i32
      %dma_wait3A_1701 = tpu.memref_slice %dma_wait3A_1697[%dma_wait3A_1698, %dma_wait3A_1699, %dma_wait3A_1700] : memref<4x8x1000000xf32, #tpu.memory_space<hbm>> -> memref<4x8x128xf32, #tpu.memory_space<hbm>>
      tpu.wait_dma2 semaphore(%arg14 : memref<!tpu.dma_semaphore, #tpu.memory_space<semaphore_mem>>) src(%dma_wait3A_1701 : memref<4x8x128xf32, #tpu.memory_space<hbm>>) dst(%dma_wait3A_1696 : memref<4x8x128xf32, #tpu.memory_space<vmem>>)
      %dma_wait3A_1702 = arith.constant 0 : i32
      %dma_wait3A_1703 = arith.constant 0 : i32
      %dma_wait3A_1704 = arith.constant 0 : i32
      %dma_wait3A_1705 = arith.constant 0 : i32
      %dma_wait3A_1706 = arith.constant 0 : i32
      %dma_wait3A_1707 = arith.constant 0 : i32
      %dma_wait3A_1708 = tpu.memref_slice %arg9[%dma_wait3A_1702, %dma_wait3A_1703, %dma_wait3A_1704, %dma_wait3A_1705, %dma_wait3A_1706, %dma_wait3A_1707] : memref<8x1x2x4x8x128xf32, #tpu.memory_space<vmem>> -> memref<1x1x1x4x8x128xf32, #tpu.memory_space<vmem>>
      %dma_wait3A_1709 = tpu.memref_squeeze %dma_wait3A_1708 : memref<1x1x1x4x8x128xf32, #tpu.memory_space<vmem>> -> memref<4x8x128xf32, #tpu.memory_space<vmem>>
      %dma_wait3A_1710 = tpu.memref_reshape %arg4 : memref<32x1000000xf32, #tpu.memory_space<hbm>> -> memref<4x8x1000000xf32, #tpu.memory_space<hbm>>
      %dma_wait3A_1711 = arith.constant 0 : i32
      %dma_wait3A_1712 = arith.constant 0 : i32
      %dma_wait3A_1713 = arith.constant 0 : i32
      %dma_wait3A_1714 = tpu.memref_slice %dma_wait3A_1710[%dma_wait3A_1711, %dma_wait3A_1712, %dma_wait3A_1713] : memref<4x8x1000000xf32, #tpu.memory_space<hbm>> -> memref<4x8x128xf32, #tpu.memory_space<hbm>>
      %dma_wait3A_1715 = arith.constant 0 : i32
      %dma_wait3A_1716 = arith.constant 0 : i32
      %dma_wait3A_1717 = arith.constant 0 : i32
      %dma_wait3A_1718 = tpu.memref_slice %arg9[%dma_wait3A_1702, %dma_wait3A_1703, %dma_wait3A_1704, %dma_wait3A_1715, %dma_wait3A_1716, %dma_wait3A_1717] : memref<8x1x2x4x8x128xf32, #tpu.memory_space<vmem>> -> memref<1x1x1x4x8x128xf32, #tpu.memory_space<vmem>>
      %dma_wait3A_1719 = tpu.memref_squeeze %dma_wait3A_1718 : memref<1x1x1x4x8x128xf32, #tpu.memory_space<vmem>> -> memref<4x8x128xf32, #tpu.memory_space<vmem>>
      %dma_wait3A_1720 = tpu.memref_reshape %arg4 : memref<32x1000000xf32, #tpu.memory_space<hbm>> -> memref<4x8x1000000xf32, #tpu.memory_space<hbm>>
      %dma_wait3A_1721 = arith.constant 0 : i32
      %dma_wait3A_1722 = arith.constant 0 : i32
      %dma_wait3A_1723 = arith.constant 0 : i32
      %dma_wait3A_1724 = tpu.memref_slice %dma_wait3A_1720[%dma_wait3A_1721, %dma_wait3A_1722, %dma_wait3A_1723] : memref<4x8x1000000xf32, #tpu.memory_space<hbm>> -> memref<4x8x128xf32, #tpu.memory_space<hbm>>
      tpu.wait_dma2 semaphore(%arg14 : memref<!tpu.dma_semaphore, #tpu.memory_space<semaphore_mem>>) src(%dma_wait3A_1724 : memref<4x8x128xf32, #tpu.memory_space<hbm>>) dst(%dma_wait3A_1719 : memref<4x8x128xf32, #tpu.memory_space<vmem>>)
      %slice3A_1725 = vector.extract_strided_slice %get3A_942 {offsets = [3], sizes = [1], strides = [1]} : vector<16xi32> to vector<1xi32>
      %squeeze3A_1726 = vector.extract %slice3A_1725[0] : i32 from vector<1xi32>
      %jit3A_1727 = arith.constant 128 : i32
      %eq3A_1728 = arith.constant 0 : i32
      %eq3A_1729 = arith.cmpi eq, %jit3A_1727, %eq3A_1728 : i32
      %jit3A_1730 = arith.constant 1 : i32
      %select_n3A_1731 = arith.select %eq3A_1729, %jit3A_1730, %jit3A_1727 : i32
      %rem3A_1732 = arith.remsi %squeeze3A_1726, %select_n3A_1731 : i32
      %ne3A_1733 = arith.constant 0 : i32
      %ne3A_1734 = arith.cmpi ne, %rem3A_1732, %ne3A_1733 : i32
      %lt3A_1735 = arith.constant 0 : i32
      %lt3A_1736 = arith.cmpi slt, %rem3A_1732, %lt3A_1735 : i32
      %lt3A_1737 = arith.constant 0 : i32
      %lt3A_1738 = arith.cmpi slt, %select_n3A_1731, %lt3A_1737 : i32
      %ne3A_1739 = arith.xori %lt3A_1736, %lt3A_1738 : i1
      %and3A_1740 = arith.andi %ne3A_1739, %ne3A_1734 : i1
      %add3A_1741 = arith.addi %rem3A_1732, %select_n3A_1731 : i32
      %select_n3A_1742 = arith.select %and3A_1740, %add3A_1741, %rem3A_1732 : i32
      %broadcast_in_dim3A_1743 = vector.broadcast %select_n3A_1742 : i32 to vector<16xi32>
      %slice3A_1744 = vector.extract_strided_slice %get3A_944 {offsets = [3], sizes = [1], strides = [1]} : vector<16xi32> to vector<1xi32>
      %squeeze3A_1745 = vector.extract %slice3A_1744[0] : i32 from vector<1xi32>
      %jit3A_1746 = arith.constant 128 : i32
      %eq3A_1747 = arith.constant 0 : i32
      %eq3A_1748 = arith.cmpi eq, %jit3A_1746, %eq3A_1747 : i32
      %jit3A_1749 = arith.constant 1 : i32
      %select_n3A_1750 = arith.select %eq3A_1748, %jit3A_1749, %jit3A_1746 : i32
      %rem3A_1751 = arith.remsi %squeeze3A_1745, %select_n3A_1750 : i32
      %ne3A_1752 = arith.constant 0 : i32
      %ne3A_1753 = arith.cmpi ne, %rem3A_1751, %ne3A_1752 : i32
      %lt3A_1754 = arith.constant 0 : i32
      %lt3A_1755 = arith.cmpi slt, %rem3A_1751, %lt3A_1754 : i32
      %lt3A_1756 = arith.constant 0 : i32
      %lt3A_1757 = arith.cmpi slt, %select_n3A_1750, %lt3A_1756 : i32
      %ne3A_1758 = arith.xori %lt3A_1755, %lt3A_1757 : i1
      %and3A_1759 = arith.andi %ne3A_1758, %ne3A_1753 : i1
      %add3A_1760 = arith.addi %rem3A_1751, %select_n3A_1750 : i32
      %select_n3A_1761 = arith.select %and3A_1759, %add3A_1760, %rem3A_1751 : i32
      %broadcast_in_dim3A_1762 = vector.broadcast %select_n3A_1761 : i32 to vector<16xi32>
      %broadcast_in_dim3A_1763 = arith.constant 3 : i32
      %broadcast_in_dim3A_1764 = vector.broadcast %broadcast_in_dim3A_1763 : i32 to vector<16xi32>
      %broadcast_in_dim3A_1765 = arith.constant 0 : i32
      %broadcast_in_dim3A_1766 = vector.broadcast %broadcast_in_dim3A_1765 : i32 to vector<16xi32>
      %broadcast_in_dim3A_1767 = arith.constant 0 : i32
      %broadcast_in_dim3A_1768 = vector.broadcast %broadcast_in_dim3A_1767 : i32 to vector<16xi32>
      %broadcast_in_dim3A_1769 = arith.constant 1 : i32
      %broadcast_in_dim3A_1770 = vector.broadcast %broadcast_in_dim3A_1769 : i32 to vector<16xi32>
      %gather3A_1771 = tpu.vector_load_idx %arg9[%broadcast_in_dim3A_1764, %broadcast_in_dim3A_1766, %broadcast_in_dim3A_1768, %select_n3A, %select_n3A_54, %broadcast_in_dim3A_1743] : memref<8x1x2x4x8x128xf32, #tpu.memory_space<vmem>>[vector<16xi32>, vector<16xi32>, vector<16xi32>, vector<16xi32>, vector<16xi32>, vector<16xi32>], vector<16xf32>,
      %gather3A_1772 = tpu.vector_load_idx %arg9[%broadcast_in_dim3A_1764, %broadcast_in_dim3A_1766, %broadcast_in_dim3A_1768, %add3A_34, %select_n3A_54, %broadcast_in_dim3A_1743] : memref<8x1x2x4x8x128xf32, #tpu.memory_space<vmem>>[vector<16xi32>, vector<16xi32>, vector<16xi32>, vector<16xi32>, vector<16xi32>, vector<16xi32>], vector<16xf32>,
      %gather3A_1773 = tpu.vector_load_idx %arg9[%broadcast_in_dim3A_1764, %broadcast_in_dim3A_1766, %broadcast_in_dim3A_1770, %select_n3A, %select_n3A_54, %broadcast_in_dim3A_1762] : memref<8x1x2x4x8x128xf32, #tpu.memory_space<vmem>>[vector<16xi32>, vector<16xi32>, vector<16xi32>, vector<16xi32>, vector<16xi32>, vector<16xi32>], vector<16xf32>,
      %gather3A_1774 = tpu.vector_load_idx %arg9[%broadcast_in_dim3A_1764, %broadcast_in_dim3A_1766, %broadcast_in_dim3A_1770, %add3A_34, %select_n3A_54, %broadcast_in_dim3A_1762] : memref<8x1x2x4x8x128xf32, #tpu.memory_space<vmem>>[vector<16xi32>, vector<16xi32>, vector<16xi32>, vector<16xi32>, vector<16xi32>, vector<16xi32>], vector<16xf32>,
      %mul3A_1775 = arith.mulf %gather3A_1771, %gather3A_1773 : vector<16xf32>
      %mul3A_1776 = arith.mulf %gather3A_1772, %gather3A_1774 : vector<16xf32>
      %add3A_1777 = arith.addf %mul3A_1775, %mul3A_1776 : vector<16xf32>
      %cumsum3A_1778 = arith.constant true
      %cumsum3A_1779 = vector.broadcast %cumsum3A_1778 : i1 to vector<16xi1>
      %cumsum3A_1780 = tpu.scan <sum>, %add3A_1777 masked %cumsum3A_1779 : vector<16xf32>, vector<16xi1> -> vector<16xf32>
      %mul3A_1781 = arith.constant 16 : i32
      %mul3A_1782 = arith.muli %scan3A_937, %mul3A_1781 : i32
      %add3A_1783 = arith.constant 3 : i32
      %add3A_1784 = arith.addi %mul3A_1782, %add3A_1783 : i32
      %add3A_1785 = arith.constant 0 : i32
      %add3A_1786 = arith.addi %add3A_1784, %add3A_1785 : i32
      %broadcast_in_dim3A_1787 = vector.broadcast %add3A_1786 : i32 to vector<16xi32>
      tpu.vector_store_idx %arg10[%broadcast_in_dim3A_1787], %cumsum3A_1780 masked %eq3A_57 : memref<512xf32, #tpu.memory_space<vmem>>[vector<16xi32>], vector<16xf32>, vector<16xi1>
      %slice3A_1788 = vector.extract_strided_slice %get3A_942 {offsets = [10], sizes = [1], strides = [1]} : vector<16xi32> to vector<1xi32>
      %squeeze3A_1789 = vector.extract %slice3A_1788[0] : i32 from vector<1xi32>
      %slice3A_1790 = vector.extract_strided_slice %get3A_944 {offsets = [10], sizes = [1], strides = [1]} : vector<16xi32> to vector<1xi32>
      %squeeze3A_1791 = vector.extract %slice3A_1790[0] : i32 from vector<1xi32>
      %jit3A_1792 = arith.constant 128 : i32
      %div3A_1793 = arith.divsi %squeeze3A_1789, %jit3A_1792 : i32
      %sign3A_1794 = arith.constant 0 : i32
      %sign3A_1795 = arith.cmpi sgt, %squeeze3A_1789, %sign3A_1794 : i32
      %sign3A_1796 = arith.extui %sign3A_1795 : i1 to i32
      %sign3A_1797 = arith.constant 0 : i32
      %sign3A_1798 = arith.cmpi slt, %squeeze3A_1789, %sign3A_1797 : i32
      %sign3A_1799 = arith.extui %sign3A_1798 : i1 to i32
      %sign3A_1800 = arith.subi %sign3A_1796, %sign3A_1799 : i32
      %sign3A_1801 = arith.constant 0 : i32
      %sign3A_1802 = arith.cmpi sgt, %jit3A_1792, %sign3A_1801 : i32
      %sign3A_1803 = arith.extui %sign3A_1802 : i1 to i32
      %sign3A_1804 = arith.constant 0 : i32
      %sign3A_1805 = arith.cmpi slt, %jit3A_1792, %sign3A_1804 : i32
      %sign3A_1806 = arith.extui %sign3A_1805 : i1 to i32
      %sign3A_1807 = arith.subi %sign3A_1803, %sign3A_1806 : i32
      %ne3A_1808 = arith.cmpi ne, %sign3A_1800, %sign3A_1807 : i32
      %rem3A_1809 = arith.remsi %squeeze3A_1789, %jit3A_1792 : i32
      %ne3A_1810 = arith.constant 0 : i32
      %ne3A_1811 = arith.cmpi ne, %rem3A_1809, %ne3A_1810 : i32
      %and3A_1812 = arith.andi %ne3A_1808, %ne3A_1811 : i1
      %sub3A_1813 = arith.constant 1 : i32
      %sub3A_1814 = arith.subi %div3A_1793, %sub3A_1813 : i32
      %select_n3A_1815 = arith.select %and3A_1812, %sub3A_1814, %div3A_1793 : i32
      %mul3A_1816 = arith.constant 128 : i32
      %mul3A_1817 = arith.muli %select_n3A_1815, %mul3A_1816 : i32
      %multiple_of3A_1818 = tpu.assume_multiple %mul3A_1817, 128 : i32
      %jit3A_1819 = arith.constant 128 : i32
      %div3A_1820 = arith.divsi %squeeze3A_1791, %jit3A_1819 : i32
      %sign3A_1821 = arith.constant 0 : i32
      %sign3A_1822 = arith.cmpi sgt, %squeeze3A_1791, %sign3A_1821 : i32
      %sign3A_1823 = arith.extui %sign3A_1822 : i1 to i32
      %sign3A_1824 = arith.constant 0 : i32
      %sign3A_1825 = arith.cmpi slt, %squeeze3A_1791, %sign3A_1824 : i32
      %sign3A_1826 = arith.extui %sign3A_1825 : i1 to i32
      %sign3A_1827 = arith.subi %sign3A_1823, %sign3A_1826 : i32
      %sign3A_1828 = arith.constant 0 : i32
      %sign3A_1829 = arith.cmpi sgt, %jit3A_1819, %sign3A_1828 : i32
      %sign3A_1830 = arith.extui %sign3A_1829 : i1 to i32
      %sign3A_1831 = arith.constant 0 : i32
      %sign3A_1832 = arith.cmpi slt, %jit3A_1819, %sign3A_1831 : i32
      %sign3A_1833 = arith.extui %sign3A_1832 : i1 to i32
      %sign3A_1834 = arith.subi %sign3A_1830, %sign3A_1833 : i32
      %ne3A_1835 = arith.cmpi ne, %sign3A_1827, %sign3A_1834 : i32
      %rem3A_1836 = arith.remsi %squeeze3A_1791, %jit3A_1819 : i32
      %ne3A_1837 = arith.constant 0 : i32
      %ne3A_1838 = arith.cmpi ne, %rem3A_1836, %ne3A_1837 : i32
      %and3A_1839 = arith.andi %ne3A_1835, %ne3A_1838 : i1
      %sub3A_1840 = arith.constant 1 : i32
      %sub3A_1841 = arith.subi %div3A_1820, %sub3A_1840 : i32
      %select_n3A_1842 = arith.select %and3A_1839, %sub3A_1841, %div3A_1820 : i32
      %mul3A_1843 = arith.constant 128 : i32
      %mul3A_1844 = arith.muli %select_n3A_1842, %mul3A_1843 : i32
      %multiple_of3A_1845 = tpu.assume_multiple %mul3A_1844, 128 : i32
      %dma_start3A_1846 = arith.constant 2 : i32
      %dma_start3A_1847 = arith.constant 0 : i32
      %dma_start3A_1848 = arith.constant 0 : i32
      %dma_start3A_1849 = arith.constant 0 : i32
      %dma_start3A_1850 = arith.constant 0 : i32
      %dma_start3A_1851 = arith.constant 0 : i32
      %dma_start3A_1852 = tpu.memref_slice %arg9[%dma_start3A_1846, %dma_start3A_1847, %dma_start3A_1848, %dma_start3A_1849, %dma_start3A_1850, %dma_start3A_1851] : memref<8x1x2x4x8x128xf32, #tpu.memory_space<vmem>> -> memref<1x1x1x4x8x128xf32, #tpu.memory_space<vmem>>
      %dma_start3A_1853 = tpu.memref_squeeze %dma_start3A_1852 : memref<1x1x1x4x8x128xf32, #tpu.memory_space<vmem>> -> memref<4x8x128xf32, #tpu.memory_space<vmem>>
      %dma_start3A_1854 = tpu.memref_reshape %arg4 : memref<32x1000000xf32, #tpu.memory_space<hbm>> -> memref<4x8x1000000xf32, #tpu.memory_space<hbm>>
      %dma_start3A_1855 = arith.constant 0 : i32
      %dma_start3A_1856 = arith.constant 0 : i32
      %dma_start3A_1857 = tpu.memref_slice %dma_start3A_1854[%dma_start3A_1855, %dma_start3A_1856, %multiple_of3A_1818] : memref<4x8x1000000xf32, #tpu.memory_space<hbm>> -> memref<4x8x128xf32, #tpu.memory_space<hbm>>
      %dma_start3A_1858 = arith.constant 0 : i32
      %dma_start3A_1859 = arith.constant 0 : i32
      %dma_start3A_1860 = arith.constant 0 : i32
      %dma_start3A_1861 = tpu.memref_slice %arg9[%dma_start3A_1846, %dma_start3A_1847, %dma_start3A_1848, %dma_start3A_1858, %dma_start3A_1859, %dma_start3A_1860] : memref<8x1x2x4x8x128xf32, #tpu.memory_space<vmem>> -> memref<1x1x1x4x8x128xf32, #tpu.memory_space<vmem>>
      %dma_start3A_1862 = tpu.memref_squeeze %dma_start3A_1861 : memref<1x1x1x4x8x128xf32, #tpu.memory_space<vmem>> -> memref<4x8x128xf32, #tpu.memory_space<vmem>>
      %dma_start3A_1863 = tpu.memref_reshape %arg4 : memref<32x1000000xf32, #tpu.memory_space<hbm>> -> memref<4x8x1000000xf32, #tpu.memory_space<hbm>>
      %dma_start3A_1864 = arith.constant 0 : i32
      %dma_start3A_1865 = arith.constant 0 : i32
      %dma_start3A_1866 = tpu.memref_slice %dma_start3A_1863[%dma_start3A_1864, %dma_start3A_1865, %multiple_of3A_1818] : memref<4x8x1000000xf32, #tpu.memory_space<hbm>> -> memref<4x8x128xf32, #tpu.memory_space<hbm>>
      tpu.enqueue_dma source(%dma_start3A_1866 : memref<4x8x128xf32, #tpu.memory_space<hbm>>) target(%dma_start3A_1862 : memref<4x8x128xf32, #tpu.memory_space<vmem>>) target_semaphore(%arg13 : memref<!tpu.dma_semaphore, #tpu.memory_space<semaphore_mem>>)
      %dma_start3A_1867 = arith.constant 2 : i32
      %dma_start3A_1868 = arith.constant 0 : i32
      %dma_start3A_1869 = arith.constant 1 : i32
      %dma_start3A_1870 = arith.constant 0 : i32
      %dma_start3A_1871 = arith.constant 0 : i32
      %dma_start3A_1872 = arith.constant 0 : i32
      %dma_start3A_1873 = tpu.memref_slice %arg9[%dma_start3A_1867, %dma_start3A_1868, %dma_start3A_1869, %dma_start3A_1870, %dma_start3A_1871, %dma_start3A_1872] : memref<8x1x2x4x8x128xf32, #tpu.memory_space<vmem>> -> memref<1x1x1x4x8x128xf32, #tpu.memory_space<vmem>>
      %dma_start3A_1874 = tpu.memref_squeeze %dma_start3A_1873 : memref<1x1x1x4x8x128xf32, #tpu.memory_space<vmem>> -> memref<4x8x128xf32, #tpu.memory_space<vmem>>
      %dma_start3A_1875 = tpu.memref_reshape %arg5 : memref<32x1000000xf32, #tpu.memory_space<hbm>> -> memref<4x8x1000000xf32, #tpu.memory_space<hbm>>
      %dma_start3A_1876 = arith.constant 0 : i32
      %dma_start3A_1877 = arith.constant 0 : i32
      %dma_start3A_1878 = tpu.memref_slice %dma_start3A_1875[%dma_start3A_1876, %dma_start3A_1877, %multiple_of3A_1845] : memref<4x8x1000000xf32, #tpu.memory_space<hbm>> -> memref<4x8x128xf32, #tpu.memory_space<hbm>>
      %dma_start3A_1879 = arith.constant 0 : i32
      %dma_start3A_1880 = arith.constant 0 : i32
      %dma_start3A_1881 = arith.constant 0 : i32
      %dma_start3A_1882 = tpu.memref_slice %arg9[%dma_start3A_1867, %dma_start3A_1868, %dma_start3A_1869, %dma_start3A_1879, %dma_start3A_1880, %dma_start3A_1881] : memref<8x1x2x4x8x128xf32, #tpu.memory_space<vmem>> -> memref<1x1x1x4x8x128xf32, #tpu.memory_space<vmem>>
      %dma_start3A_1883 = tpu.memref_squeeze %dma_start3A_1882 : memref<1x1x1x4x8x128xf32, #tpu.memory_space<vmem>> -> memref<4x8x128xf32, #tpu.memory_space<vmem>>
      %dma_start3A_1884 = tpu.memref_reshape %arg5 : memref<32x1000000xf32, #tpu.memory_space<hbm>> -> memref<4x8x1000000xf32, #tpu.memory_space<hbm>>
      %dma_start3A_1885 = arith.constant 0 : i32
      %dma_start3A_1886 = arith.constant 0 : i32
      %dma_start3A_1887 = tpu.memref_slice %dma_start3A_1884[%dma_start3A_1885, %dma_start3A_1886, %multiple_of3A_1845] : memref<4x8x1000000xf32, #tpu.memory_space<hbm>> -> memref<4x8x128xf32, #tpu.memory_space<hbm>>
      tpu.enqueue_dma source(%dma_start3A_1887 : memref<4x8x128xf32, #tpu.memory_space<hbm>>) target(%dma_start3A_1883 : memref<4x8x128xf32, #tpu.memory_space<vmem>>) target_semaphore(%arg13 : memref<!tpu.dma_semaphore, #tpu.memory_space<semaphore_mem>>)
      %dma_wait3A_1888 = arith.constant 0 : i32
      %dma_wait3A_1889 = arith.constant 0 : i32
      %dma_wait3A_1890 = arith.constant 0 : i32
      %dma_wait3A_1891 = arith.constant 0 : i32
      %dma_wait3A_1892 = arith.constant 0 : i32
      %dma_wait3A_1893 = arith.constant 0 : i32
      %dma_wait3A_1894 = tpu.memref_slice %arg9[%dma_wait3A_1888, %dma_wait3A_1889, %dma_wait3A_1890, %dma_wait3A_1891, %dma_wait3A_1892, %dma_wait3A_1893] : memref<8x1x2x4x8x128xf32, #tpu.memory_space<vmem>> -> memref<1x1x1x4x8x128xf32, #tpu.memory_space<vmem>>
      %dma_wait3A_1895 = tpu.memref_squeeze %dma_wait3A_1894 : memref<1x1x1x4x8x128xf32, #tpu.memory_space<vmem>> -> memref<4x8x128xf32, #tpu.memory_space<vmem>>
      %dma_wait3A_1896 = tpu.memref_reshape %arg4 : memref<32x1000000xf32, #tpu.memory_space<hbm>> -> memref<4x8x1000000xf32, #tpu.memory_space<hbm>>
      %dma_wait3A_1897 = arith.constant 0 : i32
      %dma_wait3A_1898 = arith.constant 0 : i32
      %dma_wait3A_1899 = arith.constant 0 : i32
      %dma_wait3A_1900 = tpu.memref_slice %dma_wait3A_1896[%dma_wait3A_1897, %dma_wait3A_1898, %dma_wait3A_1899] : memref<4x8x1000000xf32, #tpu.memory_space<hbm>> -> memref<4x8x128xf32, #tpu.memory_space<hbm>>
      %dma_wait3A_1901 = arith.constant 0 : i32
      %dma_wait3A_1902 = arith.constant 0 : i32
      %dma_wait3A_1903 = arith.constant 0 : i32
      %dma_wait3A_1904 = tpu.memref_slice %arg9[%dma_wait3A_1888, %dma_wait3A_1889, %dma_wait3A_1890, %dma_wait3A_1901, %dma_wait3A_1902, %dma_wait3A_1903] : memref<8x1x2x4x8x128xf32, #tpu.memory_space<vmem>> -> memref<1x1x1x4x8x128xf32, #tpu.memory_space<vmem>>
      %dma_wait3A_1905 = tpu.memref_squeeze %dma_wait3A_1904 : memref<1x1x1x4x8x128xf32, #tpu.memory_space<vmem>> -> memref<4x8x128xf32, #tpu.memory_space<vmem>>
      %dma_wait3A_1906 = tpu.memref_reshape %arg4 : memref<32x1000000xf32, #tpu.memory_space<hbm>> -> memref<4x8x1000000xf32, #tpu.memory_space<hbm>>
      %dma_wait3A_1907 = arith.constant 0 : i32
      %dma_wait3A_1908 = arith.constant 0 : i32
      %dma_wait3A_1909 = arith.constant 0 : i32
      %dma_wait3A_1910 = tpu.memref_slice %dma_wait3A_1906[%dma_wait3A_1907, %dma_wait3A_1908, %dma_wait3A_1909] : memref<4x8x1000000xf32, #tpu.memory_space<hbm>> -> memref<4x8x128xf32, #tpu.memory_space<hbm>>
      tpu.wait_dma2 semaphore(%arg15 : memref<!tpu.dma_semaphore, #tpu.memory_space<semaphore_mem>>) src(%dma_wait3A_1910 : memref<4x8x128xf32, #tpu.memory_space<hbm>>) dst(%dma_wait3A_1905 : memref<4x8x128xf32, #tpu.memory_space<vmem>>)
      %dma_wait3A_1911 = arith.constant 0 : i32
      %dma_wait3A_1912 = arith.constant 0 : i32
      %dma_wait3A_1913 = arith.constant 0 : i32
      %dma_wait3A_1914 = arith.constant 0 : i32
      %dma_wait3A_1915 = arith.constant 0 : i32
      %dma_wait3A_1916 = arith.constant 0 : i32
      %dma_wait3A_1917 = tpu.memref_slice %arg9[%dma_wait3A_1911, %dma_wait3A_1912, %dma_wait3A_1913, %dma_wait3A_1914, %dma_wait3A_1915, %dma_wait3A_1916] : memref<8x1x2x4x8x128xf32, #tpu.memory_space<vmem>> -> memref<1x1x1x4x8x128xf32, #tpu.memory_space<vmem>>
      %dma_wait3A_1918 = tpu.memref_squeeze %dma_wait3A_1917 : memref<1x1x1x4x8x128xf32, #tpu.memory_space<vmem>> -> memref<4x8x128xf32, #tpu.memory_space<vmem>>
      %dma_wait3A_1919 = tpu.memref_reshape %arg4 : memref<32x1000000xf32, #tpu.memory_space<hbm>> -> memref<4x8x1000000xf32, #tpu.memory_space<hbm>>
      %dma_wait3A_1920 = arith.constant 0 : i32
      %dma_wait3A_1921 = arith.constant 0 : i32
      %dma_wait3A_1922 = arith.constant 0 : i32
      %dma_wait3A_1923 = tpu.memref_slice %dma_wait3A_1919[%dma_wait3A_1920, %dma_wait3A_1921, %dma_wait3A_1922] : memref<4x8x1000000xf32, #tpu.memory_space<hbm>> -> memref<4x8x128xf32, #tpu.memory_space<hbm>>
      %dma_wait3A_1924 = arith.constant 0 : i32
      %dma_wait3A_1925 = arith.constant 0 : i32
      %dma_wait3A_1926 = arith.constant 0 : i32
      %dma_wait3A_1927 = tpu.memref_slice %arg9[%dma_wait3A_1911, %dma_wait3A_1912, %dma_wait3A_1913, %dma_wait3A_1924, %dma_wait3A_1925, %dma_wait3A_1926] : memref<8x1x2x4x8x128xf32, #tpu.memory_space<vmem>> -> memref<1x1x1x4x8x128xf32, #tpu.memory_space<vmem>>
      %dma_wait3A_1928 = tpu.memref_squeeze %dma_wait3A_1927 : memref<1x1x1x4x8x128xf32, #tpu.memory_space<vmem>> -> memref<4x8x128xf32, #tpu.memory_space<vmem>>
      %dma_wait3A_1929 = tpu.memref_reshape %arg4 : memref<32x1000000xf32, #tpu.memory_space<hbm>> -> memref<4x8x1000000xf32, #tpu.memory_space<hbm>>
      %dma_wait3A_1930 = arith.constant 0 : i32
      %dma_wait3A_1931 = arith.constant 0 : i32
      %dma_wait3A_1932 = arith.constant 0 : i32
      %dma_wait3A_1933 = tpu.memref_slice %dma_wait3A_1929[%dma_wait3A_1930, %dma_wait3A_1931, %dma_wait3A_1932] : memref<4x8x1000000xf32, #tpu.memory_space<hbm>> -> memref<4x8x128xf32, #tpu.memory_space<hbm>>
      tpu.wait_dma2 semaphore(%arg15 : memref<!tpu.dma_semaphore, #tpu.memory_space<semaphore_mem>>) src(%dma_wait3A_1933 : memref<4x8x128xf32, #tpu.memory_space<hbm>>) dst(%dma_wait3A_1928 : memref<4x8x128xf32, #tpu.memory_space<vmem>>)
      %slice3A_1934 = vector.extract_strided_slice %get3A_942 {offsets = [4], sizes = [1], strides = [1]} : vector<16xi32> to vector<1xi32>
      %squeeze3A_1935 = vector.extract %slice3A_1934[0] : i32 from vector<1xi32>
      %jit3A_1936 = arith.constant 128 : i32
      %eq3A_1937 = arith.constant 0 : i32
      %eq3A_1938 = arith.cmpi eq, %jit3A_1936, %eq3A_1937 : i32
      %jit3A_1939 = arith.constant 1 : i32
      %select_n3A_1940 = arith.select %eq3A_1938, %jit3A_1939, %jit3A_1936 : i32
      %rem3A_1941 = arith.remsi %squeeze3A_1935, %select_n3A_1940 : i32
      %ne3A_1942 = arith.constant 0 : i32
      %ne3A_1943 = arith.cmpi ne, %rem3A_1941, %ne3A_1942 : i32
      %lt3A_1944 = arith.constant 0 : i32
      %lt3A_1945 = arith.cmpi slt, %rem3A_1941, %lt3A_1944 : i32
      %lt3A_1946 = arith.constant 0 : i32
      %lt3A_1947 = arith.cmpi slt, %select_n3A_1940, %lt3A_1946 : i32
      %ne3A_1948 = arith.xori %lt3A_1945, %lt3A_1947 : i1
      %and3A_1949 = arith.andi %ne3A_1948, %ne3A_1943 : i1
      %add3A_1950 = arith.addi %rem3A_1941, %select_n3A_1940 : i32
      %select_n3A_1951 = arith.select %and3A_1949, %add3A_1950, %rem3A_1941 : i32
      %broadcast_in_dim3A_1952 = vector.broadcast %select_n3A_1951 : i32 to vector<16xi32>
      %slice3A_1953 = vector.extract_strided_slice %get3A_944 {offsets = [4], sizes = [1], strides = [1]} : vector<16xi32> to vector<1xi32>
      %squeeze3A_1954 = vector.extract %slice3A_1953[0] : i32 from vector<1xi32>
      %jit3A_1955 = arith.constant 128 : i32
      %eq3A_1956 = arith.constant 0 : i32
      %eq3A_1957 = arith.cmpi eq, %jit3A_1955, %eq3A_1956 : i32
      %jit3A_1958 = arith.constant 1 : i32
      %select_n3A_1959 = arith.select %eq3A_1957, %jit3A_1958, %jit3A_1955 : i32
      %rem3A_1960 = arith.remsi %squeeze3A_1954, %select_n3A_1959 : i32
      %ne3A_1961 = arith.constant 0 : i32
      %ne3A_1962 = arith.cmpi ne, %rem3A_1960, %ne3A_1961 : i32
      %lt3A_1963 = arith.constant 0 : i32
      %lt3A_1964 = arith.cmpi slt, %rem3A_1960, %lt3A_1963 : i32
      %lt3A_1965 = arith.constant 0 : i32
      %lt3A_1966 = arith.cmpi slt, %select_n3A_1959, %lt3A_1965 : i32
      %ne3A_1967 = arith.xori %lt3A_1964, %lt3A_1966 : i1
      %and3A_1968 = arith.andi %ne3A_1967, %ne3A_1962 : i1
      %add3A_1969 = arith.addi %rem3A_1960, %select_n3A_1959 : i32
      %select_n3A_1970 = arith.select %and3A_1968, %add3A_1969, %rem3A_1960 : i32
      %broadcast_in_dim3A_1971 = vector.broadcast %select_n3A_1970 : i32 to vector<16xi32>
      %broadcast_in_dim3A_1972 = arith.constant 4 : i32
      %broadcast_in_dim3A_1973 = vector.broadcast %broadcast_in_dim3A_1972 : i32 to vector<16xi32>
      %broadcast_in_dim3A_1974 = arith.constant 0 : i32
      %broadcast_in_dim3A_1975 = vector.broadcast %broadcast_in_dim3A_1974 : i32 to vector<16xi32>
      %broadcast_in_dim3A_1976 = arith.constant 0 : i32
      %broadcast_in_dim3A_1977 = vector.broadcast %broadcast_in_dim3A_1976 : i32 to vector<16xi32>
      %broadcast_in_dim3A_1978 = arith.constant 1 : i32
      %broadcast_in_dim3A_1979 = vector.broadcast %broadcast_in_dim3A_1978 : i32 to vector<16xi32>
      %gather3A_1980 = tpu.vector_load_idx %arg9[%broadcast_in_dim3A_1973, %broadcast_in_dim3A_1975, %broadcast_in_dim3A_1977, %select_n3A, %select_n3A_54, %broadcast_in_dim3A_1952] : memref<8x1x2x4x8x128xf32, #tpu.memory_space<vmem>>[vector<16xi32>, vector<16xi32>, vector<16xi32>, vector<16xi32>, vector<16xi32>, vector<16xi32>], vector<16xf32>,
      %gather3A_1981 = tpu.vector_load_idx %arg9[%broadcast_in_dim3A_1973, %broadcast_in_dim3A_1975, %broadcast_in_dim3A_1977, %add3A_34, %select_n3A_54, %broadcast_in_dim3A_1952] : memref<8x1x2x4x8x128xf32, #tpu.memory_space<vmem>>[vector<16xi32>, vector<16xi32>, vector<16xi32>, vector<16xi32>, vector<16xi32>, vector<16xi32>], vector<16xf32>,
      %gather3A_1982 = tpu.vector_load_idx %arg9[%broadcast_in_dim3A_1973, %broadcast_in_dim3A_1975, %broadcast_in_dim3A_1979, %select_n3A, %select_n3A_54, %broadcast_in_dim3A_1971] : memref<8x1x2x4x8x128xf32, #tpu.memory_space<vmem>>[vector<16xi32>, vector<16xi32>, vector<16xi32>, vector<16xi32>, vector<16xi32>, vector<16xi32>], vector<16xf32>,
      %gather3A_1983 = tpu.vector_load_idx %arg9[%broadcast_in_dim3A_1973, %broadcast_in_dim3A_1975, %broadcast_in_dim3A_1979, %add3A_34, %select_n3A_54, %broadcast_in_dim3A_1971] : memref<8x1x2x4x8x128xf32, #tpu.memory_space<vmem>>[vector<16xi32>, vector<16xi32>, vector<16xi32>, vector<16xi32>, vector<16xi32>, vector<16xi32>], vector<16xf32>,
      %mul3A_1984 = arith.mulf %gather3A_1980, %gather3A_1982 : vector<16xf32>
      %mul3A_1985 = arith.mulf %gather3A_1981, %gather3A_1983 : vector<16xf32>
      %add3A_1986 = arith.addf %mul3A_1984, %mul3A_1985 : vector<16xf32>
      %cumsum3A_1987 = arith.constant true
      %cumsum3A_1988 = vector.broadcast %cumsum3A_1987 : i1 to vector<16xi1>
      %cumsum3A_1989 = tpu.scan <sum>, %add3A_1986 masked %cumsum3A_1988 : vector<16xf32>, vector<16xi1> -> vector<16xf32>
      %mul3A_1990 = arith.constant 16 : i32
      %mul3A_1991 = arith.muli %scan3A_937, %mul3A_1990 : i32
      %add3A_1992 = arith.constant 4 : i32
      %add3A_1993 = arith.addi %mul3A_1991, %add3A_1992 : i32
      %add3A_1994 = arith.constant 0 : i32
      %add3A_1995 = arith.addi %add3A_1993, %add3A_1994 : i32
      %broadcast_in_dim3A_1996 = vector.broadcast %add3A_1995 : i32 to vector<16xi32>
      tpu.vector_store_idx %arg10[%broadcast_in_dim3A_1996], %cumsum3A_1989 masked %eq3A_57 : memref<512xf32, #tpu.memory_space<vmem>>[vector<16xi32>], vector<16xf32>, vector<16xi1>
      %slice3A_1997 = vector.extract_strided_slice %get3A_942 {offsets = [11], sizes = [1], strides = [1]} : vector<16xi32> to vector<1xi32>
      %squeeze3A_1998 = vector.extract %slice3A_1997[0] : i32 from vector<1xi32>
      %slice3A_1999 = vector.extract_strided_slice %get3A_944 {offsets = [11], sizes = [1], strides = [1]} : vector<16xi32> to vector<1xi32>
      %squeeze3A_2000 = vector.extract %slice3A_1999[0] : i32 from vector<1xi32>
      %jit3A_2001 = arith.constant 128 : i32
      %div3A_2002 = arith.divsi %squeeze3A_1998, %jit3A_2001 : i32
      %sign3A_2003 = arith.constant 0 : i32
      %sign3A_2004 = arith.cmpi sgt, %squeeze3A_1998, %sign3A_2003 : i32
      %sign3A_2005 = arith.extui %sign3A_2004 : i1 to i32
      %sign3A_2006 = arith.constant 0 : i32
      %sign3A_2007 = arith.cmpi slt, %squeeze3A_1998, %sign3A_2006 : i32
      %sign3A_2008 = arith.extui %sign3A_2007 : i1 to i32
      %sign3A_2009 = arith.subi %sign3A_2005, %sign3A_2008 : i32
      %sign3A_2010 = arith.constant 0 : i32
      %sign3A_2011 = arith.cmpi sgt, %jit3A_2001, %sign3A_2010 : i32
      %sign3A_2012 = arith.extui %sign3A_2011 : i1 to i32
      %sign3A_2013 = arith.constant 0 : i32
      %sign3A_2014 = arith.cmpi slt, %jit3A_2001, %sign3A_2013 : i32
      %sign3A_2015 = arith.extui %sign3A_2014 : i1 to i32
      %sign3A_2016 = arith.subi %sign3A_2012, %sign3A_2015 : i32
      %ne3A_2017 = arith.cmpi ne, %sign3A_2009, %sign3A_2016 : i32
      %rem3A_2018 = arith.remsi %squeeze3A_1998, %jit3A_2001 : i32
      %ne3A_2019 = arith.constant 0 : i32
      %ne3A_2020 = arith.cmpi ne, %rem3A_2018, %ne3A_2019 : i32
      %and3A_2021 = arith.andi %ne3A_2017, %ne3A_2020 : i1
      %sub3A_2022 = arith.constant 1 : i32
      %sub3A_2023 = arith.subi %div3A_2002, %sub3A_2022 : i32
      %select_n3A_2024 = arith.select %and3A_2021, %sub3A_2023, %div3A_2002 : i32
      %mul3A_2025 = arith.constant 128 : i32
      %mul3A_2026 = arith.muli %select_n3A_2024, %mul3A_2025 : i32
      %multiple_of3A_2027 = tpu.assume_multiple %mul3A_2026, 128 : i32
      %jit3A_2028 = arith.constant 128 : i32
      %div3A_2029 = arith.divsi %squeeze3A_2000, %jit3A_2028 : i32
      %sign3A_2030 = arith.constant 0 : i32
      %sign3A_2031 = arith.cmpi sgt, %squeeze3A_2000, %sign3A_2030 : i32
      %sign3A_2032 = arith.extui %sign3A_2031 : i1 to i32
      %sign3A_2033 = arith.constant 0 : i32
      %sign3A_2034 = arith.cmpi slt, %squeeze3A_2000, %sign3A_2033 : i32
      %sign3A_2035 = arith.extui %sign3A_2034 : i1 to i32
      %sign3A_2036 = arith.subi %sign3A_2032, %sign3A_2035 : i32
      %sign3A_2037 = arith.constant 0 : i32
      %sign3A_2038 = arith.cmpi sgt, %jit3A_2028, %sign3A_2037 : i32
      %sign3A_2039 = arith.extui %sign3A_2038 : i1 to i32
      %sign3A_2040 = arith.constant 0 : i32
      %sign3A_2041 = arith.cmpi slt, %jit3A_2028, %sign3A_2040 : i32
      %sign3A_2042 = arith.extui %sign3A_2041 : i1 to i32
      %sign3A_2043 = arith.subi %sign3A_2039, %sign3A_2042 : i32
      %ne3A_2044 = arith.cmpi ne, %sign3A_2036, %sign3A_2043 : i32
      %rem3A_2045 = arith.remsi %squeeze3A_2000, %jit3A_2028 : i32
      %ne3A_2046 = arith.constant 0 : i32
      %ne3A_2047 = arith.cmpi ne, %rem3A_2045, %ne3A_2046 : i32
      %and3A_2048 = arith.andi %ne3A_2044, %ne3A_2047 : i1
      %sub3A_2049 = arith.constant 1 : i32
      %sub3A_2050 = arith.subi %div3A_2029, %sub3A_2049 : i32
      %select_n3A_2051 = arith.select %and3A_2048, %sub3A_2050, %div3A_2029 : i32
      %mul3A_2052 = arith.constant 128 : i32
      %mul3A_2053 = arith.muli %select_n3A_2051, %mul3A_2052 : i32
      %multiple_of3A_2054 = tpu.assume_multiple %mul3A_2053, 128 : i32
      %dma_start3A_2055 = arith.constant 3 : i32
      %dma_start3A_2056 = arith.constant 0 : i32
      %dma_start3A_2057 = arith.constant 0 : i32
      %dma_start3A_2058 = arith.constant 0 : i32
      %dma_start3A_2059 = arith.constant 0 : i32
      %dma_start3A_2060 = arith.constant 0 : i32
      %dma_start3A_2061 = tpu.memref_slice %arg9[%dma_start3A_2055, %dma_start3A_2056, %dma_start3A_2057, %dma_start3A_2058, %dma_start3A_2059, %dma_start3A_2060] : memref<8x1x2x4x8x128xf32, #tpu.memory_space<vmem>> -> memref<1x1x1x4x8x128xf32, #tpu.memory_space<vmem>>
      %dma_start3A_2062 = tpu.memref_squeeze %dma_start3A_2061 : memref<1x1x1x4x8x128xf32, #tpu.memory_space<vmem>> -> memref<4x8x128xf32, #tpu.memory_space<vmem>>
      %dma_start3A_2063 = tpu.memref_reshape %arg4 : memref<32x1000000xf32, #tpu.memory_space<hbm>> -> memref<4x8x1000000xf32, #tpu.memory_space<hbm>>
      %dma_start3A_2064 = arith.constant 0 : i32
      %dma_start3A_2065 = arith.constant 0 : i32
      %dma_start3A_2066 = tpu.memref_slice %dma_start3A_2063[%dma_start3A_2064, %dma_start3A_2065, %multiple_of3A_2027] : memref<4x8x1000000xf32, #tpu.memory_space<hbm>> -> memref<4x8x128xf32, #tpu.memory_space<hbm>>
      %dma_start3A_2067 = arith.constant 0 : i32
      %dma_start3A_2068 = arith.constant 0 : i32
      %dma_start3A_2069 = arith.constant 0 : i32
      %dma_start3A_2070 = tpu.memref_slice %arg9[%dma_start3A_2055, %dma_start3A_2056, %dma_start3A_2057, %dma_start3A_2067, %dma_start3A_2068, %dma_start3A_2069] : memref<8x1x2x4x8x128xf32, #tpu.memory_space<vmem>> -> memref<1x1x1x4x8x128xf32, #tpu.memory_space<vmem>>
      %dma_start3A_2071 = tpu.memref_squeeze %dma_start3A_2070 : memref<1x1x1x4x8x128xf32, #tpu.memory_space<vmem>> -> memref<4x8x128xf32, #tpu.memory_space<vmem>>
      %dma_start3A_2072 = tpu.memref_reshape %arg4 : memref<32x1000000xf32, #tpu.memory_space<hbm>> -> memref<4x8x1000000xf32, #tpu.memory_space<hbm>>
      %dma_start3A_2073 = arith.constant 0 : i32
      %dma_start3A_2074 = arith.constant 0 : i32
      %dma_start3A_2075 = tpu.memref_slice %dma_start3A_2072[%dma_start3A_2073, %dma_start3A_2074, %multiple_of3A_2027] : memref<4x8x1000000xf32, #tpu.memory_space<hbm>> -> memref<4x8x128xf32, #tpu.memory_space<hbm>>
      tpu.enqueue_dma source(%dma_start3A_2075 : memref<4x8x128xf32, #tpu.memory_space<hbm>>) target(%dma_start3A_2071 : memref<4x8x128xf32, #tpu.memory_space<vmem>>) target_semaphore(%arg14 : memref<!tpu.dma_semaphore, #tpu.memory_space<semaphore_mem>>)
      %dma_start3A_2076 = arith.constant 3 : i32
      %dma_start3A_2077 = arith.constant 0 : i32
      %dma_start3A_2078 = arith.constant 1 : i32
      %dma_start3A_2079 = arith.constant 0 : i32
      %dma_start3A_2080 = arith.constant 0 : i32
      %dma_start3A_2081 = arith.constant 0 : i32
      %dma_start3A_2082 = tpu.memref_slice %arg9[%dma_start3A_2076, %dma_start3A_2077, %dma_start3A_2078, %dma_start3A_2079, %dma_start3A_2080, %dma_start3A_2081] : memref<8x1x2x4x8x128xf32, #tpu.memory_space<vmem>> -> memref<1x1x1x4x8x128xf32, #tpu.memory_space<vmem>>
      %dma_start3A_2083 = tpu.memref_squeeze %dma_start3A_2082 : memref<1x1x1x4x8x128xf32, #tpu.memory_space<vmem>> -> memref<4x8x128xf32, #tpu.memory_space<vmem>>
      %dma_start3A_2084 = tpu.memref_reshape %arg5 : memref<32x1000000xf32, #tpu.memory_space<hbm>> -> memref<4x8x1000000xf32, #tpu.memory_space<hbm>>
      %dma_start3A_2085 = arith.constant 0 : i32
      %dma_start3A_2086 = arith.constant 0 : i32
      %dma_start3A_2087 = tpu.memref_slice %dma_start3A_2084[%dma_start3A_2085, %dma_start3A_2086, %multiple_of3A_2054] : memref<4x8x1000000xf32, #tpu.memory_space<hbm>> -> memref<4x8x128xf32, #tpu.memory_space<hbm>>
      %dma_start3A_2088 = arith.constant 0 : i32
      %dma_start3A_2089 = arith.constant 0 : i32
      %dma_start3A_2090 = arith.constant 0 : i32
      %dma_start3A_2091 = tpu.memref_slice %arg9[%dma_start3A_2076, %dma_start3A_2077, %dma_start3A_2078, %dma_start3A_2088, %dma_start3A_2089, %dma_start3A_2090] : memref<8x1x2x4x8x128xf32, #tpu.memory_space<vmem>> -> memref<1x1x1x4x8x128xf32, #tpu.memory_space<vmem>>
      %dma_start3A_2092 = tpu.memref_squeeze %dma_start3A_2091 : memref<1x1x1x4x8x128xf32, #tpu.memory_space<vmem>> -> memref<4x8x128xf32, #tpu.memory_space<vmem>>
      %dma_start3A_2093 = tpu.memref_reshape %arg5 : memref<32x1000000xf32, #tpu.memory_space<hbm>> -> memref<4x8x1000000xf32, #tpu.memory_space<hbm>>
      %dma_start3A_2094 = arith.constant 0 : i32
      %dma_start3A_2095 = arith.constant 0 : i32
      %dma_start3A_2096 = tpu.memref_slice %dma_start3A_2093[%dma_start3A_2094, %dma_start3A_2095, %multiple_of3A_2054] : memref<4x8x1000000xf32, #tpu.memory_space<hbm>> -> memref<4x8x128xf32, #tpu.memory_space<hbm>>
      tpu.enqueue_dma source(%dma_start3A_2096 : memref<4x8x128xf32, #tpu.memory_space<hbm>>) target(%dma_start3A_2092 : memref<4x8x128xf32, #tpu.memory_space<vmem>>) target_semaphore(%arg14 : memref<!tpu.dma_semaphore, #tpu.memory_space<semaphore_mem>>)
      %dma_wait3A_2097 = arith.constant 0 : i32
      %dma_wait3A_2098 = arith.constant 0 : i32
      %dma_wait3A_2099 = arith.constant 0 : i32
      %dma_wait3A_2100 = arith.constant 0 : i32
      %dma_wait3A_2101 = arith.constant 0 : i32
      %dma_wait3A_2102 = arith.constant 0 : i32
      %dma_wait3A_2103 = tpu.memref_slice %arg9[%dma_wait3A_2097, %dma_wait3A_2098, %dma_wait3A_2099, %dma_wait3A_2100, %dma_wait3A_2101, %dma_wait3A_2102] : memref<8x1x2x4x8x128xf32, #tpu.memory_space<vmem>> -> memref<1x1x1x4x8x128xf32, #tpu.memory_space<vmem>>
      %dma_wait3A_2104 = tpu.memref_squeeze %dma_wait3A_2103 : memref<1x1x1x4x8x128xf32, #tpu.memory_space<vmem>> -> memref<4x8x128xf32, #tpu.memory_space<vmem>>
      %dma_wait3A_2105 = tpu.memref_reshape %arg4 : memref<32x1000000xf32, #tpu.memory_space<hbm>> -> memref<4x8x1000000xf32, #tpu.memory_space<hbm>>
      %dma_wait3A_2106 = arith.constant 0 : i32
      %dma_wait3A_2107 = arith.constant 0 : i32
      %dma_wait3A_2108 = arith.constant 0 : i32
      %dma_wait3A_2109 = tpu.memref_slice %dma_wait3A_2105[%dma_wait3A_2106, %dma_wait3A_2107, %dma_wait3A_2108] : memref<4x8x1000000xf32, #tpu.memory_space<hbm>> -> memref<4x8x128xf32, #tpu.memory_space<hbm>>
      %dma_wait3A_2110 = arith.constant 0 : i32
      %dma_wait3A_2111 = arith.constant 0 : i32
      %dma_wait3A_2112 = arith.constant 0 : i32
      %dma_wait3A_2113 = tpu.memref_slice %arg9[%dma_wait3A_2097, %dma_wait3A_2098, %dma_wait3A_2099, %dma_wait3A_2110, %dma_wait3A_2111, %dma_wait3A_2112] : memref<8x1x2x4x8x128xf32, #tpu.memory_space<vmem>> -> memref<1x1x1x4x8x128xf32, #tpu.memory_space<vmem>>
      %dma_wait3A_2114 = tpu.memref_squeeze %dma_wait3A_2113 : memref<1x1x1x4x8x128xf32, #tpu.memory_space<vmem>> -> memref<4x8x128xf32, #tpu.memory_space<vmem>>
      %dma_wait3A_2115 = tpu.memref_reshape %arg4 : memref<32x1000000xf32, #tpu.memory_space<hbm>> -> memref<4x8x1000000xf32, #tpu.memory_space<hbm>>
      %dma_wait3A_2116 = arith.constant 0 : i32
      %dma_wait3A_2117 = arith.constant 0 : i32
      %dma_wait3A_2118 = arith.constant 0 : i32
      %dma_wait3A_2119 = tpu.memref_slice %dma_wait3A_2115[%dma_wait3A_2116, %dma_wait3A_2117, %dma_wait3A_2118] : memref<4x8x1000000xf32, #tpu.memory_space<hbm>> -> memref<4x8x128xf32, #tpu.memory_space<hbm>>
      tpu.wait_dma2 semaphore(%arg16 : memref<!tpu.dma_semaphore, #tpu.memory_space<semaphore_mem>>) src(%dma_wait3A_2119 : memref<4x8x128xf32, #tpu.memory_space<hbm>>) dst(%dma_wait3A_2114 : memref<4x8x128xf32, #tpu.memory_space<vmem>>)
      %dma_wait3A_2120 = arith.constant 0 : i32
      %dma_wait3A_2121 = arith.constant 0 : i32
      %dma_wait3A_2122 = arith.constant 0 : i32
      %dma_wait3A_2123 = arith.constant 0 : i32
      %dma_wait3A_2124 = arith.constant 0 : i32
      %dma_wait3A_2125 = arith.constant 0 : i32
      %dma_wait3A_2126 = tpu.memref_slice %arg9[%dma_wait3A_2120, %dma_wait3A_2121, %dma_wait3A_2122, %dma_wait3A_2123, %dma_wait3A_2124, %dma_wait3A_2125] : memref<8x1x2x4x8x128xf32, #tpu.memory_space<vmem>> -> memref<1x1x1x4x8x128xf32, #tpu.memory_space<vmem>>
      %dma_wait3A_2127 = tpu.memref_squeeze %dma_wait3A_2126 : memref<1x1x1x4x8x128xf32, #tpu.memory_space<vmem>> -> memref<4x8x128xf32, #tpu.memory_space<vmem>>
      %dma_wait3A_2128 = tpu.memref_reshape %arg4 : memref<32x1000000xf32, #tpu.memory_space<hbm>> -> memref<4x8x1000000xf32, #tpu.memory_space<hbm>>
      %dma_wait3A_2129 = arith.constant 0 : i32
      %dma_wait3A_2130 = arith.constant 0 : i32
      %dma_wait3A_2131 = arith.constant 0 : i32
      %dma_wait3A_2132 = tpu.memref_slice %dma_wait3A_2128[%dma_wait3A_2129, %dma_wait3A_2130, %dma_wait3A_2131] : memref<4x8x1000000xf32, #tpu.memory_space<hbm>> -> memref<4x8x128xf32, #tpu.memory_space<hbm>>
      %dma_wait3A_2133 = arith.constant 0 : i32
      %dma_wait3A_2134 = arith.constant 0 : i32
      %dma_wait3A_2135 = arith.constant 0 : i32
      %dma_wait3A_2136 = tpu.memref_slice %arg9[%dma_wait3A_2120, %dma_wait3A_2121, %dma_wait3A_2122, %dma_wait3A_2133, %dma_wait3A_2134, %dma_wait3A_2135] : memref<8x1x2x4x8x128xf32, #tpu.memory_space<vmem>> -> memref<1x1x1x4x8x128xf32, #tpu.memory_space<vmem>>
      %dma_wait3A_2137 = tpu.memref_squeeze %dma_wait3A_2136 : memref<1x1x1x4x8x128xf32, #tpu.memory_space<vmem>> -> memref<4x8x128xf32, #tpu.memory_space<vmem>>
      %dma_wait3A_2138 = tpu.memref_reshape %arg4 : memref<32x1000000xf32, #tpu.memory_space<hbm>> -> memref<4x8x1000000xf32, #tpu.memory_space<hbm>>
      %dma_wait3A_2139 = arith.constant 0 : i32
      %dma_wait3A_2140 = arith.constant 0 : i32
      %dma_wait3A_2141 = arith.constant 0 : i32
      %dma_wait3A_2142 = tpu.memref_slice %dma_wait3A_2138[%dma_wait3A_2139, %dma_wait3A_2140, %dma_wait3A_2141] : memref<4x8x1000000xf32, #tpu.memory_space<hbm>> -> memref<4x8x128xf32, #tpu.memory_space<hbm>>
      tpu.wait_dma2 semaphore(%arg16 : memref<!tpu.dma_semaphore, #tpu.memory_space<semaphore_mem>>) src(%dma_wait3A_2142 : memref<4x8x128xf32, #tpu.memory_space<hbm>>) dst(%dma_wait3A_2137 : memref<4x8x128xf32, #tpu.memory_space<vmem>>)
      %slice3A_2143 = vector.extract_strided_slice %get3A_942 {offsets = [5], sizes = [1], strides = [1]} : vector<16xi32> to vector<1xi32>
      %squeeze3A_2144 = vector.extract %slice3A_2143[0] : i32 from vector<1xi32>
      %jit3A_2145 = arith.constant 128 : i32
      %eq3A_2146 = arith.constant 0 : i32
      %eq3A_2147 = arith.cmpi eq, %jit3A_2145, %eq3A_2146 : i32
      %jit3A_2148 = arith.constant 1 : i32
      %select_n3A_2149 = arith.select %eq3A_2147, %jit3A_2148, %jit3A_2145 : i32
      %rem3A_2150 = arith.remsi %squeeze3A_2144, %select_n3A_2149 : i32
      %ne3A_2151 = arith.constant 0 : i32
      %ne3A_2152 = arith.cmpi ne, %rem3A_2150, %ne3A_2151 : i32
      %lt3A_2153 = arith.constant 0 : i32
      %lt3A_2154 = arith.cmpi slt, %rem3A_2150, %lt3A_2153 : i32
      %lt3A_2155 = arith.constant 0 : i32
      %lt3A_2156 = arith.cmpi slt, %select_n3A_2149, %lt3A_2155 : i32
      %ne3A_2157 = arith.xori %lt3A_2154, %lt3A_2156 : i1
      %and3A_2158 = arith.andi %ne3A_2157, %ne3A_2152 : i1
      %add3A_2159 = arith.addi %rem3A_2150, %select_n3A_2149 : i32
      %select_n3A_2160 = arith.select %and3A_2158, %add3A_2159, %rem3A_2150 : i32
      %broadcast_in_dim3A_2161 = vector.broadcast %select_n3A_2160 : i32 to vector<16xi32>
      %slice3A_2162 = vector.extract_strided_slice %get3A_944 {offsets = [5], sizes = [1], strides = [1]} : vector<16xi32> to vector<1xi32>
      %squeeze3A_2163 = vector.extract %slice3A_2162[0] : i32 from vector<1xi32>
      %jit3A_2164 = arith.constant 128 : i32
      %eq3A_2165 = arith.constant 0 : i32
      %eq3A_2166 = arith.cmpi eq, %jit3A_2164, %eq3A_2165 : i32
      %jit3A_2167 = arith.constant 1 : i32
      %select_n3A_2168 = arith.select %eq3A_2166, %jit3A_2167, %jit3A_2164 : i32
      %rem3A_2169 = arith.remsi %squeeze3A_2163, %select_n3A_2168 : i32
      %ne3A_2170 = arith.constant 0 : i32
      %ne3A_2171 = arith.cmpi ne, %rem3A_2169, %ne3A_2170 : i32
      %lt3A_2172 = arith.constant 0 : i32
      %lt3A_2173 = arith.cmpi slt, %rem3A_2169, %lt3A_2172 : i32
      %lt3A_2174 = arith.constant 0 : i32
      %lt3A_2175 = arith.cmpi slt, %select_n3A_2168, %lt3A_2174 : i32
      %ne3A_2176 = arith.xori %lt3A_2173, %lt3A_2175 : i1
      %and3A_2177 = arith.andi %ne3A_2176, %ne3A_2171 : i1
      %add3A_2178 = arith.addi %rem3A_2169, %select_n3A_2168 : i32
      %select_n3A_2179 = arith.select %and3A_2177, %add3A_2178, %rem3A_2169 : i32
      %broadcast_in_dim3A_2180 = vector.broadcast %select_n3A_2179 : i32 to vector<16xi32>
      %broadcast_in_dim3A_2181 = arith.constant 5 : i32
      %broadcast_in_dim3A_2182 = vector.broadcast %broadcast_in_dim3A_2181 : i32 to vector<16xi32>
      %broadcast_in_dim3A_2183 = arith.constant 0 : i32
      %broadcast_in_dim3A_2184 = vector.broadcast %broadcast_in_dim3A_2183 : i32 to vector<16xi32>
      %broadcast_in_dim3A_2185 = arith.constant 0 : i32
      %broadcast_in_dim3A_2186 = vector.broadcast %broadcast_in_dim3A_2185 : i32 to vector<16xi32>
      %broadcast_in_dim3A_2187 = arith.constant 1 : i32
      %broadcast_in_dim3A_2188 = vector.broadcast %broadcast_in_dim3A_2187 : i32 to vector<16xi32>
      %gather3A_2189 = tpu.vector_load_idx %arg9[%broadcast_in_dim3A_2182, %broadcast_in_dim3A_2184, %broadcast_in_dim3A_2186, %select_n3A, %select_n3A_54, %broadcast_in_dim3A_2161] : memref<8x1x2x4x8x128xf32, #tpu.memory_space<vmem>>[vector<16xi32>, vector<16xi32>, vector<16xi32>, vector<16xi32>, vector<16xi32>, vector<16xi32>], vector<16xf32>,
      %gather3A_2190 = tpu.vector_load_idx %arg9[%broadcast_in_dim3A_2182, %broadcast_in_dim3A_2184, %broadcast_in_dim3A_2186, %add3A_34, %select_n3A_54, %broadcast_in_dim3A_2161] : memref<8x1x2x4x8x128xf32, #tpu.memory_space<vmem>>[vector<16xi32>, vector<16xi32>, vector<16xi32>, vector<16xi32>, vector<16xi32>, vector<16xi32>], vector<16xf32>,
      %gather3A_2191 = tpu.vector_load_idx %arg9[%broadcast_in_dim3A_2182, %broadcast_in_dim3A_2184, %broadcast_in_dim3A_2188, %select_n3A, %select_n3A_54, %broadcast_in_dim3A_2180] : memref<8x1x2x4x8x128xf32, #tpu.memory_space<vmem>>[vector<16xi32>, vector<16xi32>, vector<16xi32>, vector<16xi32>, vector<16xi32>, vector<16xi32>], vector<16xf32>,
      %gather3A_2192 = tpu.vector_load_idx %arg9[%broadcast_in_dim3A_2182, %broadcast_in_dim3A_2184, %broadcast_in_dim3A_2188, %add3A_34, %select_n3A_54, %broadcast_in_dim3A_2180] : memref<8x1x2x4x8x128xf32, #tpu.memory_space<vmem>>[vector<16xi32>, vector<16xi32>, vector<16xi32>, vector<16xi32>, vector<16xi32>, vector<16xi32>], vector<16xf32>,
      %mul3A_2193 = arith.mulf %gather3A_2189, %gather3A_2191 : vector<16xf32>
      %mul3A_2194 = arith.mulf %gather3A_2190, %gather3A_2192 : vector<16xf32>
      %add3A_2195 = arith.addf %mul3A_2193, %mul3A_2194 : vector<16xf32>
      %cumsum3A_2196 = arith.constant true
      %cumsum3A_2197 = vector.broadcast %cumsum3A_2196 : i1 to vector<16xi1>
      %cumsum3A_2198 = tpu.scan <sum>, %add3A_2195 masked %cumsum3A_2197 : vector<16xf32>, vector<16xi1> -> vector<16xf32>
      %mul3A_2199 = arith.constant 16 : i32
      %mul3A_2200 = arith.muli %scan3A_937, %mul3A_2199 : i32
      %add3A_2201 = arith.constant 5 : i32
      %add3A_2202 = arith.addi %mul3A_2200, %add3A_2201 : i32
      %add3A_2203 = arith.constant 0 : i32
      %add3A_2204 = arith.addi %add3A_2202, %add3A_2203 : i32
      %broadcast_in_dim3A_2205 = vector.broadcast %add3A_2204 : i32 to vector<16xi32>
      tpu.vector_store_idx %arg10[%broadcast_in_dim3A_2205], %cumsum3A_2198 masked %eq3A_57 : memref<512xf32, #tpu.memory_space<vmem>>[vector<16xi32>], vector<16xf32>, vector<16xi1>
      %slice3A_2206 = vector.extract_strided_slice %get3A_942 {offsets = [12], sizes = [1], strides = [1]} : vector<16xi32> to vector<1xi32>
      %squeeze3A_2207 = vector.extract %slice3A_2206[0] : i32 from vector<1xi32>
      %slice3A_2208 = vector.extract_strided_slice %get3A_944 {offsets = [12], sizes = [1], strides = [1]} : vector<16xi32> to vector<1xi32>
      %squeeze3A_2209 = vector.extract %slice3A_2208[0] : i32 from vector<1xi32>
      %jit3A_2210 = arith.constant 128 : i32
      %div3A_2211 = arith.divsi %squeeze3A_2207, %jit3A_2210 : i32
      %sign3A_2212 = arith.constant 0 : i32
      %sign3A_2213 = arith.cmpi sgt, %squeeze3A_2207, %sign3A_2212 : i32
      %sign3A_2214 = arith.extui %sign3A_2213 : i1 to i32
      %sign3A_2215 = arith.constant 0 : i32
      %sign3A_2216 = arith.cmpi slt, %squeeze3A_2207, %sign3A_2215 : i32
      %sign3A_2217 = arith.extui %sign3A_2216 : i1 to i32
      %sign3A_2218 = arith.subi %sign3A_2214, %sign3A_2217 : i32
      %sign3A_2219 = arith.constant 0 : i32
      %sign3A_2220 = arith.cmpi sgt, %jit3A_2210, %sign3A_2219 : i32
      %sign3A_2221 = arith.extui %sign3A_2220 : i1 to i32
      %sign3A_2222 = arith.constant 0 : i32
      %sign3A_2223 = arith.cmpi slt, %jit3A_2210, %sign3A_2222 : i32
      %sign3A_2224 = arith.extui %sign3A_2223 : i1 to i32
      %sign3A_2225 = arith.subi %sign3A_2221, %sign3A_2224 : i32
      %ne3A_2226 = arith.cmpi ne, %sign3A_2218, %sign3A_2225 : i32
      %rem3A_2227 = arith.remsi %squeeze3A_2207, %jit3A_2210 : i32
      %ne3A_2228 = arith.constant 0 : i32
      %ne3A_2229 = arith.cmpi ne, %rem3A_2227, %ne3A_2228 : i32
      %and3A_2230 = arith.andi %ne3A_2226, %ne3A_2229 : i1
      %sub3A_2231 = arith.constant 1 : i32
      %sub3A_2232 = arith.subi %div3A_2211, %sub3A_2231 : i32
      %select_n3A_2233 = arith.select %and3A_2230, %sub3A_2232, %div3A_2211 : i32
      %mul3A_2234 = arith.constant 128 : i32
      %mul3A_2235 = arith.muli %select_n3A_2233, %mul3A_2234 : i32
      %multiple_of3A_2236 = tpu.assume_multiple %mul3A_2235, 128 : i32
      %jit3A_2237 = arith.constant 128 : i32
      %div3A_2238 = arith.divsi %squeeze3A_2209, %jit3A_2237 : i32
      %sign3A_2239 = arith.constant 0 : i32
      %sign3A_2240 = arith.cmpi sgt, %squeeze3A_2209, %sign3A_2239 : i32
      %sign3A_2241 = arith.extui %sign3A_2240 : i1 to i32
      %sign3A_2242 = arith.constant 0 : i32
      %sign3A_2243 = arith.cmpi slt, %squeeze3A_2209, %sign3A_2242 : i32
      %sign3A_2244 = arith.extui %sign3A_2243 : i1 to i32
      %sign3A_2245 = arith.subi %sign3A_2241, %sign3A_2244 : i32
      %sign3A_2246 = arith.constant 0 : i32
      %sign3A_2247 = arith.cmpi sgt, %jit3A_2237, %sign3A_2246 : i32
      %sign3A_2248 = arith.extui %sign3A_2247 : i1 to i32
      %sign3A_2249 = arith.constant 0 : i32
      %sign3A_2250 = arith.cmpi slt, %jit3A_2237, %sign3A_2249 : i32
      %sign3A_2251 = arith.extui %sign3A_2250 : i1 to i32
      %sign3A_2252 = arith.subi %sign3A_2248, %sign3A_2251 : i32
      %ne3A_2253 = arith.cmpi ne, %sign3A_2245, %sign3A_2252 : i32
      %rem3A_2254 = arith.remsi %squeeze3A_2209, %jit3A_2237 : i32
      %ne3A_2255 = arith.constant 0 : i32
      %ne3A_2256 = arith.cmpi ne, %rem3A_2254, %ne3A_2255 : i32
      %and3A_2257 = arith.andi %ne3A_2253, %ne3A_2256 : i1
      %sub3A_2258 = arith.constant 1 : i32
      %sub3A_2259 = arith.subi %div3A_2238, %sub3A_2258 : i32
      %select_n3A_2260 = arith.select %and3A_2257, %sub3A_2259, %div3A_2238 : i32
      %mul3A_2261 = arith.constant 128 : i32
      %mul3A_2262 = arith.muli %select_n3A_2260, %mul3A_2261 : i32
      %multiple_of3A_2263 = tpu.assume_multiple %mul3A_2262, 128 : i32
      %dma_start3A_2264 = arith.constant 4 : i32
      %dma_start3A_2265 = arith.constant 0 : i32
      %dma_start3A_2266 = arith.constant 0 : i32
      %dma_start3A_2267 = arith.constant 0 : i32
      %dma_start3A_2268 = arith.constant 0 : i32
      %dma_start3A_2269 = arith.constant 0 : i32
      %dma_start3A_2270 = tpu.memref_slice %arg9[%dma_start3A_2264, %dma_start3A_2265, %dma_start3A_2266, %dma_start3A_2267, %dma_start3A_2268, %dma_start3A_2269] : memref<8x1x2x4x8x128xf32, #tpu.memory_space<vmem>> -> memref<1x1x1x4x8x128xf32, #tpu.memory_space<vmem>>
      %dma_start3A_2271 = tpu.memref_squeeze %dma_start3A_2270 : memref<1x1x1x4x8x128xf32, #tpu.memory_space<vmem>> -> memref<4x8x128xf32, #tpu.memory_space<vmem>>
      %dma_start3A_2272 = tpu.memref_reshape %arg4 : memref<32x1000000xf32, #tpu.memory_space<hbm>> -> memref<4x8x1000000xf32, #tpu.memory_space<hbm>>
      %dma_start3A_2273 = arith.constant 0 : i32
      %dma_start3A_2274 = arith.constant 0 : i32
      %dma_start3A_2275 = tpu.memref_slice %dma_start3A_2272[%dma_start3A_2273, %dma_start3A_2274, %multiple_of3A_2236] : memref<4x8x1000000xf32, #tpu.memory_space<hbm>> -> memref<4x8x128xf32, #tpu.memory_space<hbm>>
      %dma_start3A_2276 = arith.constant 0 : i32
      %dma_start3A_2277 = arith.constant 0 : i32
      %dma_start3A_2278 = arith.constant 0 : i32
      %dma_start3A_2279 = tpu.memref_slice %arg9[%dma_start3A_2264, %dma_start3A_2265, %dma_start3A_2266, %dma_start3A_2276, %dma_start3A_2277, %dma_start3A_2278] : memref<8x1x2x4x8x128xf32, #tpu.memory_space<vmem>> -> memref<1x1x1x4x8x128xf32, #tpu.memory_space<vmem>>
      %dma_start3A_2280 = tpu.memref_squeeze %dma_start3A_2279 : memref<1x1x1x4x8x128xf32, #tpu.memory_space<vmem>> -> memref<4x8x128xf32, #tpu.memory_space<vmem>>
      %dma_start3A_2281 = tpu.memref_reshape %arg4 : memref<32x1000000xf32, #tpu.memory_space<hbm>> -> memref<4x8x1000000xf32, #tpu.memory_space<hbm>>
      %dma_start3A_2282 = arith.constant 0 : i32
      %dma_start3A_2283 = arith.constant 0 : i32
      %dma_start3A_2284 = tpu.memref_slice %dma_start3A_2281[%dma_start3A_2282, %dma_start3A_2283, %multiple_of3A_2236] : memref<4x8x1000000xf32, #tpu.memory_space<hbm>> -> memref<4x8x128xf32, #tpu.memory_space<hbm>>
      tpu.enqueue_dma source(%dma_start3A_2284 : memref<4x8x128xf32, #tpu.memory_space<hbm>>) target(%dma_start3A_2280 : memref<4x8x128xf32, #tpu.memory_space<vmem>>) target_semaphore(%arg15 : memref<!tpu.dma_semaphore, #tpu.memory_space<semaphore_mem>>)
      %dma_start3A_2285 = arith.constant 4 : i32
      %dma_start3A_2286 = arith.constant 0 : i32
      %dma_start3A_2287 = arith.constant 1 : i32
      %dma_start3A_2288 = arith.constant 0 : i32
      %dma_start3A_2289 = arith.constant 0 : i32
      %dma_start3A_2290 = arith.constant 0 : i32
      %dma_start3A_2291 = tpu.memref_slice %arg9[%dma_start3A_2285, %dma_start3A_2286, %dma_start3A_2287, %dma_start3A_2288, %dma_start3A_2289, %dma_start3A_2290] : memref<8x1x2x4x8x128xf32, #tpu.memory_space<vmem>> -> memref<1x1x1x4x8x128xf32, #tpu.memory_space<vmem>>
      %dma_start3A_2292 = tpu.memref_squeeze %dma_start3A_2291 : memref<1x1x1x4x8x128xf32, #tpu.memory_space<vmem>> -> memref<4x8x128xf32, #tpu.memory_space<vmem>>
      %dma_start3A_2293 = tpu.memref_reshape %arg5 : memref<32x1000000xf32, #tpu.memory_space<hbm>> -> memref<4x8x1000000xf32, #tpu.memory_space<hbm>>
      %dma_start3A_2294 = arith.constant 0 : i32
      %dma_start3A_2295 = arith.constant 0 : i32
      %dma_start3A_2296 = tpu.memref_slice %dma_start3A_2293[%dma_start3A_2294, %dma_start3A_2295, %multiple_of3A_2263] : memref<4x8x1000000xf32, #tpu.memory_space<hbm>> -> memref<4x8x128xf32, #tpu.memory_space<hbm>>
      %dma_start3A_2297 = arith.constant 0 : i32
      %dma_start3A_2298 = arith.constant 0 : i32
      %dma_start3A_2299 = arith.constant 0 : i32
      %dma_start3A_2300 = tpu.memref_slice %arg9[%dma_start3A_2285, %dma_start3A_2286, %dma_start3A_2287, %dma_start3A_2297, %dma_start3A_2298, %dma_start3A_2299] : memref<8x1x2x4x8x128xf32, #tpu.memory_space<vmem>> -> memref<1x1x1x4x8x128xf32, #tpu.memory_space<vmem>>
      %dma_start3A_2301 = tpu.memref_squeeze %dma_start3A_2300 : memref<1x1x1x4x8x128xf32, #tpu.memory_space<vmem>> -> memref<4x8x128xf32, #tpu.memory_space<vmem>>
      %dma_start3A_2302 = tpu.memref_reshape %arg5 : memref<32x1000000xf32, #tpu.memory_space<hbm>> -> memref<4x8x1000000xf32, #tpu.memory_space<hbm>>
      %dma_start3A_2303 = arith.constant 0 : i32
      %dma_start3A_2304 = arith.constant 0 : i32
      %dma_start3A_2305 = tpu.memref_slice %dma_start3A_2302[%dma_start3A_2303, %dma_start3A_2304, %multiple_of3A_2263] : memref<4x8x1000000xf32, #tpu.memory_space<hbm>> -> memref<4x8x128xf32, #tpu.memory_space<hbm>>
      tpu.enqueue_dma source(%dma_start3A_2305 : memref<4x8x128xf32, #tpu.memory_space<hbm>>) target(%dma_start3A_2301 : memref<4x8x128xf32, #tpu.memory_space<vmem>>) target_semaphore(%arg15 : memref<!tpu.dma_semaphore, #tpu.memory_space<semaphore_mem>>)
      %dma_wait3A_2306 = arith.constant 0 : i32
      %dma_wait3A_2307 = arith.constant 0 : i32
      %dma_wait3A_2308 = arith.constant 0 : i32
      %dma_wait3A_2309 = arith.constant 0 : i32
      %dma_wait3A_2310 = arith.constant 0 : i32
      %dma_wait3A_2311 = arith.constant 0 : i32
      %dma_wait3A_2312 = tpu.memref_slice %arg9[%dma_wait3A_2306, %dma_wait3A_2307, %dma_wait3A_2308, %dma_wait3A_2309, %dma_wait3A_2310, %dma_wait3A_2311] : memref<8x1x2x4x8x128xf32, #tpu.memory_space<vmem>> -> memref<1x1x1x4x8x128xf32, #tpu.memory_space<vmem>>
      %dma_wait3A_2313 = tpu.memref_squeeze %dma_wait3A_2312 : memref<1x1x1x4x8x128xf32, #tpu.memory_space<vmem>> -> memref<4x8x128xf32, #tpu.memory_space<vmem>>
      %dma_wait3A_2314 = tpu.memref_reshape %arg4 : memref<32x1000000xf32, #tpu.memory_space<hbm>> -> memref<4x8x1000000xf32, #tpu.memory_space<hbm>>
      %dma_wait3A_2315 = arith.constant 0 : i32
      %dma_wait3A_2316 = arith.constant 0 : i32
      %dma_wait3A_2317 = arith.constant 0 : i32
      %dma_wait3A_2318 = tpu.memref_slice %dma_wait3A_2314[%dma_wait3A_2315, %dma_wait3A_2316, %dma_wait3A_2317] : memref<4x8x1000000xf32, #tpu.memory_space<hbm>> -> memref<4x8x128xf32, #tpu.memory_space<hbm>>
      %dma_wait3A_2319 = arith.constant 0 : i32
      %dma_wait3A_2320 = arith.constant 0 : i32
      %dma_wait3A_2321 = arith.constant 0 : i32
      %dma_wait3A_2322 = tpu.memref_slice %arg9[%dma_wait3A_2306, %dma_wait3A_2307, %dma_wait3A_2308, %dma_wait3A_2319, %dma_wait3A_2320, %dma_wait3A_2321] : memref<8x1x2x4x8x128xf32, #tpu.memory_space<vmem>> -> memref<1x1x1x4x8x128xf32, #tpu.memory_space<vmem>>
      %dma_wait3A_2323 = tpu.memref_squeeze %dma_wait3A_2322 : memref<1x1x1x4x8x128xf32, #tpu.memory_space<vmem>> -> memref<4x8x128xf32, #tpu.memory_space<vmem>>
      %dma_wait3A_2324 = tpu.memref_reshape %arg4 : memref<32x1000000xf32, #tpu.memory_space<hbm>> -> memref<4x8x1000000xf32, #tpu.memory_space<hbm>>
      %dma_wait3A_2325 = arith.constant 0 : i32
      %dma_wait3A_2326 = arith.constant 0 : i32
      %dma_wait3A_2327 = arith.constant 0 : i32
      %dma_wait3A_2328 = tpu.memref_slice %dma_wait3A_2324[%dma_wait3A_2325, %dma_wait3A_2326, %dma_wait3A_2327] : memref<4x8x1000000xf32, #tpu.memory_space<hbm>> -> memref<4x8x128xf32, #tpu.memory_space<hbm>>
      tpu.wait_dma2 semaphore(%arg17 : memref<!tpu.dma_semaphore, #tpu.memory_space<semaphore_mem>>) src(%dma_wait3A_2328 : memref<4x8x128xf32, #tpu.memory_space<hbm>>) dst(%dma_wait3A_2323 : memref<4x8x128xf32, #tpu.memory_space<vmem>>)
      %dma_wait3A_2329 = arith.constant 0 : i32
      %dma_wait3A_2330 = arith.constant 0 : i32
      %dma_wait3A_2331 = arith.constant 0 : i32
      %dma_wait3A_2332 = arith.constant 0 : i32
      %dma_wait3A_2333 = arith.constant 0 : i32
      %dma_wait3A_2334 = arith.constant 0 : i32
      %dma_wait3A_2335 = tpu.memref_slice %arg9[%dma_wait3A_2329, %dma_wait3A_2330, %dma_wait3A_2331, %dma_wait3A_2332, %dma_wait3A_2333, %dma_wait3A_2334] : memref<8x1x2x4x8x128xf32, #tpu.memory_space<vmem>> -> memref<1x1x1x4x8x128xf32, #tpu.memory_space<vmem>>
      %dma_wait3A_2336 = tpu.memref_squeeze %dma_wait3A_2335 : memref<1x1x1x4x8x128xf32, #tpu.memory_space<vmem>> -> memref<4x8x128xf32, #tpu.memory_space<vmem>>
      %dma_wait3A_2337 = tpu.memref_reshape %arg4 : memref<32x1000000xf32, #tpu.memory_space<hbm>> -> memref<4x8x1000000xf32, #tpu.memory_space<hbm>>
      %dma_wait3A_2338 = arith.constant 0 : i32
      %dma_wait3A_2339 = arith.constant 0 : i32
      %dma_wait3A_2340 = arith.constant 0 : i32
      %dma_wait3A_2341 = tpu.memref_slice %dma_wait3A_2337[%dma_wait3A_2338, %dma_wait3A_2339, %dma_wait3A_2340] : memref<4x8x1000000xf32, #tpu.memory_space<hbm>> -> memref<4x8x128xf32, #tpu.memory_space<hbm>>
      %dma_wait3A_2342 = arith.constant 0 : i32
      %dma_wait3A_2343 = arith.constant 0 : i32
      %dma_wait3A_2344 = arith.constant 0 : i32
      %dma_wait3A_2345 = tpu.memref_slice %arg9[%dma_wait3A_2329, %dma_wait3A_2330, %dma_wait3A_2331, %dma_wait3A_2342, %dma_wait3A_2343, %dma_wait3A_2344] : memref<8x1x2x4x8x128xf32, #tpu.memory_space<vmem>> -> memref<1x1x1x4x8x128xf32, #tpu.memory_space<vmem>>
      %dma_wait3A_2346 = tpu.memref_squeeze %dma_wait3A_2345 : memref<1x1x1x4x8x128xf32, #tpu.memory_space<vmem>> -> memref<4x8x128xf32, #tpu.memory_space<vmem>>
      %dma_wait3A_2347 = tpu.memref_reshape %arg4 : memref<32x1000000xf32, #tpu.memory_space<hbm>> -> memref<4x8x1000000xf32, #tpu.memory_space<hbm>>
      %dma_wait3A_2348 = arith.constant 0 : i32
      %dma_wait3A_2349 = arith.constant 0 : i32
      %dma_wait3A_2350 = arith.constant 0 : i32
      %dma_wait3A_2351 = tpu.memref_slice %dma_wait3A_2347[%dma_wait3A_2348, %dma_wait3A_2349, %dma_wait3A_2350] : memref<4x8x1000000xf32, #tpu.memory_space<hbm>> -> memref<4x8x128xf32, #tpu.memory_space<hbm>>
      tpu.wait_dma2 semaphore(%arg17 : memref<!tpu.dma_semaphore, #tpu.memory_space<semaphore_mem>>) src(%dma_wait3A_2351 : memref<4x8x128xf32, #tpu.memory_space<hbm>>) dst(%dma_wait3A_2346 : memref<4x8x128xf32, #tpu.memory_space<vmem>>)
      %slice3A_2352 = vector.extract_strided_slice %get3A_942 {offsets = [6], sizes = [1], strides = [1]} : vector<16xi32> to vector<1xi32>
      %squeeze3A_2353 = vector.extract %slice3A_2352[0] : i32 from vector<1xi32>
      %jit3A_2354 = arith.constant 128 : i32
      %eq3A_2355 = arith.constant 0 : i32
      %eq3A_2356 = arith.cmpi eq, %jit3A_2354, %eq3A_2355 : i32
      %jit3A_2357 = arith.constant 1 : i32
      %select_n3A_2358 = arith.select %eq3A_2356, %jit3A_2357, %jit3A_2354 : i32
      %rem3A_2359 = arith.remsi %squeeze3A_2353, %select_n3A_2358 : i32
      %ne3A_2360 = arith.constant 0 : i32
      %ne3A_2361 = arith.cmpi ne, %rem3A_2359, %ne3A_2360 : i32
      %lt3A_2362 = arith.constant 0 : i32
      %lt3A_2363 = arith.cmpi slt, %rem3A_2359, %lt3A_2362 : i32
      %lt3A_2364 = arith.constant 0 : i32
      %lt3A_2365 = arith.cmpi slt, %select_n3A_2358, %lt3A_2364 : i32
      %ne3A_2366 = arith.xori %lt3A_2363, %lt3A_2365 : i1
      %and3A_2367 = arith.andi %ne3A_2366, %ne3A_2361 : i1
      %add3A_2368 = arith.addi %rem3A_2359, %select_n3A_2358 : i32
      %select_n3A_2369 = arith.select %and3A_2367, %add3A_2368, %rem3A_2359 : i32
      %broadcast_in_dim3A_2370 = vector.broadcast %select_n3A_2369 : i32 to vector<16xi32>
      %slice3A_2371 = vector.extract_strided_slice %get3A_944 {offsets = [6], sizes = [1], strides = [1]} : vector<16xi32> to vector<1xi32>
      %squeeze3A_2372 = vector.extract %slice3A_2371[0] : i32 from vector<1xi32>
      %jit3A_2373 = arith.constant 128 : i32
      %eq3A_2374 = arith.constant 0 : i32
      %eq3A_2375 = arith.cmpi eq, %jit3A_2373, %eq3A_2374 : i32
      %jit3A_2376 = arith.constant 1 : i32
      %select_n3A_2377 = arith.select %eq3A_2375, %jit3A_2376, %jit3A_2373 : i32
      %rem3A_2378 = arith.remsi %squeeze3A_2372, %select_n3A_2377 : i32
      %ne3A_2379 = arith.constant 0 : i32
      %ne3A_2380 = arith.cmpi ne, %rem3A_2378, %ne3A_2379 : i32
      %lt3A_2381 = arith.constant 0 : i32
      %lt3A_2382 = arith.cmpi slt, %rem3A_2378, %lt3A_2381 : i32
      %lt3A_2383 = arith.constant 0 : i32
      %lt3A_2384 = arith.cmpi slt, %select_n3A_2377, %lt3A_2383 : i32
      %ne3A_2385 = arith.xori %lt3A_2382, %lt3A_2384 : i1
      %and3A_2386 = arith.andi %ne3A_2385, %ne3A_2380 : i1
      %add3A_2387 = arith.addi %rem3A_2378, %select_n3A_2377 : i32
      %select_n3A_2388 = arith.select %and3A_2386, %add3A_2387, %rem3A_2378 : i32
      %broadcast_in_dim3A_2389 = vector.broadcast %select_n3A_2388 : i32 to vector<16xi32>
      %broadcast_in_dim3A_2390 = arith.constant 6 : i32
      %broadcast_in_dim3A_2391 = vector.broadcast %broadcast_in_dim3A_2390 : i32 to vector<16xi32>
      %broadcast_in_dim3A_2392 = arith.constant 0 : i32
      %broadcast_in_dim3A_2393 = vector.broadcast %broadcast_in_dim3A_2392 : i32 to vector<16xi32>
      %broadcast_in_dim3A_2394 = arith.constant 0 : i32
      %broadcast_in_dim3A_2395 = vector.broadcast %broadcast_in_dim3A_2394 : i32 to vector<16xi32>
      %broadcast_in_dim3A_2396 = arith.constant 1 : i32
      %broadcast_in_dim3A_2397 = vector.broadcast %broadcast_in_dim3A_2396 : i32 to vector<16xi32>
      %gather3A_2398 = tpu.vector_load_idx %arg9[%broadcast_in_dim3A_2391, %broadcast_in_dim3A_2393, %broadcast_in_dim3A_2395, %select_n3A, %select_n3A_54, %broadcast_in_dim3A_2370] : memref<8x1x2x4x8x128xf32, #tpu.memory_space<vmem>>[vector<16xi32>, vector<16xi32>, vector<16xi32>, vector<16xi32>, vector<16xi32>, vector<16xi32>], vector<16xf32>,
      %gather3A_2399 = tpu.vector_load_idx %arg9[%broadcast_in_dim3A_2391, %broadcast_in_dim3A_2393, %broadcast_in_dim3A_2395, %add3A_34, %select_n3A_54, %broadcast_in_dim3A_2370] : memref<8x1x2x4x8x128xf32, #tpu.memory_space<vmem>>[vector<16xi32>, vector<16xi32>, vector<16xi32>, vector<16xi32>, vector<16xi32>, vector<16xi32>], vector<16xf32>,
      %gather3A_2400 = tpu.vector_load_idx %arg9[%broadcast_in_dim3A_2391, %broadcast_in_dim3A_2393, %broadcast_in_dim3A_2397, %select_n3A, %select_n3A_54, %broadcast_in_dim3A_2389] : memref<8x1x2x4x8x128xf32, #tpu.memory_space<vmem>>[vector<16xi32>, vector<16xi32>, vector<16xi32>, vector<16xi32>, vector<16xi32>, vector<16xi32>], vector<16xf32>,
      %gather3A_2401 = tpu.vector_load_idx %arg9[%broadcast_in_dim3A_2391, %broadcast_in_dim3A_2393, %broadcast_in_dim3A_2397, %add3A_34, %select_n3A_54, %broadcast_in_dim3A_2389] : memref<8x1x2x4x8x128xf32, #tpu.memory_space<vmem>>[vector<16xi32>, vector<16xi32>, vector<16xi32>, vector<16xi32>, vector<16xi32>, vector<16xi32>], vector<16xf32>,
      %mul3A_2402 = arith.mulf %gather3A_2398, %gather3A_2400 : vector<16xf32>
      %mul3A_2403 = arith.mulf %gather3A_2399, %gather3A_2401 : vector<16xf32>
      %add3A_2404 = arith.addf %mul3A_2402, %mul3A_2403 : vector<16xf32>
      %cumsum3A_2405 = arith.constant true
      %cumsum3A_2406 = vector.broadcast %cumsum3A_2405 : i1 to vector<16xi1>
      %cumsum3A_2407 = tpu.scan <sum>, %add3A_2404 masked %cumsum3A_2406 : vector<16xf32>, vector<16xi1> -> vector<16xf32>
      %mul3A_2408 = arith.constant 16 : i32
      %mul3A_2409 = arith.muli %scan3A_937, %mul3A_2408 : i32
      %add3A_2410 = arith.constant 6 : i32
      %add3A_2411 = arith.addi %mul3A_2409, %add3A_2410 : i32
      %add3A_2412 = arith.constant 0 : i32
      %add3A_2413 = arith.addi %add3A_2411, %add3A_2412 : i32
      %broadcast_in_dim3A_2414 = vector.broadcast %add3A_2413 : i32 to vector<16xi32>
      tpu.vector_store_idx %arg10[%broadcast_in_dim3A_2414], %cumsum3A_2407 masked %eq3A_57 : memref<512xf32, #tpu.memory_space<vmem>>[vector<16xi32>], vector<16xf32>, vector<16xi1>
      %slice3A_2415 = vector.extract_strided_slice %get3A_942 {offsets = [13], sizes = [1], strides = [1]} : vector<16xi32> to vector<1xi32>
      %squeeze3A_2416 = vector.extract %slice3A_2415[0] : i32 from vector<1xi32>
      %slice3A_2417 = vector.extract_strided_slice %get3A_944 {offsets = [13], sizes = [1], strides = [1]} : vector<16xi32> to vector<1xi32>
      %squeeze3A_2418 = vector.extract %slice3A_2417[0] : i32 from vector<1xi32>
      %jit3A_2419 = arith.constant 128 : i32
      %div3A_2420 = arith.divsi %squeeze3A_2416, %jit3A_2419 : i32
      %sign3A_2421 = arith.constant 0 : i32
      %sign3A_2422 = arith.cmpi sgt, %squeeze3A_2416, %sign3A_2421 : i32
      %sign3A_2423 = arith.extui %sign3A_2422 : i1 to i32
      %sign3A_2424 = arith.constant 0 : i32
      %sign3A_2425 = arith.cmpi slt, %squeeze3A_2416, %sign3A_2424 : i32
      %sign3A_2426 = arith.extui %sign3A_2425 : i1 to i32
      %sign3A_2427 = arith.subi %sign3A_2423, %sign3A_2426 : i32
      %sign3A_2428 = arith.constant 0 : i32
      %sign3A_2429 = arith.cmpi sgt, %jit3A_2419, %sign3A_2428 : i32
      %sign3A_2430 = arith.extui %sign3A_2429 : i1 to i32
      %sign3A_2431 = arith.constant 0 : i32
      %sign3A_2432 = arith.cmpi slt, %jit3A_2419, %sign3A_2431 : i32
      %sign3A_2433 = arith.extui %sign3A_2432 : i1 to i32
      %sign3A_2434 = arith.subi %sign3A_2430, %sign3A_2433 : i32
      %ne3A_2435 = arith.cmpi ne, %sign3A_2427, %sign3A_2434 : i32
      %rem3A_2436 = arith.remsi %squeeze3A_2416, %jit3A_2419 : i32
      %ne3A_2437 = arith.constant 0 : i32
      %ne3A_2438 = arith.cmpi ne, %rem3A_2436, %ne3A_2437 : i32
      %and3A_2439 = arith.andi %ne3A_2435, %ne3A_2438 : i1
      %sub3A_2440 = arith.constant 1 : i32
      %sub3A_2441 = arith.subi %div3A_2420, %sub3A_2440 : i32
      %select_n3A_2442 = arith.select %and3A_2439, %sub3A_2441, %div3A_2420 : i32
      %mul3A_2443 = arith.constant 128 : i32
      %mul3A_2444 = arith.muli %select_n3A_2442, %mul3A_2443 : i32
      %multiple_of3A_2445 = tpu.assume_multiple %mul3A_2444, 128 : i32
      %jit3A_2446 = arith.constant 128 : i32
      %div3A_2447 = arith.divsi %squeeze3A_2418, %jit3A_2446 : i32
      %sign3A_2448 = arith.constant 0 : i32
      %sign3A_2449 = arith.cmpi sgt, %squeeze3A_2418, %sign3A_2448 : i32
      %sign3A_2450 = arith.extui %sign3A_2449 : i1 to i32
      %sign3A_2451 = arith.constant 0 : i32
      %sign3A_2452 = arith.cmpi slt, %squeeze3A_2418, %sign3A_2451 : i32
      %sign3A_2453 = arith.extui %sign3A_2452 : i1 to i32
      %sign3A_2454 = arith.subi %sign3A_2450, %sign3A_2453 : i32
      %sign3A_2455 = arith.constant 0 : i32
      %sign3A_2456 = arith.cmpi sgt, %jit3A_2446, %sign3A_2455 : i32
      %sign3A_2457 = arith.extui %sign3A_2456 : i1 to i32
      %sign3A_2458 = arith.constant 0 : i32
      %sign3A_2459 = arith.cmpi slt, %jit3A_2446, %sign3A_2458 : i32
      %sign3A_2460 = arith.extui %sign3A_2459 : i1 to i32
      %sign3A_2461 = arith.subi %sign3A_2457, %sign3A_2460 : i32
      %ne3A_2462 = arith.cmpi ne, %sign3A_2454, %sign3A_2461 : i32
      %rem3A_2463 = arith.remsi %squeeze3A_2418, %jit3A_2446 : i32
      %ne3A_2464 = arith.constant 0 : i32
      %ne3A_2465 = arith.cmpi ne, %rem3A_2463, %ne3A_2464 : i32
      %and3A_2466 = arith.andi %ne3A_2462, %ne3A_2465 : i1
      %sub3A_2467 = arith.constant 1 : i32
      %sub3A_2468 = arith.subi %div3A_2447, %sub3A_2467 : i32
      %select_n3A_2469 = arith.select %and3A_2466, %sub3A_2468, %div3A_2447 : i32
      %mul3A_2470 = arith.constant 128 : i32
      %mul3A_2471 = arith.muli %select_n3A_2469, %mul3A_2470 : i32
      %multiple_of3A_2472 = tpu.assume_multiple %mul3A_2471, 128 : i32
      %dma_start3A_2473 = arith.constant 5 : i32
      %dma_start3A_2474 = arith.constant 0 : i32
      %dma_start3A_2475 = arith.constant 0 : i32
      %dma_start3A_2476 = arith.constant 0 : i32
      %dma_start3A_2477 = arith.constant 0 : i32
      %dma_start3A_2478 = arith.constant 0 : i32
      %dma_start3A_2479 = tpu.memref_slice %arg9[%dma_start3A_2473, %dma_start3A_2474, %dma_start3A_2475, %dma_start3A_2476, %dma_start3A_2477, %dma_start3A_2478] : memref<8x1x2x4x8x128xf32, #tpu.memory_space<vmem>> -> memref<1x1x1x4x8x128xf32, #tpu.memory_space<vmem>>
      %dma_start3A_2480 = tpu.memref_squeeze %dma_start3A_2479 : memref<1x1x1x4x8x128xf32, #tpu.memory_space<vmem>> -> memref<4x8x128xf32, #tpu.memory_space<vmem>>
      %dma_start3A_2481 = tpu.memref_reshape %arg4 : memref<32x1000000xf32, #tpu.memory_space<hbm>> -> memref<4x8x1000000xf32, #tpu.memory_space<hbm>>
      %dma_start3A_2482 = arith.constant 0 : i32
      %dma_start3A_2483 = arith.constant 0 : i32
      %dma_start3A_2484 = tpu.memref_slice %dma_start3A_2481[%dma_start3A_2482, %dma_start3A_2483, %multiple_of3A_2445] : memref<4x8x1000000xf32, #tpu.memory_space<hbm>> -> memref<4x8x128xf32, #tpu.memory_space<hbm>>
      %dma_start3A_2485 = arith.constant 0 : i32
      %dma_start3A_2486 = arith.constant 0 : i32
      %dma_start3A_2487 = arith.constant 0 : i32
      %dma_start3A_2488 = tpu.memref_slice %arg9[%dma_start3A_2473, %dma_start3A_2474, %dma_start3A_2475, %dma_start3A_2485, %dma_start3A_2486, %dma_start3A_2487] : memref<8x1x2x4x8x128xf32, #tpu.memory_space<vmem>> -> memref<1x1x1x4x8x128xf32, #tpu.memory_space<vmem>>
      %dma_start3A_2489 = tpu.memref_squeeze %dma_start3A_2488 : memref<1x1x1x4x8x128xf32, #tpu.memory_space<vmem>> -> memref<4x8x128xf32, #tpu.memory_space<vmem>>
      %dma_start3A_2490 = tpu.memref_reshape %arg4 : memref<32x1000000xf32, #tpu.memory_space<hbm>> -> memref<4x8x1000000xf32, #tpu.memory_space<hbm>>
      %dma_start3A_2491 = arith.constant 0 : i32
      %dma_start3A_2492 = arith.constant 0 : i32
      %dma_start3A_2493 = tpu.memref_slice %dma_start3A_2490[%dma_start3A_2491, %dma_start3A_2492, %multiple_of3A_2445] : memref<4x8x1000000xf32, #tpu.memory_space<hbm>> -> memref<4x8x128xf32, #tpu.memory_space<hbm>>
      tpu.enqueue_dma source(%dma_start3A_2493 : memref<4x8x128xf32, #tpu.memory_space<hbm>>) target(%dma_start3A_2489 : memref<4x8x128xf32, #tpu.memory_space<vmem>>) target_semaphore(%arg16 : memref<!tpu.dma_semaphore, #tpu.memory_space<semaphore_mem>>)
      %dma_start3A_2494 = arith.constant 5 : i32
      %dma_start3A_2495 = arith.constant 0 : i32
      %dma_start3A_2496 = arith.constant 1 : i32
      %dma_start3A_2497 = arith.constant 0 : i32
      %dma_start3A_2498 = arith.constant 0 : i32
      %dma_start3A_2499 = arith.constant 0 : i32
      %dma_start3A_2500 = tpu.memref_slice %arg9[%dma_start3A_2494, %dma_start3A_2495, %dma_start3A_2496, %dma_start3A_2497, %dma_start3A_2498, %dma_start3A_2499] : memref<8x1x2x4x8x128xf32, #tpu.memory_space<vmem>> -> memref<1x1x1x4x8x128xf32, #tpu.memory_space<vmem>>
      %dma_start3A_2501 = tpu.memref_squeeze %dma_start3A_2500 : memref<1x1x1x4x8x128xf32, #tpu.memory_space<vmem>> -> memref<4x8x128xf32, #tpu.memory_space<vmem>>
      %dma_start3A_2502 = tpu.memref_reshape %arg5 : memref<32x1000000xf32, #tpu.memory_space<hbm>> -> memref<4x8x1000000xf32, #tpu.memory_space<hbm>>
      %dma_start3A_2503 = arith.constant 0 : i32
      %dma_start3A_2504 = arith.constant 0 : i32
      %dma_start3A_2505 = tpu.memref_slice %dma_start3A_2502[%dma_start3A_2503, %dma_start3A_2504, %multiple_of3A_2472] : memref<4x8x1000000xf32, #tpu.memory_space<hbm>> -> memref<4x8x128xf32, #tpu.memory_space<hbm>>
      %dma_start3A_2506 = arith.constant 0 : i32
      %dma_start3A_2507 = arith.constant 0 : i32
      %dma_start3A_2508 = arith.constant 0 : i32
      %dma_start3A_2509 = tpu.memref_slice %arg9[%dma_start3A_2494, %dma_start3A_2495, %dma_start3A_2496, %dma_start3A_2506, %dma_start3A_2507, %dma_start3A_2508] : memref<8x1x2x4x8x128xf32, #tpu.memory_space<vmem>> -> memref<1x1x1x4x8x128xf32, #tpu.memory_space<vmem>>
      %dma_start3A_2510 = tpu.memref_squeeze %dma_start3A_2509 : memref<1x1x1x4x8x128xf32, #tpu.memory_space<vmem>> -> memref<4x8x128xf32, #tpu.memory_space<vmem>>
      %dma_start3A_2511 = tpu.memref_reshape %arg5 : memref<32x1000000xf32, #tpu.memory_space<hbm>> -> memref<4x8x1000000xf32, #tpu.memory_space<hbm>>
      %dma_start3A_2512 = arith.constant 0 : i32
      %dma_start3A_2513 = arith.constant 0 : i32
      %dma_start3A_2514 = tpu.memref_slice %dma_start3A_2511[%dma_start3A_2512, %dma_start3A_2513, %multiple_of3A_2472] : memref<4x8x1000000xf32, #tpu.memory_space<hbm>> -> memref<4x8x128xf32, #tpu.memory_space<hbm>>
      tpu.enqueue_dma source(%dma_start3A_2514 : memref<4x8x128xf32, #tpu.memory_space<hbm>>) target(%dma_start3A_2510 : memref<4x8x128xf32, #tpu.memory_space<vmem>>) target_semaphore(%arg16 : memref<!tpu.dma_semaphore, #tpu.memory_space<semaphore_mem>>)
      %dma_wait3A_2515 = arith.constant 0 : i32
      %dma_wait3A_2516 = arith.constant 0 : i32
      %dma_wait3A_2517 = arith.constant 0 : i32
      %dma_wait3A_2518 = arith.constant 0 : i32
      %dma_wait3A_2519 = arith.constant 0 : i32
      %dma_wait3A_2520 = arith.constant 0 : i32
      %dma_wait3A_2521 = tpu.memref_slice %arg9[%dma_wait3A_2515, %dma_wait3A_2516, %dma_wait3A_2517, %dma_wait3A_2518, %dma_wait3A_2519, %dma_wait3A_2520] : memref<8x1x2x4x8x128xf32, #tpu.memory_space<vmem>> -> memref<1x1x1x4x8x128xf32, #tpu.memory_space<vmem>>
      %dma_wait3A_2522 = tpu.memref_squeeze %dma_wait3A_2521 : memref<1x1x1x4x8x128xf32, #tpu.memory_space<vmem>> -> memref<4x8x128xf32, #tpu.memory_space<vmem>>
      %dma_wait3A_2523 = tpu.memref_reshape %arg4 : memref<32x1000000xf32, #tpu.memory_space<hbm>> -> memref<4x8x1000000xf32, #tpu.memory_space<hbm>>
      %dma_wait3A_2524 = arith.constant 0 : i32
      %dma_wait3A_2525 = arith.constant 0 : i32
      %dma_wait3A_2526 = arith.constant 0 : i32
      %dma_wait3A_2527 = tpu.memref_slice %dma_wait3A_2523[%dma_wait3A_2524, %dma_wait3A_2525, %dma_wait3A_2526] : memref<4x8x1000000xf32, #tpu.memory_space<hbm>> -> memref<4x8x128xf32, #tpu.memory_space<hbm>>
      %dma_wait3A_2528 = arith.constant 0 : i32
      %dma_wait3A_2529 = arith.constant 0 : i32
      %dma_wait3A_2530 = arith.constant 0 : i32
      %dma_wait3A_2531 = tpu.memref_slice %arg9[%dma_wait3A_2515, %dma_wait3A_2516, %dma_wait3A_2517, %dma_wait3A_2528, %dma_wait3A_2529, %dma_wait3A_2530] : memref<8x1x2x4x8x128xf32, #tpu.memory_space<vmem>> -> memref<1x1x1x4x8x128xf32, #tpu.memory_space<vmem>>
      %dma_wait3A_2532 = tpu.memref_squeeze %dma_wait3A_2531 : memref<1x1x1x4x8x128xf32, #tpu.memory_space<vmem>> -> memref<4x8x128xf32, #tpu.memory_space<vmem>>
      %dma_wait3A_2533 = tpu.memref_reshape %arg4 : memref<32x1000000xf32, #tpu.memory_space<hbm>> -> memref<4x8x1000000xf32, #tpu.memory_space<hbm>>
      %dma_wait3A_2534 = arith.constant 0 : i32
      %dma_wait3A_2535 = arith.constant 0 : i32
      %dma_wait3A_2536 = arith.constant 0 : i32
      %dma_wait3A_2537 = tpu.memref_slice %dma_wait3A_2533[%dma_wait3A_2534, %dma_wait3A_2535, %dma_wait3A_2536] : memref<4x8x1000000xf32, #tpu.memory_space<hbm>> -> memref<4x8x128xf32, #tpu.memory_space<hbm>>
      tpu.wait_dma2 semaphore(%arg18 : memref<!tpu.dma_semaphore, #tpu.memory_space<semaphore_mem>>) src(%dma_wait3A_2537 : memref<4x8x128xf32, #tpu.memory_space<hbm>>) dst(%dma_wait3A_2532 : memref<4x8x128xf32, #tpu.memory_space<vmem>>)
      %dma_wait3A_2538 = arith.constant 0 : i32
      %dma_wait3A_2539 = arith.constant 0 : i32
      %dma_wait3A_2540 = arith.constant 0 : i32
      %dma_wait3A_2541 = arith.constant 0 : i32
      %dma_wait3A_2542 = arith.constant 0 : i32
      %dma_wait3A_2543 = arith.constant 0 : i32
      %dma_wait3A_2544 = tpu.memref_slice %arg9[%dma_wait3A_2538, %dma_wait3A_2539, %dma_wait3A_2540, %dma_wait3A_2541, %dma_wait3A_2542, %dma_wait3A_2543] : memref<8x1x2x4x8x128xf32, #tpu.memory_space<vmem>> -> memref<1x1x1x4x8x128xf32, #tpu.memory_space<vmem>>
      %dma_wait3A_2545 = tpu.memref_squeeze %dma_wait3A_2544 : memref<1x1x1x4x8x128xf32, #tpu.memory_space<vmem>> -> memref<4x8x128xf32, #tpu.memory_space<vmem>>
      %dma_wait3A_2546 = tpu.memref_reshape %arg4 : memref<32x1000000xf32, #tpu.memory_space<hbm>> -> memref<4x8x1000000xf32, #tpu.memory_space<hbm>>
      %dma_wait3A_2547 = arith.constant 0 : i32
      %dma_wait3A_2548 = arith.constant 0 : i32
      %dma_wait3A_2549 = arith.constant 0 : i32
      %dma_wait3A_2550 = tpu.memref_slice %dma_wait3A_2546[%dma_wait3A_2547, %dma_wait3A_2548, %dma_wait3A_2549] : memref<4x8x1000000xf32, #tpu.memory_space<hbm>> -> memref<4x8x128xf32, #tpu.memory_space<hbm>>
      %dma_wait3A_2551 = arith.constant 0 : i32
      %dma_wait3A_2552 = arith.constant 0 : i32
      %dma_wait3A_2553 = arith.constant 0 : i32
      %dma_wait3A_2554 = tpu.memref_slice %arg9[%dma_wait3A_2538, %dma_wait3A_2539, %dma_wait3A_2540, %dma_wait3A_2551, %dma_wait3A_2552, %dma_wait3A_2553] : memref<8x1x2x4x8x128xf32, #tpu.memory_space<vmem>> -> memref<1x1x1x4x8x128xf32, #tpu.memory_space<vmem>>
      %dma_wait3A_2555 = tpu.memref_squeeze %dma_wait3A_2554 : memref<1x1x1x4x8x128xf32, #tpu.memory_space<vmem>> -> memref<4x8x128xf32, #tpu.memory_space<vmem>>
      %dma_wait3A_2556 = tpu.memref_reshape %arg4 : memref<32x1000000xf32, #tpu.memory_space<hbm>> -> memref<4x8x1000000xf32, #tpu.memory_space<hbm>>
      %dma_wait3A_2557 = arith.constant 0 : i32
      %dma_wait3A_2558 = arith.constant 0 : i32
      %dma_wait3A_2559 = arith.constant 0 : i32
      %dma_wait3A_2560 = tpu.memref_slice %dma_wait3A_2556[%dma_wait3A_2557, %dma_wait3A_2558, %dma_wait3A_2559] : memref<4x8x1000000xf32, #tpu.memory_space<hbm>> -> memref<4x8x128xf32, #tpu.memory_space<hbm>>
      tpu.wait_dma2 semaphore(%arg18 : memref<!tpu.dma_semaphore, #tpu.memory_space<semaphore_mem>>) src(%dma_wait3A_2560 : memref<4x8x128xf32, #tpu.memory_space<hbm>>) dst(%dma_wait3A_2555 : memref<4x8x128xf32, #tpu.memory_space<vmem>>)
      %slice3A_2561 = vector.extract_strided_slice %get3A_942 {offsets = [7], sizes = [1], strides = [1]} : vector<16xi32> to vector<1xi32>
      %squeeze3A_2562 = vector.extract %slice3A_2561[0] : i32 from vector<1xi32>
      %jit3A_2563 = arith.constant 128 : i32
      %eq3A_2564 = arith.constant 0 : i32
      %eq3A_2565 = arith.cmpi eq, %jit3A_2563, %eq3A_2564 : i32
      %jit3A_2566 = arith.constant 1 : i32
      %select_n3A_2567 = arith.select %eq3A_2565, %jit3A_2566, %jit3A_2563 : i32
      %rem3A_2568 = arith.remsi %squeeze3A_2562, %select_n3A_2567 : i32
      %ne3A_2569 = arith.constant 0 : i32
      %ne3A_2570 = arith.cmpi ne, %rem3A_2568, %ne3A_2569 : i32
      %lt3A_2571 = arith.constant 0 : i32
      %lt3A_2572 = arith.cmpi slt, %rem3A_2568, %lt3A_2571 : i32
      %lt3A_2573 = arith.constant 0 : i32
      %lt3A_2574 = arith.cmpi slt, %select_n3A_2567, %lt3A_2573 : i32
      %ne3A_2575 = arith.xori %lt3A_2572, %lt3A_2574 : i1
      %and3A_2576 = arith.andi %ne3A_2575, %ne3A_2570 : i1
      %add3A_2577 = arith.addi %rem3A_2568, %select_n3A_2567 : i32
      %select_n3A_2578 = arith.select %and3A_2576, %add3A_2577, %rem3A_2568 : i32
      %broadcast_in_dim3A_2579 = vector.broadcast %select_n3A_2578 : i32 to vector<16xi32>
      %slice3A_2580 = vector.extract_strided_slice %get3A_944 {offsets = [7], sizes = [1], strides = [1]} : vector<16xi32> to vector<1xi32>
      %squeeze3A_2581 = vector.extract %slice3A_2580[0] : i32 from vector<1xi32>
      %jit3A_2582 = arith.constant 128 : i32
      %eq3A_2583 = arith.constant 0 : i32
      %eq3A_2584 = arith.cmpi eq, %jit3A_2582, %eq3A_2583 : i32
      %jit3A_2585 = arith.constant 1 : i32
      %select_n3A_2586 = arith.select %eq3A_2584, %jit3A_2585, %jit3A_2582 : i32
      %rem3A_2587 = arith.remsi %squeeze3A_2581, %select_n3A_2586 : i32
      %ne3A_2588 = arith.constant 0 : i32
      %ne3A_2589 = arith.cmpi ne, %rem3A_2587, %ne3A_2588 : i32
      %lt3A_2590 = arith.constant 0 : i32
      %lt3A_2591 = arith.cmpi slt, %rem3A_2587, %lt3A_2590 : i32
      %lt3A_2592 = arith.constant 0 : i32
      %lt3A_2593 = arith.cmpi slt, %select_n3A_2586, %lt3A_2592 : i32
      %ne3A_2594 = arith.xori %lt3A_2591, %lt3A_2593 : i1
      %and3A_2595 = arith.andi %ne3A_2594, %ne3A_2589 : i1
      %add3A_2596 = arith.addi %rem3A_2587, %select_n3A_2586 : i32
      %select_n3A_2597 = arith.select %and3A_2595, %add3A_2596, %rem3A_2587 : i32
      %broadcast_in_dim3A_2598 = vector.broadcast %select_n3A_2597 : i32 to vector<16xi32>
      %broadcast_in_dim3A_2599 = arith.constant 7 : i32
      %broadcast_in_dim3A_2600 = vector.broadcast %broadcast_in_dim3A_2599 : i32 to vector<16xi32>
      %broadcast_in_dim3A_2601 = arith.constant 0 : i32
      %broadcast_in_dim3A_2602 = vector.broadcast %broadcast_in_dim3A_2601 : i32 to vector<16xi32>
      %broadcast_in_dim3A_2603 = arith.constant 0 : i32
      %broadcast_in_dim3A_2604 = vector.broadcast %broadcast_in_dim3A_2603 : i32 to vector<16xi32>
      %broadcast_in_dim3A_2605 = arith.constant 1 : i32
      %broadcast_in_dim3A_2606 = vector.broadcast %broadcast_in_dim3A_2605 : i32 to vector<16xi32>
      %gather3A_2607 = tpu.vector_load_idx %arg9[%broadcast_in_dim3A_2600, %broadcast_in_dim3A_2602, %broadcast_in_dim3A_2604, %select_n3A, %select_n3A_54, %broadcast_in_dim3A_2579] : memref<8x1x2x4x8x128xf32, #tpu.memory_space<vmem>>[vector<16xi32>, vector<16xi32>, vector<16xi32>, vector<16xi32>, vector<16xi32>, vector<16xi32>], vector<16xf32>,
      %gather3A_2608 = tpu.vector_load_idx %arg9[%broadcast_in_dim3A_2600, %broadcast_in_dim3A_2602, %broadcast_in_dim3A_2604, %add3A_34, %select_n3A_54, %broadcast_in_dim3A_2579] : memref<8x1x2x4x8x128xf32, #tpu.memory_space<vmem>>[vector<16xi32>, vector<16xi32>, vector<16xi32>, vector<16xi32>, vector<16xi32>, vector<16xi32>], vector<16xf32>,
      %gather3A_2609 = tpu.vector_load_idx %arg9[%broadcast_in_dim3A_2600, %broadcast_in_dim3A_2602, %broadcast_in_dim3A_2606, %select_n3A, %select_n3A_54, %broadcast_in_dim3A_2598] : memref<8x1x2x4x8x128xf32, #tpu.memory_space<vmem>>[vector<16xi32>, vector<16xi32>, vector<16xi32>, vector<16xi32>, vector<16xi32>, vector<16xi32>], vector<16xf32>,
      %gather3A_2610 = tpu.vector_load_idx %arg9[%broadcast_in_dim3A_2600, %broadcast_in_dim3A_2602, %broadcast_in_dim3A_2606, %add3A_34, %select_n3A_54, %broadcast_in_dim3A_2598] : memref<8x1x2x4x8x128xf32, #tpu.memory_space<vmem>>[vector<16xi32>, vector<16xi32>, vector<16xi32>, vector<16xi32>, vector<16xi32>, vector<16xi32>], vector<16xf32>,
      %mul3A_2611 = arith.mulf %gather3A_2607, %gather3A_2609 : vector<16xf32>
      %mul3A_2612 = arith.mulf %gather3A_2608, %gather3A_2610 : vector<16xf32>
      %add3A_2613 = arith.addf %mul3A_2611, %mul3A_2612 : vector<16xf32>
      %cumsum3A_2614 = arith.constant true
      %cumsum3A_2615 = vector.broadcast %cumsum3A_2614 : i1 to vector<16xi1>
      %cumsum3A_2616 = tpu.scan <sum>, %add3A_2613 masked %cumsum3A_2615 : vector<16xf32>, vector<16xi1> -> vector<16xf32>
      %mul3A_2617 = arith.constant 16 : i32
      %mul3A_2618 = arith.muli %scan3A_937, %mul3A_2617 : i32
      %add3A_2619 = arith.constant 7 : i32
      %add3A_2620 = arith.addi %mul3A_2618, %add3A_2619 : i32
      %add3A_2621 = arith.constant 0 : i32
      %add3A_2622 = arith.addi %add3A_2620, %add3A_2621 : i32
      %broadcast_in_dim3A_2623 = vector.broadcast %add3A_2622 : i32 to vector<16xi32>
      tpu.vector_store_idx %arg10[%broadcast_in_dim3A_2623], %cumsum3A_2616 masked %eq3A_57 : memref<512xf32, #tpu.memory_space<vmem>>[vector<16xi32>], vector<16xf32>, vector<16xi1>
      %slice3A_2624 = vector.extract_strided_slice %get3A_942 {offsets = [14], sizes = [1], strides = [1]} : vector<16xi32> to vector<1xi32>
      %squeeze3A_2625 = vector.extract %slice3A_2624[0] : i32 from vector<1xi32>
      %slice3A_2626 = vector.extract_strided_slice %get3A_944 {offsets = [14], sizes = [1], strides = [1]} : vector<16xi32> to vector<1xi32>
      %squeeze3A_2627 = vector.extract %slice3A_2626[0] : i32 from vector<1xi32>
      %jit3A_2628 = arith.constant 128 : i32
      %div3A_2629 = arith.divsi %squeeze3A_2625, %jit3A_2628 : i32
      %sign3A_2630 = arith.constant 0 : i32
      %sign3A_2631 = arith.cmpi sgt, %squeeze3A_2625, %sign3A_2630 : i32
      %sign3A_2632 = arith.extui %sign3A_2631 : i1 to i32
      %sign3A_2633 = arith.constant 0 : i32
      %sign3A_2634 = arith.cmpi slt, %squeeze3A_2625, %sign3A_2633 : i32
      %sign3A_2635 = arith.extui %sign3A_2634 : i1 to i32
      %sign3A_2636 = arith.subi %sign3A_2632, %sign3A_2635 : i32
      %sign3A_2637 = arith.constant 0 : i32
      %sign3A_2638 = arith.cmpi sgt, %jit3A_2628, %sign3A_2637 : i32
      %sign3A_2639 = arith.extui %sign3A_2638 : i1 to i32
      %sign3A_2640 = arith.constant 0 : i32
      %sign3A_2641 = arith.cmpi slt, %jit3A_2628, %sign3A_2640 : i32
      %sign3A_2642 = arith.extui %sign3A_2641 : i1 to i32
      %sign3A_2643 = arith.subi %sign3A_2639, %sign3A_2642 : i32
      %ne3A_2644 = arith.cmpi ne, %sign3A_2636, %sign3A_2643 : i32
      %rem3A_2645 = arith.remsi %squeeze3A_2625, %jit3A_2628 : i32
      %ne3A_2646 = arith.constant 0 : i32
      %ne3A_2647 = arith.cmpi ne, %rem3A_2645, %ne3A_2646 : i32
      %and3A_2648 = arith.andi %ne3A_2644, %ne3A_2647 : i1
      %sub3A_2649 = arith.constant 1 : i32
      %sub3A_2650 = arith.subi %div3A_2629, %sub3A_2649 : i32
      %select_n3A_2651 = arith.select %and3A_2648, %sub3A_2650, %div3A_2629 : i32
      %mul3A_2652 = arith.constant 128 : i32
      %mul3A_2653 = arith.muli %select_n3A_2651, %mul3A_2652 : i32
      %multiple_of3A_2654 = tpu.assume_multiple %mul3A_2653, 128 : i32
      %jit3A_2655 = arith.constant 128 : i32
      %div3A_2656 = arith.divsi %squeeze3A_2627, %jit3A_2655 : i32
      %sign3A_2657 = arith.constant 0 : i32
      %sign3A_2658 = arith.cmpi sgt, %squeeze3A_2627, %sign3A_2657 : i32
      %sign3A_2659 = arith.extui %sign3A_2658 : i1 to i32
      %sign3A_2660 = arith.constant 0 : i32
      %sign3A_2661 = arith.cmpi slt, %squeeze3A_2627, %sign3A_2660 : i32
      %sign3A_2662 = arith.extui %sign3A_2661 : i1 to i32
      %sign3A_2663 = arith.subi %sign3A_2659, %sign3A_2662 : i32
      %sign3A_2664 = arith.constant 0 : i32
      %sign3A_2665 = arith.cmpi sgt, %jit3A_2655, %sign3A_2664 : i32
      %sign3A_2666 = arith.extui %sign3A_2665 : i1 to i32
      %sign3A_2667 = arith.constant 0 : i32
      %sign3A_2668 = arith.cmpi slt, %jit3A_2655, %sign3A_2667 : i32
      %sign3A_2669 = arith.extui %sign3A_2668 : i1 to i32
      %sign3A_2670 = arith.subi %sign3A_2666, %sign3A_2669 : i32
      %ne3A_2671 = arith.cmpi ne, %sign3A_2663, %sign3A_2670 : i32
      %rem3A_2672 = arith.remsi %squeeze3A_2627, %jit3A_2655 : i32
      %ne3A_2673 = arith.constant 0 : i32
      %ne3A_2674 = arith.cmpi ne, %rem3A_2672, %ne3A_2673 : i32
      %and3A_2675 = arith.andi %ne3A_2671, %ne3A_2674 : i1
      %sub3A_2676 = arith.constant 1 : i32
      %sub3A_2677 = arith.subi %div3A_2656, %sub3A_2676 : i32
      %select_n3A_2678 = arith.select %and3A_2675, %sub3A_2677, %div3A_2656 : i32
      %mul3A_2679 = arith.constant 128 : i32
      %mul3A_2680 = arith.muli %select_n3A_2678, %mul3A_2679 : i32
      %multiple_of3A_2681 = tpu.assume_multiple %mul3A_2680, 128 : i32
      %dma_start3A_2682 = arith.constant 6 : i32
      %dma_start3A_2683 = arith.constant 0 : i32
      %dma_start3A_2684 = arith.constant 0 : i32
      %dma_start3A_2685 = arith.constant 0 : i32
      %dma_start3A_2686 = arith.constant 0 : i32
      %dma_start3A_2687 = arith.constant 0 : i32
      %dma_start3A_2688 = tpu.memref_slice %arg9[%dma_start3A_2682, %dma_start3A_2683, %dma_start3A_2684, %dma_start3A_2685, %dma_start3A_2686, %dma_start3A_2687] : memref<8x1x2x4x8x128xf32, #tpu.memory_space<vmem>> -> memref<1x1x1x4x8x128xf32, #tpu.memory_space<vmem>>
      %dma_start3A_2689 = tpu.memref_squeeze %dma_start3A_2688 : memref<1x1x1x4x8x128xf32, #tpu.memory_space<vmem>> -> memref<4x8x128xf32, #tpu.memory_space<vmem>>
      %dma_start3A_2690 = tpu.memref_reshape %arg4 : memref<32x1000000xf32, #tpu.memory_space<hbm>> -> memref<4x8x1000000xf32, #tpu.memory_space<hbm>>
      %dma_start3A_2691 = arith.constant 0 : i32
      %dma_start3A_2692 = arith.constant 0 : i32
      %dma_start3A_2693 = tpu.memref_slice %dma_start3A_2690[%dma_start3A_2691, %dma_start3A_2692, %multiple_of3A_2654] : memref<4x8x1000000xf32, #tpu.memory_space<hbm>> -> memref<4x8x128xf32, #tpu.memory_space<hbm>>
      %dma_start3A_2694 = arith.constant 0 : i32
      %dma_start3A_2695 = arith.constant 0 : i32
      %dma_start3A_2696 = arith.constant 0 : i32
      %dma_start3A_2697 = tpu.memref_slice %arg9[%dma_start3A_2682, %dma_start3A_2683, %dma_start3A_2684, %dma_start3A_2694, %dma_start3A_2695, %dma_start3A_2696] : memref<8x1x2x4x8x128xf32, #tpu.memory_space<vmem>> -> memref<1x1x1x4x8x128xf32, #tpu.memory_space<vmem>>
      %dma_start3A_2698 = tpu.memref_squeeze %dma_start3A_2697 : memref<1x1x1x4x8x128xf32, #tpu.memory_space<vmem>> -> memref<4x8x128xf32, #tpu.memory_space<vmem>>
      %dma_start3A_2699 = tpu.memref_reshape %arg4 : memref<32x1000000xf32, #tpu.memory_space<hbm>> -> memref<4x8x1000000xf32, #tpu.memory_space<hbm>>
      %dma_start3A_2700 = arith.constant 0 : i32
      %dma_start3A_2701 = arith.constant 0 : i32
      %dma_start3A_2702 = tpu.memref_slice %dma_start3A_2699[%dma_start3A_2700, %dma_start3A_2701, %multiple_of3A_2654] : memref<4x8x1000000xf32, #tpu.memory_space<hbm>> -> memref<4x8x128xf32, #tpu.memory_space<hbm>>
      tpu.enqueue_dma source(%dma_start3A_2702 : memref<4x8x128xf32, #tpu.memory_space<hbm>>) target(%dma_start3A_2698 : memref<4x8x128xf32, #tpu.memory_space<vmem>>) target_semaphore(%arg17 : memref<!tpu.dma_semaphore, #tpu.memory_space<semaphore_mem>>)
      %dma_start3A_2703 = arith.constant 6 : i32
      %dma_start3A_2704 = arith.constant 0 : i32
      %dma_start3A_2705 = arith.constant 1 : i32
      %dma_start3A_2706 = arith.constant 0 : i32
      %dma_start3A_2707 = arith.constant 0 : i32
      %dma_start3A_2708 = arith.constant 0 : i32
      %dma_start3A_2709 = tpu.memref_slice %arg9[%dma_start3A_2703, %dma_start3A_2704, %dma_start3A_2705, %dma_start3A_2706, %dma_start3A_2707, %dma_start3A_2708] : memref<8x1x2x4x8x128xf32, #tpu.memory_space<vmem>> -> memref<1x1x1x4x8x128xf32, #tpu.memory_space<vmem>>
      %dma_start3A_2710 = tpu.memref_squeeze %dma_start3A_2709 : memref<1x1x1x4x8x128xf32, #tpu.memory_space<vmem>> -> memref<4x8x128xf32, #tpu.memory_space<vmem>>
      %dma_start3A_2711 = tpu.memref_reshape %arg5 : memref<32x1000000xf32, #tpu.memory_space<hbm>> -> memref<4x8x1000000xf32, #tpu.memory_space<hbm>>
      %dma_start3A_2712 = arith.constant 0 : i32
      %dma_start3A_2713 = arith.constant 0 : i32
      %dma_start3A_2714 = tpu.memref_slice %dma_start3A_2711[%dma_start3A_2712, %dma_start3A_2713, %multiple_of3A_2681] : memref<4x8x1000000xf32, #tpu.memory_space<hbm>> -> memref<4x8x128xf32, #tpu.memory_space<hbm>>
      %dma_start3A_2715 = arith.constant 0 : i32
      %dma_start3A_2716 = arith.constant 0 : i32
      %dma_start3A_2717 = arith.constant 0 : i32
      %dma_start3A_2718 = tpu.memref_slice %arg9[%dma_start3A_2703, %dma_start3A_2704, %dma_start3A_2705, %dma_start3A_2715, %dma_start3A_2716, %dma_start3A_2717] : memref<8x1x2x4x8x128xf32, #tpu.memory_space<vmem>> -> memref<1x1x1x4x8x128xf32, #tpu.memory_space<vmem>>
      %dma_start3A_2719 = tpu.memref_squeeze %dma_start3A_2718 : memref<1x1x1x4x8x128xf32, #tpu.memory_space<vmem>> -> memref<4x8x128xf32, #tpu.memory_space<vmem>>
      %dma_start3A_2720 = tpu.memref_reshape %arg5 : memref<32x1000000xf32, #tpu.memory_space<hbm>> -> memref<4x8x1000000xf32, #tpu.memory_space<hbm>>
      %dma_start3A_2721 = arith.constant 0 : i32
      %dma_start3A_2722 = arith.constant 0 : i32
      %dma_start3A_2723 = tpu.memref_slice %dma_start3A_2720[%dma_start3A_2721, %dma_start3A_2722, %multiple_of3A_2681] : memref<4x8x1000000xf32, #tpu.memory_space<hbm>> -> memref<4x8x128xf32, #tpu.memory_space<hbm>>
      tpu.enqueue_dma source(%dma_start3A_2723 : memref<4x8x128xf32, #tpu.memory_space<hbm>>) target(%dma_start3A_2719 : memref<4x8x128xf32, #tpu.memory_space<vmem>>) target_semaphore(%arg17 : memref<!tpu.dma_semaphore, #tpu.memory_space<semaphore_mem>>)
      %dma_wait3A_2724 = arith.constant 0 : i32
      %dma_wait3A_2725 = arith.constant 0 : i32
      %dma_wait3A_2726 = arith.constant 0 : i32
      %dma_wait3A_2727 = arith.constant 0 : i32
      %dma_wait3A_2728 = arith.constant 0 : i32
      %dma_wait3A_2729 = arith.constant 0 : i32
      %dma_wait3A_2730 = tpu.memref_slice %arg9[%dma_wait3A_2724, %dma_wait3A_2725, %dma_wait3A_2726, %dma_wait3A_2727, %dma_wait3A_2728, %dma_wait3A_2729] : memref<8x1x2x4x8x128xf32, #tpu.memory_space<vmem>> -> memref<1x1x1x4x8x128xf32, #tpu.memory_space<vmem>>
      %dma_wait3A_2731 = tpu.memref_squeeze %dma_wait3A_2730 : memref<1x1x1x4x8x128xf32, #tpu.memory_space<vmem>> -> memref<4x8x128xf32, #tpu.memory_space<vmem>>
      %dma_wait3A_2732 = tpu.memref_reshape %arg4 : memref<32x1000000xf32, #tpu.memory_space<hbm>> -> memref<4x8x1000000xf32, #tpu.memory_space<hbm>>
      %dma_wait3A_2733 = arith.constant 0 : i32
      %dma_wait3A_2734 = arith.constant 0 : i32
      %dma_wait3A_2735 = arith.constant 0 : i32
      %dma_wait3A_2736 = tpu.memref_slice %dma_wait3A_2732[%dma_wait3A_2733, %dma_wait3A_2734, %dma_wait3A_2735] : memref<4x8x1000000xf32, #tpu.memory_space<hbm>> -> memref<4x8x128xf32, #tpu.memory_space<hbm>>
      %dma_wait3A_2737 = arith.constant 0 : i32
      %dma_wait3A_2738 = arith.constant 0 : i32
      %dma_wait3A_2739 = arith.constant 0 : i32
      %dma_wait3A_2740 = tpu.memref_slice %arg9[%dma_wait3A_2724, %dma_wait3A_2725, %dma_wait3A_2726, %dma_wait3A_2737, %dma_wait3A_2738, %dma_wait3A_2739] : memref<8x1x2x4x8x128xf32, #tpu.memory_space<vmem>> -> memref<1x1x1x4x8x128xf32, #tpu.memory_space<vmem>>
      %dma_wait3A_2741 = tpu.memref_squeeze %dma_wait3A_2740 : memref<1x1x1x4x8x128xf32, #tpu.memory_space<vmem>> -> memref<4x8x128xf32, #tpu.memory_space<vmem>>
      %dma_wait3A_2742 = tpu.memref_reshape %arg4 : memref<32x1000000xf32, #tpu.memory_space<hbm>> -> memref<4x8x1000000xf32, #tpu.memory_space<hbm>>
      %dma_wait3A_2743 = arith.constant 0 : i32
      %dma_wait3A_2744 = arith.constant 0 : i32
      %dma_wait3A_2745 = arith.constant 0 : i32
      %dma_wait3A_2746 = tpu.memref_slice %dma_wait3A_2742[%dma_wait3A_2743, %dma_wait3A_2744, %dma_wait3A_2745] : memref<4x8x1000000xf32, #tpu.memory_space<hbm>> -> memref<4x8x128xf32, #tpu.memory_space<hbm>>
      tpu.wait_dma2 semaphore(%arg11 : memref<!tpu.dma_semaphore, #tpu.memory_space<semaphore_mem>>) src(%dma_wait3A_2746 : memref<4x8x128xf32, #tpu.memory_space<hbm>>) dst(%dma_wait3A_2741 : memref<4x8x128xf32, #tpu.memory_space<vmem>>)
      %dma_wait3A_2747 = arith.constant 0 : i32
      %dma_wait3A_2748 = arith.constant 0 : i32
      %dma_wait3A_2749 = arith.constant 0 : i32
      %dma_wait3A_2750 = arith.constant 0 : i32
      %dma_wait3A_2751 = arith.constant 0 : i32
      %dma_wait3A_2752 = arith.constant 0 : i32
      %dma_wait3A_2753 = tpu.memref_slice %arg9[%dma_wait3A_2747, %dma_wait3A_2748, %dma_wait3A_2749, %dma_wait3A_2750, %dma_wait3A_2751, %dma_wait3A_2752] : memref<8x1x2x4x8x128xf32, #tpu.memory_space<vmem>> -> memref<1x1x1x4x8x128xf32, #tpu.memory_space<vmem>>
      %dma_wait3A_2754 = tpu.memref_squeeze %dma_wait3A_2753 : memref<1x1x1x4x8x128xf32, #tpu.memory_space<vmem>> -> memref<4x8x128xf32, #tpu.memory_space<vmem>>
      %dma_wait3A_2755 = tpu.memref_reshape %arg4 : memref<32x1000000xf32, #tpu.memory_space<hbm>> -> memref<4x8x1000000xf32, #tpu.memory_space<hbm>>
      %dma_wait3A_2756 = arith.constant 0 : i32
      %dma_wait3A_2757 = arith.constant 0 : i32
      %dma_wait3A_2758 = arith.constant 0 : i32
      %dma_wait3A_2759 = tpu.memref_slice %dma_wait3A_2755[%dma_wait3A_2756, %dma_wait3A_2757, %dma_wait3A_2758] : memref<4x8x1000000xf32, #tpu.memory_space<hbm>> -> memref<4x8x128xf32, #tpu.memory_space<hbm>>
      %dma_wait3A_2760 = arith.constant 0 : i32
      %dma_wait3A_2761 = arith.constant 0 : i32
      %dma_wait3A_2762 = arith.constant 0 : i32
      %dma_wait3A_2763 = tpu.memref_slice %arg9[%dma_wait3A_2747, %dma_wait3A_2748, %dma_wait3A_2749, %dma_wait3A_2760, %dma_wait3A_2761, %dma_wait3A_2762] : memref<8x1x2x4x8x128xf32, #tpu.memory_space<vmem>> -> memref<1x1x1x4x8x128xf32, #tpu.memory_space<vmem>>
      %dma_wait3A_2764 = tpu.memref_squeeze %dma_wait3A_2763 : memref<1x1x1x4x8x128xf32, #tpu.memory_space<vmem>> -> memref<4x8x128xf32, #tpu.memory_space<vmem>>
      %dma_wait3A_2765 = tpu.memref_reshape %arg4 : memref<32x1000000xf32, #tpu.memory_space<hbm>> -> memref<4x8x1000000xf32, #tpu.memory_space<hbm>>
      %dma_wait3A_2766 = arith.constant 0 : i32
      %dma_wait3A_2767 = arith.constant 0 : i32
      %dma_wait3A_2768 = arith.constant 0 : i32
      %dma_wait3A_2769 = tpu.memref_slice %dma_wait3A_2765[%dma_wait3A_2766, %dma_wait3A_2767, %dma_wait3A_2768] : memref<4x8x1000000xf32, #tpu.memory_space<hbm>> -> memref<4x8x128xf32, #tpu.memory_space<hbm>>
      tpu.wait_dma2 semaphore(%arg11 : memref<!tpu.dma_semaphore, #tpu.memory_space<semaphore_mem>>) src(%dma_wait3A_2769 : memref<4x8x128xf32, #tpu.memory_space<hbm>>) dst(%dma_wait3A_2764 : memref<4x8x128xf32, #tpu.memory_space<vmem>>)
      %slice3A_2770 = vector.extract_strided_slice %get3A_942 {offsets = [8], sizes = [1], strides = [1]} : vector<16xi32> to vector<1xi32>
      %squeeze3A_2771 = vector.extract %slice3A_2770[0] : i32 from vector<1xi32>
      %jit3A_2772 = arith.constant 128 : i32
      %eq3A_2773 = arith.constant 0 : i32
      %eq3A_2774 = arith.cmpi eq, %jit3A_2772, %eq3A_2773 : i32
      %jit3A_2775 = arith.constant 1 : i32
      %select_n3A_2776 = arith.select %eq3A_2774, %jit3A_2775, %jit3A_2772 : i32
      %rem3A_2777 = arith.remsi %squeeze3A_2771, %select_n3A_2776 : i32
      %ne3A_2778 = arith.constant 0 : i32
      %ne3A_2779 = arith.cmpi ne, %rem3A_2777, %ne3A_2778 : i32
      %lt3A_2780 = arith.constant 0 : i32
      %lt3A_2781 = arith.cmpi slt, %rem3A_2777, %lt3A_2780 : i32
      %lt3A_2782 = arith.constant 0 : i32
      %lt3A_2783 = arith.cmpi slt, %select_n3A_2776, %lt3A_2782 : i32
      %ne3A_2784 = arith.xori %lt3A_2781, %lt3A_2783 : i1
      %and3A_2785 = arith.andi %ne3A_2784, %ne3A_2779 : i1
      %add3A_2786 = arith.addi %rem3A_2777, %select_n3A_2776 : i32
      %select_n3A_2787 = arith.select %and3A_2785, %add3A_2786, %rem3A_2777 : i32
      %broadcast_in_dim3A_2788 = vector.broadcast %select_n3A_2787 : i32 to vector<16xi32>
      %slice3A_2789 = vector.extract_strided_slice %get3A_944 {offsets = [8], sizes = [1], strides = [1]} : vector<16xi32> to vector<1xi32>
      %squeeze3A_2790 = vector.extract %slice3A_2789[0] : i32 from vector<1xi32>
      %jit3A_2791 = arith.constant 128 : i32
      %eq3A_2792 = arith.constant 0 : i32
      %eq3A_2793 = arith.cmpi eq, %jit3A_2791, %eq3A_2792 : i32
      %jit3A_2794 = arith.constant 1 : i32
      %select_n3A_2795 = arith.select %eq3A_2793, %jit3A_2794, %jit3A_2791 : i32
      %rem3A_2796 = arith.remsi %squeeze3A_2790, %select_n3A_2795 : i32
      %ne3A_2797 = arith.constant 0 : i32
      %ne3A_2798 = arith.cmpi ne, %rem3A_2796, %ne3A_2797 : i32
      %lt3A_2799 = arith.constant 0 : i32
      %lt3A_2800 = arith.cmpi slt, %rem3A_2796, %lt3A_2799 : i32
      %lt3A_2801 = arith.constant 0 : i32
      %lt3A_2802 = arith.cmpi slt, %select_n3A_2795, %lt3A_2801 : i32
      %ne3A_2803 = arith.xori %lt3A_2800, %lt3A_2802 : i1
      %and3A_2804 = arith.andi %ne3A_2803, %ne3A_2798 : i1
      %add3A_2805 = arith.addi %rem3A_2796, %select_n3A_2795 : i32
      %select_n3A_2806 = arith.select %and3A_2804, %add3A_2805, %rem3A_2796 : i32
      %broadcast_in_dim3A_2807 = vector.broadcast %select_n3A_2806 : i32 to vector<16xi32>
      %broadcast_in_dim3A_2808 = arith.constant 0 : i32
      %broadcast_in_dim3A_2809 = vector.broadcast %broadcast_in_dim3A_2808 : i32 to vector<16xi32>
      %broadcast_in_dim3A_2810 = arith.constant 0 : i32
      %broadcast_in_dim3A_2811 = vector.broadcast %broadcast_in_dim3A_2810 : i32 to vector<16xi32>
      %broadcast_in_dim3A_2812 = arith.constant 0 : i32
      %broadcast_in_dim3A_2813 = vector.broadcast %broadcast_in_dim3A_2812 : i32 to vector<16xi32>
      %broadcast_in_dim3A_2814 = arith.constant 1 : i32
      %broadcast_in_dim3A_2815 = vector.broadcast %broadcast_in_dim3A_2814 : i32 to vector<16xi32>
      %gather3A_2816 = tpu.vector_load_idx %arg9[%broadcast_in_dim3A_2809, %broadcast_in_dim3A_2811, %broadcast_in_dim3A_2813, %select_n3A, %select_n3A_54, %broadcast_in_dim3A_2788] : memref<8x1x2x4x8x128xf32, #tpu.memory_space<vmem>>[vector<16xi32>, vector<16xi32>, vector<16xi32>, vector<16xi32>, vector<16xi32>, vector<16xi32>], vector<16xf32>,
      %gather3A_2817 = tpu.vector_load_idx %arg9[%broadcast_in_dim3A_2809, %broadcast_in_dim3A_2811, %broadcast_in_dim3A_2813, %add3A_34, %select_n3A_54, %broadcast_in_dim3A_2788] : memref<8x1x2x4x8x128xf32, #tpu.memory_space<vmem>>[vector<16xi32>, vector<16xi32>, vector<16xi32>, vector<16xi32>, vector<16xi32>, vector<16xi32>], vector<16xf32>,
      %gather3A_2818 = tpu.vector_load_idx %arg9[%broadcast_in_dim3A_2809, %broadcast_in_dim3A_2811, %broadcast_in_dim3A_2815, %select_n3A, %select_n3A_54, %broadcast_in_dim3A_2807] : memref<8x1x2x4x8x128xf32, #tpu.memory_space<vmem>>[vector<16xi32>, vector<16xi32>, vector<16xi32>, vector<16xi32>, vector<16xi32>, vector<16xi32>], vector<16xf32>,
      %gather3A_2819 = tpu.vector_load_idx %arg9[%broadcast_in_dim3A_2809, %broadcast_in_dim3A_2811, %broadcast_in_dim3A_2815, %add3A_34, %select_n3A_54, %broadcast_in_dim3A_2807] : memref<8x1x2x4x8x128xf32, #tpu.memory_space<vmem>>[vector<16xi32>, vector<16xi32>, vector<16xi32>, vector<16xi32>, vector<16xi32>, vector<16xi32>], vector<16xf32>,
      %mul3A_2820 = arith.mulf %gather3A_2816, %gather3A_2818 : vector<16xf32>
      %mul3A_2821 = arith.mulf %gather3A_2817, %gather3A_2819 : vector<16xf32>
      %add3A_2822 = arith.addf %mul3A_2820, %mul3A_2821 : vector<16xf32>
      %cumsum3A_2823 = arith.constant true
      %cumsum3A_2824 = vector.broadcast %cumsum3A_2823 : i1 to vector<16xi1>
      %cumsum3A_2825 = tpu.scan <sum>, %add3A_2822 masked %cumsum3A_2824 : vector<16xf32>, vector<16xi1> -> vector<16xf32>
      %mul3A_2826 = arith.constant 16 : i32
      %mul3A_2827 = arith.muli %scan3A_937, %mul3A_2826 : i32
      %add3A_2828 = arith.constant 8 : i32
      %add3A_2829 = arith.addi %mul3A_2827, %add3A_2828 : i32
      %add3A_2830 = arith.constant 0 : i32
      %add3A_2831 = arith.addi %add3A_2829, %add3A_2830 : i32
      %broadcast_in_dim3A_2832 = vector.broadcast %add3A_2831 : i32 to vector<16xi32>
      tpu.vector_store_idx %arg10[%broadcast_in_dim3A_2832], %cumsum3A_2825 masked %eq3A_57 : memref<512xf32, #tpu.memory_space<vmem>>[vector<16xi32>], vector<16xf32>, vector<16xi1>
      %slice3A_2833 = vector.extract_strided_slice %get3A_942 {offsets = [15], sizes = [1], strides = [1]} : vector<16xi32> to vector<1xi32>
      %squeeze3A_2834 = vector.extract %slice3A_2833[0] : i32 from vector<1xi32>
      %slice3A_2835 = vector.extract_strided_slice %get3A_944 {offsets = [15], sizes = [1], strides = [1]} : vector<16xi32> to vector<1xi32>
      %squeeze3A_2836 = vector.extract %slice3A_2835[0] : i32 from vector<1xi32>
      %jit3A_2837 = arith.constant 128 : i32
      %div3A_2838 = arith.divsi %squeeze3A_2834, %jit3A_2837 : i32
      %sign3A_2839 = arith.constant 0 : i32
      %sign3A_2840 = arith.cmpi sgt, %squeeze3A_2834, %sign3A_2839 : i32
      %sign3A_2841 = arith.extui %sign3A_2840 : i1 to i32
      %sign3A_2842 = arith.constant 0 : i32
      %sign3A_2843 = arith.cmpi slt, %squeeze3A_2834, %sign3A_2842 : i32
      %sign3A_2844 = arith.extui %sign3A_2843 : i1 to i32
      %sign3A_2845 = arith.subi %sign3A_2841, %sign3A_2844 : i32
      %sign3A_2846 = arith.constant 0 : i32
      %sign3A_2847 = arith.cmpi sgt, %jit3A_2837, %sign3A_2846 : i32
      %sign3A_2848 = arith.extui %sign3A_2847 : i1 to i32
      %sign3A_2849 = arith.constant 0 : i32
      %sign3A_2850 = arith.cmpi slt, %jit3A_2837, %sign3A_2849 : i32
      %sign3A_2851 = arith.extui %sign3A_2850 : i1 to i32
      %sign3A_2852 = arith.subi %sign3A_2848, %sign3A_2851 : i32
      %ne3A_2853 = arith.cmpi ne, %sign3A_2845, %sign3A_2852 : i32
      %rem3A_2854 = arith.remsi %squeeze3A_2834, %jit3A_2837 : i32
      %ne3A_2855 = arith.constant 0 : i32
      %ne3A_2856 = arith.cmpi ne, %rem3A_2854, %ne3A_2855 : i32
      %and3A_2857 = arith.andi %ne3A_2853, %ne3A_2856 : i1
      %sub3A_2858 = arith.constant 1 : i32
      %sub3A_2859 = arith.subi %div3A_2838, %sub3A_2858 : i32
      %select_n3A_2860 = arith.select %and3A_2857, %sub3A_2859, %div3A_2838 : i32
      %mul3A_2861 = arith.constant 128 : i32
      %mul3A_2862 = arith.muli %select_n3A_2860, %mul3A_2861 : i32
      %multiple_of3A_2863 = tpu.assume_multiple %mul3A_2862, 128 : i32
      %jit3A_2864 = arith.constant 128 : i32
      %div3A_2865 = arith.divsi %squeeze3A_2836, %jit3A_2864 : i32
      %sign3A_2866 = arith.constant 0 : i32
      %sign3A_2867 = arith.cmpi sgt, %squeeze3A_2836, %sign3A_2866 : i32
      %sign3A_2868 = arith.extui %sign3A_2867 : i1 to i32
      %sign3A_2869 = arith.constant 0 : i32
      %sign3A_2870 = arith.cmpi slt, %squeeze3A_2836, %sign3A_2869 : i32
      %sign3A_2871 = arith.extui %sign3A_2870 : i1 to i32
      %sign3A_2872 = arith.subi %sign3A_2868, %sign3A_2871 : i32
      %sign3A_2873 = arith.constant 0 : i32
      %sign3A_2874 = arith.cmpi sgt, %jit3A_2864, %sign3A_2873 : i32
      %sign3A_2875 = arith.extui %sign3A_2874 : i1 to i32
      %sign3A_2876 = arith.constant 0 : i32
      %sign3A_2877 = arith.cmpi slt, %jit3A_2864, %sign3A_2876 : i32
      %sign3A_2878 = arith.extui %sign3A_2877 : i1 to i32
      %sign3A_2879 = arith.subi %sign3A_2875, %sign3A_2878 : i32
      %ne3A_2880 = arith.cmpi ne, %sign3A_2872, %sign3A_2879 : i32
      %rem3A_2881 = arith.remsi %squeeze3A_2836, %jit3A_2864 : i32
      %ne3A_2882 = arith.constant 0 : i32
      %ne3A_2883 = arith.cmpi ne, %rem3A_2881, %ne3A_2882 : i32
      %and3A_2884 = arith.andi %ne3A_2880, %ne3A_2883 : i1
      %sub3A_2885 = arith.constant 1 : i32
      %sub3A_2886 = arith.subi %div3A_2865, %sub3A_2885 : i32
      %select_n3A_2887 = arith.select %and3A_2884, %sub3A_2886, %div3A_2865 : i32
      %mul3A_2888 = arith.constant 128 : i32
      %mul3A_2889 = arith.muli %select_n3A_2887, %mul3A_2888 : i32
      %multiple_of3A_2890 = tpu.assume_multiple %mul3A_2889, 128 : i32
      %dma_start3A_2891 = arith.constant 7 : i32
      %dma_start3A_2892 = arith.constant 0 : i32
      %dma_start3A_2893 = arith.constant 0 : i32
      %dma_start3A_2894 = arith.constant 0 : i32
      %dma_start3A_2895 = arith.constant 0 : i32
      %dma_start3A_2896 = arith.constant 0 : i32
      %dma_start3A_2897 = tpu.memref_slice %arg9[%dma_start3A_2891, %dma_start3A_2892, %dma_start3A_2893, %dma_start3A_2894, %dma_start3A_2895, %dma_start3A_2896] : memref<8x1x2x4x8x128xf32, #tpu.memory_space<vmem>> -> memref<1x1x1x4x8x128xf32, #tpu.memory_space<vmem>>
      %dma_start3A_2898 = tpu.memref_squeeze %dma_start3A_2897 : memref<1x1x1x4x8x128xf32, #tpu.memory_space<vmem>> -> memref<4x8x128xf32, #tpu.memory_space<vmem>>
      %dma_start3A_2899 = tpu.memref_reshape %arg4 : memref<32x1000000xf32, #tpu.memory_space<hbm>> -> memref<4x8x1000000xf32, #tpu.memory_space<hbm>>
      %dma_start3A_2900 = arith.constant 0 : i32
      %dma_start3A_2901 = arith.constant 0 : i32
      %dma_start3A_2902 = tpu.memref_slice %dma_start3A_2899[%dma_start3A_2900, %dma_start3A_2901, %multiple_of3A_2863] : memref<4x8x1000000xf32, #tpu.memory_space<hbm>> -> memref<4x8x128xf32, #tpu.memory_space<hbm>>
      %dma_start3A_2903 = arith.constant 0 : i32
      %dma_start3A_2904 = arith.constant 0 : i32
      %dma_start3A_2905 = arith.constant 0 : i32
      %dma_start3A_2906 = tpu.memref_slice %arg9[%dma_start3A_2891, %dma_start3A_2892, %dma_start3A_2893, %dma_start3A_2903, %dma_start3A_2904, %dma_start3A_2905] : memref<8x1x2x4x8x128xf32, #tpu.memory_space<vmem>> -> memref<1x1x1x4x8x128xf32, #tpu.memory_space<vmem>>
      %dma_start3A_2907 = tpu.memref_squeeze %dma_start3A_2906 : memref<1x1x1x4x8x128xf32, #tpu.memory_space<vmem>> -> memref<4x8x128xf32, #tpu.memory_space<vmem>>
      %dma_start3A_2908 = tpu.memref_reshape %arg4 : memref<32x1000000xf32, #tpu.memory_space<hbm>> -> memref<4x8x1000000xf32, #tpu.memory_space<hbm>>
      %dma_start3A_2909 = arith.constant 0 : i32
      %dma_start3A_2910 = arith.constant 0 : i32
      %dma_start3A_2911 = tpu.memref_slice %dma_start3A_2908[%dma_start3A_2909, %dma_start3A_2910, %multiple_of3A_2863] : memref<4x8x1000000xf32, #tpu.memory_space<hbm>> -> memref<4x8x128xf32, #tpu.memory_space<hbm>>
      tpu.enqueue_dma source(%dma_start3A_2911 : memref<4x8x128xf32, #tpu.memory_space<hbm>>) target(%dma_start3A_2907 : memref<4x8x128xf32, #tpu.memory_space<vmem>>) target_semaphore(%arg18 : memref<!tpu.dma_semaphore, #tpu.memory_space<semaphore_mem>>)
      %dma_start3A_2912 = arith.constant 7 : i32
      %dma_start3A_2913 = arith.constant 0 : i32
      %dma_start3A_2914 = arith.constant 1 : i32
      %dma_start3A_2915 = arith.constant 0 : i32
      %dma_start3A_2916 = arith.constant 0 : i32
      %dma_start3A_2917 = arith.constant 0 : i32
      %dma_start3A_2918 = tpu.memref_slice %arg9[%dma_start3A_2912, %dma_start3A_2913, %dma_start3A_2914, %dma_start3A_2915, %dma_start3A_2916, %dma_start3A_2917] : memref<8x1x2x4x8x128xf32, #tpu.memory_space<vmem>> -> memref<1x1x1x4x8x128xf32, #tpu.memory_space<vmem>>
      %dma_start3A_2919 = tpu.memref_squeeze %dma_start3A_2918 : memref<1x1x1x4x8x128xf32, #tpu.memory_space<vmem>> -> memref<4x8x128xf32, #tpu.memory_space<vmem>>
      %dma_start3A_2920 = tpu.memref_reshape %arg5 : memref<32x1000000xf32, #tpu.memory_space<hbm>> -> memref<4x8x1000000xf32, #tpu.memory_space<hbm>>
      %dma_start3A_2921 = arith.constant 0 : i32
      %dma_start3A_2922 = arith.constant 0 : i32
      %dma_start3A_2923 = tpu.memref_slice %dma_start3A_2920[%dma_start3A_2921, %dma_start3A_2922, %multiple_of3A_2890] : memref<4x8x1000000xf32, #tpu.memory_space<hbm>> -> memref<4x8x128xf32, #tpu.memory_space<hbm>>
      %dma_start3A_2924 = arith.constant 0 : i32
      %dma_start3A_2925 = arith.constant 0 : i32
      %dma_start3A_2926 = arith.constant 0 : i32
      %dma_start3A_2927 = tpu.memref_slice %arg9[%dma_start3A_2912, %dma_start3A_2913, %dma_start3A_2914, %dma_start3A_2924, %dma_start3A_2925, %dma_start3A_2926] : memref<8x1x2x4x8x128xf32, #tpu.memory_space<vmem>> -> memref<1x1x1x4x8x128xf32, #tpu.memory_space<vmem>>
      %dma_start3A_2928 = tpu.memref_squeeze %dma_start3A_2927 : memref<1x1x1x4x8x128xf32, #tpu.memory_space<vmem>> -> memref<4x8x128xf32, #tpu.memory_space<vmem>>
      %dma_start3A_2929 = tpu.memref_reshape %arg5 : memref<32x1000000xf32, #tpu.memory_space<hbm>> -> memref<4x8x1000000xf32, #tpu.memory_space<hbm>>
      %dma_start3A_2930 = arith.constant 0 : i32
      %dma_start3A_2931 = arith.constant 0 : i32
      %dma_start3A_2932 = tpu.memref_slice %dma_start3A_2929[%dma_start3A_2930, %dma_start3A_2931, %multiple_of3A_2890] : memref<4x8x1000000xf32, #tpu.memory_space<hbm>> -> memref<4x8x128xf32, #tpu.memory_space<hbm>>
      tpu.enqueue_dma source(%dma_start3A_2932 : memref<4x8x128xf32, #tpu.memory_space<hbm>>) target(%dma_start3A_2928 : memref<4x8x128xf32, #tpu.memory_space<vmem>>) target_semaphore(%arg18 : memref<!tpu.dma_semaphore, #tpu.memory_space<semaphore_mem>>)
      %dma_wait3A_2933 = arith.constant 0 : i32
      %dma_wait3A_2934 = arith.constant 0 : i32
      %dma_wait3A_2935 = arith.constant 0 : i32
      %dma_wait3A_2936 = arith.constant 0 : i32
      %dma_wait3A_2937 = arith.constant 0 : i32
      %dma_wait3A_2938 = arith.constant 0 : i32
      %dma_wait3A_2939 = tpu.memref_slice %arg9[%dma_wait3A_2933, %dma_wait3A_2934, %dma_wait3A_2935, %dma_wait3A_2936, %dma_wait3A_2937, %dma_wait3A_2938] : memref<8x1x2x4x8x128xf32, #tpu.memory_space<vmem>> -> memref<1x1x1x4x8x128xf32, #tpu.memory_space<vmem>>
      %dma_wait3A_2940 = tpu.memref_squeeze %dma_wait3A_2939 : memref<1x1x1x4x8x128xf32, #tpu.memory_space<vmem>> -> memref<4x8x128xf32, #tpu.memory_space<vmem>>
      %dma_wait3A_2941 = tpu.memref_reshape %arg4 : memref<32x1000000xf32, #tpu.memory_space<hbm>> -> memref<4x8x1000000xf32, #tpu.memory_space<hbm>>
      %dma_wait3A_2942 = arith.constant 0 : i32
      %dma_wait3A_2943 = arith.constant 0 : i32
      %dma_wait3A_2944 = arith.constant 0 : i32
      %dma_wait3A_2945 = tpu.memref_slice %dma_wait3A_2941[%dma_wait3A_2942, %dma_wait3A_2943, %dma_wait3A_2944] : memref<4x8x1000000xf32, #tpu.memory_space<hbm>> -> memref<4x8x128xf32, #tpu.memory_space<hbm>>
      %dma_wait3A_2946 = arith.constant 0 : i32
      %dma_wait3A_2947 = arith.constant 0 : i32
      %dma_wait3A_2948 = arith.constant 0 : i32
      %dma_wait3A_2949 = tpu.memref_slice %arg9[%dma_wait3A_2933, %dma_wait3A_2934, %dma_wait3A_2935, %dma_wait3A_2946, %dma_wait3A_2947, %dma_wait3A_2948] : memref<8x1x2x4x8x128xf32, #tpu.memory_space<vmem>> -> memref<1x1x1x4x8x128xf32, #tpu.memory_space<vmem>>
      %dma_wait3A_2950 = tpu.memref_squeeze %dma_wait3A_2949 : memref<1x1x1x4x8x128xf32, #tpu.memory_space<vmem>> -> memref<4x8x128xf32, #tpu.memory_space<vmem>>
      %dma_wait3A_2951 = tpu.memref_reshape %arg4 : memref<32x1000000xf32, #tpu.memory_space<hbm>> -> memref<4x8x1000000xf32, #tpu.memory_space<hbm>>
      %dma_wait3A_2952 = arith.constant 0 : i32
      %dma_wait3A_2953 = arith.constant 0 : i32
      %dma_wait3A_2954 = arith.constant 0 : i32
      %dma_wait3A_2955 = tpu.memref_slice %dma_wait3A_2951[%dma_wait3A_2952, %dma_wait3A_2953, %dma_wait3A_2954] : memref<4x8x1000000xf32, #tpu.memory_space<hbm>> -> memref<4x8x128xf32, #tpu.memory_space<hbm>>
      tpu.wait_dma2 semaphore(%arg12 : memref<!tpu.dma_semaphore, #tpu.memory_space<semaphore_mem>>) src(%dma_wait3A_2955 : memref<4x8x128xf32, #tpu.memory_space<hbm>>) dst(%dma_wait3A_2950 : memref<4x8x128xf32, #tpu.memory_space<vmem>>)
      %dma_wait3A_2956 = arith.constant 0 : i32
      %dma_wait3A_2957 = arith.constant 0 : i32
      %dma_wait3A_2958 = arith.constant 0 : i32
      %dma_wait3A_2959 = arith.constant 0 : i32
      %dma_wait3A_2960 = arith.constant 0 : i32
      %dma_wait3A_2961 = arith.constant 0 : i32
      %dma_wait3A_2962 = tpu.memref_slice %arg9[%dma_wait3A_2956, %dma_wait3A_2957, %dma_wait3A_2958, %dma_wait3A_2959, %dma_wait3A_2960, %dma_wait3A_2961] : memref<8x1x2x4x8x128xf32, #tpu.memory_space<vmem>> -> memref<1x1x1x4x8x128xf32, #tpu.memory_space<vmem>>
      %dma_wait3A_2963 = tpu.memref_squeeze %dma_wait3A_2962 : memref<1x1x1x4x8x128xf32, #tpu.memory_space<vmem>> -> memref<4x8x128xf32, #tpu.memory_space<vmem>>
      %dma_wait3A_2964 = tpu.memref_reshape %arg4 : memref<32x1000000xf32, #tpu.memory_space<hbm>> -> memref<4x8x1000000xf32, #tpu.memory_space<hbm>>
      %dma_wait3A_2965 = arith.constant 0 : i32
      %dma_wait3A_2966 = arith.constant 0 : i32
      %dma_wait3A_2967 = arith.constant 0 : i32
      %dma_wait3A_2968 = tpu.memref_slice %dma_wait3A_2964[%dma_wait3A_2965, %dma_wait3A_2966, %dma_wait3A_2967] : memref<4x8x1000000xf32, #tpu.memory_space<hbm>> -> memref<4x8x128xf32, #tpu.memory_space<hbm>>
      %dma_wait3A_2969 = arith.constant 0 : i32
      %dma_wait3A_2970 = arith.constant 0 : i32
      %dma_wait3A_2971 = arith.constant 0 : i32
      %dma_wait3A_2972 = tpu.memref_slice %arg9[%dma_wait3A_2956, %dma_wait3A_2957, %dma_wait3A_2958, %dma_wait3A_2969, %dma_wait3A_2970, %dma_wait3A_2971] : memref<8x1x2x4x8x128xf32, #tpu.memory_space<vmem>> -> memref<1x1x1x4x8x128xf32, #tpu.memory_space<vmem>>
      %dma_wait3A_2973 = tpu.memref_squeeze %dma_wait3A_2972 : memref<1x1x1x4x8x128xf32, #tpu.memory_space<vmem>> -> memref<4x8x128xf32, #tpu.memory_space<vmem>>
      %dma_wait3A_2974 = tpu.memref_reshape %arg4 : memref<32x1000000xf32, #tpu.memory_space<hbm>> -> memref<4x8x1000000xf32, #tpu.memory_space<hbm>>
      %dma_wait3A_2975 = arith.constant 0 : i32
      %dma_wait3A_2976 = arith.constant 0 : i32
      %dma_wait3A_2977 = arith.constant 0 : i32
      %dma_wait3A_2978 = tpu.memref_slice %dma_wait3A_2974[%dma_wait3A_2975, %dma_wait3A_2976, %dma_wait3A_2977] : memref<4x8x1000000xf32, #tpu.memory_space<hbm>> -> memref<4x8x128xf32, #tpu.memory_space<hbm>>
      tpu.wait_dma2 semaphore(%arg12 : memref<!tpu.dma_semaphore, #tpu.memory_space<semaphore_mem>>) src(%dma_wait3A_2978 : memref<4x8x128xf32, #tpu.memory_space<hbm>>) dst(%dma_wait3A_2973 : memref<4x8x128xf32, #tpu.memory_space<vmem>>)
      %slice3A_2979 = vector.extract_strided_slice %get3A_942 {offsets = [9], sizes = [1], strides = [1]} : vector<16xi32> to vector<1xi32>
      %squeeze3A_2980 = vector.extract %slice3A_2979[0] : i32 from vector<1xi32>
      %jit3A_2981 = arith.constant 128 : i32
      %eq3A_2982 = arith.constant 0 : i32
      %eq3A_2983 = arith.cmpi eq, %jit3A_2981, %eq3A_2982 : i32
      %jit3A_2984 = arith.constant 1 : i32
      %select_n3A_2985 = arith.select %eq3A_2983, %jit3A_2984, %jit3A_2981 : i32
      %rem3A_2986 = arith.remsi %squeeze3A_2980, %select_n3A_2985 : i32
      %ne3A_2987 = arith.constant 0 : i32
      %ne3A_2988 = arith.cmpi ne, %rem3A_2986, %ne3A_2987 : i32
      %lt3A_2989 = arith.constant 0 : i32
      %lt3A_2990 = arith.cmpi slt, %rem3A_2986, %lt3A_2989 : i32
      %lt3A_2991 = arith.constant 0 : i32
      %lt3A_2992 = arith.cmpi slt, %select_n3A_2985, %lt3A_2991 : i32
      %ne3A_2993 = arith.xori %lt3A_2990, %lt3A_2992 : i1
      %and3A_2994 = arith.andi %ne3A_2993, %ne3A_2988 : i1
      %add3A_2995 = arith.addi %rem3A_2986, %select_n3A_2985 : i32
      %select_n3A_2996 = arith.select %and3A_2994, %add3A_2995, %rem3A_2986 : i32
      %broadcast_in_dim3A_2997 = vector.broadcast %select_n3A_2996 : i32 to vector<16xi32>
      %slice3A_2998 = vector.extract_strided_slice %get3A_944 {offsets = [9], sizes = [1], strides = [1]} : vector<16xi32> to vector<1xi32>
      %squeeze3A_2999 = vector.extract %slice3A_2998[0] : i32 from vector<1xi32>
      %jit3A_3000 = arith.constant 128 : i32
      %eq3A_3001 = arith.constant 0 : i32
      %eq3A_3002 = arith.cmpi eq, %jit3A_3000, %eq3A_3001 : i32
      %jit3A_3003 = arith.constant 1 : i32
      %select_n3A_3004 = arith.select %eq3A_3002, %jit3A_3003, %jit3A_3000 : i32
      %rem3A_3005 = arith.remsi %squeeze3A_2999, %select_n3A_3004 : i32
      %ne3A_3006 = arith.constant 0 : i32
      %ne3A_3007 = arith.cmpi ne, %rem3A_3005, %ne3A_3006 : i32
      %lt3A_3008 = arith.constant 0 : i32
      %lt3A_3009 = arith.cmpi slt, %rem3A_3005, %lt3A_3008 : i32
      %lt3A_3010 = arith.constant 0 : i32
      %lt3A_3011 = arith.cmpi slt, %select_n3A_3004, %lt3A_3010 : i32
      %ne3A_3012 = arith.xori %lt3A_3009, %lt3A_3011 : i1
      %and3A_3013 = arith.andi %ne3A_3012, %ne3A_3007 : i1
      %add3A_3014 = arith.addi %rem3A_3005, %select_n3A_3004 : i32
      %select_n3A_3015 = arith.select %and3A_3013, %add3A_3014, %rem3A_3005 : i32
      %broadcast_in_dim3A_3016 = vector.broadcast %select_n3A_3015 : i32 to vector<16xi32>
      %broadcast_in_dim3A_3017 = arith.constant 1 : i32
      %broadcast_in_dim3A_3018 = vector.broadcast %broadcast_in_dim3A_3017 : i32 to vector<16xi32>
      %broadcast_in_dim3A_3019 = arith.constant 0 : i32
      %broadcast_in_dim3A_3020 = vector.broadcast %broadcast_in_dim3A_3019 : i32 to vector<16xi32>
      %broadcast_in_dim3A_3021 = arith.constant 0 : i32
      %broadcast_in_dim3A_3022 = vector.broadcast %broadcast_in_dim3A_3021 : i32 to vector<16xi32>
      %broadcast_in_dim3A_3023 = arith.constant 1 : i32
      %broadcast_in_dim3A_3024 = vector.broadcast %broadcast_in_dim3A_3023 : i32 to vector<16xi32>
      %gather3A_3025 = tpu.vector_load_idx %arg9[%broadcast_in_dim3A_3018, %broadcast_in_dim3A_3020, %broadcast_in_dim3A_3022, %select_n3A, %select_n3A_54, %broadcast_in_dim3A_2997] : memref<8x1x2x4x8x128xf32, #tpu.memory_space<vmem>>[vector<16xi32>, vector<16xi32>, vector<16xi32>, vector<16xi32>, vector<16xi32>, vector<16xi32>], vector<16xf32>,
      %gather3A_3026 = tpu.vector_load_idx %arg9[%broadcast_in_dim3A_3018, %broadcast_in_dim3A_3020, %broadcast_in_dim3A_3022, %add3A_34, %select_n3A_54, %broadcast_in_dim3A_2997] : memref<8x1x2x4x8x128xf32, #tpu.memory_space<vmem>>[vector<16xi32>, vector<16xi32>, vector<16xi32>, vector<16xi32>, vector<16xi32>, vector<16xi32>], vector<16xf32>,
      %gather3A_3027 = tpu.vector_load_idx %arg9[%broadcast_in_dim3A_3018, %broadcast_in_dim3A_3020, %broadcast_in_dim3A_3024, %select_n3A, %select_n3A_54, %broadcast_in_dim3A_3016] : memref<8x1x2x4x8x128xf32, #tpu.memory_space<vmem>>[vector<16xi32>, vector<16xi32>, vector<16xi32>, vector<16xi32>, vector<16xi32>, vector<16xi32>], vector<16xf32>,
      %gather3A_3028 = tpu.vector_load_idx %arg9[%broadcast_in_dim3A_3018, %broadcast_in_dim3A_3020, %broadcast_in_dim3A_3024, %add3A_34, %select_n3A_54, %broadcast_in_dim3A_3016] : memref<8x1x2x4x8x128xf32, #tpu.memory_space<vmem>>[vector<16xi32>, vector<16xi32>, vector<16xi32>, vector<16xi32>, vector<16xi32>, vector<16xi32>], vector<16xf32>,
      %mul3A_3029 = arith.mulf %gather3A_3025, %gather3A_3027 : vector<16xf32>
      %mul3A_3030 = arith.mulf %gather3A_3026, %gather3A_3028 : vector<16xf32>
      %add3A_3031 = arith.addf %mul3A_3029, %mul3A_3030 : vector<16xf32>
      %cumsum3A_3032 = arith.constant true
      %cumsum3A_3033 = vector.broadcast %cumsum3A_3032 : i1 to vector<16xi1>
      %cumsum3A_3034 = tpu.scan <sum>, %add3A_3031 masked %cumsum3A_3033 : vector<16xf32>, vector<16xi1> -> vector<16xf32>
      %mul3A_3035 = arith.constant 16 : i32
      %mul3A_3036 = arith.muli %scan3A_937, %mul3A_3035 : i32
      %add3A_3037 = arith.constant 9 : i32
      %add3A_3038 = arith.addi %mul3A_3036, %add3A_3037 : i32
      %add3A_3039 = arith.constant 0 : i32
      %add3A_3040 = arith.addi %add3A_3038, %add3A_3039 : i32
      %broadcast_in_dim3A_3041 = vector.broadcast %add3A_3040 : i32 to vector<16xi32>
      tpu.vector_store_idx %arg10[%broadcast_in_dim3A_3041], %cumsum3A_3034 masked %eq3A_57 : memref<512xf32, #tpu.memory_space<vmem>>[vector<16xi32>], vector<16xf32>, vector<16xi1>
      %slice3A_3042 = vector.extract_strided_slice %get3A_951 {offsets = [0], sizes = [1], strides = [1]} : vector<16xi32> to vector<1xi32>
      %squeeze3A_3043 = vector.extract %slice3A_3042[0] : i32 from vector<1xi32>
      %slice3A_3044 = vector.extract_strided_slice %get3A_953 {offsets = [0], sizes = [1], strides = [1]} : vector<16xi32> to vector<1xi32>
      %squeeze3A_3045 = vector.extract %slice3A_3044[0] : i32 from vector<1xi32>
      %jit3A_3046 = arith.constant 128 : i32
      %div3A_3047 = arith.divsi %squeeze3A_3043, %jit3A_3046 : i32
      %sign3A_3048 = arith.constant 0 : i32
      %sign3A_3049 = arith.cmpi sgt, %squeeze3A_3043, %sign3A_3048 : i32
      %sign3A_3050 = arith.extui %sign3A_3049 : i1 to i32
      %sign3A_3051 = arith.constant 0 : i32
      %sign3A_3052 = arith.cmpi slt, %squeeze3A_3043, %sign3A_3051 : i32
      %sign3A_3053 = arith.extui %sign3A_3052 : i1 to i32
      %sign3A_3054 = arith.subi %sign3A_3050, %sign3A_3053 : i32
      %sign3A_3055 = arith.constant 0 : i32
      %sign3A_3056 = arith.cmpi sgt, %jit3A_3046, %sign3A_3055 : i32
      %sign3A_3057 = arith.extui %sign3A_3056 : i1 to i32
      %sign3A_3058 = arith.constant 0 : i32
      %sign3A_3059 = arith.cmpi slt, %jit3A_3046, %sign3A_3058 : i32
      %sign3A_3060 = arith.extui %sign3A_3059 : i1 to i32
      %sign3A_3061 = arith.subi %sign3A_3057, %sign3A_3060 : i32
      %ne3A_3062 = arith.cmpi ne, %sign3A_3054, %sign3A_3061 : i32
      %rem3A_3063 = arith.remsi %squeeze3A_3043, %jit3A_3046 : i32
      %ne3A_3064 = arith.constant 0 : i32
      %ne3A_3065 = arith.cmpi ne, %rem3A_3063, %ne3A_3064 : i32
      %and3A_3066 = arith.andi %ne3A_3062, %ne3A_3065 : i1
      %sub3A_3067 = arith.constant 1 : i32
      %sub3A_3068 = arith.subi %div3A_3047, %sub3A_3067 : i32
      %select_n3A_3069 = arith.select %and3A_3066, %sub3A_3068, %div3A_3047 : i32
      %mul3A_3070 = arith.constant 128 : i32
      %mul3A_3071 = arith.muli %select_n3A_3069, %mul3A_3070 : i32
      %multiple_of3A_3072 = tpu.assume_multiple %mul3A_3071, 128 : i32
      %jit3A_3073 = arith.constant 128 : i32
      %div3A_3074 = arith.divsi %squeeze3A_3045, %jit3A_3073 : i32
      %sign3A_3075 = arith.constant 0 : i32
      %sign3A_3076 = arith.cmpi sgt, %squeeze3A_3045, %sign3A_3075 : i32
      %sign3A_3077 = arith.extui %sign3A_3076 : i1 to i32
      %sign3A_3078 = arith.constant 0 : i32
      %sign3A_3079 = arith.cmpi slt, %squeeze3A_3045, %sign3A_3078 : i32
      %sign3A_3080 = arith.extui %sign3A_3079 : i1 to i32
      %sign3A_3081 = arith.subi %sign3A_3077, %sign3A_3080 : i32
      %sign3A_3082 = arith.constant 0 : i32
      %sign3A_3083 = arith.cmpi sgt, %jit3A_3073, %sign3A_3082 : i32
      %sign3A_3084 = arith.extui %sign3A_3083 : i1 to i32
      %sign3A_3085 = arith.constant 0 : i32
      %sign3A_3086 = arith.cmpi slt, %jit3A_3073, %sign3A_3085 : i32
      %sign3A_3087 = arith.extui %sign3A_3086 : i1 to i32
      %sign3A_3088 = arith.subi %sign3A_3084, %sign3A_3087 : i32
      %ne3A_3089 = arith.cmpi ne, %sign3A_3081, %sign3A_3088 : i32
      %rem3A_3090 = arith.remsi %squeeze3A_3045, %jit3A_3073 : i32
      %ne3A_3091 = arith.constant 0 : i32
      %ne3A_3092 = arith.cmpi ne, %rem3A_3090, %ne3A_3091 : i32
      %and3A_3093 = arith.andi %ne3A_3089, %ne3A_3092 : i1
      %sub3A_3094 = arith.constant 1 : i32
      %sub3A_3095 = arith.subi %div3A_3074, %sub3A_3094 : i32
      %select_n3A_3096 = arith.select %and3A_3093, %sub3A_3095, %div3A_3074 : i32
      %mul3A_3097 = arith.constant 128 : i32
      %mul3A_3098 = arith.muli %select_n3A_3096, %mul3A_3097 : i32
      %multiple_of3A_3099 = tpu.assume_multiple %mul3A_3098, 128 : i32
      %dma_start3A_3100 = arith.constant 0 : i32
      %dma_start3A_3101 = arith.constant 0 : i32
      %dma_start3A_3102 = arith.constant 0 : i32
      %dma_start3A_3103 = arith.constant 0 : i32
      %dma_start3A_3104 = arith.constant 0 : i32
      %dma_start3A_3105 = arith.constant 0 : i32
      %dma_start3A_3106 = tpu.memref_slice %arg9[%dma_start3A_3100, %dma_start3A_3101, %dma_start3A_3102, %dma_start3A_3103, %dma_start3A_3104, %dma_start3A_3105] : memref<8x1x2x4x8x128xf32, #tpu.memory_space<vmem>> -> memref<1x1x1x4x8x128xf32, #tpu.memory_space<vmem>>
      %dma_start3A_3107 = tpu.memref_squeeze %dma_start3A_3106 : memref<1x1x1x4x8x128xf32, #tpu.memory_space<vmem>> -> memref<4x8x128xf32, #tpu.memory_space<vmem>>
      %dma_start3A_3108 = tpu.memref_reshape %arg4 : memref<32x1000000xf32, #tpu.memory_space<hbm>> -> memref<4x8x1000000xf32, #tpu.memory_space<hbm>>
      %dma_start3A_3109 = arith.constant 0 : i32
      %dma_start3A_3110 = arith.constant 0 : i32
      %dma_start3A_3111 = tpu.memref_slice %dma_start3A_3108[%dma_start3A_3109, %dma_start3A_3110, %multiple_of3A_3072] : memref<4x8x1000000xf32, #tpu.memory_space<hbm>> -> memref<4x8x128xf32, #tpu.memory_space<hbm>>
      %dma_start3A_3112 = arith.constant 0 : i32
      %dma_start3A_3113 = arith.constant 0 : i32
      %dma_start3A_3114 = arith.constant 0 : i32
      %dma_start3A_3115 = tpu.memref_slice %arg9[%dma_start3A_3100, %dma_start3A_3101, %dma_start3A_3102, %dma_start3A_3112, %dma_start3A_3113, %dma_start3A_3114] : memref<8x1x2x4x8x128xf32, #tpu.memory_space<vmem>> -> memref<1x1x1x4x8x128xf32, #tpu.memory_space<vmem>>
      %dma_start3A_3116 = tpu.memref_squeeze %dma_start3A_3115 : memref<1x1x1x4x8x128xf32, #tpu.memory_space<vmem>> -> memref<4x8x128xf32, #tpu.memory_space<vmem>>
      %dma_start3A_3117 = tpu.memref_reshape %arg4 : memref<32x1000000xf32, #tpu.memory_space<hbm>> -> memref<4x8x1000000xf32, #tpu.memory_space<hbm>>
      %dma_start3A_3118 = arith.constant 0 : i32
      %dma_start3A_3119 = arith.constant 0 : i32
      %dma_start3A_3120 = tpu.memref_slice %dma_start3A_3117[%dma_start3A_3118, %dma_start3A_3119, %multiple_of3A_3072] : memref<4x8x1000000xf32, #tpu.memory_space<hbm>> -> memref<4x8x128xf32, #tpu.memory_space<hbm>>
      tpu.enqueue_dma source(%dma_start3A_3120 : memref<4x8x128xf32, #tpu.memory_space<hbm>>) target(%dma_start3A_3116 : memref<4x8x128xf32, #tpu.memory_space<vmem>>) target_semaphore(%arg11 : memref<!tpu.dma_semaphore, #tpu.memory_space<semaphore_mem>>)
      %dma_start3A_3121 = arith.constant 0 : i32
      %dma_start3A_3122 = arith.constant 0 : i32
      %dma_start3A_3123 = arith.constant 1 : i32
      %dma_start3A_3124 = arith.constant 0 : i32
      %dma_start3A_3125 = arith.constant 0 : i32
      %dma_start3A_3126 = arith.constant 0 : i32
      %dma_start3A_3127 = tpu.memref_slice %arg9[%dma_start3A_3121, %dma_start3A_3122, %dma_start3A_3123, %dma_start3A_3124, %dma_start3A_3125, %dma_start3A_3126] : memref<8x1x2x4x8x128xf32, #tpu.memory_space<vmem>> -> memref<1x1x1x4x8x128xf32, #tpu.memory_space<vmem>>
      %dma_start3A_3128 = tpu.memref_squeeze %dma_start3A_3127 : memref<1x1x1x4x8x128xf32, #tpu.memory_space<vmem>> -> memref<4x8x128xf32, #tpu.memory_space<vmem>>
      %dma_start3A_3129 = tpu.memref_reshape %arg5 : memref<32x1000000xf32, #tpu.memory_space<hbm>> -> memref<4x8x1000000xf32, #tpu.memory_space<hbm>>
      %dma_start3A_3130 = arith.constant 0 : i32
      %dma_start3A_3131 = arith.constant 0 : i32
      %dma_start3A_3132 = tpu.memref_slice %dma_start3A_3129[%dma_start3A_3130, %dma_start3A_3131, %multiple_of3A_3099] : memref<4x8x1000000xf32, #tpu.memory_space<hbm>> -> memref<4x8x128xf32, #tpu.memory_space<hbm>>
      %dma_start3A_3133 = arith.constant 0 : i32
      %dma_start3A_3134 = arith.constant 0 : i32
      %dma_start3A_3135 = arith.constant 0 : i32
      %dma_start3A_3136 = tpu.memref_slice %arg9[%dma_start3A_3121, %dma_start3A_3122, %dma_start3A_3123, %dma_start3A_3133, %dma_start3A_3134, %dma_start3A_3135] : memref<8x1x2x4x8x128xf32, #tpu.memory_space<vmem>> -> memref<1x1x1x4x8x128xf32, #tpu.memory_space<vmem>>
      %dma_start3A_3137 = tpu.memref_squeeze %dma_start3A_3136 : memref<1x1x1x4x8x128xf32, #tpu.memory_space<vmem>> -> memref<4x8x128xf32, #tpu.memory_space<vmem>>
      %dma_start3A_3138 = tpu.memref_reshape %arg5 : memref<32x1000000xf32, #tpu.memory_space<hbm>> -> memref<4x8x1000000xf32, #tpu.memory_space<hbm>>
      %dma_start3A_3139 = arith.constant 0 : i32
      %dma_start3A_3140 = arith.constant 0 : i32
      %dma_start3A_3141 = tpu.memref_slice %dma_start3A_3138[%dma_start3A_3139, %dma_start3A_3140, %multiple_of3A_3099] : memref<4x8x1000000xf32, #tpu.memory_space<hbm>> -> memref<4x8x128xf32, #tpu.memory_space<hbm>>
      tpu.enqueue_dma source(%dma_start3A_3141 : memref<4x8x128xf32, #tpu.memory_space<hbm>>) target(%dma_start3A_3137 : memref<4x8x128xf32, #tpu.memory_space<vmem>>) target_semaphore(%arg11 : memref<!tpu.dma_semaphore, #tpu.memory_space<semaphore_mem>>)
      %dma_wait3A_3142 = arith.constant 0 : i32
      %dma_wait3A_3143 = arith.constant 0 : i32
      %dma_wait3A_3144 = arith.constant 0 : i32
      %dma_wait3A_3145 = arith.constant 0 : i32
      %dma_wait3A_3146 = arith.constant 0 : i32
      %dma_wait3A_3147 = arith.constant 0 : i32
      %dma_wait3A_3148 = tpu.memref_slice %arg9[%dma_wait3A_3142, %dma_wait3A_3143, %dma_wait3A_3144, %dma_wait3A_3145, %dma_wait3A_3146, %dma_wait3A_3147] : memref<8x1x2x4x8x128xf32, #tpu.memory_space<vmem>> -> memref<1x1x1x4x8x128xf32, #tpu.memory_space<vmem>>
      %dma_wait3A_3149 = tpu.memref_squeeze %dma_wait3A_3148 : memref<1x1x1x4x8x128xf32, #tpu.memory_space<vmem>> -> memref<4x8x128xf32, #tpu.memory_space<vmem>>
      %dma_wait3A_3150 = tpu.memref_reshape %arg4 : memref<32x1000000xf32, #tpu.memory_space<hbm>> -> memref<4x8x1000000xf32, #tpu.memory_space<hbm>>
      %dma_wait3A_3151 = arith.constant 0 : i32
      %dma_wait3A_3152 = arith.constant 0 : i32
      %dma_wait3A_3153 = arith.constant 0 : i32
      %dma_wait3A_3154 = tpu.memref_slice %dma_wait3A_3150[%dma_wait3A_3151, %dma_wait3A_3152, %dma_wait3A_3153] : memref<4x8x1000000xf32, #tpu.memory_space<hbm>> -> memref<4x8x128xf32, #tpu.memory_space<hbm>>
      %dma_wait3A_3155 = arith.constant 0 : i32
      %dma_wait3A_3156 = arith.constant 0 : i32
      %dma_wait3A_3157 = arith.constant 0 : i32
      %dma_wait3A_3158 = tpu.memref_slice %arg9[%dma_wait3A_3142, %dma_wait3A_3143, %dma_wait3A_3144, %dma_wait3A_3155, %dma_wait3A_3156, %dma_wait3A_3157] : memref<8x1x2x4x8x128xf32, #tpu.memory_space<vmem>> -> memref<1x1x1x4x8x128xf32, #tpu.memory_space<vmem>>
      %dma_wait3A_3159 = tpu.memref_squeeze %dma_wait3A_3158 : memref<1x1x1x4x8x128xf32, #tpu.memory_space<vmem>> -> memref<4x8x128xf32, #tpu.memory_space<vmem>>
      %dma_wait3A_3160 = tpu.memref_reshape %arg4 : memref<32x1000000xf32, #tpu.memory_space<hbm>> -> memref<4x8x1000000xf32, #tpu.memory_space<hbm>>
      %dma_wait3A_3161 = arith.constant 0 : i32
      %dma_wait3A_3162 = arith.constant 0 : i32
      %dma_wait3A_3163 = arith.constant 0 : i32
      %dma_wait3A_3164 = tpu.memref_slice %dma_wait3A_3160[%dma_wait3A_3161, %dma_wait3A_3162, %dma_wait3A_3163] : memref<4x8x1000000xf32, #tpu.memory_space<hbm>> -> memref<4x8x128xf32, #tpu.memory_space<hbm>>
      tpu.wait_dma2 semaphore(%arg13 : memref<!tpu.dma_semaphore, #tpu.memory_space<semaphore_mem>>) src(%dma_wait3A_3164 : memref<4x8x128xf32, #tpu.memory_space<hbm>>) dst(%dma_wait3A_3159 : memref<4x8x128xf32, #tpu.memory_space<vmem>>)
      %dma_wait3A_3165 = arith.constant 0 : i32
      %dma_wait3A_3166 = arith.constant 0 : i32
      %dma_wait3A_3167 = arith.constant 0 : i32
      %dma_wait3A_3168 = arith.constant 0 : i32
      %dma_wait3A_3169 = arith.constant 0 : i32
      %dma_wait3A_3170 = arith.constant 0 : i32
      %dma_wait3A_3171 = tpu.memref_slice %arg9[%dma_wait3A_3165, %dma_wait3A_3166, %dma_wait3A_3167, %dma_wait3A_3168, %dma_wait3A_3169, %dma_wait3A_3170] : memref<8x1x2x4x8x128xf32, #tpu.memory_space<vmem>> -> memref<1x1x1x4x8x128xf32, #tpu.memory_space<vmem>>
      %dma_wait3A_3172 = tpu.memref_squeeze %dma_wait3A_3171 : memref<1x1x1x4x8x128xf32, #tpu.memory_space<vmem>> -> memref<4x8x128xf32, #tpu.memory_space<vmem>>
      %dma_wait3A_3173 = tpu.memref_reshape %arg4 : memref<32x1000000xf32, #tpu.memory_space<hbm>> -> memref<4x8x1000000xf32, #tpu.memory_space<hbm>>
      %dma_wait3A_3174 = arith.constant 0 : i32
      %dma_wait3A_3175 = arith.constant 0 : i32
      %dma_wait3A_3176 = arith.constant 0 : i32
      %dma_wait3A_3177 = tpu.memref_slice %dma_wait3A_3173[%dma_wait3A_3174, %dma_wait3A_3175, %dma_wait3A_3176] : memref<4x8x1000000xf32, #tpu.memory_space<hbm>> -> memref<4x8x128xf32, #tpu.memory_space<hbm>>
      %dma_wait3A_3178 = arith.constant 0 : i32
      %dma_wait3A_3179 = arith.constant 0 : i32
      %dma_wait3A_3180 = arith.constant 0 : i32
      %dma_wait3A_3181 = tpu.memref_slice %arg9[%dma_wait3A_3165, %dma_wait3A_3166, %dma_wait3A_3167, %dma_wait3A_3178, %dma_wait3A_3179, %dma_wait3A_3180] : memref<8x1x2x4x8x128xf32, #tpu.memory_space<vmem>> -> memref<1x1x1x4x8x128xf32, #tpu.memory_space<vmem>>
      %dma_wait3A_3182 = tpu.memref_squeeze %dma_wait3A_3181 : memref<1x1x1x4x8x128xf32, #tpu.memory_space<vmem>> -> memref<4x8x128xf32, #tpu.memory_space<vmem>>
      %dma_wait3A_3183 = tpu.memref_reshape %arg4 : memref<32x1000000xf32, #tpu.memory_space<hbm>> -> memref<4x8x1000000xf32, #tpu.memory_space<hbm>>
      %dma_wait3A_3184 = arith.constant 0 : i32
      %dma_wait3A_3185 = arith.constant 0 : i32
      %dma_wait3A_3186 = arith.constant 0 : i32
      %dma_wait3A_3187 = tpu.memref_slice %dma_wait3A_3183[%dma_wait3A_3184, %dma_wait3A_3185, %dma_wait3A_3186] : memref<4x8x1000000xf32, #tpu.memory_space<hbm>> -> memref<4x8x128xf32, #tpu.memory_space<hbm>>
      tpu.wait_dma2 semaphore(%arg13 : memref<!tpu.dma_semaphore, #tpu.memory_space<semaphore_mem>>) src(%dma_wait3A_3187 : memref<4x8x128xf32, #tpu.memory_space<hbm>>) dst(%dma_wait3A_3182 : memref<4x8x128xf32, #tpu.memory_space<vmem>>)
      %slice3A_3188 = vector.extract_strided_slice %get3A_942 {offsets = [10], sizes = [1], strides = [1]} : vector<16xi32> to vector<1xi32>
      %squeeze3A_3189 = vector.extract %slice3A_3188[0] : i32 from vector<1xi32>
      %jit3A_3190 = arith.constant 128 : i32
      %eq3A_3191 = arith.constant 0 : i32
      %eq3A_3192 = arith.cmpi eq, %jit3A_3190, %eq3A_3191 : i32
      %jit3A_3193 = arith.constant 1 : i32
      %select_n3A_3194 = arith.select %eq3A_3192, %jit3A_3193, %jit3A_3190 : i32
      %rem3A_3195 = arith.remsi %squeeze3A_3189, %select_n3A_3194 : i32
      %ne3A_3196 = arith.constant 0 : i32
      %ne3A_3197 = arith.cmpi ne, %rem3A_3195, %ne3A_3196 : i32
      %lt3A_3198 = arith.constant 0 : i32
      %lt3A_3199 = arith.cmpi slt, %rem3A_3195, %lt3A_3198 : i32
      %lt3A_3200 = arith.constant 0 : i32
      %lt3A_3201 = arith.cmpi slt, %select_n3A_3194, %lt3A_3200 : i32
      %ne3A_3202 = arith.xori %lt3A_3199, %lt3A_3201 : i1
      %and3A_3203 = arith.andi %ne3A_3202, %ne3A_3197 : i1
      %add3A_3204 = arith.addi %rem3A_3195, %select_n3A_3194 : i32
      %select_n3A_3205 = arith.select %and3A_3203, %add3A_3204, %rem3A_3195 : i32
      %broadcast_in_dim3A_3206 = vector.broadcast %select_n3A_3205 : i32 to vector<16xi32>
      %slice3A_3207 = vector.extract_strided_slice %get3A_944 {offsets = [10], sizes = [1], strides = [1]} : vector<16xi32> to vector<1xi32>
      %squeeze3A_3208 = vector.extract %slice3A_3207[0] : i32 from vector<1xi32>
      %jit3A_3209 = arith.constant 128 : i32
      %eq3A_3210 = arith.constant 0 : i32
      %eq3A_3211 = arith.cmpi eq, %jit3A_3209, %eq3A_3210 : i32
      %jit3A_3212 = arith.constant 1 : i32
      %select_n3A_3213 = arith.select %eq3A_3211, %jit3A_3212, %jit3A_3209 : i32
      %rem3A_3214 = arith.remsi %squeeze3A_3208, %select_n3A_3213 : i32
      %ne3A_3215 = arith.constant 0 : i32
      %ne3A_3216 = arith.cmpi ne, %rem3A_3214, %ne3A_3215 : i32
      %lt3A_3217 = arith.constant 0 : i32
      %lt3A_3218 = arith.cmpi slt, %rem3A_3214, %lt3A_3217 : i32
      %lt3A_3219 = arith.constant 0 : i32
      %lt3A_3220 = arith.cmpi slt, %select_n3A_3213, %lt3A_3219 : i32
      %ne3A_3221 = arith.xori %lt3A_3218, %lt3A_3220 : i1
      %and3A_3222 = arith.andi %ne3A_3221, %ne3A_3216 : i1
      %add3A_3223 = arith.addi %rem3A_3214, %select_n3A_3213 : i32
      %select_n3A_3224 = arith.select %and3A_3222, %add3A_3223, %rem3A_3214 : i32
      %broadcast_in_dim3A_3225 = vector.broadcast %select_n3A_3224 : i32 to vector<16xi32>
      %broadcast_in_dim3A_3226 = arith.constant 2 : i32
      %broadcast_in_dim3A_3227 = vector.broadcast %broadcast_in_dim3A_3226 : i32 to vector<16xi32>
      %broadcast_in_dim3A_3228 = arith.constant 0 : i32
      %broadcast_in_dim3A_3229 = vector.broadcast %broadcast_in_dim3A_3228 : i32 to vector<16xi32>
      %broadcast_in_dim3A_3230 = arith.constant 0 : i32
      %broadcast_in_dim3A_3231 = vector.broadcast %broadcast_in_dim3A_3230 : i32 to vector<16xi32>
      %broadcast_in_dim3A_3232 = arith.constant 1 : i32
      %broadcast_in_dim3A_3233 = vector.broadcast %broadcast_in_dim3A_3232 : i32 to vector<16xi32>
      %gather3A_3234 = tpu.vector_load_idx %arg9[%broadcast_in_dim3A_3227, %broadcast_in_dim3A_3229, %broadcast_in_dim3A_3231, %select_n3A, %select_n3A_54, %broadcast_in_dim3A_3206] : memref<8x1x2x4x8x128xf32, #tpu.memory_space<vmem>>[vector<16xi32>, vector<16xi32>, vector<16xi32>, vector<16xi32>, vector<16xi32>, vector<16xi32>], vector<16xf32>,
      %gather3A_3235 = tpu.vector_load_idx %arg9[%broadcast_in_dim3A_3227, %broadcast_in_dim3A_3229, %broadcast_in_dim3A_3231, %add3A_34, %select_n3A_54, %broadcast_in_dim3A_3206] : memref<8x1x2x4x8x128xf32, #tpu.memory_space<vmem>>[vector<16xi32>, vector<16xi32>, vector<16xi32>, vector<16xi32>, vector<16xi32>, vector<16xi32>], vector<16xf32>,
      %gather3A_3236 = tpu.vector_load_idx %arg9[%broadcast_in_dim3A_3227, %broadcast_in_dim3A_3229, %broadcast_in_dim3A_3233, %select_n3A, %select_n3A_54, %broadcast_in_dim3A_3225] : memref<8x1x2x4x8x128xf32, #tpu.memory_space<vmem>>[vector<16xi32>, vector<16xi32>, vector<16xi32>, vector<16xi32>, vector<16xi32>, vector<16xi32>], vector<16xf32>,
      %gather3A_3237 = tpu.vector_load_idx %arg9[%broadcast_in_dim3A_3227, %broadcast_in_dim3A_3229, %broadcast_in_dim3A_3233, %add3A_34, %select_n3A_54, %broadcast_in_dim3A_3225] : memref<8x1x2x4x8x128xf32, #tpu.memory_space<vmem>>[vector<16xi32>, vector<16xi32>, vector<16xi32>, vector<16xi32>, vector<16xi32>, vector<16xi32>], vector<16xf32>,
      %mul3A_3238 = arith.mulf %gather3A_3234, %gather3A_3236 : vector<16xf32>
      %mul3A_3239 = arith.mulf %gather3A_3235, %gather3A_3237 : vector<16xf32>
      %add3A_3240 = arith.addf %mul3A_3238, %mul3A_3239 : vector<16xf32>
      %cumsum3A_3241 = arith.constant true
      %cumsum3A_3242 = vector.broadcast %cumsum3A_3241 : i1 to vector<16xi1>
      %cumsum3A_3243 = tpu.scan <sum>, %add3A_3240 masked %cumsum3A_3242 : vector<16xf32>, vector<16xi1> -> vector<16xf32>
      %mul3A_3244 = arith.constant 16 : i32
      %mul3A_3245 = arith.muli %scan3A_937, %mul3A_3244 : i32
      %add3A_3246 = arith.constant 10 : i32
      %add3A_3247 = arith.addi %mul3A_3245, %add3A_3246 : i32
      %add3A_3248 = arith.constant 0 : i32
      %add3A_3249 = arith.addi %add3A_3247, %add3A_3248 : i32
      %broadcast_in_dim3A_3250 = vector.broadcast %add3A_3249 : i32 to vector<16xi32>
      tpu.vector_store_idx %arg10[%broadcast_in_dim3A_3250], %cumsum3A_3243 masked %eq3A_57 : memref<512xf32, #tpu.memory_space<vmem>>[vector<16xi32>], vector<16xf32>, vector<16xi1>
      %slice3A_3251 = vector.extract_strided_slice %get3A_951 {offsets = [1], sizes = [1], strides = [1]} : vector<16xi32> to vector<1xi32>
      %squeeze3A_3252 = vector.extract %slice3A_3251[0] : i32 from vector<1xi32>
      %slice3A_3253 = vector.extract_strided_slice %get3A_953 {offsets = [1], sizes = [1], strides = [1]} : vector<16xi32> to vector<1xi32>
      %squeeze3A_3254 = vector.extract %slice3A_3253[0] : i32 from vector<1xi32>
      %jit3A_3255 = arith.constant 128 : i32
      %div3A_3256 = arith.divsi %squeeze3A_3252, %jit3A_3255 : i32
      %sign3A_3257 = arith.constant 0 : i32
      %sign3A_3258 = arith.cmpi sgt, %squeeze3A_3252, %sign3A_3257 : i32
      %sign3A_3259 = arith.extui %sign3A_3258 : i1 to i32
      %sign3A_3260 = arith.constant 0 : i32
      %sign3A_3261 = arith.cmpi slt, %squeeze3A_3252, %sign3A_3260 : i32
      %sign3A_3262 = arith.extui %sign3A_3261 : i1 to i32
      %sign3A_3263 = arith.subi %sign3A_3259, %sign3A_3262 : i32
      %sign3A_3264 = arith.constant 0 : i32
      %sign3A_3265 = arith.cmpi sgt, %jit3A_3255, %sign3A_3264 : i32
      %sign3A_3266 = arith.extui %sign3A_3265 : i1 to i32
      %sign3A_3267 = arith.constant 0 : i32
      %sign3A_3268 = arith.cmpi slt, %jit3A_3255, %sign3A_3267 : i32
      %sign3A_3269 = arith.extui %sign3A_3268 : i1 to i32
      %sign3A_3270 = arith.subi %sign3A_3266, %sign3A_3269 : i32
      %ne3A_3271 = arith.cmpi ne, %sign3A_3263, %sign3A_3270 : i32
      %rem3A_3272 = arith.remsi %squeeze3A_3252, %jit3A_3255 : i32
      %ne3A_3273 = arith.constant 0 : i32
      %ne3A_3274 = arith.cmpi ne, %rem3A_3272, %ne3A_3273 : i32
      %and3A_3275 = arith.andi %ne3A_3271, %ne3A_3274 : i1
      %sub3A_3276 = arith.constant 1 : i32
      %sub3A_3277 = arith.subi %div3A_3256, %sub3A_3276 : i32
      %select_n3A_3278 = arith.select %and3A_3275, %sub3A_3277, %div3A_3256 : i32
      %mul3A_3279 = arith.constant 128 : i32
      %mul3A_3280 = arith.muli %select_n3A_3278, %mul3A_3279 : i32
      %multiple_of3A_3281 = tpu.assume_multiple %mul3A_3280, 128 : i32
      %jit3A_3282 = arith.constant 128 : i32
      %div3A_3283 = arith.divsi %squeeze3A_3254, %jit3A_3282 : i32
      %sign3A_3284 = arith.constant 0 : i32
      %sign3A_3285 = arith.cmpi sgt, %squeeze3A_3254, %sign3A_3284 : i32
      %sign3A_3286 = arith.extui %sign3A_3285 : i1 to i32
      %sign3A_3287 = arith.constant 0 : i32
      %sign3A_3288 = arith.cmpi slt, %squeeze3A_3254, %sign3A_3287 : i32
      %sign3A_3289 = arith.extui %sign3A_3288 : i1 to i32
      %sign3A_3290 = arith.subi %sign3A_3286, %sign3A_3289 : i32
      %sign3A_3291 = arith.constant 0 : i32
      %sign3A_3292 = arith.cmpi sgt, %jit3A_3282, %sign3A_3291 : i32
      %sign3A_3293 = arith.extui %sign3A_3292 : i1 to i32
      %sign3A_3294 = arith.constant 0 : i32
      %sign3A_3295 = arith.cmpi slt, %jit3A_3282, %sign3A_3294 : i32
      %sign3A_3296 = arith.extui %sign3A_3295 : i1 to i32
      %sign3A_3297 = arith.subi %sign3A_3293, %sign3A_3296 : i32
      %ne3A_3298 = arith.cmpi ne, %sign3A_3290, %sign3A_3297 : i32
      %rem3A_3299 = arith.remsi %squeeze3A_3254, %jit3A_3282 : i32
      %ne3A_3300 = arith.constant 0 : i32
      %ne3A_3301 = arith.cmpi ne, %rem3A_3299, %ne3A_3300 : i32
      %and3A_3302 = arith.andi %ne3A_3298, %ne3A_3301 : i1
      %sub3A_3303 = arith.constant 1 : i32
      %sub3A_3304 = arith.subi %div3A_3283, %sub3A_3303 : i32
      %select_n3A_3305 = arith.select %and3A_3302, %sub3A_3304, %div3A_3283 : i32
      %mul3A_3306 = arith.constant 128 : i32
      %mul3A_3307 = arith.muli %select_n3A_3305, %mul3A_3306 : i32
      %multiple_of3A_3308 = tpu.assume_multiple %mul3A_3307, 128 : i32
      %dma_start3A_3309 = arith.constant 1 : i32
      %dma_start3A_3310 = arith.constant 0 : i32
      %dma_start3A_3311 = arith.constant 0 : i32
      %dma_start3A_3312 = arith.constant 0 : i32
      %dma_start3A_3313 = arith.constant 0 : i32
      %dma_start3A_3314 = arith.constant 0 : i32
      %dma_start3A_3315 = tpu.memref_slice %arg9[%dma_start3A_3309, %dma_start3A_3310, %dma_start3A_3311, %dma_start3A_3312, %dma_start3A_3313, %dma_start3A_3314] : memref<8x1x2x4x8x128xf32, #tpu.memory_space<vmem>> -> memref<1x1x1x4x8x128xf32, #tpu.memory_space<vmem>>
      %dma_start3A_3316 = tpu.memref_squeeze %dma_start3A_3315 : memref<1x1x1x4x8x128xf32, #tpu.memory_space<vmem>> -> memref<4x8x128xf32, #tpu.memory_space<vmem>>
      %dma_start3A_3317 = tpu.memref_reshape %arg4 : memref<32x1000000xf32, #tpu.memory_space<hbm>> -> memref<4x8x1000000xf32, #tpu.memory_space<hbm>>
      %dma_start3A_3318 = arith.constant 0 : i32
      %dma_start3A_3319 = arith.constant 0 : i32
      %dma_start3A_3320 = tpu.memref_slice %dma_start3A_3317[%dma_start3A_3318, %dma_start3A_3319, %multiple_of3A_3281] : memref<4x8x1000000xf32, #tpu.memory_space<hbm>> -> memref<4x8x128xf32, #tpu.memory_space<hbm>>
      %dma_start3A_3321 = arith.constant 0 : i32
      %dma_start3A_3322 = arith.constant 0 : i32
      %dma_start3A_3323 = arith.constant 0 : i32
      %dma_start3A_3324 = tpu.memref_slice %arg9[%dma_start3A_3309, %dma_start3A_3310, %dma_start3A_3311, %dma_start3A_3321, %dma_start3A_3322, %dma_start3A_3323] : memref<8x1x2x4x8x128xf32, #tpu.memory_space<vmem>> -> memref<1x1x1x4x8x128xf32, #tpu.memory_space<vmem>>
      %dma_start3A_3325 = tpu.memref_squeeze %dma_start3A_3324 : memref<1x1x1x4x8x128xf32, #tpu.memory_space<vmem>> -> memref<4x8x128xf32, #tpu.memory_space<vmem>>
      %dma_start3A_3326 = tpu.memref_reshape %arg4 : memref<32x1000000xf32, #tpu.memory_space<hbm>> -> memref<4x8x1000000xf32, #tpu.memory_space<hbm>>
      %dma_start3A_3327 = arith.constant 0 : i32
      %dma_start3A_3328 = arith.constant 0 : i32
      %dma_start3A_3329 = tpu.memref_slice %dma_start3A_3326[%dma_start3A_3327, %dma_start3A_3328, %multiple_of3A_3281] : memref<4x8x1000000xf32, #tpu.memory_space<hbm>> -> memref<4x8x128xf32, #tpu.memory_space<hbm>>
      tpu.enqueue_dma source(%dma_start3A_3329 : memref<4x8x128xf32, #tpu.memory_space<hbm>>) target(%dma_start3A_3325 : memref<4x8x128xf32, #tpu.memory_space<vmem>>) target_semaphore(%arg12 : memref<!tpu.dma_semaphore, #tpu.memory_space<semaphore_mem>>)
      %dma_start3A_3330 = arith.constant 1 : i32
      %dma_start3A_3331 = arith.constant 0 : i32
      %dma_start3A_3332 = arith.constant 1 : i32
      %dma_start3A_3333 = arith.constant 0 : i32
      %dma_start3A_3334 = arith.constant 0 : i32
      %dma_start3A_3335 = arith.constant 0 : i32
      %dma_start3A_3336 = tpu.memref_slice %arg9[%dma_start3A_3330, %dma_start3A_3331, %dma_start3A_3332, %dma_start3A_3333, %dma_start3A_3334, %dma_start3A_3335] : memref<8x1x2x4x8x128xf32, #tpu.memory_space<vmem>> -> memref<1x1x1x4x8x128xf32, #tpu.memory_space<vmem>>
      %dma_start3A_3337 = tpu.memref_squeeze %dma_start3A_3336 : memref<1x1x1x4x8x128xf32, #tpu.memory_space<vmem>> -> memref<4x8x128xf32, #tpu.memory_space<vmem>>
      %dma_start3A_3338 = tpu.memref_reshape %arg5 : memref<32x1000000xf32, #tpu.memory_space<hbm>> -> memref<4x8x1000000xf32, #tpu.memory_space<hbm>>
      %dma_start3A_3339 = arith.constant 0 : i32
      %dma_start3A_3340 = arith.constant 0 : i32
      %dma_start3A_3341 = tpu.memref_slice %dma_start3A_3338[%dma_start3A_3339, %dma_start3A_3340, %multiple_of3A_3308] : memref<4x8x1000000xf32, #tpu.memory_space<hbm>> -> memref<4x8x128xf32, #tpu.memory_space<hbm>>
      %dma_start3A_3342 = arith.constant 0 : i32
      %dma_start3A_3343 = arith.constant 0 : i32
      %dma_start3A_3344 = arith.constant 0 : i32
      %dma_start3A_3345 = tpu.memref_slice %arg9[%dma_start3A_3330, %dma_start3A_3331, %dma_start3A_3332, %dma_start3A_3342, %dma_start3A_3343, %dma_start3A_3344] : memref<8x1x2x4x8x128xf32, #tpu.memory_space<vmem>> -> memref<1x1x1x4x8x128xf32, #tpu.memory_space<vmem>>
      %dma_start3A_3346 = tpu.memref_squeeze %dma_start3A_3345 : memref<1x1x1x4x8x128xf32, #tpu.memory_space<vmem>> -> memref<4x8x128xf32, #tpu.memory_space<vmem>>
      %dma_start3A_3347 = tpu.memref_reshape %arg5 : memref<32x1000000xf32, #tpu.memory_space<hbm>> -> memref<4x8x1000000xf32, #tpu.memory_space<hbm>>
      %dma_start3A_3348 = arith.constant 0 : i32
      %dma_start3A_3349 = arith.constant 0 : i32
      %dma_start3A_3350 = tpu.memref_slice %dma_start3A_3347[%dma_start3A_3348, %dma_start3A_3349, %multiple_of3A_3308] : memref<4x8x1000000xf32, #tpu.memory_space<hbm>> -> memref<4x8x128xf32, #tpu.memory_space<hbm>>
      tpu.enqueue_dma source(%dma_start3A_3350 : memref<4x8x128xf32, #tpu.memory_space<hbm>>) target(%dma_start3A_3346 : memref<4x8x128xf32, #tpu.memory_space<vmem>>) target_semaphore(%arg12 : memref<!tpu.dma_semaphore, #tpu.memory_space<semaphore_mem>>)
      %dma_wait3A_3351 = arith.constant 0 : i32
      %dma_wait3A_3352 = arith.constant 0 : i32
      %dma_wait3A_3353 = arith.constant 0 : i32
      %dma_wait3A_3354 = arith.constant 0 : i32
      %dma_wait3A_3355 = arith.constant 0 : i32
      %dma_wait3A_3356 = arith.constant 0 : i32
      %dma_wait3A_3357 = tpu.memref_slice %arg9[%dma_wait3A_3351, %dma_wait3A_3352, %dma_wait3A_3353, %dma_wait3A_3354, %dma_wait3A_3355, %dma_wait3A_3356] : memref<8x1x2x4x8x128xf32, #tpu.memory_space<vmem>> -> memref<1x1x1x4x8x128xf32, #tpu.memory_space<vmem>>
      %dma_wait3A_3358 = tpu.memref_squeeze %dma_wait3A_3357 : memref<1x1x1x4x8x128xf32, #tpu.memory_space<vmem>> -> memref<4x8x128xf32, #tpu.memory_space<vmem>>
      %dma_wait3A_3359 = tpu.memref_reshape %arg4 : memref<32x1000000xf32, #tpu.memory_space<hbm>> -> memref<4x8x1000000xf32, #tpu.memory_space<hbm>>
      %dma_wait3A_3360 = arith.constant 0 : i32
      %dma_wait3A_3361 = arith.constant 0 : i32
      %dma_wait3A_3362 = arith.constant 0 : i32
      %dma_wait3A_3363 = tpu.memref_slice %dma_wait3A_3359[%dma_wait3A_3360, %dma_wait3A_3361, %dma_wait3A_3362] : memref<4x8x1000000xf32, #tpu.memory_space<hbm>> -> memref<4x8x128xf32, #tpu.memory_space<hbm>>
      %dma_wait3A_3364 = arith.constant 0 : i32
      %dma_wait3A_3365 = arith.constant 0 : i32
      %dma_wait3A_3366 = arith.constant 0 : i32
      %dma_wait3A_3367 = tpu.memref_slice %arg9[%dma_wait3A_3351, %dma_wait3A_3352, %dma_wait3A_3353, %dma_wait3A_3364, %dma_wait3A_3365, %dma_wait3A_3366] : memref<8x1x2x4x8x128xf32, #tpu.memory_space<vmem>> -> memref<1x1x1x4x8x128xf32, #tpu.memory_space<vmem>>
      %dma_wait3A_3368 = tpu.memref_squeeze %dma_wait3A_3367 : memref<1x1x1x4x8x128xf32, #tpu.memory_space<vmem>> -> memref<4x8x128xf32, #tpu.memory_space<vmem>>
      %dma_wait3A_3369 = tpu.memref_reshape %arg4 : memref<32x1000000xf32, #tpu.memory_space<hbm>> -> memref<4x8x1000000xf32, #tpu.memory_space<hbm>>
      %dma_wait3A_3370 = arith.constant 0 : i32
      %dma_wait3A_3371 = arith.constant 0 : i32
      %dma_wait3A_3372 = arith.constant 0 : i32
      %dma_wait3A_3373 = tpu.memref_slice %dma_wait3A_3369[%dma_wait3A_3370, %dma_wait3A_3371, %dma_wait3A_3372] : memref<4x8x1000000xf32, #tpu.memory_space<hbm>> -> memref<4x8x128xf32, #tpu.memory_space<hbm>>
      tpu.wait_dma2 semaphore(%arg14 : memref<!tpu.dma_semaphore, #tpu.memory_space<semaphore_mem>>) src(%dma_wait3A_3373 : memref<4x8x128xf32, #tpu.memory_space<hbm>>) dst(%dma_wait3A_3368 : memref<4x8x128xf32, #tpu.memory_space<vmem>>)
      %dma_wait3A_3374 = arith.constant 0 : i32
      %dma_wait3A_3375 = arith.constant 0 : i32
      %dma_wait3A_3376 = arith.constant 0 : i32
      %dma_wait3A_3377 = arith.constant 0 : i32
      %dma_wait3A_3378 = arith.constant 0 : i32
      %dma_wait3A_3379 = arith.constant 0 : i32
      %dma_wait3A_3380 = tpu.memref_slice %arg9[%dma_wait3A_3374, %dma_wait3A_3375, %dma_wait3A_3376, %dma_wait3A_3377, %dma_wait3A_3378, %dma_wait3A_3379] : memref<8x1x2x4x8x128xf32, #tpu.memory_space<vmem>> -> memref<1x1x1x4x8x128xf32, #tpu.memory_space<vmem>>
      %dma_wait3A_3381 = tpu.memref_squeeze %dma_wait3A_3380 : memref<1x1x1x4x8x128xf32, #tpu.memory_space<vmem>> -> memref<4x8x128xf32, #tpu.memory_space<vmem>>
      %dma_wait3A_3382 = tpu.memref_reshape %arg4 : memref<32x1000000xf32, #tpu.memory_space<hbm>> -> memref<4x8x1000000xf32, #tpu.memory_space<hbm>>
      %dma_wait3A_3383 = arith.constant 0 : i32
      %dma_wait3A_3384 = arith.constant 0 : i32
      %dma_wait3A_3385 = arith.constant 0 : i32
      %dma_wait3A_3386 = tpu.memref_slice %dma_wait3A_3382[%dma_wait3A_3383, %dma_wait3A_3384, %dma_wait3A_3385] : memref<4x8x1000000xf32, #tpu.memory_space<hbm>> -> memref<4x8x128xf32, #tpu.memory_space<hbm>>
      %dma_wait3A_3387 = arith.constant 0 : i32
      %dma_wait3A_3388 = arith.constant 0 : i32
      %dma_wait3A_3389 = arith.constant 0 : i32
      %dma_wait3A_3390 = tpu.memref_slice %arg9[%dma_wait3A_3374, %dma_wait3A_3375, %dma_wait3A_3376, %dma_wait3A_3387, %dma_wait3A_3388, %dma_wait3A_3389] : memref<8x1x2x4x8x128xf32, #tpu.memory_space<vmem>> -> memref<1x1x1x4x8x128xf32, #tpu.memory_space<vmem>>
      %dma_wait3A_3391 = tpu.memref_squeeze %dma_wait3A_3390 : memref<1x1x1x4x8x128xf32, #tpu.memory_space<vmem>> -> memref<4x8x128xf32, #tpu.memory_space<vmem>>
      %dma_wait3A_3392 = tpu.memref_reshape %arg4 : memref<32x1000000xf32, #tpu.memory_space<hbm>> -> memref<4x8x1000000xf32, #tpu.memory_space<hbm>>
      %dma_wait3A_3393 = arith.constant 0 : i32
      %dma_wait3A_3394 = arith.constant 0 : i32
      %dma_wait3A_3395 = arith.constant 0 : i32
      %dma_wait3A_3396 = tpu.memref_slice %dma_wait3A_3392[%dma_wait3A_3393, %dma_wait3A_3394, %dma_wait3A_3395] : memref<4x8x1000000xf32, #tpu.memory_space<hbm>> -> memref<4x8x128xf32, #tpu.memory_space<hbm>>
      tpu.wait_dma2 semaphore(%arg14 : memref<!tpu.dma_semaphore, #tpu.memory_space<semaphore_mem>>) src(%dma_wait3A_3396 : memref<4x8x128xf32, #tpu.memory_space<hbm>>) dst(%dma_wait3A_3391 : memref<4x8x128xf32, #tpu.memory_space<vmem>>)
      %slice3A_3397 = vector.extract_strided_slice %get3A_942 {offsets = [11], sizes = [1], strides = [1]} : vector<16xi32> to vector<1xi32>
      %squeeze3A_3398 = vector.extract %slice3A_3397[0] : i32 from vector<1xi32>
      %jit3A_3399 = arith.constant 128 : i32
      %eq3A_3400 = arith.constant 0 : i32
      %eq3A_3401 = arith.cmpi eq, %jit3A_3399, %eq3A_3400 : i32
      %jit3A_3402 = arith.constant 1 : i32
      %select_n3A_3403 = arith.select %eq3A_3401, %jit3A_3402, %jit3A_3399 : i32
      %rem3A_3404 = arith.remsi %squeeze3A_3398, %select_n3A_3403 : i32
      %ne3A_3405 = arith.constant 0 : i32
      %ne3A_3406 = arith.cmpi ne, %rem3A_3404, %ne3A_3405 : i32
      %lt3A_3407 = arith.constant 0 : i32
      %lt3A_3408 = arith.cmpi slt, %rem3A_3404, %lt3A_3407 : i32
      %lt3A_3409 = arith.constant 0 : i32
      %lt3A_3410 = arith.cmpi slt, %select_n3A_3403, %lt3A_3409 : i32
      %ne3A_3411 = arith.xori %lt3A_3408, %lt3A_3410 : i1
      %and3A_3412 = arith.andi %ne3A_3411, %ne3A_3406 : i1
      %add3A_3413 = arith.addi %rem3A_3404, %select_n3A_3403 : i32
      %select_n3A_3414 = arith.select %and3A_3412, %add3A_3413, %rem3A_3404 : i32
      %broadcast_in_dim3A_3415 = vector.broadcast %select_n3A_3414 : i32 to vector<16xi32>
      %slice3A_3416 = vector.extract_strided_slice %get3A_944 {offsets = [11], sizes = [1], strides = [1]} : vector<16xi32> to vector<1xi32>
      %squeeze3A_3417 = vector.extract %slice3A_3416[0] : i32 from vector<1xi32>
      %jit3A_3418 = arith.constant 128 : i32
      %eq3A_3419 = arith.constant 0 : i32
      %eq3A_3420 = arith.cmpi eq, %jit3A_3418, %eq3A_3419 : i32
      %jit3A_3421 = arith.constant 1 : i32
      %select_n3A_3422 = arith.select %eq3A_3420, %jit3A_3421, %jit3A_3418 : i32
      %rem3A_3423 = arith.remsi %squeeze3A_3417, %select_n3A_3422 : i32
      %ne3A_3424 = arith.constant 0 : i32
      %ne3A_3425 = arith.cmpi ne, %rem3A_3423, %ne3A_3424 : i32
      %lt3A_3426 = arith.constant 0 : i32
      %lt3A_3427 = arith.cmpi slt, %rem3A_3423, %lt3A_3426 : i32
      %lt3A_3428 = arith.constant 0 : i32
      %lt3A_3429 = arith.cmpi slt, %select_n3A_3422, %lt3A_3428 : i32
      %ne3A_3430 = arith.xori %lt3A_3427, %lt3A_3429 : i1
      %and3A_3431 = arith.andi %ne3A_3430, %ne3A_3425 : i1
      %add3A_3432 = arith.addi %rem3A_3423, %select_n3A_3422 : i32
      %select_n3A_3433 = arith.select %and3A_3431, %add3A_3432, %rem3A_3423 : i32
      %broadcast_in_dim3A_3434 = vector.broadcast %select_n3A_3433 : i32 to vector<16xi32>
      %broadcast_in_dim3A_3435 = arith.constant 3 : i32
      %broadcast_in_dim3A_3436 = vector.broadcast %broadcast_in_dim3A_3435 : i32 to vector<16xi32>
      %broadcast_in_dim3A_3437 = arith.constant 0 : i32
      %broadcast_in_dim3A_3438 = vector.broadcast %broadcast_in_dim3A_3437 : i32 to vector<16xi32>
      %broadcast_in_dim3A_3439 = arith.constant 0 : i32
      %broadcast_in_dim3A_3440 = vector.broadcast %broadcast_in_dim3A_3439 : i32 to vector<16xi32>
      %broadcast_in_dim3A_3441 = arith.constant 1 : i32
      %broadcast_in_dim3A_3442 = vector.broadcast %broadcast_in_dim3A_3441 : i32 to vector<16xi32>
      %gather3A_3443 = tpu.vector_load_idx %arg9[%broadcast_in_dim3A_3436, %broadcast_in_dim3A_3438, %broadcast_in_dim3A_3440, %select_n3A, %select_n3A_54, %broadcast_in_dim3A_3415] : memref<8x1x2x4x8x128xf32, #tpu.memory_space<vmem>>[vector<16xi32>, vector<16xi32>, vector<16xi32>, vector<16xi32>, vector<16xi32>, vector<16xi32>], vector<16xf32>,
      %gather3A_3444 = tpu.vector_load_idx %arg9[%broadcast_in_dim3A_3436, %broadcast_in_dim3A_3438, %broadcast_in_dim3A_3440, %add3A_34, %select_n3A_54, %broadcast_in_dim3A_3415] : memref<8x1x2x4x8x128xf32, #tpu.memory_space<vmem>>[vector<16xi32>, vector<16xi32>, vector<16xi32>, vector<16xi32>, vector<16xi32>, vector<16xi32>], vector<16xf32>,
      %gather3A_3445 = tpu.vector_load_idx %arg9[%broadcast_in_dim3A_3436, %broadcast_in_dim3A_3438, %broadcast_in_dim3A_3442, %select_n3A, %select_n3A_54, %broadcast_in_dim3A_3434] : memref<8x1x2x4x8x128xf32, #tpu.memory_space<vmem>>[vector<16xi32>, vector<16xi32>, vector<16xi32>, vector<16xi32>, vector<16xi32>, vector<16xi32>], vector<16xf32>,
      %gather3A_3446 = tpu.vector_load_idx %arg9[%broadcast_in_dim3A_3436, %broadcast_in_dim3A_3438, %broadcast_in_dim3A_3442, %add3A_34, %select_n3A_54, %broadcast_in_dim3A_3434] : memref<8x1x2x4x8x128xf32, #tpu.memory_space<vmem>>[vector<16xi32>, vector<16xi32>, vector<16xi32>, vector<16xi32>, vector<16xi32>, vector<16xi32>], vector<16xf32>,
      %mul3A_3447 = arith.mulf %gather3A_3443, %gather3A_3445 : vector<16xf32>
      %mul3A_3448 = arith.mulf %gather3A_3444, %gather3A_3446 : vector<16xf32>
      %add3A_3449 = arith.addf %mul3A_3447, %mul3A_3448 : vector<16xf32>
      %cumsum3A_3450 = arith.constant true
      %cumsum3A_3451 = vector.broadcast %cumsum3A_3450 : i1 to vector<16xi1>
      %cumsum3A_3452 = tpu.scan <sum>, %add3A_3449 masked %cumsum3A_3451 : vector<16xf32>, vector<16xi1> -> vector<16xf32>
      %mul3A_3453 = arith.constant 16 : i32
      %mul3A_3454 = arith.muli %scan3A_937, %mul3A_3453 : i32
      %add3A_3455 = arith.constant 11 : i32
      %add3A_3456 = arith.addi %mul3A_3454, %add3A_3455 : i32
      %add3A_3457 = arith.constant 0 : i32
      %add3A_3458 = arith.addi %add3A_3456, %add3A_3457 : i32
      %broadcast_in_dim3A_3459 = vector.broadcast %add3A_3458 : i32 to vector<16xi32>
      tpu.vector_store_idx %arg10[%broadcast_in_dim3A_3459], %cumsum3A_3452 masked %eq3A_57 : memref<512xf32, #tpu.memory_space<vmem>>[vector<16xi32>], vector<16xf32>, vector<16xi1>
      %slice3A_3460 = vector.extract_strided_slice %get3A_951 {offsets = [2], sizes = [1], strides = [1]} : vector<16xi32> to vector<1xi32>
      %squeeze3A_3461 = vector.extract %slice3A_3460[0] : i32 from vector<1xi32>
      %slice3A_3462 = vector.extract_strided_slice %get3A_953 {offsets = [2], sizes = [1], strides = [1]} : vector<16xi32> to vector<1xi32>
      %squeeze3A_3463 = vector.extract %slice3A_3462[0] : i32 from vector<1xi32>
      %jit3A_3464 = arith.constant 128 : i32
      %div3A_3465 = arith.divsi %squeeze3A_3461, %jit3A_3464 : i32
      %sign3A_3466 = arith.constant 0 : i32
      %sign3A_3467 = arith.cmpi sgt, %squeeze3A_3461, %sign3A_3466 : i32
      %sign3A_3468 = arith.extui %sign3A_3467 : i1 to i32
      %sign3A_3469 = arith.constant 0 : i32
      %sign3A_3470 = arith.cmpi slt, %squeeze3A_3461, %sign3A_3469 : i32
      %sign3A_3471 = arith.extui %sign3A_3470 : i1 to i32
      %sign3A_3472 = arith.subi %sign3A_3468, %sign3A_3471 : i32
      %sign3A_3473 = arith.constant 0 : i32
      %sign3A_3474 = arith.cmpi sgt, %jit3A_3464, %sign3A_3473 : i32
      %sign3A_3475 = arith.extui %sign3A_3474 : i1 to i32
      %sign3A_3476 = arith.constant 0 : i32
      %sign3A_3477 = arith.cmpi slt, %jit3A_3464, %sign3A_3476 : i32
      %sign3A_3478 = arith.extui %sign3A_3477 : i1 to i32
      %sign3A_3479 = arith.subi %sign3A_3475, %sign3A_3478 : i32
      %ne3A_3480 = arith.cmpi ne, %sign3A_3472, %sign3A_3479 : i32
      %rem3A_3481 = arith.remsi %squeeze3A_3461, %jit3A_3464 : i32
      %ne3A_3482 = arith.constant 0 : i32
      %ne3A_3483 = arith.cmpi ne, %rem3A_3481, %ne3A_3482 : i32
      %and3A_3484 = arith.andi %ne3A_3480, %ne3A_3483 : i1
      %sub3A_3485 = arith.constant 1 : i32
      %sub3A_3486 = arith.subi %div3A_3465, %sub3A_3485 : i32
      %select_n3A_3487 = arith.select %and3A_3484, %sub3A_3486, %div3A_3465 : i32
      %mul3A_3488 = arith.constant 128 : i32
      %mul3A_3489 = arith.muli %select_n3A_3487, %mul3A_3488 : i32
      %multiple_of3A_3490 = tpu.assume_multiple %mul3A_3489, 128 : i32
      %jit3A_3491 = arith.constant 128 : i32
      %div3A_3492 = arith.divsi %squeeze3A_3463, %jit3A_3491 : i32
      %sign3A_3493 = arith.constant 0 : i32
      %sign3A_3494 = arith.cmpi sgt, %squeeze3A_3463, %sign3A_3493 : i32
      %sign3A_3495 = arith.extui %sign3A_3494 : i1 to i32
      %sign3A_3496 = arith.constant 0 : i32
      %sign3A_3497 = arith.cmpi slt, %squeeze3A_3463, %sign3A_3496 : i32
      %sign3A_3498 = arith.extui %sign3A_3497 : i1 to i32
      %sign3A_3499 = arith.subi %sign3A_3495, %sign3A_3498 : i32
      %sign3A_3500 = arith.constant 0 : i32
      %sign3A_3501 = arith.cmpi sgt, %jit3A_3491, %sign3A_3500 : i32
      %sign3A_3502 = arith.extui %sign3A_3501 : i1 to i32
      %sign3A_3503 = arith.constant 0 : i32
      %sign3A_3504 = arith.cmpi slt, %jit3A_3491, %sign3A_3503 : i32
      %sign3A_3505 = arith.extui %sign3A_3504 : i1 to i32
      %sign3A_3506 = arith.subi %sign3A_3502, %sign3A_3505 : i32
      %ne3A_3507 = arith.cmpi ne, %sign3A_3499, %sign3A_3506 : i32
      %rem3A_3508 = arith.remsi %squeeze3A_3463, %jit3A_3491 : i32
      %ne3A_3509 = arith.constant 0 : i32
      %ne3A_3510 = arith.cmpi ne, %rem3A_3508, %ne3A_3509 : i32
      %and3A_3511 = arith.andi %ne3A_3507, %ne3A_3510 : i1
      %sub3A_3512 = arith.constant 1 : i32
      %sub3A_3513 = arith.subi %div3A_3492, %sub3A_3512 : i32
      %select_n3A_3514 = arith.select %and3A_3511, %sub3A_3513, %div3A_3492 : i32
      %mul3A_3515 = arith.constant 128 : i32
      %mul3A_3516 = arith.muli %select_n3A_3514, %mul3A_3515 : i32
      %multiple_of3A_3517 = tpu.assume_multiple %mul3A_3516, 128 : i32
      %dma_start3A_3518 = arith.constant 2 : i32
      %dma_start3A_3519 = arith.constant 0 : i32
      %dma_start3A_3520 = arith.constant 0 : i32
      %dma_start3A_3521 = arith.constant 0 : i32
      %dma_start3A_3522 = arith.constant 0 : i32
      %dma_start3A_3523 = arith.constant 0 : i32
      %dma_start3A_3524 = tpu.memref_slice %arg9[%dma_start3A_3518, %dma_start3A_3519, %dma_start3A_3520, %dma_start3A_3521, %dma_start3A_3522, %dma_start3A_3523] : memref<8x1x2x4x8x128xf32, #tpu.memory_space<vmem>> -> memref<1x1x1x4x8x128xf32, #tpu.memory_space<vmem>>
      %dma_start3A_3525 = tpu.memref_squeeze %dma_start3A_3524 : memref<1x1x1x4x8x128xf32, #tpu.memory_space<vmem>> -> memref<4x8x128xf32, #tpu.memory_space<vmem>>
      %dma_start3A_3526 = tpu.memref_reshape %arg4 : memref<32x1000000xf32, #tpu.memory_space<hbm>> -> memref<4x8x1000000xf32, #tpu.memory_space<hbm>>
      %dma_start3A_3527 = arith.constant 0 : i32
      %dma_start3A_3528 = arith.constant 0 : i32
      %dma_start3A_3529 = tpu.memref_slice %dma_start3A_3526[%dma_start3A_3527, %dma_start3A_3528, %multiple_of3A_3490] : memref<4x8x1000000xf32, #tpu.memory_space<hbm>> -> memref<4x8x128xf32, #tpu.memory_space<hbm>>
      %dma_start3A_3530 = arith.constant 0 : i32
      %dma_start3A_3531 = arith.constant 0 : i32
      %dma_start3A_3532 = arith.constant 0 : i32
      %dma_start3A_3533 = tpu.memref_slice %arg9[%dma_start3A_3518, %dma_start3A_3519, %dma_start3A_3520, %dma_start3A_3530, %dma_start3A_3531, %dma_start3A_3532] : memref<8x1x2x4x8x128xf32, #tpu.memory_space<vmem>> -> memref<1x1x1x4x8x128xf32, #tpu.memory_space<vmem>>
      %dma_start3A_3534 = tpu.memref_squeeze %dma_start3A_3533 : memref<1x1x1x4x8x128xf32, #tpu.memory_space<vmem>> -> memref<4x8x128xf32, #tpu.memory_space<vmem>>
      %dma_start3A_3535 = tpu.memref_reshape %arg4 : memref<32x1000000xf32, #tpu.memory_space<hbm>> -> memref<4x8x1000000xf32, #tpu.memory_space<hbm>>
      %dma_start3A_3536 = arith.constant 0 : i32
      %dma_start3A_3537 = arith.constant 0 : i32
      %dma_start3A_3538 = tpu.memref_slice %dma_start3A_3535[%dma_start3A_3536, %dma_start3A_3537, %multiple_of3A_3490] : memref<4x8x1000000xf32, #tpu.memory_space<hbm>> -> memref<4x8x128xf32, #tpu.memory_space<hbm>>
      tpu.enqueue_dma source(%dma_start3A_3538 : memref<4x8x128xf32, #tpu.memory_space<hbm>>) target(%dma_start3A_3534 : memref<4x8x128xf32, #tpu.memory_space<vmem>>) target_semaphore(%arg13 : memref<!tpu.dma_semaphore, #tpu.memory_space<semaphore_mem>>)
      %dma_start3A_3539 = arith.constant 2 : i32
      %dma_start3A_3540 = arith.constant 0 : i32
      %dma_start3A_3541 = arith.constant 1 : i32
      %dma_start3A_3542 = arith.constant 0 : i32
      %dma_start3A_3543 = arith.constant 0 : i32
      %dma_start3A_3544 = arith.constant 0 : i32
      %dma_start3A_3545 = tpu.memref_slice %arg9[%dma_start3A_3539, %dma_start3A_3540, %dma_start3A_3541, %dma_start3A_3542, %dma_start3A_3543, %dma_start3A_3544] : memref<8x1x2x4x8x128xf32, #tpu.memory_space<vmem>> -> memref<1x1x1x4x8x128xf32, #tpu.memory_space<vmem>>
      %dma_start3A_3546 = tpu.memref_squeeze %dma_start3A_3545 : memref<1x1x1x4x8x128xf32, #tpu.memory_space<vmem>> -> memref<4x8x128xf32, #tpu.memory_space<vmem>>
      %dma_start3A_3547 = tpu.memref_reshape %arg5 : memref<32x1000000xf32, #tpu.memory_space<hbm>> -> memref<4x8x1000000xf32, #tpu.memory_space<hbm>>
      %dma_start3A_3548 = arith.constant 0 : i32
      %dma_start3A_3549 = arith.constant 0 : i32
      %dma_start3A_3550 = tpu.memref_slice %dma_start3A_3547[%dma_start3A_3548, %dma_start3A_3549, %multiple_of3A_3517] : memref<4x8x1000000xf32, #tpu.memory_space<hbm>> -> memref<4x8x128xf32, #tpu.memory_space<hbm>>
      %dma_start3A_3551 = arith.constant 0 : i32
      %dma_start3A_3552 = arith.constant 0 : i32
      %dma_start3A_3553 = arith.constant 0 : i32
      %dma_start3A_3554 = tpu.memref_slice %arg9[%dma_start3A_3539, %dma_start3A_3540, %dma_start3A_3541, %dma_start3A_3551, %dma_start3A_3552, %dma_start3A_3553] : memref<8x1x2x4x8x128xf32, #tpu.memory_space<vmem>> -> memref<1x1x1x4x8x128xf32, #tpu.memory_space<vmem>>
      %dma_start3A_3555 = tpu.memref_squeeze %dma_start3A_3554 : memref<1x1x1x4x8x128xf32, #tpu.memory_space<vmem>> -> memref<4x8x128xf32, #tpu.memory_space<vmem>>
      %dma_start3A_3556 = tpu.memref_reshape %arg5 : memref<32x1000000xf32, #tpu.memory_space<hbm>> -> memref<4x8x1000000xf32, #tpu.memory_space<hbm>>
      %dma_start3A_3557 = arith.constant 0 : i32
      %dma_start3A_3558 = arith.constant 0 : i32
      %dma_start3A_3559 = tpu.memref_slice %dma_start3A_3556[%dma_start3A_3557, %dma_start3A_3558, %multiple_of3A_3517] : memref<4x8x1000000xf32, #tpu.memory_space<hbm>> -> memref<4x8x128xf32, #tpu.memory_space<hbm>>
      tpu.enqueue_dma source(%dma_start3A_3559 : memref<4x8x128xf32, #tpu.memory_space<hbm>>) target(%dma_start3A_3555 : memref<4x8x128xf32, #tpu.memory_space<vmem>>) target_semaphore(%arg13 : memref<!tpu.dma_semaphore, #tpu.memory_space<semaphore_mem>>)
      %dma_wait3A_3560 = arith.constant 0 : i32
      %dma_wait3A_3561 = arith.constant 0 : i32
      %dma_wait3A_3562 = arith.constant 0 : i32
      %dma_wait3A_3563 = arith.constant 0 : i32
      %dma_wait3A_3564 = arith.constant 0 : i32
      %dma_wait3A_3565 = arith.constant 0 : i32
      %dma_wait3A_3566 = tpu.memref_slice %arg9[%dma_wait3A_3560, %dma_wait3A_3561, %dma_wait3A_3562, %dma_wait3A_3563, %dma_wait3A_3564, %dma_wait3A_3565] : memref<8x1x2x4x8x128xf32, #tpu.memory_space<vmem>> -> memref<1x1x1x4x8x128xf32, #tpu.memory_space<vmem>>
      %dma_wait3A_3567 = tpu.memref_squeeze %dma_wait3A_3566 : memref<1x1x1x4x8x128xf32, #tpu.memory_space<vmem>> -> memref<4x8x128xf32, #tpu.memory_space<vmem>>
      %dma_wait3A_3568 = tpu.memref_reshape %arg4 : memref<32x1000000xf32, #tpu.memory_space<hbm>> -> memref<4x8x1000000xf32, #tpu.memory_space<hbm>>
      %dma_wait3A_3569 = arith.constant 0 : i32
      %dma_wait3A_3570 = arith.constant 0 : i32
      %dma_wait3A_3571 = arith.constant 0 : i32
      %dma_wait3A_3572 = tpu.memref_slice %dma_wait3A_3568[%dma_wait3A_3569, %dma_wait3A_3570, %dma_wait3A_3571] : memref<4x8x1000000xf32, #tpu.memory_space<hbm>> -> memref<4x8x128xf32, #tpu.memory_space<hbm>>
      %dma_wait3A_3573 = arith.constant 0 : i32
      %dma_wait3A_3574 = arith.constant 0 : i32
      %dma_wait3A_3575 = arith.constant 0 : i32
      %dma_wait3A_3576 = tpu.memref_slice %arg9[%dma_wait3A_3560, %dma_wait3A_3561, %dma_wait3A_3562, %dma_wait3A_3573, %dma_wait3A_3574, %dma_wait3A_3575] : memref<8x1x2x4x8x128xf32, #tpu.memory_space<vmem>> -> memref<1x1x1x4x8x128xf32, #tpu.memory_space<vmem>>
      %dma_wait3A_3577 = tpu.memref_squeeze %dma_wait3A_3576 : memref<1x1x1x4x8x128xf32, #tpu.memory_space<vmem>> -> memref<4x8x128xf32, #tpu.memory_space<vmem>>
      %dma_wait3A_3578 = tpu.memref_reshape %arg4 : memref<32x1000000xf32, #tpu.memory_space<hbm>> -> memref<4x8x1000000xf32, #tpu.memory_space<hbm>>
      %dma_wait3A_3579 = arith.constant 0 : i32
      %dma_wait3A_3580 = arith.constant 0 : i32
      %dma_wait3A_3581 = arith.constant 0 : i32
      %dma_wait3A_3582 = tpu.memref_slice %dma_wait3A_3578[%dma_wait3A_3579, %dma_wait3A_3580, %dma_wait3A_3581] : memref<4x8x1000000xf32, #tpu.memory_space<hbm>> -> memref<4x8x128xf32, #tpu.memory_space<hbm>>
      tpu.wait_dma2 semaphore(%arg15 : memref<!tpu.dma_semaphore, #tpu.memory_space<semaphore_mem>>) src(%dma_wait3A_3582 : memref<4x8x128xf32, #tpu.memory_space<hbm>>) dst(%dma_wait3A_3577 : memref<4x8x128xf32, #tpu.memory_space<vmem>>)
      %dma_wait3A_3583 = arith.constant 0 : i32
      %dma_wait3A_3584 = arith.constant 0 : i32
      %dma_wait3A_3585 = arith.constant 0 : i32
      %dma_wait3A_3586 = arith.constant 0 : i32
      %dma_wait3A_3587 = arith.constant 0 : i32
      %dma_wait3A_3588 = arith.constant 0 : i32
      %dma_wait3A_3589 = tpu.memref_slice %arg9[%dma_wait3A_3583, %dma_wait3A_3584, %dma_wait3A_3585, %dma_wait3A_3586, %dma_wait3A_3587, %dma_wait3A_3588] : memref<8x1x2x4x8x128xf32, #tpu.memory_space<vmem>> -> memref<1x1x1x4x8x128xf32, #tpu.memory_space<vmem>>
      %dma_wait3A_3590 = tpu.memref_squeeze %dma_wait3A_3589 : memref<1x1x1x4x8x128xf32, #tpu.memory_space<vmem>> -> memref<4x8x128xf32, #tpu.memory_space<vmem>>
      %dma_wait3A_3591 = tpu.memref_reshape %arg4 : memref<32x1000000xf32, #tpu.memory_space<hbm>> -> memref<4x8x1000000xf32, #tpu.memory_space<hbm>>
      %dma_wait3A_3592 = arith.constant 0 : i32
      %dma_wait3A_3593 = arith.constant 0 : i32
      %dma_wait3A_3594 = arith.constant 0 : i32
      %dma_wait3A_3595 = tpu.memref_slice %dma_wait3A_3591[%dma_wait3A_3592, %dma_wait3A_3593, %dma_wait3A_3594] : memref<4x8x1000000xf32, #tpu.memory_space<hbm>> -> memref<4x8x128xf32, #tpu.memory_space<hbm>>
      %dma_wait3A_3596 = arith.constant 0 : i32
      %dma_wait3A_3597 = arith.constant 0 : i32
      %dma_wait3A_3598 = arith.constant 0 : i32
      %dma_wait3A_3599 = tpu.memref_slice %arg9[%dma_wait3A_3583, %dma_wait3A_3584, %dma_wait3A_3585, %dma_wait3A_3596, %dma_wait3A_3597, %dma_wait3A_3598] : memref<8x1x2x4x8x128xf32, #tpu.memory_space<vmem>> -> memref<1x1x1x4x8x128xf32, #tpu.memory_space<vmem>>
      %dma_wait3A_3600 = tpu.memref_squeeze %dma_wait3A_3599 : memref<1x1x1x4x8x128xf32, #tpu.memory_space<vmem>> -> memref<4x8x128xf32, #tpu.memory_space<vmem>>
      %dma_wait3A_3601 = tpu.memref_reshape %arg4 : memref<32x1000000xf32, #tpu.memory_space<hbm>> -> memref<4x8x1000000xf32, #tpu.memory_space<hbm>>
      %dma_wait3A_3602 = arith.constant 0 : i32
      %dma_wait3A_3603 = arith.constant 0 : i32
      %dma_wait3A_3604 = arith.constant 0 : i32
      %dma_wait3A_3605 = tpu.memref_slice %dma_wait3A_3601[%dma_wait3A_3602, %dma_wait3A_3603, %dma_wait3A_3604] : memref<4x8x1000000xf32, #tpu.memory_space<hbm>> -> memref<4x8x128xf32, #tpu.memory_space<hbm>>
      tpu.wait_dma2 semaphore(%arg15 : memref<!tpu.dma_semaphore, #tpu.memory_space<semaphore_mem>>) src(%dma_wait3A_3605 : memref<4x8x128xf32, #tpu.memory_space<hbm>>) dst(%dma_wait3A_3600 : memref<4x8x128xf32, #tpu.memory_space<vmem>>)
      %slice3A_3606 = vector.extract_strided_slice %get3A_942 {offsets = [12], sizes = [1], strides = [1]} : vector<16xi32> to vector<1xi32>
      %squeeze3A_3607 = vector.extract %slice3A_3606[0] : i32 from vector<1xi32>
      %jit3A_3608 = arith.constant 128 : i32
      %eq3A_3609 = arith.constant 0 : i32
      %eq3A_3610 = arith.cmpi eq, %jit3A_3608, %eq3A_3609 : i32
      %jit3A_3611 = arith.constant 1 : i32
      %select_n3A_3612 = arith.select %eq3A_3610, %jit3A_3611, %jit3A_3608 : i32
      %rem3A_3613 = arith.remsi %squeeze3A_3607, %select_n3A_3612 : i32
      %ne3A_3614 = arith.constant 0 : i32
      %ne3A_3615 = arith.cmpi ne, %rem3A_3613, %ne3A_3614 : i32
      %lt3A_3616 = arith.constant 0 : i32
      %lt3A_3617 = arith.cmpi slt, %rem3A_3613, %lt3A_3616 : i32
      %lt3A_3618 = arith.constant 0 : i32
      %lt3A_3619 = arith.cmpi slt, %select_n3A_3612, %lt3A_3618 : i32
      %ne3A_3620 = arith.xori %lt3A_3617, %lt3A_3619 : i1
      %and3A_3621 = arith.andi %ne3A_3620, %ne3A_3615 : i1
      %add3A_3622 = arith.addi %rem3A_3613, %select_n3A_3612 : i32
      %select_n3A_3623 = arith.select %and3A_3621, %add3A_3622, %rem3A_3613 : i32
      %broadcast_in_dim3A_3624 = vector.broadcast %select_n3A_3623 : i32 to vector<16xi32>
      %slice3A_3625 = vector.extract_strided_slice %get3A_944 {offsets = [12], sizes = [1], strides = [1]} : vector<16xi32> to vector<1xi32>
      %squeeze3A_3626 = vector.extract %slice3A_3625[0] : i32 from vector<1xi32>
      %jit3A_3627 = arith.constant 128 : i32
      %eq3A_3628 = arith.constant 0 : i32
      %eq3A_3629 = arith.cmpi eq, %jit3A_3627, %eq3A_3628 : i32
      %jit3A_3630 = arith.constant 1 : i32
      %select_n3A_3631 = arith.select %eq3A_3629, %jit3A_3630, %jit3A_3627 : i32
      %rem3A_3632 = arith.remsi %squeeze3A_3626, %select_n3A_3631 : i32
      %ne3A_3633 = arith.constant 0 : i32
      %ne3A_3634 = arith.cmpi ne, %rem3A_3632, %ne3A_3633 : i32
      %lt3A_3635 = arith.constant 0 : i32
      %lt3A_3636 = arith.cmpi slt, %rem3A_3632, %lt3A_3635 : i32
      %lt3A_3637 = arith.constant 0 : i32
      %lt3A_3638 = arith.cmpi slt, %select_n3A_3631, %lt3A_3637 : i32
      %ne3A_3639 = arith.xori %lt3A_3636, %lt3A_3638 : i1
      %and3A_3640 = arith.andi %ne3A_3639, %ne3A_3634 : i1
      %add3A_3641 = arith.addi %rem3A_3632, %select_n3A_3631 : i32
      %select_n3A_3642 = arith.select %and3A_3640, %add3A_3641, %rem3A_3632 : i32
      %broadcast_in_dim3A_3643 = vector.broadcast %select_n3A_3642 : i32 to vector<16xi32>
      %broadcast_in_dim3A_3644 = arith.constant 4 : i32
      %broadcast_in_dim3A_3645 = vector.broadcast %broadcast_in_dim3A_3644 : i32 to vector<16xi32>
      %broadcast_in_dim3A_3646 = arith.constant 0 : i32
      %broadcast_in_dim3A_3647 = vector.broadcast %broadcast_in_dim3A_3646 : i32 to vector<16xi32>
      %broadcast_in_dim3A_3648 = arith.constant 0 : i32
      %broadcast_in_dim3A_3649 = vector.broadcast %broadcast_in_dim3A_3648 : i32 to vector<16xi32>
      %broadcast_in_dim3A_3650 = arith.constant 1 : i32
      %broadcast_in_dim3A_3651 = vector.broadcast %broadcast_in_dim3A_3650 : i32 to vector<16xi32>
      %gather3A_3652 = tpu.vector_load_idx %arg9[%broadcast_in_dim3A_3645, %broadcast_in_dim3A_3647, %broadcast_in_dim3A_3649, %select_n3A, %select_n3A_54, %broadcast_in_dim3A_3624] : memref<8x1x2x4x8x128xf32, #tpu.memory_space<vmem>>[vector<16xi32>, vector<16xi32>, vector<16xi32>, vector<16xi32>, vector<16xi32>, vector<16xi32>], vector<16xf32>,
      %gather3A_3653 = tpu.vector_load_idx %arg9[%broadcast_in_dim3A_3645, %broadcast_in_dim3A_3647, %broadcast_in_dim3A_3649, %add3A_34, %select_n3A_54, %broadcast_in_dim3A_3624] : memref<8x1x2x4x8x128xf32, #tpu.memory_space<vmem>>[vector<16xi32>, vector<16xi32>, vector<16xi32>, vector<16xi32>, vector<16xi32>, vector<16xi32>], vector<16xf32>,
      %gather3A_3654 = tpu.vector_load_idx %arg9[%broadcast_in_dim3A_3645, %broadcast_in_dim3A_3647, %broadcast_in_dim3A_3651, %select_n3A, %select_n3A_54, %broadcast_in_dim3A_3643] : memref<8x1x2x4x8x128xf32, #tpu.memory_space<vmem>>[vector<16xi32>, vector<16xi32>, vector<16xi32>, vector<16xi32>, vector<16xi32>, vector<16xi32>], vector<16xf32>,
      %gather3A_3655 = tpu.vector_load_idx %arg9[%broadcast_in_dim3A_3645, %broadcast_in_dim3A_3647, %broadcast_in_dim3A_3651, %add3A_34, %select_n3A_54, %broadcast_in_dim3A_3643] : memref<8x1x2x4x8x128xf32, #tpu.memory_space<vmem>>[vector<16xi32>, vector<16xi32>, vector<16xi32>, vector<16xi32>, vector<16xi32>, vector<16xi32>], vector<16xf32>,
      %mul3A_3656 = arith.mulf %gather3A_3652, %gather3A_3654 : vector<16xf32>
      %mul3A_3657 = arith.mulf %gather3A_3653, %gather3A_3655 : vector<16xf32>
      %add3A_3658 = arith.addf %mul3A_3656, %mul3A_3657 : vector<16xf32>
      %cumsum3A_3659 = arith.constant true
      %cumsum3A_3660 = vector.broadcast %cumsum3A_3659 : i1 to vector<16xi1>
      %cumsum3A_3661 = tpu.scan <sum>, %add3A_3658 masked %cumsum3A_3660 : vector<16xf32>, vector<16xi1> -> vector<16xf32>
      %mul3A_3662 = arith.constant 16 : i32
      %mul3A_3663 = arith.muli %scan3A_937, %mul3A_3662 : i32
      %add3A_3664 = arith.constant 12 : i32
      %add3A_3665 = arith.addi %mul3A_3663, %add3A_3664 : i32
      %add3A_3666 = arith.constant 0 : i32
      %add3A_3667 = arith.addi %add3A_3665, %add3A_3666 : i32
      %broadcast_in_dim3A_3668 = vector.broadcast %add3A_3667 : i32 to vector<16xi32>
      tpu.vector_store_idx %arg10[%broadcast_in_dim3A_3668], %cumsum3A_3661 masked %eq3A_57 : memref<512xf32, #tpu.memory_space<vmem>>[vector<16xi32>], vector<16xf32>, vector<16xi1>
      %slice3A_3669 = vector.extract_strided_slice %get3A_951 {offsets = [3], sizes = [1], strides = [1]} : vector<16xi32> to vector<1xi32>
      %squeeze3A_3670 = vector.extract %slice3A_3669[0] : i32 from vector<1xi32>
      %slice3A_3671 = vector.extract_strided_slice %get3A_953 {offsets = [3], sizes = [1], strides = [1]} : vector<16xi32> to vector<1xi32>
      %squeeze3A_3672 = vector.extract %slice3A_3671[0] : i32 from vector<1xi32>
      %jit3A_3673 = arith.constant 128 : i32
      %div3A_3674 = arith.divsi %squeeze3A_3670, %jit3A_3673 : i32
      %sign3A_3675 = arith.constant 0 : i32
      %sign3A_3676 = arith.cmpi sgt, %squeeze3A_3670, %sign3A_3675 : i32
      %sign3A_3677 = arith.extui %sign3A_3676 : i1 to i32
      %sign3A_3678 = arith.constant 0 : i32
      %sign3A_3679 = arith.cmpi slt, %squeeze3A_3670, %sign3A_3678 : i32
      %sign3A_3680 = arith.extui %sign3A_3679 : i1 to i32
      %sign3A_3681 = arith.subi %sign3A_3677, %sign3A_3680 : i32
      %sign3A_3682 = arith.constant 0 : i32
      %sign3A_3683 = arith.cmpi sgt, %jit3A_3673, %sign3A_3682 : i32
      %sign3A_3684 = arith.extui %sign3A_3683 : i1 to i32
      %sign3A_3685 = arith.constant 0 : i32
      %sign3A_3686 = arith.cmpi slt, %jit3A_3673, %sign3A_3685 : i32
      %sign3A_3687 = arith.extui %sign3A_3686 : i1 to i32
      %sign3A_3688 = arith.subi %sign3A_3684, %sign3A_3687 : i32
      %ne3A_3689 = arith.cmpi ne, %sign3A_3681, %sign3A_3688 : i32
      %rem3A_3690 = arith.remsi %squeeze3A_3670, %jit3A_3673 : i32
      %ne3A_3691 = arith.constant 0 : i32
      %ne3A_3692 = arith.cmpi ne, %rem3A_3690, %ne3A_3691 : i32
      %and3A_3693 = arith.andi %ne3A_3689, %ne3A_3692 : i1
      %sub3A_3694 = arith.constant 1 : i32
      %sub3A_3695 = arith.subi %div3A_3674, %sub3A_3694 : i32
      %select_n3A_3696 = arith.select %and3A_3693, %sub3A_3695, %div3A_3674 : i32
      %mul3A_3697 = arith.constant 128 : i32
      %mul3A_3698 = arith.muli %select_n3A_3696, %mul3A_3697 : i32
      %multiple_of3A_3699 = tpu.assume_multiple %mul3A_3698, 128 : i32
      %jit3A_3700 = arith.constant 128 : i32
      %div3A_3701 = arith.divsi %squeeze3A_3672, %jit3A_3700 : i32
      %sign3A_3702 = arith.constant 0 : i32
      %sign3A_3703 = arith.cmpi sgt, %squeeze3A_3672, %sign3A_3702 : i32
      %sign3A_3704 = arith.extui %sign3A_3703 : i1 to i32
      %sign3A_3705 = arith.constant 0 : i32
      %sign3A_3706 = arith.cmpi slt, %squeeze3A_3672, %sign3A_3705 : i32
      %sign3A_3707 = arith.extui %sign3A_3706 : i1 to i32
      %sign3A_3708 = arith.subi %sign3A_3704, %sign3A_3707 : i32
      %sign3A_3709 = arith.constant 0 : i32
      %sign3A_3710 = arith.cmpi sgt, %jit3A_3700, %sign3A_3709 : i32
      %sign3A_3711 = arith.extui %sign3A_3710 : i1 to i32
      %sign3A_3712 = arith.constant 0 : i32
      %sign3A_3713 = arith.cmpi slt, %jit3A_3700, %sign3A_3712 : i32
      %sign3A_3714 = arith.extui %sign3A_3713 : i1 to i32
      %sign3A_3715 = arith.subi %sign3A_3711, %sign3A_3714 : i32
      %ne3A_3716 = arith.cmpi ne, %sign3A_3708, %sign3A_3715 : i32
      %rem3A_3717 = arith.remsi %squeeze3A_3672, %jit3A_3700 : i32
      %ne3A_3718 = arith.constant 0 : i32
      %ne3A_3719 = arith.cmpi ne, %rem3A_3717, %ne3A_3718 : i32
      %and3A_3720 = arith.andi %ne3A_3716, %ne3A_3719 : i1
      %sub3A_3721 = arith.constant 1 : i32
      %sub3A_3722 = arith.subi %div3A_3701, %sub3A_3721 : i32
      %select_n3A_3723 = arith.select %and3A_3720, %sub3A_3722, %div3A_3701 : i32
      %mul3A_3724 = arith.constant 128 : i32
      %mul3A_3725 = arith.muli %select_n3A_3723, %mul3A_3724 : i32
      %multiple_of3A_3726 = tpu.assume_multiple %mul3A_3725, 128 : i32
      %dma_start3A_3727 = arith.constant 3 : i32
      %dma_start3A_3728 = arith.constant 0 : i32
      %dma_start3A_3729 = arith.constant 0 : i32
      %dma_start3A_3730 = arith.constant 0 : i32
      %dma_start3A_3731 = arith.constant 0 : i32
      %dma_start3A_3732 = arith.constant 0 : i32
      %dma_start3A_3733 = tpu.memref_slice %arg9[%dma_start3A_3727, %dma_start3A_3728, %dma_start3A_3729, %dma_start3A_3730, %dma_start3A_3731, %dma_start3A_3732] : memref<8x1x2x4x8x128xf32, #tpu.memory_space<vmem>> -> memref<1x1x1x4x8x128xf32, #tpu.memory_space<vmem>>
      %dma_start3A_3734 = tpu.memref_squeeze %dma_start3A_3733 : memref<1x1x1x4x8x128xf32, #tpu.memory_space<vmem>> -> memref<4x8x128xf32, #tpu.memory_space<vmem>>
      %dma_start3A_3735 = tpu.memref_reshape %arg4 : memref<32x1000000xf32, #tpu.memory_space<hbm>> -> memref<4x8x1000000xf32, #tpu.memory_space<hbm>>
      %dma_start3A_3736 = arith.constant 0 : i32
      %dma_start3A_3737 = arith.constant 0 : i32
      %dma_start3A_3738 = tpu.memref_slice %dma_start3A_3735[%dma_start3A_3736, %dma_start3A_3737, %multiple_of3A_3699] : memref<4x8x1000000xf32, #tpu.memory_space<hbm>> -> memref<4x8x128xf32, #tpu.memory_space<hbm>>
      %dma_start3A_3739 = arith.constant 0 : i32
      %dma_start3A_3740 = arith.constant 0 : i32
      %dma_start3A_3741 = arith.constant 0 : i32
      %dma_start3A_3742 = tpu.memref_slice %arg9[%dma_start3A_3727, %dma_start3A_3728, %dma_start3A_3729, %dma_start3A_3739, %dma_start3A_3740, %dma_start3A_3741] : memref<8x1x2x4x8x128xf32, #tpu.memory_space<vmem>> -> memref<1x1x1x4x8x128xf32, #tpu.memory_space<vmem>>
      %dma_start3A_3743 = tpu.memref_squeeze %dma_start3A_3742 : memref<1x1x1x4x8x128xf32, #tpu.memory_space<vmem>> -> memref<4x8x128xf32, #tpu.memory_space<vmem>>
      %dma_start3A_3744 = tpu.memref_reshape %arg4 : memref<32x1000000xf32, #tpu.memory_space<hbm>> -> memref<4x8x1000000xf32, #tpu.memory_space<hbm>>
      %dma_start3A_3745 = arith.constant 0 : i32
      %dma_start3A_3746 = arith.constant 0 : i32
      %dma_start3A_3747 = tpu.memref_slice %dma_start3A_3744[%dma_start3A_3745, %dma_start3A_3746, %multiple_of3A_3699] : memref<4x8x1000000xf32, #tpu.memory_space<hbm>> -> memref<4x8x128xf32, #tpu.memory_space<hbm>>
      tpu.enqueue_dma source(%dma_start3A_3747 : memref<4x8x128xf32, #tpu.memory_space<hbm>>) target(%dma_start3A_3743 : memref<4x8x128xf32, #tpu.memory_space<vmem>>) target_semaphore(%arg14 : memref<!tpu.dma_semaphore, #tpu.memory_space<semaphore_mem>>)
      %dma_start3A_3748 = arith.constant 3 : i32
      %dma_start3A_3749 = arith.constant 0 : i32
      %dma_start3A_3750 = arith.constant 1 : i32
      %dma_start3A_3751 = arith.constant 0 : i32
      %dma_start3A_3752 = arith.constant 0 : i32
      %dma_start3A_3753 = arith.constant 0 : i32
      %dma_start3A_3754 = tpu.memref_slice %arg9[%dma_start3A_3748, %dma_start3A_3749, %dma_start3A_3750, %dma_start3A_3751, %dma_start3A_3752, %dma_start3A_3753] : memref<8x1x2x4x8x128xf32, #tpu.memory_space<vmem>> -> memref<1x1x1x4x8x128xf32, #tpu.memory_space<vmem>>
      %dma_start3A_3755 = tpu.memref_squeeze %dma_start3A_3754 : memref<1x1x1x4x8x128xf32, #tpu.memory_space<vmem>> -> memref<4x8x128xf32, #tpu.memory_space<vmem>>
      %dma_start3A_3756 = tpu.memref_reshape %arg5 : memref<32x1000000xf32, #tpu.memory_space<hbm>> -> memref<4x8x1000000xf32, #tpu.memory_space<hbm>>
      %dma_start3A_3757 = arith.constant 0 : i32
      %dma_start3A_3758 = arith.constant 0 : i32
      %dma_start3A_3759 = tpu.memref_slice %dma_start3A_3756[%dma_start3A_3757, %dma_start3A_3758, %multiple_of3A_3726] : memref<4x8x1000000xf32, #tpu.memory_space<hbm>> -> memref<4x8x128xf32, #tpu.memory_space<hbm>>
      %dma_start3A_3760 = arith.constant 0 : i32
      %dma_start3A_3761 = arith.constant 0 : i32
      %dma_start3A_3762 = arith.constant 0 : i32
      %dma_start3A_3763 = tpu.memref_slice %arg9[%dma_start3A_3748, %dma_start3A_3749, %dma_start3A_3750, %dma_start3A_3760, %dma_start3A_3761, %dma_start3A_3762] : memref<8x1x2x4x8x128xf32, #tpu.memory_space<vmem>> -> memref<1x1x1x4x8x128xf32, #tpu.memory_space<vmem>>
      %dma_start3A_3764 = tpu.memref_squeeze %dma_start3A_3763 : memref<1x1x1x4x8x128xf32, #tpu.memory_space<vmem>> -> memref<4x8x128xf32, #tpu.memory_space<vmem>>
      %dma_start3A_3765 = tpu.memref_reshape %arg5 : memref<32x1000000xf32, #tpu.memory_space<hbm>> -> memref<4x8x1000000xf32, #tpu.memory_space<hbm>>
      %dma_start3A_3766 = arith.constant 0 : i32
      %dma_start3A_3767 = arith.constant 0 : i32
      %dma_start3A_3768 = tpu.memref_slice %dma_start3A_3765[%dma_start3A_3766, %dma_start3A_3767, %multiple_of3A_3726] : memref<4x8x1000000xf32, #tpu.memory_space<hbm>> -> memref<4x8x128xf32, #tpu.memory_space<hbm>>
      tpu.enqueue_dma source(%dma_start3A_3768 : memref<4x8x128xf32, #tpu.memory_space<hbm>>) target(%dma_start3A_3764 : memref<4x8x128xf32, #tpu.memory_space<vmem>>) target_semaphore(%arg14 : memref<!tpu.dma_semaphore, #tpu.memory_space<semaphore_mem>>)
      %dma_wait3A_3769 = arith.constant 0 : i32
      %dma_wait3A_3770 = arith.constant 0 : i32
      %dma_wait3A_3771 = arith.constant 0 : i32
      %dma_wait3A_3772 = arith.constant 0 : i32
      %dma_wait3A_3773 = arith.constant 0 : i32
      %dma_wait3A_3774 = arith.constant 0 : i32
      %dma_wait3A_3775 = tpu.memref_slice %arg9[%dma_wait3A_3769, %dma_wait3A_3770, %dma_wait3A_3771, %dma_wait3A_3772, %dma_wait3A_3773, %dma_wait3A_3774] : memref<8x1x2x4x8x128xf32, #tpu.memory_space<vmem>> -> memref<1x1x1x4x8x128xf32, #tpu.memory_space<vmem>>
      %dma_wait3A_3776 = tpu.memref_squeeze %dma_wait3A_3775 : memref<1x1x1x4x8x128xf32, #tpu.memory_space<vmem>> -> memref<4x8x128xf32, #tpu.memory_space<vmem>>
      %dma_wait3A_3777 = tpu.memref_reshape %arg4 : memref<32x1000000xf32, #tpu.memory_space<hbm>> -> memref<4x8x1000000xf32, #tpu.memory_space<hbm>>
      %dma_wait3A_3778 = arith.constant 0 : i32
      %dma_wait3A_3779 = arith.constant 0 : i32
      %dma_wait3A_3780 = arith.constant 0 : i32
      %dma_wait3A_3781 = tpu.memref_slice %dma_wait3A_3777[%dma_wait3A_3778, %dma_wait3A_3779, %dma_wait3A_3780] : memref<4x8x1000000xf32, #tpu.memory_space<hbm>> -> memref<4x8x128xf32, #tpu.memory_space<hbm>>
      %dma_wait3A_3782 = arith.constant 0 : i32
      %dma_wait3A_3783 = arith.constant 0 : i32
      %dma_wait3A_3784 = arith.constant 0 : i32
      %dma_wait3A_3785 = tpu.memref_slice %arg9[%dma_wait3A_3769, %dma_wait3A_3770, %dma_wait3A_3771, %dma_wait3A_3782, %dma_wait3A_3783, %dma_wait3A_3784] : memref<8x1x2x4x8x128xf32, #tpu.memory_space<vmem>> -> memref<1x1x1x4x8x128xf32, #tpu.memory_space<vmem>>
      %dma_wait3A_3786 = tpu.memref_squeeze %dma_wait3A_3785 : memref<1x1x1x4x8x128xf32, #tpu.memory_space<vmem>> -> memref<4x8x128xf32, #tpu.memory_space<vmem>>
      %dma_wait3A_3787 = tpu.memref_reshape %arg4 : memref<32x1000000xf32, #tpu.memory_space<hbm>> -> memref<4x8x1000000xf32, #tpu.memory_space<hbm>>
      %dma_wait3A_3788 = arith.constant 0 : i32
      %dma_wait3A_3789 = arith.constant 0 : i32
      %dma_wait3A_3790 = arith.constant 0 : i32
      %dma_wait3A_3791 = tpu.memref_slice %dma_wait3A_3787[%dma_wait3A_3788, %dma_wait3A_3789, %dma_wait3A_3790] : memref<4x8x1000000xf32, #tpu.memory_space<hbm>> -> memref<4x8x128xf32, #tpu.memory_space<hbm>>
      tpu.wait_dma2 semaphore(%arg16 : memref<!tpu.dma_semaphore, #tpu.memory_space<semaphore_mem>>) src(%dma_wait3A_3791 : memref<4x8x128xf32, #tpu.memory_space<hbm>>) dst(%dma_wait3A_3786 : memref<4x8x128xf32, #tpu.memory_space<vmem>>)
      %dma_wait3A_3792 = arith.constant 0 : i32
      %dma_wait3A_3793 = arith.constant 0 : i32
      %dma_wait3A_3794 = arith.constant 0 : i32
      %dma_wait3A_3795 = arith.constant 0 : i32
      %dma_wait3A_3796 = arith.constant 0 : i32
      %dma_wait3A_3797 = arith.constant 0 : i32
      %dma_wait3A_3798 = tpu.memref_slice %arg9[%dma_wait3A_3792, %dma_wait3A_3793, %dma_wait3A_3794, %dma_wait3A_3795, %dma_wait3A_3796, %dma_wait3A_3797] : memref<8x1x2x4x8x128xf32, #tpu.memory_space<vmem>> -> memref<1x1x1x4x8x128xf32, #tpu.memory_space<vmem>>
      %dma_wait3A_3799 = tpu.memref_squeeze %dma_wait3A_3798 : memref<1x1x1x4x8x128xf32, #tpu.memory_space<vmem>> -> memref<4x8x128xf32, #tpu.memory_space<vmem>>
      %dma_wait3A_3800 = tpu.memref_reshape %arg4 : memref<32x1000000xf32, #tpu.memory_space<hbm>> -> memref<4x8x1000000xf32, #tpu.memory_space<hbm>>
      %dma_wait3A_3801 = arith.constant 0 : i32
      %dma_wait3A_3802 = arith.constant 0 : i32
      %dma_wait3A_3803 = arith.constant 0 : i32
      %dma_wait3A_3804 = tpu.memref_slice %dma_wait3A_3800[%dma_wait3A_3801, %dma_wait3A_3802, %dma_wait3A_3803] : memref<4x8x1000000xf32, #tpu.memory_space<hbm>> -> memref<4x8x128xf32, #tpu.memory_space<hbm>>
      %dma_wait3A_3805 = arith.constant 0 : i32
      %dma_wait3A_3806 = arith.constant 0 : i32
      %dma_wait3A_3807 = arith.constant 0 : i32
      %dma_wait3A_3808 = tpu.memref_slice %arg9[%dma_wait3A_3792, %dma_wait3A_3793, %dma_wait3A_3794, %dma_wait3A_3805, %dma_wait3A_3806, %dma_wait3A_3807] : memref<8x1x2x4x8x128xf32, #tpu.memory_space<vmem>> -> memref<1x1x1x4x8x128xf32, #tpu.memory_space<vmem>>
      %dma_wait3A_3809 = tpu.memref_squeeze %dma_wait3A_3808 : memref<1x1x1x4x8x128xf32, #tpu.memory_space<vmem>> -> memref<4x8x128xf32, #tpu.memory_space<vmem>>
      %dma_wait3A_3810 = tpu.memref_reshape %arg4 : memref<32x1000000xf32, #tpu.memory_space<hbm>> -> memref<4x8x1000000xf32, #tpu.memory_space<hbm>>
      %dma_wait3A_3811 = arith.constant 0 : i32
      %dma_wait3A_3812 = arith.constant 0 : i32
      %dma_wait3A_3813 = arith.constant 0 : i32
      %dma_wait3A_3814 = tpu.memref_slice %dma_wait3A_3810[%dma_wait3A_3811, %dma_wait3A_3812, %dma_wait3A_3813] : memref<4x8x1000000xf32, #tpu.memory_space<hbm>> -> memref<4x8x128xf32, #tpu.memory_space<hbm>>
      tpu.wait_dma2 semaphore(%arg16 : memref<!tpu.dma_semaphore, #tpu.memory_space<semaphore_mem>>) src(%dma_wait3A_3814 : memref<4x8x128xf32, #tpu.memory_space<hbm>>) dst(%dma_wait3A_3809 : memref<4x8x128xf32, #tpu.memory_space<vmem>>)
      %slice3A_3815 = vector.extract_strided_slice %get3A_942 {offsets = [13], sizes = [1], strides = [1]} : vector<16xi32> to vector<1xi32>
      %squeeze3A_3816 = vector.extract %slice3A_3815[0] : i32 from vector<1xi32>
      %jit3A_3817 = arith.constant 128 : i32
      %eq3A_3818 = arith.constant 0 : i32
      %eq3A_3819 = arith.cmpi eq, %jit3A_3817, %eq3A_3818 : i32
      %jit3A_3820 = arith.constant 1 : i32
      %select_n3A_3821 = arith.select %eq3A_3819, %jit3A_3820, %jit3A_3817 : i32
      %rem3A_3822 = arith.remsi %squeeze3A_3816, %select_n3A_3821 : i32
      %ne3A_3823 = arith.constant 0 : i32
      %ne3A_3824 = arith.cmpi ne, %rem3A_3822, %ne3A_3823 : i32
      %lt3A_3825 = arith.constant 0 : i32
      %lt3A_3826 = arith.cmpi slt, %rem3A_3822, %lt3A_3825 : i32
      %lt3A_3827 = arith.constant 0 : i32
      %lt3A_3828 = arith.cmpi slt, %select_n3A_3821, %lt3A_3827 : i32
      %ne3A_3829 = arith.xori %lt3A_3826, %lt3A_3828 : i1
      %and3A_3830 = arith.andi %ne3A_3829, %ne3A_3824 : i1
      %add3A_3831 = arith.addi %rem3A_3822, %select_n3A_3821 : i32
      %select_n3A_3832 = arith.select %and3A_3830, %add3A_3831, %rem3A_3822 : i32
      %broadcast_in_dim3A_3833 = vector.broadcast %select_n3A_3832 : i32 to vector<16xi32>
      %slice3A_3834 = vector.extract_strided_slice %get3A_944 {offsets = [13], sizes = [1], strides = [1]} : vector<16xi32> to vector<1xi32>
      %squeeze3A_3835 = vector.extract %slice3A_3834[0] : i32 from vector<1xi32>
      %jit3A_3836 = arith.constant 128 : i32
      %eq3A_3837 = arith.constant 0 : i32
      %eq3A_3838 = arith.cmpi eq, %jit3A_3836, %eq3A_3837 : i32
      %jit3A_3839 = arith.constant 1 : i32
      %select_n3A_3840 = arith.select %eq3A_3838, %jit3A_3839, %jit3A_3836 : i32
      %rem3A_3841 = arith.remsi %squeeze3A_3835, %select_n3A_3840 : i32
      %ne3A_3842 = arith.constant 0 : i32
      %ne3A_3843 = arith.cmpi ne, %rem3A_3841, %ne3A_3842 : i32
      %lt3A_3844 = arith.constant 0 : i32
      %lt3A_3845 = arith.cmpi slt, %rem3A_3841, %lt3A_3844 : i32
      %lt3A_3846 = arith.constant 0 : i32
      %lt3A_3847 = arith.cmpi slt, %select_n3A_3840, %lt3A_3846 : i32
      %ne3A_3848 = arith.xori %lt3A_3845, %lt3A_3847 : i1
      %and3A_3849 = arith.andi %ne3A_3848, %ne3A_3843 : i1
      %add3A_3850 = arith.addi %rem3A_3841, %select_n3A_3840 : i32
      %select_n3A_3851 = arith.select %and3A_3849, %add3A_3850, %rem3A_3841 : i32
      %broadcast_in_dim3A_3852 = vector.broadcast %select_n3A_3851 : i32 to vector<16xi32>
      %broadcast_in_dim3A_3853 = arith.constant 5 : i32
      %broadcast_in_dim3A_3854 = vector.broadcast %broadcast_in_dim3A_3853 : i32 to vector<16xi32>
      %broadcast_in_dim3A_3855 = arith.constant 0 : i32
      %broadcast_in_dim3A_3856 = vector.broadcast %broadcast_in_dim3A_3855 : i32 to vector<16xi32>
      %broadcast_in_dim3A_3857 = arith.constant 0 : i32
      %broadcast_in_dim3A_3858 = vector.broadcast %broadcast_in_dim3A_3857 : i32 to vector<16xi32>
      %broadcast_in_dim3A_3859 = arith.constant 1 : i32
      %broadcast_in_dim3A_3860 = vector.broadcast %broadcast_in_dim3A_3859 : i32 to vector<16xi32>
      %gather3A_3861 = tpu.vector_load_idx %arg9[%broadcast_in_dim3A_3854, %broadcast_in_dim3A_3856, %broadcast_in_dim3A_3858, %select_n3A, %select_n3A_54, %broadcast_in_dim3A_3833] : memref<8x1x2x4x8x128xf32, #tpu.memory_space<vmem>>[vector<16xi32>, vector<16xi32>, vector<16xi32>, vector<16xi32>, vector<16xi32>, vector<16xi32>], vector<16xf32>,
      %gather3A_3862 = tpu.vector_load_idx %arg9[%broadcast_in_dim3A_3854, %broadcast_in_dim3A_3856, %broadcast_in_dim3A_3858, %add3A_34, %select_n3A_54, %broadcast_in_dim3A_3833] : memref<8x1x2x4x8x128xf32, #tpu.memory_space<vmem>>[vector<16xi32>, vector<16xi32>, vector<16xi32>, vector<16xi32>, vector<16xi32>, vector<16xi32>], vector<16xf32>,
      %gather3A_3863 = tpu.vector_load_idx %arg9[%broadcast_in_dim3A_3854, %broadcast_in_dim3A_3856, %broadcast_in_dim3A_3860, %select_n3A, %select_n3A_54, %broadcast_in_dim3A_3852] : memref<8x1x2x4x8x128xf32, #tpu.memory_space<vmem>>[vector<16xi32>, vector<16xi32>, vector<16xi32>, vector<16xi32>, vector<16xi32>, vector<16xi32>], vector<16xf32>,
      %gather3A_3864 = tpu.vector_load_idx %arg9[%broadcast_in_dim3A_3854, %broadcast_in_dim3A_3856, %broadcast_in_dim3A_3860, %add3A_34, %select_n3A_54, %broadcast_in_dim3A_3852] : memref<8x1x2x4x8x128xf32, #tpu.memory_space<vmem>>[vector<16xi32>, vector<16xi32>, vector<16xi32>, vector<16xi32>, vector<16xi32>, vector<16xi32>], vector<16xf32>,
      %mul3A_3865 = arith.mulf %gather3A_3861, %gather3A_3863 : vector<16xf32>
      %mul3A_3866 = arith.mulf %gather3A_3862, %gather3A_3864 : vector<16xf32>
      %add3A_3867 = arith.addf %mul3A_3865, %mul3A_3866 : vector<16xf32>
      %cumsum3A_3868 = arith.constant true
      %cumsum3A_3869 = vector.broadcast %cumsum3A_3868 : i1 to vector<16xi1>
      %cumsum3A_3870 = tpu.scan <sum>, %add3A_3867 masked %cumsum3A_3869 : vector<16xf32>, vector<16xi1> -> vector<16xf32>
      %mul3A_3871 = arith.constant 16 : i32
      %mul3A_3872 = arith.muli %scan3A_937, %mul3A_3871 : i32
      %add3A_3873 = arith.constant 13 : i32
      %add3A_3874 = arith.addi %mul3A_3872, %add3A_3873 : i32
      %add3A_3875 = arith.constant 0 : i32
      %add3A_3876 = arith.addi %add3A_3874, %add3A_3875 : i32
      %broadcast_in_dim3A_3877 = vector.broadcast %add3A_3876 : i32 to vector<16xi32>
      tpu.vector_store_idx %arg10[%broadcast_in_dim3A_3877], %cumsum3A_3870 masked %eq3A_57 : memref<512xf32, #tpu.memory_space<vmem>>[vector<16xi32>], vector<16xf32>, vector<16xi1>
      %slice3A_3878 = vector.extract_strided_slice %get3A_951 {offsets = [4], sizes = [1], strides = [1]} : vector<16xi32> to vector<1xi32>
      %squeeze3A_3879 = vector.extract %slice3A_3878[0] : i32 from vector<1xi32>
      %slice3A_3880 = vector.extract_strided_slice %get3A_953 {offsets = [4], sizes = [1], strides = [1]} : vector<16xi32> to vector<1xi32>
      %squeeze3A_3881 = vector.extract %slice3A_3880[0] : i32 from vector<1xi32>
      %jit3A_3882 = arith.constant 128 : i32
      %div3A_3883 = arith.divsi %squeeze3A_3879, %jit3A_3882 : i32
      %sign3A_3884 = arith.constant 0 : i32
      %sign3A_3885 = arith.cmpi sgt, %squeeze3A_3879, %sign3A_3884 : i32
      %sign3A_3886 = arith.extui %sign3A_3885 : i1 to i32
      %sign3A_3887 = arith.constant 0 : i32
      %sign3A_3888 = arith.cmpi slt, %squeeze3A_3879, %sign3A_3887 : i32
      %sign3A_3889 = arith.extui %sign3A_3888 : i1 to i32
      %sign3A_3890 = arith.subi %sign3A_3886, %sign3A_3889 : i32
      %sign3A_3891 = arith.constant 0 : i32
      %sign3A_3892 = arith.cmpi sgt, %jit3A_3882, %sign3A_3891 : i32
      %sign3A_3893 = arith.extui %sign3A_3892 : i1 to i32
      %sign3A_3894 = arith.constant 0 : i32
      %sign3A_3895 = arith.cmpi slt, %jit3A_3882, %sign3A_3894 : i32
      %sign3A_3896 = arith.extui %sign3A_3895 : i1 to i32
      %sign3A_3897 = arith.subi %sign3A_3893, %sign3A_3896 : i32
      %ne3A_3898 = arith.cmpi ne, %sign3A_3890, %sign3A_3897 : i32
      %rem3A_3899 = arith.remsi %squeeze3A_3879, %jit3A_3882 : i32
      %ne3A_3900 = arith.constant 0 : i32
      %ne3A_3901 = arith.cmpi ne, %rem3A_3899, %ne3A_3900 : i32
      %and3A_3902 = arith.andi %ne3A_3898, %ne3A_3901 : i1
      %sub3A_3903 = arith.constant 1 : i32
      %sub3A_3904 = arith.subi %div3A_3883, %sub3A_3903 : i32
      %select_n3A_3905 = arith.select %and3A_3902, %sub3A_3904, %div3A_3883 : i32
      %mul3A_3906 = arith.constant 128 : i32
      %mul3A_3907 = arith.muli %select_n3A_3905, %mul3A_3906 : i32
      %multiple_of3A_3908 = tpu.assume_multiple %mul3A_3907, 128 : i32
      %jit3A_3909 = arith.constant 128 : i32
      %div3A_3910 = arith.divsi %squeeze3A_3881, %jit3A_3909 : i32
      %sign3A_3911 = arith.constant 0 : i32
      %sign3A_3912 = arith.cmpi sgt, %squeeze3A_3881, %sign3A_3911 : i32
      %sign3A_3913 = arith.extui %sign3A_3912 : i1 to i32
      %sign3A_3914 = arith.constant 0 : i32
      %sign3A_3915 = arith.cmpi slt, %squeeze3A_3881, %sign3A_3914 : i32
      %sign3A_3916 = arith.extui %sign3A_3915 : i1 to i32
      %sign3A_3917 = arith.subi %sign3A_3913, %sign3A_3916 : i32
      %sign3A_3918 = arith.constant 0 : i32
      %sign3A_3919 = arith.cmpi sgt, %jit3A_3909, %sign3A_3918 : i32
      %sign3A_3920 = arith.extui %sign3A_3919 : i1 to i32
      %sign3A_3921 = arith.constant 0 : i32
      %sign3A_3922 = arith.cmpi slt, %jit3A_3909, %sign3A_3921 : i32
      %sign3A_3923 = arith.extui %sign3A_3922 : i1 to i32
      %sign3A_3924 = arith.subi %sign3A_3920, %sign3A_3923 : i32
      %ne3A_3925 = arith.cmpi ne, %sign3A_3917, %sign3A_3924 : i32
      %rem3A_3926 = arith.remsi %squeeze3A_3881, %jit3A_3909 : i32
      %ne3A_3927 = arith.constant 0 : i32
      %ne3A_3928 = arith.cmpi ne, %rem3A_3926, %ne3A_3927 : i32
      %and3A_3929 = arith.andi %ne3A_3925, %ne3A_3928 : i1
      %sub3A_3930 = arith.constant 1 : i32
      %sub3A_3931 = arith.subi %div3A_3910, %sub3A_3930 : i32
      %select_n3A_3932 = arith.select %and3A_3929, %sub3A_3931, %div3A_3910 : i32
      %mul3A_3933 = arith.constant 128 : i32
      %mul3A_3934 = arith.muli %select_n3A_3932, %mul3A_3933 : i32
      %multiple_of3A_3935 = tpu.assume_multiple %mul3A_3934, 128 : i32
      %dma_start3A_3936 = arith.constant 4 : i32
      %dma_start3A_3937 = arith.constant 0 : i32
      %dma_start3A_3938 = arith.constant 0 : i32
      %dma_start3A_3939 = arith.constant 0 : i32
      %dma_start3A_3940 = arith.constant 0 : i32
      %dma_start3A_3941 = arith.constant 0 : i32
      %dma_start3A_3942 = tpu.memref_slice %arg9[%dma_start3A_3936, %dma_start3A_3937, %dma_start3A_3938, %dma_start3A_3939, %dma_start3A_3940, %dma_start3A_3941] : memref<8x1x2x4x8x128xf32, #tpu.memory_space<vmem>> -> memref<1x1x1x4x8x128xf32, #tpu.memory_space<vmem>>
      %dma_start3A_3943 = tpu.memref_squeeze %dma_start3A_3942 : memref<1x1x1x4x8x128xf32, #tpu.memory_space<vmem>> -> memref<4x8x128xf32, #tpu.memory_space<vmem>>
      %dma_start3A_3944 = tpu.memref_reshape %arg4 : memref<32x1000000xf32, #tpu.memory_space<hbm>> -> memref<4x8x1000000xf32, #tpu.memory_space<hbm>>
      %dma_start3A_3945 = arith.constant 0 : i32
      %dma_start3A_3946 = arith.constant 0 : i32
      %dma_start3A_3947 = tpu.memref_slice %dma_start3A_3944[%dma_start3A_3945, %dma_start3A_3946, %multiple_of3A_3908] : memref<4x8x1000000xf32, #tpu.memory_space<hbm>> -> memref<4x8x128xf32, #tpu.memory_space<hbm>>
      %dma_start3A_3948 = arith.constant 0 : i32
      %dma_start3A_3949 = arith.constant 0 : i32
      %dma_start3A_3950 = arith.constant 0 : i32
      %dma_start3A_3951 = tpu.memref_slice %arg9[%dma_start3A_3936, %dma_start3A_3937, %dma_start3A_3938, %dma_start3A_3948, %dma_start3A_3949, %dma_start3A_3950] : memref<8x1x2x4x8x128xf32, #tpu.memory_space<vmem>> -> memref<1x1x1x4x8x128xf32, #tpu.memory_space<vmem>>
      %dma_start3A_3952 = tpu.memref_squeeze %dma_start3A_3951 : memref<1x1x1x4x8x128xf32, #tpu.memory_space<vmem>> -> memref<4x8x128xf32, #tpu.memory_space<vmem>>
      %dma_start3A_3953 = tpu.memref_reshape %arg4 : memref<32x1000000xf32, #tpu.memory_space<hbm>> -> memref<4x8x1000000xf32, #tpu.memory_space<hbm>>
      %dma_start3A_3954 = arith.constant 0 : i32
      %dma_start3A_3955 = arith.constant 0 : i32
      %dma_start3A_3956 = tpu.memref_slice %dma_start3A_3953[%dma_start3A_3954, %dma_start3A_3955, %multiple_of3A_3908] : memref<4x8x1000000xf32, #tpu.memory_space<hbm>> -> memref<4x8x128xf32, #tpu.memory_space<hbm>>
      tpu.enqueue_dma source(%dma_start3A_3956 : memref<4x8x128xf32, #tpu.memory_space<hbm>>) target(%dma_start3A_3952 : memref<4x8x128xf32, #tpu.memory_space<vmem>>) target_semaphore(%arg15 : memref<!tpu.dma_semaphore, #tpu.memory_space<semaphore_mem>>)
      %dma_start3A_3957 = arith.constant 4 : i32
      %dma_start3A_3958 = arith.constant 0 : i32
      %dma_start3A_3959 = arith.constant 1 : i32
      %dma_start3A_3960 = arith.constant 0 : i32
      %dma_start3A_3961 = arith.constant 0 : i32
      %dma_start3A_3962 = arith.constant 0 : i32
      %dma_start3A_3963 = tpu.memref_slice %arg9[%dma_start3A_3957, %dma_start3A_3958, %dma_start3A_3959, %dma_start3A_3960, %dma_start3A_3961, %dma_start3A_3962] : memref<8x1x2x4x8x128xf32, #tpu.memory_space<vmem>> -> memref<1x1x1x4x8x128xf32, #tpu.memory_space<vmem>>
      %dma_start3A_3964 = tpu.memref_squeeze %dma_start3A_3963 : memref<1x1x1x4x8x128xf32, #tpu.memory_space<vmem>> -> memref<4x8x128xf32, #tpu.memory_space<vmem>>
      %dma_start3A_3965 = tpu.memref_reshape %arg5 : memref<32x1000000xf32, #tpu.memory_space<hbm>> -> memref<4x8x1000000xf32, #tpu.memory_space<hbm>>
      %dma_start3A_3966 = arith.constant 0 : i32
      %dma_start3A_3967 = arith.constant 0 : i32
      %dma_start3A_3968 = tpu.memref_slice %dma_start3A_3965[%dma_start3A_3966, %dma_start3A_3967, %multiple_of3A_3935] : memref<4x8x1000000xf32, #tpu.memory_space<hbm>> -> memref<4x8x128xf32, #tpu.memory_space<hbm>>
      %dma_start3A_3969 = arith.constant 0 : i32
      %dma_start3A_3970 = arith.constant 0 : i32
      %dma_start3A_3971 = arith.constant 0 : i32
      %dma_start3A_3972 = tpu.memref_slice %arg9[%dma_start3A_3957, %dma_start3A_3958, %dma_start3A_3959, %dma_start3A_3969, %dma_start3A_3970, %dma_start3A_3971] : memref<8x1x2x4x8x128xf32, #tpu.memory_space<vmem>> -> memref<1x1x1x4x8x128xf32, #tpu.memory_space<vmem>>
      %dma_start3A_3973 = tpu.memref_squeeze %dma_start3A_3972 : memref<1x1x1x4x8x128xf32, #tpu.memory_space<vmem>> -> memref<4x8x128xf32, #tpu.memory_space<vmem>>
      %dma_start3A_3974 = tpu.memref_reshape %arg5 : memref<32x1000000xf32, #tpu.memory_space<hbm>> -> memref<4x8x1000000xf32, #tpu.memory_space<hbm>>
      %dma_start3A_3975 = arith.constant 0 : i32
      %dma_start3A_3976 = arith.constant 0 : i32
      %dma_start3A_3977 = tpu.memref_slice %dma_start3A_3974[%dma_start3A_3975, %dma_start3A_3976, %multiple_of3A_3935] : memref<4x8x1000000xf32, #tpu.memory_space<hbm>> -> memref<4x8x128xf32, #tpu.memory_space<hbm>>
      tpu.enqueue_dma source(%dma_start3A_3977 : memref<4x8x128xf32, #tpu.memory_space<hbm>>) target(%dma_start3A_3973 : memref<4x8x128xf32, #tpu.memory_space<vmem>>) target_semaphore(%arg15 : memref<!tpu.dma_semaphore, #tpu.memory_space<semaphore_mem>>)
      %dma_wait3A_3978 = arith.constant 0 : i32
      %dma_wait3A_3979 = arith.constant 0 : i32
      %dma_wait3A_3980 = arith.constant 0 : i32
      %dma_wait3A_3981 = arith.constant 0 : i32
      %dma_wait3A_3982 = arith.constant 0 : i32
      %dma_wait3A_3983 = arith.constant 0 : i32
      %dma_wait3A_3984 = tpu.memref_slice %arg9[%dma_wait3A_3978, %dma_wait3A_3979, %dma_wait3A_3980, %dma_wait3A_3981, %dma_wait3A_3982, %dma_wait3A_3983] : memref<8x1x2x4x8x128xf32, #tpu.memory_space<vmem>> -> memref<1x1x1x4x8x128xf32, #tpu.memory_space<vmem>>
      %dma_wait3A_3985 = tpu.memref_squeeze %dma_wait3A_3984 : memref<1x1x1x4x8x128xf32, #tpu.memory_space<vmem>> -> memref<4x8x128xf32, #tpu.memory_space<vmem>>
      %dma_wait3A_3986 = tpu.memref_reshape %arg4 : memref<32x1000000xf32, #tpu.memory_space<hbm>> -> memref<4x8x1000000xf32, #tpu.memory_space<hbm>>
      %dma_wait3A_3987 = arith.constant 0 : i32
      %dma_wait3A_3988 = arith.constant 0 : i32
      %dma_wait3A_3989 = arith.constant 0 : i32
      %dma_wait3A_3990 = tpu.memref_slice %dma_wait3A_3986[%dma_wait3A_3987, %dma_wait3A_3988, %dma_wait3A_3989] : memref<4x8x1000000xf32, #tpu.memory_space<hbm>> -> memref<4x8x128xf32, #tpu.memory_space<hbm>>
      %dma_wait3A_3991 = arith.constant 0 : i32
      %dma_wait3A_3992 = arith.constant 0 : i32
      %dma_wait3A_3993 = arith.constant 0 : i32
      %dma_wait3A_3994 = tpu.memref_slice %arg9[%dma_wait3A_3978, %dma_wait3A_3979, %dma_wait3A_3980, %dma_wait3A_3991, %dma_wait3A_3992, %dma_wait3A_3993] : memref<8x1x2x4x8x128xf32, #tpu.memory_space<vmem>> -> memref<1x1x1x4x8x128xf32, #tpu.memory_space<vmem>>
      %dma_wait3A_3995 = tpu.memref_squeeze %dma_wait3A_3994 : memref<1x1x1x4x8x128xf32, #tpu.memory_space<vmem>> -> memref<4x8x128xf32, #tpu.memory_space<vmem>>
      %dma_wait3A_3996 = tpu.memref_reshape %arg4 : memref<32x1000000xf32, #tpu.memory_space<hbm>> -> memref<4x8x1000000xf32, #tpu.memory_space<hbm>>
      %dma_wait3A_3997 = arith.constant 0 : i32
      %dma_wait3A_3998 = arith.constant 0 : i32
      %dma_wait3A_3999 = arith.constant 0 : i32
      %dma_wait3A_4000 = tpu.memref_slice %dma_wait3A_3996[%dma_wait3A_3997, %dma_wait3A_3998, %dma_wait3A_3999] : memref<4x8x1000000xf32, #tpu.memory_space<hbm>> -> memref<4x8x128xf32, #tpu.memory_space<hbm>>
      tpu.wait_dma2 semaphore(%arg17 : memref<!tpu.dma_semaphore, #tpu.memory_space<semaphore_mem>>) src(%dma_wait3A_4000 : memref<4x8x128xf32, #tpu.memory_space<hbm>>) dst(%dma_wait3A_3995 : memref<4x8x128xf32, #tpu.memory_space<vmem>>)
      %dma_wait3A_4001 = arith.constant 0 : i32
      %dma_wait3A_4002 = arith.constant 0 : i32
      %dma_wait3A_4003 = arith.constant 0 : i32
      %dma_wait3A_4004 = arith.constant 0 : i32
      %dma_wait3A_4005 = arith.constant 0 : i32
      %dma_wait3A_4006 = arith.constant 0 : i32
      %dma_wait3A_4007 = tpu.memref_slice %arg9[%dma_wait3A_4001, %dma_wait3A_4002, %dma_wait3A_4003, %dma_wait3A_4004, %dma_wait3A_4005, %dma_wait3A_4006] : memref<8x1x2x4x8x128xf32, #tpu.memory_space<vmem>> -> memref<1x1x1x4x8x128xf32, #tpu.memory_space<vmem>>
      %dma_wait3A_4008 = tpu.memref_squeeze %dma_wait3A_4007 : memref<1x1x1x4x8x128xf32, #tpu.memory_space<vmem>> -> memref<4x8x128xf32, #tpu.memory_space<vmem>>
      %dma_wait3A_4009 = tpu.memref_reshape %arg4 : memref<32x1000000xf32, #tpu.memory_space<hbm>> -> memref<4x8x1000000xf32, #tpu.memory_space<hbm>>
      %dma_wait3A_4010 = arith.constant 0 : i32
      %dma_wait3A_4011 = arith.constant 0 : i32
      %dma_wait3A_4012 = arith.constant 0 : i32
      %dma_wait3A_4013 = tpu.memref_slice %dma_wait3A_4009[%dma_wait3A_4010, %dma_wait3A_4011, %dma_wait3A_4012] : memref<4x8x1000000xf32, #tpu.memory_space<hbm>> -> memref<4x8x128xf32, #tpu.memory_space<hbm>>
      %dma_wait3A_4014 = arith.constant 0 : i32
      %dma_wait3A_4015 = arith.constant 0 : i32
      %dma_wait3A_4016 = arith.constant 0 : i32
      %dma_wait3A_4017 = tpu.memref_slice %arg9[%dma_wait3A_4001, %dma_wait3A_4002, %dma_wait3A_4003, %dma_wait3A_4014, %dma_wait3A_4015, %dma_wait3A_4016] : memref<8x1x2x4x8x128xf32, #tpu.memory_space<vmem>> -> memref<1x1x1x4x8x128xf32, #tpu.memory_space<vmem>>
      %dma_wait3A_4018 = tpu.memref_squeeze %dma_wait3A_4017 : memref<1x1x1x4x8x128xf32, #tpu.memory_space<vmem>> -> memref<4x8x128xf32, #tpu.memory_space<vmem>>
      %dma_wait3A_4019 = tpu.memref_reshape %arg4 : memref<32x1000000xf32, #tpu.memory_space<hbm>> -> memref<4x8x1000000xf32, #tpu.memory_space<hbm>>
      %dma_wait3A_4020 = arith.constant 0 : i32
      %dma_wait3A_4021 = arith.constant 0 : i32
      %dma_wait3A_4022 = arith.constant 0 : i32
      %dma_wait3A_4023 = tpu.memref_slice %dma_wait3A_4019[%dma_wait3A_4020, %dma_wait3A_4021, %dma_wait3A_4022] : memref<4x8x1000000xf32, #tpu.memory_space<hbm>> -> memref<4x8x128xf32, #tpu.memory_space<hbm>>
      tpu.wait_dma2 semaphore(%arg17 : memref<!tpu.dma_semaphore, #tpu.memory_space<semaphore_mem>>) src(%dma_wait3A_4023 : memref<4x8x128xf32, #tpu.memory_space<hbm>>) dst(%dma_wait3A_4018 : memref<4x8x128xf32, #tpu.memory_space<vmem>>)
      %slice3A_4024 = vector.extract_strided_slice %get3A_942 {offsets = [14], sizes = [1], strides = [1]} : vector<16xi32> to vector<1xi32>
      %squeeze3A_4025 = vector.extract %slice3A_4024[0] : i32 from vector<1xi32>
      %jit3A_4026 = arith.constant 128 : i32
      %eq3A_4027 = arith.constant 0 : i32
      %eq3A_4028 = arith.cmpi eq, %jit3A_4026, %eq3A_4027 : i32
      %jit3A_4029 = arith.constant 1 : i32
      %select_n3A_4030 = arith.select %eq3A_4028, %jit3A_4029, %jit3A_4026 : i32
      %rem3A_4031 = arith.remsi %squeeze3A_4025, %select_n3A_4030 : i32
      %ne3A_4032 = arith.constant 0 : i32
      %ne3A_4033 = arith.cmpi ne, %rem3A_4031, %ne3A_4032 : i32
      %lt3A_4034 = arith.constant 0 : i32
      %lt3A_4035 = arith.cmpi slt, %rem3A_4031, %lt3A_4034 : i32
      %lt3A_4036 = arith.constant 0 : i32
      %lt3A_4037 = arith.cmpi slt, %select_n3A_4030, %lt3A_4036 : i32
      %ne3A_4038 = arith.xori %lt3A_4035, %lt3A_4037 : i1
      %and3A_4039 = arith.andi %ne3A_4038, %ne3A_4033 : i1
      %add3A_4040 = arith.addi %rem3A_4031, %select_n3A_4030 : i32
      %select_n3A_4041 = arith.select %and3A_4039, %add3A_4040, %rem3A_4031 : i32
      %broadcast_in_dim3A_4042 = vector.broadcast %select_n3A_4041 : i32 to vector<16xi32>
      %slice3A_4043 = vector.extract_strided_slice %get3A_944 {offsets = [14], sizes = [1], strides = [1]} : vector<16xi32> to vector<1xi32>
      %squeeze3A_4044 = vector.extract %slice3A_4043[0] : i32 from vector<1xi32>
      %jit3A_4045 = arith.constant 128 : i32
      %eq3A_4046 = arith.constant 0 : i32
      %eq3A_4047 = arith.cmpi eq, %jit3A_4045, %eq3A_4046 : i32
      %jit3A_4048 = arith.constant 1 : i32
      %select_n3A_4049 = arith.select %eq3A_4047, %jit3A_4048, %jit3A_4045 : i32
      %rem3A_4050 = arith.remsi %squeeze3A_4044, %select_n3A_4049 : i32
      %ne3A_4051 = arith.constant 0 : i32
      %ne3A_4052 = arith.cmpi ne, %rem3A_4050, %ne3A_4051 : i32
      %lt3A_4053 = arith.constant 0 : i32
      %lt3A_4054 = arith.cmpi slt, %rem3A_4050, %lt3A_4053 : i32
      %lt3A_4055 = arith.constant 0 : i32
      %lt3A_4056 = arith.cmpi slt, %select_n3A_4049, %lt3A_4055 : i32
      %ne3A_4057 = arith.xori %lt3A_4054, %lt3A_4056 : i1
      %and3A_4058 = arith.andi %ne3A_4057, %ne3A_4052 : i1
      %add3A_4059 = arith.addi %rem3A_4050, %select_n3A_4049 : i32
      %select_n3A_4060 = arith.select %and3A_4058, %add3A_4059, %rem3A_4050 : i32
      %broadcast_in_dim3A_4061 = vector.broadcast %select_n3A_4060 : i32 to vector<16xi32>
      %broadcast_in_dim3A_4062 = arith.constant 6 : i32
      %broadcast_in_dim3A_4063 = vector.broadcast %broadcast_in_dim3A_4062 : i32 to vector<16xi32>
      %broadcast_in_dim3A_4064 = arith.constant 0 : i32
      %broadcast_in_dim3A_4065 = vector.broadcast %broadcast_in_dim3A_4064 : i32 to vector<16xi32>
      %broadcast_in_dim3A_4066 = arith.constant 0 : i32
      %broadcast_in_dim3A_4067 = vector.broadcast %broadcast_in_dim3A_4066 : i32 to vector<16xi32>
      %broadcast_in_dim3A_4068 = arith.constant 1 : i32
      %broadcast_in_dim3A_4069 = vector.broadcast %broadcast_in_dim3A_4068 : i32 to vector<16xi32>
      %gather3A_4070 = tpu.vector_load_idx %arg9[%broadcast_in_dim3A_4063, %broadcast_in_dim3A_4065, %broadcast_in_dim3A_4067, %select_n3A, %select_n3A_54, %broadcast_in_dim3A_4042] : memref<8x1x2x4x8x128xf32, #tpu.memory_space<vmem>>[vector<16xi32>, vector<16xi32>, vector<16xi32>, vector<16xi32>, vector<16xi32>, vector<16xi32>], vector<16xf32>,
      %gather3A_4071 = tpu.vector_load_idx %arg9[%broadcast_in_dim3A_4063, %broadcast_in_dim3A_4065, %broadcast_in_dim3A_4067, %add3A_34, %select_n3A_54, %broadcast_in_dim3A_4042] : memref<8x1x2x4x8x128xf32, #tpu.memory_space<vmem>>[vector<16xi32>, vector<16xi32>, vector<16xi32>, vector<16xi32>, vector<16xi32>, vector<16xi32>], vector<16xf32>,
      %gather3A_4072 = tpu.vector_load_idx %arg9[%broadcast_in_dim3A_4063, %broadcast_in_dim3A_4065, %broadcast_in_dim3A_4069, %select_n3A, %select_n3A_54, %broadcast_in_dim3A_4061] : memref<8x1x2x4x8x128xf32, #tpu.memory_space<vmem>>[vector<16xi32>, vector<16xi32>, vector<16xi32>, vector<16xi32>, vector<16xi32>, vector<16xi32>], vector<16xf32>,
      %gather3A_4073 = tpu.vector_load_idx %arg9[%broadcast_in_dim3A_4063, %broadcast_in_dim3A_4065, %broadcast_in_dim3A_4069, %add3A_34, %select_n3A_54, %broadcast_in_dim3A_4061] : memref<8x1x2x4x8x128xf32, #tpu.memory_space<vmem>>[vector<16xi32>, vector<16xi32>, vector<16xi32>, vector<16xi32>, vector<16xi32>, vector<16xi32>], vector<16xf32>,
      %mul3A_4074 = arith.mulf %gather3A_4070, %gather3A_4072 : vector<16xf32>
      %mul3A_4075 = arith.mulf %gather3A_4071, %gather3A_4073 : vector<16xf32>
      %add3A_4076 = arith.addf %mul3A_4074, %mul3A_4075 : vector<16xf32>
      %cumsum3A_4077 = arith.constant true
      %cumsum3A_4078 = vector.broadcast %cumsum3A_4077 : i1 to vector<16xi1>
      %cumsum3A_4079 = tpu.scan <sum>, %add3A_4076 masked %cumsum3A_4078 : vector<16xf32>, vector<16xi1> -> vector<16xf32>
      %mul3A_4080 = arith.constant 16 : i32
      %mul3A_4081 = arith.muli %scan3A_937, %mul3A_4080 : i32
      %add3A_4082 = arith.constant 14 : i32
      %add3A_4083 = arith.addi %mul3A_4081, %add3A_4082 : i32
      %add3A_4084 = arith.constant 0 : i32
      %add3A_4085 = arith.addi %add3A_4083, %add3A_4084 : i32
      %broadcast_in_dim3A_4086 = vector.broadcast %add3A_4085 : i32 to vector<16xi32>
      tpu.vector_store_idx %arg10[%broadcast_in_dim3A_4086], %cumsum3A_4079 masked %eq3A_57 : memref<512xf32, #tpu.memory_space<vmem>>[vector<16xi32>], vector<16xf32>, vector<16xi1>
      %slice3A_4087 = vector.extract_strided_slice %get3A_951 {offsets = [5], sizes = [1], strides = [1]} : vector<16xi32> to vector<1xi32>
      %squeeze3A_4088 = vector.extract %slice3A_4087[0] : i32 from vector<1xi32>
      %slice3A_4089 = vector.extract_strided_slice %get3A_953 {offsets = [5], sizes = [1], strides = [1]} : vector<16xi32> to vector<1xi32>
      %squeeze3A_4090 = vector.extract %slice3A_4089[0] : i32 from vector<1xi32>
      %jit3A_4091 = arith.constant 128 : i32
      %div3A_4092 = arith.divsi %squeeze3A_4088, %jit3A_4091 : i32
      %sign3A_4093 = arith.constant 0 : i32
      %sign3A_4094 = arith.cmpi sgt, %squeeze3A_4088, %sign3A_4093 : i32
      %sign3A_4095 = arith.extui %sign3A_4094 : i1 to i32
      %sign3A_4096 = arith.constant 0 : i32
      %sign3A_4097 = arith.cmpi slt, %squeeze3A_4088, %sign3A_4096 : i32
      %sign3A_4098 = arith.extui %sign3A_4097 : i1 to i32
      %sign3A_4099 = arith.subi %sign3A_4095, %sign3A_4098 : i32
      %sign3A_4100 = arith.constant 0 : i32
      %sign3A_4101 = arith.cmpi sgt, %jit3A_4091, %sign3A_4100 : i32
      %sign3A_4102 = arith.extui %sign3A_4101 : i1 to i32
      %sign3A_4103 = arith.constant 0 : i32
      %sign3A_4104 = arith.cmpi slt, %jit3A_4091, %sign3A_4103 : i32
      %sign3A_4105 = arith.extui %sign3A_4104 : i1 to i32
      %sign3A_4106 = arith.subi %sign3A_4102, %sign3A_4105 : i32
      %ne3A_4107 = arith.cmpi ne, %sign3A_4099, %sign3A_4106 : i32
      %rem3A_4108 = arith.remsi %squeeze3A_4088, %jit3A_4091 : i32
      %ne3A_4109 = arith.constant 0 : i32
      %ne3A_4110 = arith.cmpi ne, %rem3A_4108, %ne3A_4109 : i32
      %and3A_4111 = arith.andi %ne3A_4107, %ne3A_4110 : i1
      %sub3A_4112 = arith.constant 1 : i32
      %sub3A_4113 = arith.subi %div3A_4092, %sub3A_4112 : i32
      %select_n3A_4114 = arith.select %and3A_4111, %sub3A_4113, %div3A_4092 : i32
      %mul3A_4115 = arith.constant 128 : i32
      %mul3A_4116 = arith.muli %select_n3A_4114, %mul3A_4115 : i32
      %multiple_of3A_4117 = tpu.assume_multiple %mul3A_4116, 128 : i32
      %jit3A_4118 = arith.constant 128 : i32
      %div3A_4119 = arith.divsi %squeeze3A_4090, %jit3A_4118 : i32
      %sign3A_4120 = arith.constant 0 : i32
      %sign3A_4121 = arith.cmpi sgt, %squeeze3A_4090, %sign3A_4120 : i32
      %sign3A_4122 = arith.extui %sign3A_4121 : i1 to i32
      %sign3A_4123 = arith.constant 0 : i32
      %sign3A_4124 = arith.cmpi slt, %squeeze3A_4090, %sign3A_4123 : i32
      %sign3A_4125 = arith.extui %sign3A_4124 : i1 to i32
      %sign3A_4126 = arith.subi %sign3A_4122, %sign3A_4125 : i32
      %sign3A_4127 = arith.constant 0 : i32
      %sign3A_4128 = arith.cmpi sgt, %jit3A_4118, %sign3A_4127 : i32
      %sign3A_4129 = arith.extui %sign3A_4128 : i1 to i32
      %sign3A_4130 = arith.constant 0 : i32
      %sign3A_4131 = arith.cmpi slt, %jit3A_4118, %sign3A_4130 : i32
      %sign3A_4132 = arith.extui %sign3A_4131 : i1 to i32
      %sign3A_4133 = arith.subi %sign3A_4129, %sign3A_4132 : i32
      %ne3A_4134 = arith.cmpi ne, %sign3A_4126, %sign3A_4133 : i32
      %rem3A_4135 = arith.remsi %squeeze3A_4090, %jit3A_4118 : i32
      %ne3A_4136 = arith.constant 0 : i32
      %ne3A_4137 = arith.cmpi ne, %rem3A_4135, %ne3A_4136 : i32
      %and3A_4138 = arith.andi %ne3A_4134, %ne3A_4137 : i1
      %sub3A_4139 = arith.constant 1 : i32
      %sub3A_4140 = arith.subi %div3A_4119, %sub3A_4139 : i32
      %select_n3A_4141 = arith.select %and3A_4138, %sub3A_4140, %div3A_4119 : i32
      %mul3A_4142 = arith.constant 128 : i32
      %mul3A_4143 = arith.muli %select_n3A_4141, %mul3A_4142 : i32
      %multiple_of3A_4144 = tpu.assume_multiple %mul3A_4143, 128 : i32
      %dma_start3A_4145 = arith.constant 5 : i32
      %dma_start3A_4146 = arith.constant 0 : i32
      %dma_start3A_4147 = arith.constant 0 : i32
      %dma_start3A_4148 = arith.constant 0 : i32
      %dma_start3A_4149 = arith.constant 0 : i32
      %dma_start3A_4150 = arith.constant 0 : i32
      %dma_start3A_4151 = tpu.memref_slice %arg9[%dma_start3A_4145, %dma_start3A_4146, %dma_start3A_4147, %dma_start3A_4148, %dma_start3A_4149, %dma_start3A_4150] : memref<8x1x2x4x8x128xf32, #tpu.memory_space<vmem>> -> memref<1x1x1x4x8x128xf32, #tpu.memory_space<vmem>>
      %dma_start3A_4152 = tpu.memref_squeeze %dma_start3A_4151 : memref<1x1x1x4x8x128xf32, #tpu.memory_space<vmem>> -> memref<4x8x128xf32, #tpu.memory_space<vmem>>
      %dma_start3A_4153 = tpu.memref_reshape %arg4 : memref<32x1000000xf32, #tpu.memory_space<hbm>> -> memref<4x8x1000000xf32, #tpu.memory_space<hbm>>
      %dma_start3A_4154 = arith.constant 0 : i32
      %dma_start3A_4155 = arith.constant 0 : i32
      %dma_start3A_4156 = tpu.memref_slice %dma_start3A_4153[%dma_start3A_4154, %dma_start3A_4155, %multiple_of3A_4117] : memref<4x8x1000000xf32, #tpu.memory_space<hbm>> -> memref<4x8x128xf32, #tpu.memory_space<hbm>>
      %dma_start3A_4157 = arith.constant 0 : i32
      %dma_start3A_4158 = arith.constant 0 : i32
      %dma_start3A_4159 = arith.constant 0 : i32
      %dma_start3A_4160 = tpu.memref_slice %arg9[%dma_start3A_4145, %dma_start3A_4146, %dma_start3A_4147, %dma_start3A_4157, %dma_start3A_4158, %dma_start3A_4159] : memref<8x1x2x4x8x128xf32, #tpu.memory_space<vmem>> -> memref<1x1x1x4x8x128xf32, #tpu.memory_space<vmem>>
      %dma_start3A_4161 = tpu.memref_squeeze %dma_start3A_4160 : memref<1x1x1x4x8x128xf32, #tpu.memory_space<vmem>> -> memref<4x8x128xf32, #tpu.memory_space<vmem>>
      %dma_start3A_4162 = tpu.memref_reshape %arg4 : memref<32x1000000xf32, #tpu.memory_space<hbm>> -> memref<4x8x1000000xf32, #tpu.memory_space<hbm>>
      %dma_start3A_4163 = arith.constant 0 : i32
      %dma_start3A_4164 = arith.constant 0 : i32
      %dma_start3A_4165 = tpu.memref_slice %dma_start3A_4162[%dma_start3A_4163, %dma_start3A_4164, %multiple_of3A_4117] : memref<4x8x1000000xf32, #tpu.memory_space<hbm>> -> memref<4x8x128xf32, #tpu.memory_space<hbm>>
      tpu.enqueue_dma source(%dma_start3A_4165 : memref<4x8x128xf32, #tpu.memory_space<hbm>>) target(%dma_start3A_4161 : memref<4x8x128xf32, #tpu.memory_space<vmem>>) target_semaphore(%arg16 : memref<!tpu.dma_semaphore, #tpu.memory_space<semaphore_mem>>)
      %dma_start3A_4166 = arith.constant 5 : i32
      %dma_start3A_4167 = arith.constant 0 : i32
      %dma_start3A_4168 = arith.constant 1 : i32
      %dma_start3A_4169 = arith.constant 0 : i32
      %dma_start3A_4170 = arith.constant 0 : i32
      %dma_start3A_4171 = arith.constant 0 : i32
      %dma_start3A_4172 = tpu.memref_slice %arg9[%dma_start3A_4166, %dma_start3A_4167, %dma_start3A_4168, %dma_start3A_4169, %dma_start3A_4170, %dma_start3A_4171] : memref<8x1x2x4x8x128xf32, #tpu.memory_space<vmem>> -> memref<1x1x1x4x8x128xf32, #tpu.memory_space<vmem>>
      %dma_start3A_4173 = tpu.memref_squeeze %dma_start3A_4172 : memref<1x1x1x4x8x128xf32, #tpu.memory_space<vmem>> -> memref<4x8x128xf32, #tpu.memory_space<vmem>>
      %dma_start3A_4174 = tpu.memref_reshape %arg5 : memref<32x1000000xf32, #tpu.memory_space<hbm>> -> memref<4x8x1000000xf32, #tpu.memory_space<hbm>>
      %dma_start3A_4175 = arith.constant 0 : i32
      %dma_start3A_4176 = arith.constant 0 : i32
      %dma_start3A_4177 = tpu.memref_slice %dma_start3A_4174[%dma_start3A_4175, %dma_start3A_4176, %multiple_of3A_4144] : memref<4x8x1000000xf32, #tpu.memory_space<hbm>> -> memref<4x8x128xf32, #tpu.memory_space<hbm>>
      %dma_start3A_4178 = arith.constant 0 : i32
      %dma_start3A_4179 = arith.constant 0 : i32
      %dma_start3A_4180 = arith.constant 0 : i32
      %dma_start3A_4181 = tpu.memref_slice %arg9[%dma_start3A_4166, %dma_start3A_4167, %dma_start3A_4168, %dma_start3A_4178, %dma_start3A_4179, %dma_start3A_4180] : memref<8x1x2x4x8x128xf32, #tpu.memory_space<vmem>> -> memref<1x1x1x4x8x128xf32, #tpu.memory_space<vmem>>
      %dma_start3A_4182 = tpu.memref_squeeze %dma_start3A_4181 : memref<1x1x1x4x8x128xf32, #tpu.memory_space<vmem>> -> memref<4x8x128xf32, #tpu.memory_space<vmem>>
      %dma_start3A_4183 = tpu.memref_reshape %arg5 : memref<32x1000000xf32, #tpu.memory_space<hbm>> -> memref<4x8x1000000xf32, #tpu.memory_space<hbm>>
      %dma_start3A_4184 = arith.constant 0 : i32
      %dma_start3A_4185 = arith.constant 0 : i32
      %dma_start3A_4186 = tpu.memref_slice %dma_start3A_4183[%dma_start3A_4184, %dma_start3A_4185, %multiple_of3A_4144] : memref<4x8x1000000xf32, #tpu.memory_space<hbm>> -> memref<4x8x128xf32, #tpu.memory_space<hbm>>
      tpu.enqueue_dma source(%dma_start3A_4186 : memref<4x8x128xf32, #tpu.memory_space<hbm>>) target(%dma_start3A_4182 : memref<4x8x128xf32, #tpu.memory_space<vmem>>) target_semaphore(%arg16 : memref<!tpu.dma_semaphore, #tpu.memory_space<semaphore_mem>>)
      %dma_wait3A_4187 = arith.constant 0 : i32
      %dma_wait3A_4188 = arith.constant 0 : i32
      %dma_wait3A_4189 = arith.constant 0 : i32
      %dma_wait3A_4190 = arith.constant 0 : i32
      %dma_wait3A_4191 = arith.constant 0 : i32
      %dma_wait3A_4192 = arith.constant 0 : i32
      %dma_wait3A_4193 = tpu.memref_slice %arg9[%dma_wait3A_4187, %dma_wait3A_4188, %dma_wait3A_4189, %dma_wait3A_4190, %dma_wait3A_4191, %dma_wait3A_4192] : memref<8x1x2x4x8x128xf32, #tpu.memory_space<vmem>> -> memref<1x1x1x4x8x128xf32, #tpu.memory_space<vmem>>
      %dma_wait3A_4194 = tpu.memref_squeeze %dma_wait3A_4193 : memref<1x1x1x4x8x128xf32, #tpu.memory_space<vmem>> -> memref<4x8x128xf32, #tpu.memory_space<vmem>>
      %dma_wait3A_4195 = tpu.memref_reshape %arg4 : memref<32x1000000xf32, #tpu.memory_space<hbm>> -> memref<4x8x1000000xf32, #tpu.memory_space<hbm>>
      %dma_wait3A_4196 = arith.constant 0 : i32
      %dma_wait3A_4197 = arith.constant 0 : i32
      %dma_wait3A_4198 = arith.constant 0 : i32
      %dma_wait3A_4199 = tpu.memref_slice %dma_wait3A_4195[%dma_wait3A_4196, %dma_wait3A_4197, %dma_wait3A_4198] : memref<4x8x1000000xf32, #tpu.memory_space<hbm>> -> memref<4x8x128xf32, #tpu.memory_space<hbm>>
      %dma_wait3A_4200 = arith.constant 0 : i32
      %dma_wait3A_4201 = arith.constant 0 : i32
      %dma_wait3A_4202 = arith.constant 0 : i32
      %dma_wait3A_4203 = tpu.memref_slice %arg9[%dma_wait3A_4187, %dma_wait3A_4188, %dma_wait3A_4189, %dma_wait3A_4200, %dma_wait3A_4201, %dma_wait3A_4202] : memref<8x1x2x4x8x128xf32, #tpu.memory_space<vmem>> -> memref<1x1x1x4x8x128xf32, #tpu.memory_space<vmem>>
      %dma_wait3A_4204 = tpu.memref_squeeze %dma_wait3A_4203 : memref<1x1x1x4x8x128xf32, #tpu.memory_space<vmem>> -> memref<4x8x128xf32, #tpu.memory_space<vmem>>
      %dma_wait3A_4205 = tpu.memref_reshape %arg4 : memref<32x1000000xf32, #tpu.memory_space<hbm>> -> memref<4x8x1000000xf32, #tpu.memory_space<hbm>>
      %dma_wait3A_4206 = arith.constant 0 : i32
      %dma_wait3A_4207 = arith.constant 0 : i32
      %dma_wait3A_4208 = arith.constant 0 : i32
      %dma_wait3A_4209 = tpu.memref_slice %dma_wait3A_4205[%dma_wait3A_4206, %dma_wait3A_4207, %dma_wait3A_4208] : memref<4x8x1000000xf32, #tpu.memory_space<hbm>> -> memref<4x8x128xf32, #tpu.memory_space<hbm>>
      tpu.wait_dma2 semaphore(%arg18 : memref<!tpu.dma_semaphore, #tpu.memory_space<semaphore_mem>>) src(%dma_wait3A_4209 : memref<4x8x128xf32, #tpu.memory_space<hbm>>) dst(%dma_wait3A_4204 : memref<4x8x128xf32, #tpu.memory_space<vmem>>)
      %dma_wait3A_4210 = arith.constant 0 : i32
      %dma_wait3A_4211 = arith.constant 0 : i32
      %dma_wait3A_4212 = arith.constant 0 : i32
      %dma_wait3A_4213 = arith.constant 0 : i32
      %dma_wait3A_4214 = arith.constant 0 : i32
      %dma_wait3A_4215 = arith.constant 0 : i32
      %dma_wait3A_4216 = tpu.memref_slice %arg9[%dma_wait3A_4210, %dma_wait3A_4211, %dma_wait3A_4212, %dma_wait3A_4213, %dma_wait3A_4214, %dma_wait3A_4215] : memref<8x1x2x4x8x128xf32, #tpu.memory_space<vmem>> -> memref<1x1x1x4x8x128xf32, #tpu.memory_space<vmem>>
      %dma_wait3A_4217 = tpu.memref_squeeze %dma_wait3A_4216 : memref<1x1x1x4x8x128xf32, #tpu.memory_space<vmem>> -> memref<4x8x128xf32, #tpu.memory_space<vmem>>
      %dma_wait3A_4218 = tpu.memref_reshape %arg4 : memref<32x1000000xf32, #tpu.memory_space<hbm>> -> memref<4x8x1000000xf32, #tpu.memory_space<hbm>>
      %dma_wait3A_4219 = arith.constant 0 : i32
      %dma_wait3A_4220 = arith.constant 0 : i32
      %dma_wait3A_4221 = arith.constant 0 : i32
      %dma_wait3A_4222 = tpu.memref_slice %dma_wait3A_4218[%dma_wait3A_4219, %dma_wait3A_4220, %dma_wait3A_4221] : memref<4x8x1000000xf32, #tpu.memory_space<hbm>> -> memref<4x8x128xf32, #tpu.memory_space<hbm>>
      %dma_wait3A_4223 = arith.constant 0 : i32
      %dma_wait3A_4224 = arith.constant 0 : i32
      %dma_wait3A_4225 = arith.constant 0 : i32
      %dma_wait3A_4226 = tpu.memref_slice %arg9[%dma_wait3A_4210, %dma_wait3A_4211, %dma_wait3A_4212, %dma_wait3A_4223, %dma_wait3A_4224, %dma_wait3A_4225] : memref<8x1x2x4x8x128xf32, #tpu.memory_space<vmem>> -> memref<1x1x1x4x8x128xf32, #tpu.memory_space<vmem>>
      %dma_wait3A_4227 = tpu.memref_squeeze %dma_wait3A_4226 : memref<1x1x1x4x8x128xf32, #tpu.memory_space<vmem>> -> memref<4x8x128xf32, #tpu.memory_space<vmem>>
      %dma_wait3A_4228 = tpu.memref_reshape %arg4 : memref<32x1000000xf32, #tpu.memory_space<hbm>> -> memref<4x8x1000000xf32, #tpu.memory_space<hbm>>
      %dma_wait3A_4229 = arith.constant 0 : i32
      %dma_wait3A_4230 = arith.constant 0 : i32
      %dma_wait3A_4231 = arith.constant 0 : i32
      %dma_wait3A_4232 = tpu.memref_slice %dma_wait3A_4228[%dma_wait3A_4229, %dma_wait3A_4230, %dma_wait3A_4231] : memref<4x8x1000000xf32, #tpu.memory_space<hbm>> -> memref<4x8x128xf32, #tpu.memory_space<hbm>>
      tpu.wait_dma2 semaphore(%arg18 : memref<!tpu.dma_semaphore, #tpu.memory_space<semaphore_mem>>) src(%dma_wait3A_4232 : memref<4x8x128xf32, #tpu.memory_space<hbm>>) dst(%dma_wait3A_4227 : memref<4x8x128xf32, #tpu.memory_space<vmem>>)
      %slice3A_4233 = vector.extract_strided_slice %get3A_942 {offsets = [15], sizes = [1], strides = [1]} : vector<16xi32> to vector<1xi32>
      %squeeze3A_4234 = vector.extract %slice3A_4233[0] : i32 from vector<1xi32>
      %jit3A_4235 = arith.constant 128 : i32
      %eq3A_4236 = arith.constant 0 : i32
      %eq3A_4237 = arith.cmpi eq, %jit3A_4235, %eq3A_4236 : i32
      %jit3A_4238 = arith.constant 1 : i32
      %select_n3A_4239 = arith.select %eq3A_4237, %jit3A_4238, %jit3A_4235 : i32
      %rem3A_4240 = arith.remsi %squeeze3A_4234, %select_n3A_4239 : i32
      %ne3A_4241 = arith.constant 0 : i32
      %ne3A_4242 = arith.cmpi ne, %rem3A_4240, %ne3A_4241 : i32
      %lt3A_4243 = arith.constant 0 : i32
      %lt3A_4244 = arith.cmpi slt, %rem3A_4240, %lt3A_4243 : i32
      %lt3A_4245 = arith.constant 0 : i32
      %lt3A_4246 = arith.cmpi slt, %select_n3A_4239, %lt3A_4245 : i32
      %ne3A_4247 = arith.xori %lt3A_4244, %lt3A_4246 : i1
      %and3A_4248 = arith.andi %ne3A_4247, %ne3A_4242 : i1
      %add3A_4249 = arith.addi %rem3A_4240, %select_n3A_4239 : i32
      %select_n3A_4250 = arith.select %and3A_4248, %add3A_4249, %rem3A_4240 : i32
      %broadcast_in_dim3A_4251 = vector.broadcast %select_n3A_4250 : i32 to vector<16xi32>
      %slice3A_4252 = vector.extract_strided_slice %get3A_944 {offsets = [15], sizes = [1], strides = [1]} : vector<16xi32> to vector<1xi32>
      %squeeze3A_4253 = vector.extract %slice3A_4252[0] : i32 from vector<1xi32>
      %jit3A_4254 = arith.constant 128 : i32
      %eq3A_4255 = arith.constant 0 : i32
      %eq3A_4256 = arith.cmpi eq, %jit3A_4254, %eq3A_4255 : i32
      %jit3A_4257 = arith.constant 1 : i32
      %select_n3A_4258 = arith.select %eq3A_4256, %jit3A_4257, %jit3A_4254 : i32
      %rem3A_4259 = arith.remsi %squeeze3A_4253, %select_n3A_4258 : i32
      %ne3A_4260 = arith.constant 0 : i32
      %ne3A_4261 = arith.cmpi ne, %rem3A_4259, %ne3A_4260 : i32
      %lt3A_4262 = arith.constant 0 : i32
      %lt3A_4263 = arith.cmpi slt, %rem3A_4259, %lt3A_4262 : i32
      %lt3A_4264 = arith.constant 0 : i32
      %lt3A_4265 = arith.cmpi slt, %select_n3A_4258, %lt3A_4264 : i32
      %ne3A_4266 = arith.xori %lt3A_4263, %lt3A_4265 : i1
      %and3A_4267 = arith.andi %ne3A_4266, %ne3A_4261 : i1
      %add3A_4268 = arith.addi %rem3A_4259, %select_n3A_4258 : i32
      %select_n3A_4269 = arith.select %and3A_4267, %add3A_4268, %rem3A_4259 : i32
      %broadcast_in_dim3A_4270 = vector.broadcast %select_n3A_4269 : i32 to vector<16xi32>
      %broadcast_in_dim3A_4271 = arith.constant 7 : i32
      %broadcast_in_dim3A_4272 = vector.broadcast %broadcast_in_dim3A_4271 : i32 to vector<16xi32>
      %broadcast_in_dim3A_4273 = arith.constant 0 : i32
      %broadcast_in_dim3A_4274 = vector.broadcast %broadcast_in_dim3A_4273 : i32 to vector<16xi32>
      %broadcast_in_dim3A_4275 = arith.constant 0 : i32
      %broadcast_in_dim3A_4276 = vector.broadcast %broadcast_in_dim3A_4275 : i32 to vector<16xi32>
      %broadcast_in_dim3A_4277 = arith.constant 1 : i32
      %broadcast_in_dim3A_4278 = vector.broadcast %broadcast_in_dim3A_4277 : i32 to vector<16xi32>
      %gather3A_4279 = tpu.vector_load_idx %arg9[%broadcast_in_dim3A_4272, %broadcast_in_dim3A_4274, %broadcast_in_dim3A_4276, %select_n3A, %select_n3A_54, %broadcast_in_dim3A_4251] : memref<8x1x2x4x8x128xf32, #tpu.memory_space<vmem>>[vector<16xi32>, vector<16xi32>, vector<16xi32>, vector<16xi32>, vector<16xi32>, vector<16xi32>], vector<16xf32>,
      %gather3A_4280 = tpu.vector_load_idx %arg9[%broadcast_in_dim3A_4272, %broadcast_in_dim3A_4274, %broadcast_in_dim3A_4276, %add3A_34, %select_n3A_54, %broadcast_in_dim3A_4251] : memref<8x1x2x4x8x128xf32, #tpu.memory_space<vmem>>[vector<16xi32>, vector<16xi32>, vector<16xi32>, vector<16xi32>, vector<16xi32>, vector<16xi32>], vector<16xf32>,
      %gather3A_4281 = tpu.vector_load_idx %arg9[%broadcast_in_dim3A_4272, %broadcast_in_dim3A_4274, %broadcast_in_dim3A_4278, %select_n3A, %select_n3A_54, %broadcast_in_dim3A_4270] : memref<8x1x2x4x8x128xf32, #tpu.memory_space<vmem>>[vector<16xi32>, vector<16xi32>, vector<16xi32>, vector<16xi32>, vector<16xi32>, vector<16xi32>], vector<16xf32>,
      %gather3A_4282 = tpu.vector_load_idx %arg9[%broadcast_in_dim3A_4272, %broadcast_in_dim3A_4274, %broadcast_in_dim3A_4278, %add3A_34, %select_n3A_54, %broadcast_in_dim3A_4270] : memref<8x1x2x4x8x128xf32, #tpu.memory_space<vmem>>[vector<16xi32>, vector<16xi32>, vector<16xi32>, vector<16xi32>, vector<16xi32>, vector<16xi32>], vector<16xf32>,
      %mul3A_4283 = arith.mulf %gather3A_4279, %gather3A_4281 : vector<16xf32>
      %mul3A_4284 = arith.mulf %gather3A_4280, %gather3A_4282 : vector<16xf32>
      %add3A_4285 = arith.addf %mul3A_4283, %mul3A_4284 : vector<16xf32>
      %cumsum3A_4286 = arith.constant true
      %cumsum3A_4287 = vector.broadcast %cumsum3A_4286 : i1 to vector<16xi1>
      %cumsum3A_4288 = tpu.scan <sum>, %add3A_4285 masked %cumsum3A_4287 : vector<16xf32>, vector<16xi1> -> vector<16xf32>
      %mul3A_4289 = arith.constant 16 : i32
      %mul3A_4290 = arith.muli %scan3A_937, %mul3A_4289 : i32
      %add3A_4291 = arith.constant 15 : i32
      %add3A_4292 = arith.addi %mul3A_4290, %add3A_4291 : i32
      %add3A_4293 = arith.constant 0 : i32
      %add3A_4294 = arith.addi %add3A_4292, %add3A_4293 : i32
      %broadcast_in_dim3A_4295 = vector.broadcast %add3A_4294 : i32 to vector<16xi32>
      tpu.vector_store_idx %arg10[%broadcast_in_dim3A_4295], %cumsum3A_4288 masked %eq3A_57 : memref<512xf32, #tpu.memory_space<vmem>>[vector<16xi32>], vector<16xf32>, vector<16xi1>
    }
    %scan3A_661 = arith.constant 32 : i32
    %dma_wait3A = arith.constant 0 : i32
    %dma_wait3A_662 = arith.constant 0 : i32
    %dma_wait3A_663 = arith.constant 0 : i32
    %dma_wait3A_664 = arith.constant 0 : i32
    %dma_wait3A_665 = arith.constant 0 : i32
    %dma_wait3A_666 = arith.constant 0 : i32
    %dma_wait3A_667 = tpu.memref_slice %arg9[%dma_wait3A, %dma_wait3A_662, %dma_wait3A_663, %dma_wait3A_664, %dma_wait3A_665, %dma_wait3A_666] : memref<8x1x2x4x8x128xf32, #tpu.memory_space<vmem>> -> memref<1x1x1x4x8x128xf32, #tpu.memory_space<vmem>>
    %dma_wait3A_668 = tpu.memref_squeeze %dma_wait3A_667 : memref<1x1x1x4x8x128xf32, #tpu.memory_space<vmem>> -> memref<4x8x128xf32, #tpu.memory_space<vmem>>
    %dma_wait3A_669 = tpu.memref_reshape %arg4 : memref<32x1000000xf32, #tpu.memory_space<hbm>> -> memref<4x8x1000000xf32, #tpu.memory_space<hbm>>
    %dma_wait3A_670 = arith.constant 0 : i32
    %dma_wait3A_671 = arith.constant 0 : i32
    %dma_wait3A_672 = arith.constant 0 : i32
    %dma_wait3A_673 = tpu.memref_slice %dma_wait3A_669[%dma_wait3A_670, %dma_wait3A_671, %dma_wait3A_672] : memref<4x8x1000000xf32, #tpu.memory_space<hbm>> -> memref<4x8x128xf32, #tpu.memory_space<hbm>>
    %dma_wait3A_674 = arith.constant 0 : i32
    %dma_wait3A_675 = arith.constant 0 : i32
    %dma_wait3A_676 = arith.constant 0 : i32
    %dma_wait3A_677 = tpu.memref_slice %arg9[%dma_wait3A, %dma_wait3A_662, %dma_wait3A_663, %dma_wait3A_674, %dma_wait3A_675, %dma_wait3A_676] : memref<8x1x2x4x8x128xf32, #tpu.memory_space<vmem>> -> memref<1x1x1x4x8x128xf32, #tpu.memory_space<vmem>>
    %dma_wait3A_678 = tpu.memref_squeeze %dma_wait3A_677 : memref<1x1x1x4x8x128xf32, #tpu.memory_space<vmem>> -> memref<4x8x128xf32, #tpu.memory_space<vmem>>
    %dma_wait3A_679 = tpu.memref_reshape %arg4 : memref<32x1000000xf32, #tpu.memory_space<hbm>> -> memref<4x8x1000000xf32, #tpu.memory_space<hbm>>
    %dma_wait3A_680 = arith.constant 0 : i32
    %dma_wait3A_681 = arith.constant 0 : i32
    %dma_wait3A_682 = arith.constant 0 : i32
    %dma_wait3A_683 = tpu.memref_slice %dma_wait3A_679[%dma_wait3A_680, %dma_wait3A_681, %dma_wait3A_682] : memref<4x8x1000000xf32, #tpu.memory_space<hbm>> -> memref<4x8x128xf32, #tpu.memory_space<hbm>>
    tpu.wait_dma2 semaphore(%arg11 : memref<!tpu.dma_semaphore, #tpu.memory_space<semaphore_mem>>) src(%dma_wait3A_683 : memref<4x8x128xf32, #tpu.memory_space<hbm>>) dst(%dma_wait3A_678 : memref<4x8x128xf32, #tpu.memory_space<vmem>>)
    %dma_wait3A_684 = arith.constant 0 : i32
    %dma_wait3A_685 = arith.constant 0 : i32
    %dma_wait3A_686 = arith.constant 0 : i32
    %dma_wait3A_687 = arith.constant 0 : i32
    %dma_wait3A_688 = arith.constant 0 : i32
    %dma_wait3A_689 = arith.constant 0 : i32
    %dma_wait3A_690 = tpu.memref_slice %arg9[%dma_wait3A_684, %dma_wait3A_685, %dma_wait3A_686, %dma_wait3A_687, %dma_wait3A_688, %dma_wait3A_689] : memref<8x1x2x4x8x128xf32, #tpu.memory_space<vmem>> -> memref<1x1x1x4x8x128xf32, #tpu.memory_space<vmem>>
    %dma_wait3A_691 = tpu.memref_squeeze %dma_wait3A_690 : memref<1x1x1x4x8x128xf32, #tpu.memory_space<vmem>> -> memref<4x8x128xf32, #tpu.memory_space<vmem>>
    %dma_wait3A_692 = tpu.memref_reshape %arg4 : memref<32x1000000xf32, #tpu.memory_space<hbm>> -> memref<4x8x1000000xf32, #tpu.memory_space<hbm>>
    %dma_wait3A_693 = arith.constant 0 : i32
    %dma_wait3A_694 = arith.constant 0 : i32
    %dma_wait3A_695 = arith.constant 0 : i32
    %dma_wait3A_696 = tpu.memref_slice %dma_wait3A_692[%dma_wait3A_693, %dma_wait3A_694, %dma_wait3A_695] : memref<4x8x1000000xf32, #tpu.memory_space<hbm>> -> memref<4x8x128xf32, #tpu.memory_space<hbm>>
    %dma_wait3A_697 = arith.constant 0 : i32
    %dma_wait3A_698 = arith.constant 0 : i32
    %dma_wait3A_699 = arith.constant 0 : i32
    %dma_wait3A_700 = tpu.memref_slice %arg9[%dma_wait3A_684, %dma_wait3A_685, %dma_wait3A_686, %dma_wait3A_697, %dma_wait3A_698, %dma_wait3A_699] : memref<8x1x2x4x8x128xf32, #tpu.memory_space<vmem>> -> memref<1x1x1x4x8x128xf32, #tpu.memory_space<vmem>>
    %dma_wait3A_701 = tpu.memref_squeeze %dma_wait3A_700 : memref<1x1x1x4x8x128xf32, #tpu.memory_space<vmem>> -> memref<4x8x128xf32, #tpu.memory_space<vmem>>
    %dma_wait3A_702 = tpu.memref_reshape %arg4 : memref<32x1000000xf32, #tpu.memory_space<hbm>> -> memref<4x8x1000000xf32, #tpu.memory_space<hbm>>
    %dma_wait3A_703 = arith.constant 0 : i32
    %dma_wait3A_704 = arith.constant 0 : i32
    %dma_wait3A_705 = arith.constant 0 : i32
    %dma_wait3A_706 = tpu.memref_slice %dma_wait3A_702[%dma_wait3A_703, %dma_wait3A_704, %dma_wait3A_705] : memref<4x8x1000000xf32, #tpu.memory_space<hbm>> -> memref<4x8x128xf32, #tpu.memory_space<hbm>>
    tpu.wait_dma2 semaphore(%arg11 : memref<!tpu.dma_semaphore, #tpu.memory_space<semaphore_mem>>) src(%dma_wait3A_706 : memref<4x8x128xf32, #tpu.memory_space<hbm>>) dst(%dma_wait3A_701 : memref<4x8x128xf32, #tpu.memory_space<vmem>>)
    %dma_wait3A_707 = arith.constant 0 : i32
    %dma_wait3A_708 = arith.constant 0 : i32
    %dma_wait3A_709 = arith.constant 0 : i32
    %dma_wait3A_710 = arith.constant 0 : i32
    %dma_wait3A_711 = arith.constant 0 : i32
    %dma_wait3A_712 = arith.constant 0 : i32
    %dma_wait3A_713 = tpu.memref_slice %arg9[%dma_wait3A_707, %dma_wait3A_708, %dma_wait3A_709, %dma_wait3A_710, %dma_wait3A_711, %dma_wait3A_712] : memref<8x1x2x4x8x128xf32, #tpu.memory_space<vmem>> -> memref<1x1x1x4x8x128xf32, #tpu.memory_space<vmem>>
    %dma_wait3A_714 = tpu.memref_squeeze %dma_wait3A_713 : memref<1x1x1x4x8x128xf32, #tpu.memory_space<vmem>> -> memref<4x8x128xf32, #tpu.memory_space<vmem>>
    %dma_wait3A_715 = tpu.memref_reshape %arg4 : memref<32x1000000xf32, #tpu.memory_space<hbm>> -> memref<4x8x1000000xf32, #tpu.memory_space<hbm>>
    %dma_wait3A_716 = arith.constant 0 : i32
    %dma_wait3A_717 = arith.constant 0 : i32
    %dma_wait3A_718 = arith.constant 0 : i32
    %dma_wait3A_719 = tpu.memref_slice %dma_wait3A_715[%dma_wait3A_716, %dma_wait3A_717, %dma_wait3A_718] : memref<4x8x1000000xf32, #tpu.memory_space<hbm>> -> memref<4x8x128xf32, #tpu.memory_space<hbm>>
    %dma_wait3A_720 = arith.constant 0 : i32
    %dma_wait3A_721 = arith.constant 0 : i32
    %dma_wait3A_722 = arith.constant 0 : i32
    %dma_wait3A_723 = tpu.memref_slice %arg9[%dma_wait3A_707, %dma_wait3A_708, %dma_wait3A_709, %dma_wait3A_720, %dma_wait3A_721, %dma_wait3A_722] : memref<8x1x2x4x8x128xf32, #tpu.memory_space<vmem>> -> memref<1x1x1x4x8x128xf32, #tpu.memory_space<vmem>>
    %dma_wait3A_724 = tpu.memref_squeeze %dma_wait3A_723 : memref<1x1x1x4x8x128xf32, #tpu.memory_space<vmem>> -> memref<4x8x128xf32, #tpu.memory_space<vmem>>
    %dma_wait3A_725 = tpu.memref_reshape %arg4 : memref<32x1000000xf32, #tpu.memory_space<hbm>> -> memref<4x8x1000000xf32, #tpu.memory_space<hbm>>
    %dma_wait3A_726 = arith.constant 0 : i32
    %dma_wait3A_727 = arith.constant 0 : i32
    %dma_wait3A_728 = arith.constant 0 : i32
    %dma_wait3A_729 = tpu.memref_slice %dma_wait3A_725[%dma_wait3A_726, %dma_wait3A_727, %dma_wait3A_728] : memref<4x8x1000000xf32, #tpu.memory_space<hbm>> -> memref<4x8x128xf32, #tpu.memory_space<hbm>>
    tpu.wait_dma2 semaphore(%arg12 : memref<!tpu.dma_semaphore, #tpu.memory_space<semaphore_mem>>) src(%dma_wait3A_729 : memref<4x8x128xf32, #tpu.memory_space<hbm>>) dst(%dma_wait3A_724 : memref<4x8x128xf32, #tpu.memory_space<vmem>>)
    %dma_wait3A_730 = arith.constant 0 : i32
    %dma_wait3A_731 = arith.constant 0 : i32
    %dma_wait3A_732 = arith.constant 0 : i32
    %dma_wait3A_733 = arith.constant 0 : i32
    %dma_wait3A_734 = arith.constant 0 : i32
    %dma_wait3A_735 = arith.constant 0 : i32
    %dma_wait3A_736 = tpu.memref_slice %arg9[%dma_wait3A_730, %dma_wait3A_731, %dma_wait3A_732, %dma_wait3A_733, %dma_wait3A_734, %dma_wait3A_735] : memref<8x1x2x4x8x128xf32, #tpu.memory_space<vmem>> -> memref<1x1x1x4x8x128xf32, #tpu.memory_space<vmem>>
    %dma_wait3A_737 = tpu.memref_squeeze %dma_wait3A_736 : memref<1x1x1x4x8x128xf32, #tpu.memory_space<vmem>> -> memref<4x8x128xf32, #tpu.memory_space<vmem>>
    %dma_wait3A_738 = tpu.memref_reshape %arg4 : memref<32x1000000xf32, #tpu.memory_space<hbm>> -> memref<4x8x1000000xf32, #tpu.memory_space<hbm>>
    %dma_wait3A_739 = arith.constant 0 : i32
    %dma_wait3A_740 = arith.constant 0 : i32
    %dma_wait3A_741 = arith.constant 0 : i32
    %dma_wait3A_742 = tpu.memref_slice %dma_wait3A_738[%dma_wait3A_739, %dma_wait3A_740, %dma_wait3A_741] : memref<4x8x1000000xf32, #tpu.memory_space<hbm>> -> memref<4x8x128xf32, #tpu.memory_space<hbm>>
    %dma_wait3A_743 = arith.constant 0 : i32
    %dma_wait3A_744 = arith.constant 0 : i32
    %dma_wait3A_745 = arith.constant 0 : i32
    %dma_wait3A_746 = tpu.memref_slice %arg9[%dma_wait3A_730, %dma_wait3A_731, %dma_wait3A_732, %dma_wait3A_743, %dma_wait3A_744, %dma_wait3A_745] : memref<8x1x2x4x8x128xf32, #tpu.memory_space<vmem>> -> memref<1x1x1x4x8x128xf32, #tpu.memory_space<vmem>>
    %dma_wait3A_747 = tpu.memref_squeeze %dma_wait3A_746 : memref<1x1x1x4x8x128xf32, #tpu.memory_space<vmem>> -> memref<4x8x128xf32, #tpu.memory_space<vmem>>
    %dma_wait3A_748 = tpu.memref_reshape %arg4 : memref<32x1000000xf32, #tpu.memory_space<hbm>> -> memref<4x8x1000000xf32, #tpu.memory_space<hbm>>
    %dma_wait3A_749 = arith.constant 0 : i32
    %dma_wait3A_750 = arith.constant 0 : i32
    %dma_wait3A_751 = arith.constant 0 : i32
    %dma_wait3A_752 = tpu.memref_slice %dma_wait3A_748[%dma_wait3A_749, %dma_wait3A_750, %dma_wait3A_751] : memref<4x8x1000000xf32, #tpu.memory_space<hbm>> -> memref<4x8x128xf32, #tpu.memory_space<hbm>>
    tpu.wait_dma2 semaphore(%arg12 : memref<!tpu.dma_semaphore, #tpu.memory_space<semaphore_mem>>) src(%dma_wait3A_752 : memref<4x8x128xf32, #tpu.memory_space<hbm>>) dst(%dma_wait3A_747 : memref<4x8x128xf32, #tpu.memory_space<vmem>>)
    %dma_wait3A_753 = arith.constant 0 : i32
    %dma_wait3A_754 = arith.constant 0 : i32
    %dma_wait3A_755 = arith.constant 0 : i32
    %dma_wait3A_756 = arith.constant 0 : i32
    %dma_wait3A_757 = arith.constant 0 : i32
    %dma_wait3A_758 = arith.constant 0 : i32
    %dma_wait3A_759 = tpu.memref_slice %arg9[%dma_wait3A_753, %dma_wait3A_754, %dma_wait3A_755, %dma_wait3A_756, %dma_wait3A_757, %dma_wait3A_758] : memref<8x1x2x4x8x128xf32, #tpu.memory_space<vmem>> -> memref<1x1x1x4x8x128xf32, #tpu.memory_space<vmem>>
    %dma_wait3A_760 = tpu.memref_squeeze %dma_wait3A_759 : memref<1x1x1x4x8x128xf32, #tpu.memory_space<vmem>> -> memref<4x8x128xf32, #tpu.memory_space<vmem>>
    %dma_wait3A_761 = tpu.memref_reshape %arg4 : memref<32x1000000xf32, #tpu.memory_space<hbm>> -> memref<4x8x1000000xf32, #tpu.memory_space<hbm>>
    %dma_wait3A_762 = arith.constant 0 : i32
    %dma_wait3A_763 = arith.constant 0 : i32
    %dma_wait3A_764 = arith.constant 0 : i32
    %dma_wait3A_765 = tpu.memref_slice %dma_wait3A_761[%dma_wait3A_762, %dma_wait3A_763, %dma_wait3A_764] : memref<4x8x1000000xf32, #tpu.memory_space<hbm>> -> memref<4x8x128xf32, #tpu.memory_space<hbm>>
    %dma_wait3A_766 = arith.constant 0 : i32
    %dma_wait3A_767 = arith.constant 0 : i32
    %dma_wait3A_768 = arith.constant 0 : i32
    %dma_wait3A_769 = tpu.memref_slice %arg9[%dma_wait3A_753, %dma_wait3A_754, %dma_wait3A_755, %dma_wait3A_766, %dma_wait3A_767, %dma_wait3A_768] : memref<8x1x2x4x8x128xf32, #tpu.memory_space<vmem>> -> memref<1x1x1x4x8x128xf32, #tpu.memory_space<vmem>>
    %dma_wait3A_770 = tpu.memref_squeeze %dma_wait3A_769 : memref<1x1x1x4x8x128xf32, #tpu.memory_space<vmem>> -> memref<4x8x128xf32, #tpu.memory_space<vmem>>
    %dma_wait3A_771 = tpu.memref_reshape %arg4 : memref<32x1000000xf32, #tpu.memory_space<hbm>> -> memref<4x8x1000000xf32, #tpu.memory_space<hbm>>
    %dma_wait3A_772 = arith.constant 0 : i32
    %dma_wait3A_773 = arith.constant 0 : i32
    %dma_wait3A_774 = arith.constant 0 : i32
    %dma_wait3A_775 = tpu.memref_slice %dma_wait3A_771[%dma_wait3A_772, %dma_wait3A_773, %dma_wait3A_774] : memref<4x8x1000000xf32, #tpu.memory_space<hbm>> -> memref<4x8x128xf32, #tpu.memory_space<hbm>>
    tpu.wait_dma2 semaphore(%arg13 : memref<!tpu.dma_semaphore, #tpu.memory_space<semaphore_mem>>) src(%dma_wait3A_775 : memref<4x8x128xf32, #tpu.memory_space<hbm>>) dst(%dma_wait3A_770 : memref<4x8x128xf32, #tpu.memory_space<vmem>>)
    %dma_wait3A_776 = arith.constant 0 : i32
    %dma_wait3A_777 = arith.constant 0 : i32
    %dma_wait3A_778 = arith.constant 0 : i32
    %dma_wait3A_779 = arith.constant 0 : i32
    %dma_wait3A_780 = arith.constant 0 : i32
    %dma_wait3A_781 = arith.constant 0 : i32
    %dma_wait3A_782 = tpu.memref_slice %arg9[%dma_wait3A_776, %dma_wait3A_777, %dma_wait3A_778, %dma_wait3A_779, %dma_wait3A_780, %dma_wait3A_781] : memref<8x1x2x4x8x128xf32, #tpu.memory_space<vmem>> -> memref<1x1x1x4x8x128xf32, #tpu.memory_space<vmem>>
    %dma_wait3A_783 = tpu.memref_squeeze %dma_wait3A_782 : memref<1x1x1x4x8x128xf32, #tpu.memory_space<vmem>> -> memref<4x8x128xf32, #tpu.memory_space<vmem>>
    %dma_wait3A_784 = tpu.memref_reshape %arg4 : memref<32x1000000xf32, #tpu.memory_space<hbm>> -> memref<4x8x1000000xf32, #tpu.memory_space<hbm>>
    %dma_wait3A_785 = arith.constant 0 : i32
    %dma_wait3A_786 = arith.constant 0 : i32
    %dma_wait3A_787 = arith.constant 0 : i32
    %dma_wait3A_788 = tpu.memref_slice %dma_wait3A_784[%dma_wait3A_785, %dma_wait3A_786, %dma_wait3A_787] : memref<4x8x1000000xf32, #tpu.memory_space<hbm>> -> memref<4x8x128xf32, #tpu.memory_space<hbm>>
    %dma_wait3A_789 = arith.constant 0 : i32
    %dma_wait3A_790 = arith.constant 0 : i32
    %dma_wait3A_791 = arith.constant 0 : i32
    %dma_wait3A_792 = tpu.memref_slice %arg9[%dma_wait3A_776, %dma_wait3A_777, %dma_wait3A_778, %dma_wait3A_789, %dma_wait3A_790, %dma_wait3A_791] : memref<8x1x2x4x8x128xf32, #tpu.memory_space<vmem>> -> memref<1x1x1x4x8x128xf32, #tpu.memory_space<vmem>>
    %dma_wait3A_793 = tpu.memref_squeeze %dma_wait3A_792 : memref<1x1x1x4x8x128xf32, #tpu.memory_space<vmem>> -> memref<4x8x128xf32, #tpu.memory_space<vmem>>
    %dma_wait3A_794 = tpu.memref_reshape %arg4 : memref<32x1000000xf32, #tpu.memory_space<hbm>> -> memref<4x8x1000000xf32, #tpu.memory_space<hbm>>
    %dma_wait3A_795 = arith.constant 0 : i32
    %dma_wait3A_796 = arith.constant 0 : i32
    %dma_wait3A_797 = arith.constant 0 : i32
    %dma_wait3A_798 = tpu.memref_slice %dma_wait3A_794[%dma_wait3A_795, %dma_wait3A_796, %dma_wait3A_797] : memref<4x8x1000000xf32, #tpu.memory_space<hbm>> -> memref<4x8x128xf32, #tpu.memory_space<hbm>>
    tpu.wait_dma2 semaphore(%arg13 : memref<!tpu.dma_semaphore, #tpu.memory_space<semaphore_mem>>) src(%dma_wait3A_798 : memref<4x8x128xf32, #tpu.memory_space<hbm>>) dst(%dma_wait3A_793 : memref<4x8x128xf32, #tpu.memory_space<vmem>>)
    %dma_wait3A_799 = arith.constant 0 : i32
    %dma_wait3A_800 = arith.constant 0 : i32
    %dma_wait3A_801 = arith.constant 0 : i32
    %dma_wait3A_802 = arith.constant 0 : i32
    %dma_wait3A_803 = arith.constant 0 : i32
    %dma_wait3A_804 = arith.constant 0 : i32
    %dma_wait3A_805 = tpu.memref_slice %arg9[%dma_wait3A_799, %dma_wait3A_800, %dma_wait3A_801, %dma_wait3A_802, %dma_wait3A_803, %dma_wait3A_804] : memref<8x1x2x4x8x128xf32, #tpu.memory_space<vmem>> -> memref<1x1x1x4x8x128xf32, #tpu.memory_space<vmem>>
    %dma_wait3A_806 = tpu.memref_squeeze %dma_wait3A_805 : memref<1x1x1x4x8x128xf32, #tpu.memory_space<vmem>> -> memref<4x8x128xf32, #tpu.memory_space<vmem>>
    %dma_wait3A_807 = tpu.memref_reshape %arg4 : memref<32x1000000xf32, #tpu.memory_space<hbm>> -> memref<4x8x1000000xf32, #tpu.memory_space<hbm>>
    %dma_wait3A_808 = arith.constant 0 : i32
    %dma_wait3A_809 = arith.constant 0 : i32
    %dma_wait3A_810 = arith.constant 0 : i32
    %dma_wait3A_811 = tpu.memref_slice %dma_wait3A_807[%dma_wait3A_808, %dma_wait3A_809, %dma_wait3A_810] : memref<4x8x1000000xf32, #tpu.memory_space<hbm>> -> memref<4x8x128xf32, #tpu.memory_space<hbm>>
    %dma_wait3A_812 = arith.constant 0 : i32
    %dma_wait3A_813 = arith.constant 0 : i32
    %dma_wait3A_814 = arith.constant 0 : i32
    %dma_wait3A_815 = tpu.memref_slice %arg9[%dma_wait3A_799, %dma_wait3A_800, %dma_wait3A_801, %dma_wait3A_812, %dma_wait3A_813, %dma_wait3A_814] : memref<8x1x2x4x8x128xf32, #tpu.memory_space<vmem>> -> memref<1x1x1x4x8x128xf32, #tpu.memory_space<vmem>>
    %dma_wait3A_816 = tpu.memref_squeeze %dma_wait3A_815 : memref<1x1x1x4x8x128xf32, #tpu.memory_space<vmem>> -> memref<4x8x128xf32, #tpu.memory_space<vmem>>
    %dma_wait3A_817 = tpu.memref_reshape %arg4 : memref<32x1000000xf32, #tpu.memory_space<hbm>> -> memref<4x8x1000000xf32, #tpu.memory_space<hbm>>
    %dma_wait3A_818 = arith.constant 0 : i32
    %dma_wait3A_819 = arith.constant 0 : i32
    %dma_wait3A_820 = arith.constant 0 : i32
    %dma_wait3A_821 = tpu.memref_slice %dma_wait3A_817[%dma_wait3A_818, %dma_wait3A_819, %dma_wait3A_820] : memref<4x8x1000000xf32, #tpu.memory_space<hbm>> -> memref<4x8x128xf32, #tpu.memory_space<hbm>>
    tpu.wait_dma2 semaphore(%arg14 : memref<!tpu.dma_semaphore, #tpu.memory_space<semaphore_mem>>) src(%dma_wait3A_821 : memref<4x8x128xf32, #tpu.memory_space<hbm>>) dst(%dma_wait3A_816 : memref<4x8x128xf32, #tpu.memory_space<vmem>>)
    %dma_wait3A_822 = arith.constant 0 : i32
    %dma_wait3A_823 = arith.constant 0 : i32
    %dma_wait3A_824 = arith.constant 0 : i32
    %dma_wait3A_825 = arith.constant 0 : i32
    %dma_wait3A_826 = arith.constant 0 : i32
    %dma_wait3A_827 = arith.constant 0 : i32
    %dma_wait3A_828 = tpu.memref_slice %arg9[%dma_wait3A_822, %dma_wait3A_823, %dma_wait3A_824, %dma_wait3A_825, %dma_wait3A_826, %dma_wait3A_827] : memref<8x1x2x4x8x128xf32, #tpu.memory_space<vmem>> -> memref<1x1x1x4x8x128xf32, #tpu.memory_space<vmem>>
    %dma_wait3A_829 = tpu.memref_squeeze %dma_wait3A_828 : memref<1x1x1x4x8x128xf32, #tpu.memory_space<vmem>> -> memref<4x8x128xf32, #tpu.memory_space<vmem>>
    %dma_wait3A_830 = tpu.memref_reshape %arg4 : memref<32x1000000xf32, #tpu.memory_space<hbm>> -> memref<4x8x1000000xf32, #tpu.memory_space<hbm>>
    %dma_wait3A_831 = arith.constant 0 : i32
    %dma_wait3A_832 = arith.constant 0 : i32
    %dma_wait3A_833 = arith.constant 0 : i32
    %dma_wait3A_834 = tpu.memref_slice %dma_wait3A_830[%dma_wait3A_831, %dma_wait3A_832, %dma_wait3A_833] : memref<4x8x1000000xf32, #tpu.memory_space<hbm>> -> memref<4x8x128xf32, #tpu.memory_space<hbm>>
    %dma_wait3A_835 = arith.constant 0 : i32
    %dma_wait3A_836 = arith.constant 0 : i32
    %dma_wait3A_837 = arith.constant 0 : i32
    %dma_wait3A_838 = tpu.memref_slice %arg9[%dma_wait3A_822, %dma_wait3A_823, %dma_wait3A_824, %dma_wait3A_835, %dma_wait3A_836, %dma_wait3A_837] : memref<8x1x2x4x8x128xf32, #tpu.memory_space<vmem>> -> memref<1x1x1x4x8x128xf32, #tpu.memory_space<vmem>>
    %dma_wait3A_839 = tpu.memref_squeeze %dma_wait3A_838 : memref<1x1x1x4x8x128xf32, #tpu.memory_space<vmem>> -> memref<4x8x128xf32, #tpu.memory_space<vmem>>
    %dma_wait3A_840 = tpu.memref_reshape %arg4 : memref<32x1000000xf32, #tpu.memory_space<hbm>> -> memref<4x8x1000000xf32, #tpu.memory_space<hbm>>
    %dma_wait3A_841 = arith.constant 0 : i32
    %dma_wait3A_842 = arith.constant 0 : i32
    %dma_wait3A_843 = arith.constant 0 : i32
    %dma_wait3A_844 = tpu.memref_slice %dma_wait3A_840[%dma_wait3A_841, %dma_wait3A_842, %dma_wait3A_843] : memref<4x8x1000000xf32, #tpu.memory_space<hbm>> -> memref<4x8x128xf32, #tpu.memory_space<hbm>>
    tpu.wait_dma2 semaphore(%arg14 : memref<!tpu.dma_semaphore, #tpu.memory_space<semaphore_mem>>) src(%dma_wait3A_844 : memref<4x8x128xf32, #tpu.memory_space<hbm>>) dst(%dma_wait3A_839 : memref<4x8x128xf32, #tpu.memory_space<vmem>>)
    %dma_wait3A_845 = arith.constant 0 : i32
    %dma_wait3A_846 = arith.constant 0 : i32
    %dma_wait3A_847 = arith.constant 0 : i32
    %dma_wait3A_848 = arith.constant 0 : i32
    %dma_wait3A_849 = arith.constant 0 : i32
    %dma_wait3A_850 = arith.constant 0 : i32
    %dma_wait3A_851 = tpu.memref_slice %arg9[%dma_wait3A_845, %dma_wait3A_846, %dma_wait3A_847, %dma_wait3A_848, %dma_wait3A_849, %dma_wait3A_850] : memref<8x1x2x4x8x128xf32, #tpu.memory_space<vmem>> -> memref<1x1x1x4x8x128xf32, #tpu.memory_space<vmem>>
    %dma_wait3A_852 = tpu.memref_squeeze %dma_wait3A_851 : memref<1x1x1x4x8x128xf32, #tpu.memory_space<vmem>> -> memref<4x8x128xf32, #tpu.memory_space<vmem>>
    %dma_wait3A_853 = tpu.memref_reshape %arg4 : memref<32x1000000xf32, #tpu.memory_space<hbm>> -> memref<4x8x1000000xf32, #tpu.memory_space<hbm>>
    %dma_wait3A_854 = arith.constant 0 : i32
    %dma_wait3A_855 = arith.constant 0 : i32
    %dma_wait3A_856 = arith.constant 0 : i32
    %dma_wait3A_857 = tpu.memref_slice %dma_wait3A_853[%dma_wait3A_854, %dma_wait3A_855, %dma_wait3A_856] : memref<4x8x1000000xf32, #tpu.memory_space<hbm>> -> memref<4x8x128xf32, #tpu.memory_space<hbm>>
    %dma_wait3A_858 = arith.constant 0 : i32
    %dma_wait3A_859 = arith.constant 0 : i32
    %dma_wait3A_860 = arith.constant 0 : i32
    %dma_wait3A_861 = tpu.memref_slice %arg9[%dma_wait3A_845, %dma_wait3A_846, %dma_wait3A_847, %dma_wait3A_858, %dma_wait3A_859, %dma_wait3A_860] : memref<8x1x2x4x8x128xf32, #tpu.memory_space<vmem>> -> memref<1x1x1x4x8x128xf32, #tpu.memory_space<vmem>>
    %dma_wait3A_862 = tpu.memref_squeeze %dma_wait3A_861 : memref<1x1x1x4x8x128xf32, #tpu.memory_space<vmem>> -> memref<4x8x128xf32, #tpu.memory_space<vmem>>
    %dma_wait3A_863 = tpu.memref_reshape %arg4 : memref<32x1000000xf32, #tpu.memory_space<hbm>> -> memref<4x8x1000000xf32, #tpu.memory_space<hbm>>
    %dma_wait3A_864 = arith.constant 0 : i32
    %dma_wait3A_865 = arith.constant 0 : i32
    %dma_wait3A_866 = arith.constant 0 : i32
    %dma_wait3A_867 = tpu.memref_slice %dma_wait3A_863[%dma_wait3A_864, %dma_wait3A_865, %dma_wait3A_866] : memref<4x8x1000000xf32, #tpu.memory_space<hbm>> -> memref<4x8x128xf32, #tpu.memory_space<hbm>>
    tpu.wait_dma2 semaphore(%arg15 : memref<!tpu.dma_semaphore, #tpu.memory_space<semaphore_mem>>) src(%dma_wait3A_867 : memref<4x8x128xf32, #tpu.memory_space<hbm>>) dst(%dma_wait3A_862 : memref<4x8x128xf32, #tpu.memory_space<vmem>>)
    %dma_wait3A_868 = arith.constant 0 : i32
    %dma_wait3A_869 = arith.constant 0 : i32
    %dma_wait3A_870 = arith.constant 0 : i32
    %dma_wait3A_871 = arith.constant 0 : i32
    %dma_wait3A_872 = arith.constant 0 : i32
    %dma_wait3A_873 = arith.constant 0 : i32
    %dma_wait3A_874 = tpu.memref_slice %arg9[%dma_wait3A_868, %dma_wait3A_869, %dma_wait3A_870, %dma_wait3A_871, %dma_wait3A_872, %dma_wait3A_873] : memref<8x1x2x4x8x128xf32, #tpu.memory_space<vmem>> -> memref<1x1x1x4x8x128xf32, #tpu.memory_space<vmem>>
    %dma_wait3A_875 = tpu.memref_squeeze %dma_wait3A_874 : memref<1x1x1x4x8x128xf32, #tpu.memory_space<vmem>> -> memref<4x8x128xf32, #tpu.memory_space<vmem>>
    %dma_wait3A_876 = tpu.memref_reshape %arg4 : memref<32x1000000xf32, #tpu.memory_space<hbm>> -> memref<4x8x1000000xf32, #tpu.memory_space<hbm>>
    %dma_wait3A_877 = arith.constant 0 : i32
    %dma_wait3A_878 = arith.constant 0 : i32
    %dma_wait3A_879 = arith.constant 0 : i32
    %dma_wait3A_880 = tpu.memref_slice %dma_wait3A_876[%dma_wait3A_877, %dma_wait3A_878, %dma_wait3A_879] : memref<4x8x1000000xf32, #tpu.memory_space<hbm>> -> memref<4x8x128xf32, #tpu.memory_space<hbm>>
    %dma_wait3A_881 = arith.constant 0 : i32
    %dma_wait3A_882 = arith.constant 0 : i32
    %dma_wait3A_883 = arith.constant 0 : i32
    %dma_wait3A_884 = tpu.memref_slice %arg9[%dma_wait3A_868, %dma_wait3A_869, %dma_wait3A_870, %dma_wait3A_881, %dma_wait3A_882, %dma_wait3A_883] : memref<8x1x2x4x8x128xf32, #tpu.memory_space<vmem>> -> memref<1x1x1x4x8x128xf32, #tpu.memory_space<vmem>>
    %dma_wait3A_885 = tpu.memref_squeeze %dma_wait3A_884 : memref<1x1x1x4x8x128xf32, #tpu.memory_space<vmem>> -> memref<4x8x128xf32, #tpu.memory_space<vmem>>
    %dma_wait3A_886 = tpu.memref_reshape %arg4 : memref<32x1000000xf32, #tpu.memory_space<hbm>> -> memref<4x8x1000000xf32, #tpu.memory_space<hbm>>
    %dma_wait3A_887 = arith.constant 0 : i32
    %dma_wait3A_888 = arith.constant 0 : i32
    %dma_wait3A_889 = arith.constant 0 : i32
    %dma_wait3A_890 = tpu.memref_slice %dma_wait3A_886[%dma_wait3A_887, %dma_wait3A_888, %dma_wait3A_889] : memref<4x8x1000000xf32, #tpu.memory_space<hbm>> -> memref<4x8x128xf32, #tpu.memory_space<hbm>>
    tpu.wait_dma2 semaphore(%arg15 : memref<!tpu.dma_semaphore, #tpu.memory_space<semaphore_mem>>) src(%dma_wait3A_890 : memref<4x8x128xf32, #tpu.memory_space<hbm>>) dst(%dma_wait3A_885 : memref<4x8x128xf32, #tpu.memory_space<vmem>>)
    %dma_wait3A_891 = arith.constant 0 : i32
    %dma_wait3A_892 = arith.constant 0 : i32
    %dma_wait3A_893 = arith.constant 0 : i32
    %dma_wait3A_894 = arith.constant 0 : i32
    %dma_wait3A_895 = arith.constant 0 : i32
    %dma_wait3A_896 = arith.constant 0 : i32
    %dma_wait3A_897 = tpu.memref_slice %arg9[%dma_wait3A_891, %dma_wait3A_892, %dma_wait3A_893, %dma_wait3A_894, %dma_wait3A_895, %dma_wait3A_896] : memref<8x1x2x4x8x128xf32, #tpu.memory_space<vmem>> -> memref<1x1x1x4x8x128xf32, #tpu.memory_space<vmem>>
    %dma_wait3A_898 = tpu.memref_squeeze %dma_wait3A_897 : memref<1x1x1x4x8x128xf32, #tpu.memory_space<vmem>> -> memref<4x8x128xf32, #tpu.memory_space<vmem>>
    %dma_wait3A_899 = tpu.memref_reshape %arg4 : memref<32x1000000xf32, #tpu.memory_space<hbm>> -> memref<4x8x1000000xf32, #tpu.memory_space<hbm>>
    %dma_wait3A_900 = arith.constant 0 : i32
    %dma_wait3A_901 = arith.constant 0 : i32
    %dma_wait3A_902 = arith.constant 0 : i32
    %dma_wait3A_903 = tpu.memref_slice %dma_wait3A_899[%dma_wait3A_900, %dma_wait3A_901, %dma_wait3A_902] : memref<4x8x1000000xf32, #tpu.memory_space<hbm>> -> memref<4x8x128xf32, #tpu.memory_space<hbm>>
    %dma_wait3A_904 = arith.constant 0 : i32
    %dma_wait3A_905 = arith.constant 0 : i32
    %dma_wait3A_906 = arith.constant 0 : i32
    %dma_wait3A_907 = tpu.memref_slice %arg9[%dma_wait3A_891, %dma_wait3A_892, %dma_wait3A_893, %dma_wait3A_904, %dma_wait3A_905, %dma_wait3A_906] : memref<8x1x2x4x8x128xf32, #tpu.memory_space<vmem>> -> memref<1x1x1x4x8x128xf32, #tpu.memory_space<vmem>>
    %dma_wait3A_908 = tpu.memref_squeeze %dma_wait3A_907 : memref<1x1x1x4x8x128xf32, #tpu.memory_space<vmem>> -> memref<4x8x128xf32, #tpu.memory_space<vmem>>
    %dma_wait3A_909 = tpu.memref_reshape %arg4 : memref<32x1000000xf32, #tpu.memory_space<hbm>> -> memref<4x8x1000000xf32, #tpu.memory_space<hbm>>
    %dma_wait3A_910 = arith.constant 0 : i32
    %dma_wait3A_911 = arith.constant 0 : i32
    %dma_wait3A_912 = arith.constant 0 : i32
    %dma_wait3A_913 = tpu.memref_slice %dma_wait3A_909[%dma_wait3A_910, %dma_wait3A_911, %dma_wait3A_912] : memref<4x8x1000000xf32, #tpu.memory_space<hbm>> -> memref<4x8x128xf32, #tpu.memory_space<hbm>>
    tpu.wait_dma2 semaphore(%arg16 : memref<!tpu.dma_semaphore, #tpu.memory_space<semaphore_mem>>) src(%dma_wait3A_913 : memref<4x8x128xf32, #tpu.memory_space<hbm>>) dst(%dma_wait3A_908 : memref<4x8x128xf32, #tpu.memory_space<vmem>>)
    %dma_wait3A_914 = arith.constant 0 : i32
    %dma_wait3A_915 = arith.constant 0 : i32
    %dma_wait3A_916 = arith.constant 0 : i32
    %dma_wait3A_917 = arith.constant 0 : i32
    %dma_wait3A_918 = arith.constant 0 : i32
    %dma_wait3A_919 = arith.constant 0 : i32
    %dma_wait3A_920 = tpu.memref_slice %arg9[%dma_wait3A_914, %dma_wait3A_915, %dma_wait3A_916, %dma_wait3A_917, %dma_wait3A_918, %dma_wait3A_919] : memref<8x1x2x4x8x128xf32, #tpu.memory_space<vmem>> -> memref<1x1x1x4x8x128xf32, #tpu.memory_space<vmem>>
    %dma_wait3A_921 = tpu.memref_squeeze %dma_wait3A_920 : memref<1x1x1x4x8x128xf32, #tpu.memory_space<vmem>> -> memref<4x8x128xf32, #tpu.memory_space<vmem>>
    %dma_wait3A_922 = tpu.memref_reshape %arg4 : memref<32x1000000xf32, #tpu.memory_space<hbm>> -> memref<4x8x1000000xf32, #tpu.memory_space<hbm>>
    %dma_wait3A_923 = arith.constant 0 : i32
    %dma_wait3A_924 = arith.constant 0 : i32
    %dma_wait3A_925 = arith.constant 0 : i32
    %dma_wait3A_926 = tpu.memref_slice %dma_wait3A_922[%dma_wait3A_923, %dma_wait3A_924, %dma_wait3A_925] : memref<4x8x1000000xf32, #tpu.memory_space<hbm>> -> memref<4x8x128xf32, #tpu.memory_space<hbm>>
    %dma_wait3A_927 = arith.constant 0 : i32
    %dma_wait3A_928 = arith.constant 0 : i32
    %dma_wait3A_929 = arith.constant 0 : i32
    %dma_wait3A_930 = tpu.memref_slice %arg9[%dma_wait3A_914, %dma_wait3A_915, %dma_wait3A_916, %dma_wait3A_927, %dma_wait3A_928, %dma_wait3A_929] : memref<8x1x2x4x8x128xf32, #tpu.memory_space<vmem>> -> memref<1x1x1x4x8x128xf32, #tpu.memory_space<vmem>>
    %dma_wait3A_931 = tpu.memref_squeeze %dma_wait3A_930 : memref<1x1x1x4x8x128xf32, #tpu.memory_space<vmem>> -> memref<4x8x128xf32, #tpu.memory_space<vmem>>
    %dma_wait3A_932 = tpu.memref_reshape %arg4 : memref<32x1000000xf32, #tpu.memory_space<hbm>> -> memref<4x8x1000000xf32, #tpu.memory_space<hbm>>
    %dma_wait3A_933 = arith.constant 0 : i32
    %dma_wait3A_934 = arith.constant 0 : i32
    %dma_wait3A_935 = arith.constant 0 : i32
    %dma_wait3A_936 = tpu.memref_slice %dma_wait3A_932[%dma_wait3A_933, %dma_wait3A_934, %dma_wait3A_935] : memref<4x8x1000000xf32, #tpu.memory_space<hbm>> -> memref<4x8x128xf32, #tpu.memory_space<hbm>>
    tpu.wait_dma2 semaphore(%arg16 : memref<!tpu.dma_semaphore, #tpu.memory_space<semaphore_mem>>) src(%dma_wait3A_936 : memref<4x8x128xf32, #tpu.memory_space<hbm>>) dst(%dma_wait3A_931 : memref<4x8x128xf32, #tpu.memory_space<vmem>>)
    "tpu.region"() ({
      %run_scoped3A = tpu.sem_alloc : memref<!tpu.dma_semaphore, #tpu.memory_space<semaphore_mem>>
      %dma_start3A_937 = tpu.memref_slice %arg6[%mul3A_2] : memref<16384xf32, #tpu.memory_space<hbm>> -> memref<512xf32, #tpu.memory_space<hbm>>
      %dma_start3A_938 = tpu.memref_slice %arg6[%mul3A_2] : memref<16384xf32, #tpu.memory_space<hbm>> -> memref<512xf32, #tpu.memory_space<hbm>>
      tpu.enqueue_dma source(%arg10 : memref<512xf32, #tpu.memory_space<vmem>>) target(%dma_start3A_938 : memref<512xf32, #tpu.memory_space<hbm>>) target_semaphore(%run_scoped3A : memref<!tpu.dma_semaphore, #tpu.memory_space<semaphore_mem>>)
      %dma_wait3A_939 = tpu.memref_slice %arg6[%mul3A_2] : memref<16384xf32, #tpu.memory_space<hbm>> -> memref<512xf32, #tpu.memory_space<hbm>>
      %dma_wait3A_940 = tpu.memref_slice %arg6[%mul3A_2] : memref<16384xf32, #tpu.memory_space<hbm>> -> memref<512xf32, #tpu.memory_space<hbm>>
      tpu.wait_dma2 semaphore(%run_scoped3A : memref<!tpu.dma_semaphore, #tpu.memory_space<semaphore_mem>>) src(%arg10 : memref<512xf32, #tpu.memory_space<vmem>>) dst(%dma_wait3A_940 : memref<512xf32, #tpu.memory_space<hbm>>)
      tpu.yield
    }) : () -> ()
    return
  }
}

</mosaic_0001>

<sc_bundles>
// kernel: kernel.3.cloned.1.call-start
scs
__scs_entry_jumppad:
0x0: {  	(pc) =	sbr.rel $0x88, $3  }
0x1: {  	(tag) =	ssettag $0x0;
	lr =	simm.s32 $0x1  }
0x2: {  	[smem:$0x3F9D] =	sst lr;
	_ =	strace $0xD0000000  }
0x3: {  	_ = 	snop  }
0x4: {  	_ = 	snop  }
0x5: {  	_ = 	snop  }
0x6: {  	_ = 	snop  }
0x7: {  	_ = 	snop  }
__scs_overlays_trampoline_lowered:
0x8: {  	[smem:$0x3FAC] =	sst s0  }
0x9: {  	[smem:$0x3FAD] =	sst s1  }
0xa: {  	[smem:$0x3FAE] =	sst s2  }
0xb: {  	[smem:$0x3FAF] =	sst s3  }
0xc: {  	[smem:$0x3FB0] =	sst s4  }
0xd: {  	[smem:$0x3FB1] =	sst s5  }
0xe: {  	[smem:$0x3FB2] =	sst s6  }
0xf: {  	[smem:$0x3FB3] =	sst s7  }
0x10: {  	[smem:$0x3FB4] =	sst s8  }
0x11: {  	[smem:$0x3FB5] =	sst s9;
	s0 =	simm.s32 @!p0 $0x0  }
0x12: {  	s1 =	sld [smem:$0x3F9B];
	s0 =	simm.s32 @p0 $0x1  }
0x13: {  	[smem:$0x3FB6] =	sst s0;
	s0 =	simm.s32 @!p1 $0x0  }
0x14: {  	s2 =	sld [smem:$0x3F9A];
	s0 =	simm.s32 @p1 $0x1  }
0x15: {  	[smem:$0x3FB7] =	sst s0;
	s0 =	simm.s32 @!p2 $0x0  }
0x16: {  	s3 =	sld [smem:$0x3FDB];
	s0 =	simm.s32 @p2 $0x1  }
0x17: {  	s4 =	simm.s32 $0x1BF5;
	[smem:$0x3FB9] =	sst s0  }
0x18: {  	s0 =	sld [smem:$0x3F9C];
	_ =	swait.ge [sflag:s4], $0x0  }
0x19: {  	s7 =	sld [smem:$0x3F9D]  }
0x1a: {  	s8 =	sadd.s32 $0xFFFFE003, lr  }
0x1b: {  	s9 =	sadd.s32 $0xFFFFFEF7, lr;
	s5 =	simm.s32 $0xFFFFFFFF;
	p2 =	slt.u32 s8, $0xFFFFF086  }
0x1c: {  	p1 =	slt.u32 s9, $0xF7A;
	s5 =	simm.s32 @!p2 $0x0  }
0x1d: {  	s5 =	simm.s32 @p1 $0x1;
	p0 =	seq.s32 s7, s2  }
0x1e: {  	s7 =	smul.u32 @!p0 $0xF7A, s2;
	p2 =	seq.s32 @!p0 s5, $0x0  }
0x1f: {  	s9 =	smul.u32 $0xF7A, s1;
	s8 =	simm.s32 @!p0 $0x1BF5;
	p2 =	por !p2, p0  }
0x20: {  	[sflag:s8] =	ssyncset.s32 @!p0 $0xFFFFF086;
	s6 =	sadd.s32 @!p0 s3, s7;
	s7 =	simm.s32 @!p0 $0x108  }
0x21: {  	s3 =	sadd.s32 s3, s9;
	s6 =	sadd.s32 @!p0 $0x88, s6;
	s7 =	simm.s32 @p2 $0x1082  }
0x22: {  	[simem:s7], [sflag:s8] =	dma.local @!p0 [hbm:s6], $0xF7A  }
0x23: {  	s9 =	sor.u32 $0xD0000000, s2;
	s6 =	simm.s32 $0x108;
	_ =	swait.ge @!p0 [sflag:s8], $0x0  }
0x24: {  	s3 =	sadd.s32 $0x88, s3;
	s6 =	simm.s32 @!p1 $0x1082;
	[sflag:s4] =	ssyncset.s32 $0xFFFFF086  }
0x25: {  	[simem:s6], [sflag:s4] =	dma.local [hbm:s3], $0xF7A  }
0x26: {  	[smem:$0x3F9D] =	sst s1;
	(tag) =	ssettag s2;
	_ =	strace s9  }
0x27: {  	s1 =	sld [smem:$0x3FAD]  }
0x28: {  	s2 =	sld [smem:$0x3FAE]  }
0x29: {  	s4 =	sld [smem:$0x3FB0]  }
0x2a: {  	p0 =	seq.s32 s5, $0x0;
	s5 =	sld [smem:$0x3FB1]  }
0x2b: {  	s6 =	sld [smem:$0x3FB2]  }
0x2c: {  	s7 =	sld [smem:$0x3FB3]  }
0x2d: {  	s3 =	simm.s32 $0x108;
	s8 =	sld [smem:$0x3FB4]  }
0x2e: {  	s3 =	simm.s32 @!p0 $0x1082;
	s9 =	sld [smem:$0x3FB5]  }
0x2f: {  	lr =	sadd.s32 s0, s3;
	s0 =	sld [smem:$0x3FAC]  }
0x30: {  	s3 =	sld [smem:$0x3FAF]  }
0x31: {  	[smem:$0x3FB8] =	sst s10  }
0x32: {  	s10 =	sld [smem:$0x3FB6];
	_ =	sdelay $0x3  }
0x33: {  	p0 =	seq.s32 s10, $0x1;
	s10 =	sld [smem:$0x3FB8];
	_ =	sdelay $0x3  }
0x34: {  	[smem:$0x3FB8] =	sst s10  }
0x35: {  	s10 =	sld [smem:$0x3FB7];
	_ =	sdelay $0x3  }
0x36: {  	p1 =	seq.s32 s10, $0x1;
	s10 =	sld [smem:$0x3FB8];
	_ =	sdelay $0x3  }
0x37: {  	[smem:$0x3FB8] =	sst s10  }
0x38: {  	s10 =	sld [smem:$0x3FB9]  }
0x39: {  	_ = 	snop;
	(pc) =	sbr.ind lr, $3  }
0x3a: {  	_ = 	snop  }
0x3b: {  	_ = 	snop  }
0x3c: {  	p2 =	seq.s32 s10, $0x1;
	s10 =	sld [smem:$0x3FB8]  }
0x3d: {  	_ =	shalt  }
0x3e: {  	_ =	shalt  }
0x3f: {  	_ =	shalt  }
0x40: {  	_ =	shalt  }
0x41: {  	_ =	shalt  }
0x42: {  	_ =	shalt  }
0x43: {  	_ =	shalt  }
0x44: {  	_ =	shalt  }
0x45: {  	_ =	shalt  }
0x46: {  	_ =	shalt  }
0x47: {  	_ =	shalt  }
0x48: {  	_ =	shalt  }
0x49: {  	_ =	shalt  }
0x4a: {  	_ =	shalt  }
0x4b: {  	_ =	shalt  }
0x4c: {  	_ =	shalt  }
0x4d: {  	_ =	shalt  }
0x4e: {  	_ =	shalt  }
0x4f: {  	_ =	shalt  }
0x50: {  	_ =	shalt  }
0x51: {  	_ =	shalt  }
0x52: {  	_ =	shalt  }
0x53: {  	_ =	shalt  }
0x54: {  	_ =	shalt  }
0x55: {  	_ =	shalt  }
0x56: {  	_ =	shalt  }
0x57: {  	_ =	shalt  }
0x58: {  	_ =	shalt  }
0x59: {  	_ =	shalt  }
0x5a: {  	_ =	shalt  }
0x5b: {  	_ =	shalt  }
0x5c: {  	_ =	shalt  }
0x5d: {  	_ =	shalt  }
0x5e: {  	_ =	shalt  }
0x5f: {  	_ =	shalt  }
0x60: {  	_ =	shalt  }
0x61: {  	_ =	shalt  }
0x62: {  	_ =	shalt  }
0x63: {  	_ =	shalt  }
0x64: {  	_ =	shalt  }
0x65: {  	_ =	shalt  }
0x66: {  	_ =	shalt  }
0x67: {  	_ =	shalt  }
0x68: {  	_ =	shalt  }
0x69: {  	_ =	shalt  }
0x6a: {  	_ =	shalt  }
0x6b: {  	_ =	shalt  }
0x6c: {  	_ =	shalt  }
0x6d: {  	_ =	shalt  }
0x6e: {  	_ =	shalt  }
0x6f: {  	_ =	shalt  }
0x70: {  	_ =	shalt  }
0x71: {  	_ =	shalt  }
0x72: {  	_ =	shalt  }
0x73: {  	_ =	shalt  }
0x74: {  	_ =	shalt  }
0x75: {  	_ =	shalt  }
0x76: {  	_ =	shalt  }
0x77: {  	_ =	shalt  }
0x78: {  	_ =	shalt  }
0x79: {  	_ =	shalt  }
0x7a: {  	_ =	shalt  }
0x7b: {  	_ =	shalt  }
0x7c: {  	_ =	shalt  }
0x7d: {  	_ =	shalt  }
0x7e: {  	_ =	shalt  }
0x7f: {  	_ =	shalt  }
0x80: {  	_ =	shalt  }
0x81: {  	_ =	shalt  }
0x82: {  	_ =	shalt  }
0x83: {  	_ =	shalt  }
0x84: {  	_ =	shalt  }
0x85: {  	_ =	shalt  }
0x86: {  	_ =	shalt  }
0x87: {  	_ =	shalt  }
.Lfunc_end0:
.L_simem_size_0:
called_computation_lowered:
.L_overlay_start_0:
0x88: {  	s2 =	sld [smem:$0x3FD9]  }
0x89: {  	s3 =	sld [smem:$0x3FFE];
	_ =	sdelay $0x1  }
0x8a: {  	s1 =	srdreg.scid  }
0x8b: {  	s0 =	sand.u32 $0x1, s1  }
0x8c: {  	s18 =	sshll.u32 s0, $0xA;
	s2 =	sadd.s32 s3, s2  }
0x8d: {  	s2 =	sadd.s32 s2, s18  }
0x8e: {  	[smem:$0x3FC4] =	sst s2  }
0x8f: {  	_ = 	snop  }
0x90: {  	s2 =	sld [smem:$0x3FC9]  }
0x91: {  	s19 =	sld [smem:$0x3FC8]  }
0x92: {  	s4 =	sld [smem:$0x3FC7]  }
0x93: {  	s5 =	sld [smem:$0x3FC6]  }
0x94: {  	s6 =	sld [smem:$0x3FD0];
	(tm) =	ssettm $0x1  }
0x95: {  	s7 =	sld [smem:$0x3FFB];
	_ =	sdelay $0x3  }
0x96: {  	_ =	strace s7  }
0x97: {  	s7 =	sld [smem:$0x3FFC];
	_ =	sdelay $0x3  }
0x98: {  	_ =	strace s7  }
0x99: {  	s7 =	sld [smem:$0x3FFD];
	_ =	sdelay $0x3  }
0x9a: {  	_ =	strace s7  }
0x9b: {  	_ =	strace $0x8FFFFFFF  }
0x9c: {  	s20 =	sld [smem:$0x3FDB];
	_ =	sdelay $0x1  }
0x9d: {  	s8 =	simm.s32 $_scs_section_size  }
0x9e: {  	s9 =	simm.s32 $_size__tile_overlayer_lowered;
	s10 =	simm.s32 $_tile_overlayer_lowered  }
0x9f: {  	s23 =	simm.s32 $0x1BFF;
	s22 =	sshll.u32 s10, $0x1;
	s7 =	sadd.s32 s8, s20  }
0xa0: {  	s11 =	simm.s32 $0x0;
	s21 =	sshll.u32 s9, $0x1;
	s9 =	sadd.s32 s22, s7  }
0xa1: {  	[timem:s11], [sflag:s23] =	dma.local [hbm:s9], s21  }
0xa2: {  	_ =	swait.ge [sflag:s23], s21  }
0xa3: {  	s8 =	ssub.s32 $0x0, s21;
	[sflag:s23] =	ssyncset.done $0x0  }
0xa4: {  	[sflag:s23] =	ssyncadd.s32 s8;
	_ =	sdelay $0x1  }
0xa5: {  	s24 =	simm.s32 $0x1B8B  }
0xa6: {  	_ =	swait.ge [sflag:s24], $0x1  }
0xa7: {  	[sflag:s24] =	ssyncset.done $0x0  }
0xa8: {  	s25 =	simm.s32 $0x1B8E;
	[sflag:s24] =	ssyncadd.s32 $0xFFFFFFFF  }
0xa9: {  	s26 =	simm.s32 $execute0_lowered;
	[smem:$0x3FD2] =	sst s25  }
0xaa: {  	s8 =	sshll.u32 s26, $0x1;
	_ =	strace $0x80000046;
	[dreg:$0x1] =	wrdreg $0xFFFFFFFF  }
0xab: {  	s28 =	simm.s32 $_size_execute0_lowered;
	s7 =	sadd.s32 s7, s8;
	[dreg:$0x0] =	wrdreg $0x0  }
0xac: {  	s8 =	sshll.u32 s28, $0x1;
	[dreg:$0x2] =	wrdreg s7  }
0xad: {  	[dreg:$0x3] =	wrdreg s8  }
0xae: {  	[dreg:$0x4] =	wrdreg $0xC0  }
0xaf: {  	_ =	task [dreg:s11], $0x5FFFF  }
0xb0: {  	[dreg:$0x1] =	wrdreg $0xFFFFFFFF  }
0xb1: {  	[dreg:$0x0] =	wrdreg $0x60  }
0xb2: {  	[dreg:$0x2] =	wrdreg s2  }
0xb3: {  	[dreg:$0x3] =	wrdreg s19  }
0xb4: {  	[dreg:$0x4] =	wrdreg s4  }
0xb5: {  	[dreg:$0x5] =	wrdreg s5  }
0xb6: {  	[dreg:$0x6] =	wrdreg s6  }
0xb7: {  	[dreg:$0x7] =	wrdreg $0x9  }
0xb8: {  	_ =	task.clear_ibuf [dreg:s11], $0x8FFFF;
	_ =	strace $0x90000046  }
0xb9: {  	s29 =	simm.s32 $0x9;
	_ =	strace $0x80000048  }
0xba: {  	_ =	swait.ge [sflag:s29], $0x1  }
0xbb: {  	[sflag:s29] =	ssyncadd.s32 $0xFFFFFFFF  }
0xbc: {  	_ =	strace $0x90000048  }
0xbd: {  	_ =	sfence  }
0xbe: {  	s30 =	sld [smem:$0x0];
	_ =	sdelay $0x2  }
0xbf: {  	s31 =	sshll.u32 s1, $0xD;
	s1 =	sshrl.u32 s1, $0x2  }
0xc0: {  	s3 =	sand.u32 $0x4000, s31;
	s1 =	sadd.s32 s1, s30  }
0xc1: {  	s0 =	sor.u32 s3, s0;
	s1 =	sshll.u32 s1, $0x11  }
0xc2: {  	s0 =	sor.u32 s1, s0  }
0xc3: {  	s0 =	sadd.s32 $0x8F2B, s0  }
0xc4: {  	[sflag:s0] =	ssyncadd.remote.s32 $0x1  }
0xc5: {  	_ =	sfence.sel $0xFFFF  }
0xc6: {  	[dreg:$0x0] =	wrdreg $0xFFFFFFFF;
	(pc) =	sbr.abs _section_cstart, $3  }
0xc7: {  	[dreg:$0x1] =	wrdreg $0xFFFFFFFF  }
0xc8: {  	_ =	task.clear_ibuf [dreg:s11], $0x2FFFF;
	_ =	strace $0x9FFFFFFF  }
0xc9: {  	(tm) =	ssettm $0x7FFFFFFF  }
tec
execute0_lowered:
.L_overlay_start_1:
0x0: {  	(tag) =	ssettag $0x1  }
0x1: {  	s0 =	rddreg [dreg:$0x0]  }
0x2: {  	s3 =	rddreg [dreg:$0x1]  }
0x3: {  	s1 =	rddreg [dreg:$0x2]  }
0x4: {  	s2 =	rddreg [dreg:$0x3]  }
0x5: {  	s4 =	rddreg [dreg:$0x4];
	s5 =	srdreg.scid;
	s9 =	simm.s32 $0x0;
	v0 =	vlaneseq.u32  }
0x6: {  	s7 =	stileid.u32;
	s11 =	simm.s32 $0x400;
	s13 =	simm.s32 $0x7A1400;
	v0 =	vmul.u32 $0x80, v0  }
0x7: {  	s14 =	simm.s32 $0x500;
	s30 =	simm.s32 $0x1500;
	s31 =	simm.s32 $0x2500  }
0x8: {  	v1 =	vimm.s32 $0x0;
	vm0 =	vcmask $0x3F3C;
	s16 =	simm.s32 $0x3500;
	s17 =	simm.s32 $0x4500;
	s18 =	simm.s32 $0x5500;
	v2 =	vor.u32 $0x800, v0  }
0x9: {  	s19 =	simm.s32 $0x6500;
	s20 =	simm.s32 $0x7500;
	s21 =	simm.s32 $0x8500;
	v3 =	vor.u32 $0x1000, v0;
	v4 =	vor.u32 $0x1800, v0;
	v5 =	vor.u32 $0x2000, v0  }
0xa: {  	s22 =	simm.s32 $0x9500;
	s23 =	simm.s32 $0xA500;
	s28 =	simm.s32 $0xD500;
	v6 =	vor.u32 $0x2800, v0;
	v7 =	vor.u32 $0x3000, v0;
	v8 =	vor.u32 $0x3800, v0  }
0xb: {  	s29 =	simm.s32 $0x3;
	s5 =	sand.u32 $0x1, s5;
	s7 =	sshll.u32 s7, $0x7;
	v9 =	vor.u32 $0x4000, v0;
	v10 =	vor.u32 $0x4800, v0;
	v11 =	vor.u32 $0x5000, v0  }
0xc: {  	[smem:$0x7FF] =	sst s9;
	s6 =	ssub.s32 $0x2, s5;
	s5 =	sshll.u32 s5, $0x6;
	v12 =	vor.u32 $0x5800, v0;
	v13 =	vor.u32 $0x6000, v0;
	v14 =	vor.u32 $0x6800, v0  }
0xd: {  	s10 =	simm.s32 $0x6;
	_ =	strace $0x80000047;
	s5 =	sor.u32 s5, s7;
	v15 =	vor.u32 $0x7000, v0;
	v16 =	vor.u32 $0x7800, v0;
	v17 =	vor.u32 $0x8000, v0  }
0xe: {  	s8 =	sshrl.u32 s6, $0x1;
	s7 =	simm.s32 $0x9;
	v18 =	vor.u32 $0x8800, v0;
	v19 =	vor.u32 $0x9000, v0;
	v20 =	vor.u32 $0x9800, v0;
	s0 =	sadd.s32 s0, s5  }
0xf: {  	v21 =	vor.u32 $0xA000, v0;
	v22 =	vor.u32 $0xA800, v0;
	v23 =	vor.u32 $0xB000, v0;
	s6 =	ssub.s32 s6, s8;
	s24 =	sadd.s32 s3, s5;
	[dreg:$0x6] =	wrdreg s0  }
0x10: {  	v24 =	vor.u32 $0xB800, v0;
	v25 =	vor.u32 $0xC000, v0;
	v26 =	vor.u32 $0xC800, v0;
	s25 =	sadd.s32 s4, s5;
	s3 =	simm.s32 $0x10500;
	[dreg:$0x7] =	wrdreg s24  }
0x11: {  	v27 =	vor.u32 $0xD000, v0;
	v28 =	vor.u32 $0xD800, v0;
	v29 =	vor.u32 $0xE000, v0;
	[dreg:$0x8] =	wrdreg s25;
	s26 =	smax.u32 s6, $0x1;
	s24 =	simm.s32 $0xB500  }
0x12: {  	v30 =	vor.u32 $0xE800, v0;
	v31 =	vor.u32 $0xF000, v0;
	v32 =	vor.u32 $0xF800, v0;
	s25 =	simm.s32 $0xC500;
	s0 =	simm.s32 $0x0;
	[dreg:$0x9] =	wrdreg s26  }
.LBB2_1:
0x13: {  	[dreg:$0xa] =	wrdreg s0  }
0x14: {  	s4 =	rddreg [dreg:$0x6]  }
0x15: {  	[tilespmem:s9], [sflag:$0x9] =	stream.linear.gather [hbm4b:s4+s9], $0x200, $0x38;
	[tilespmem:$0x10700] =	vst v63  }
0x16: {  	_ =	swait.ge [sflag:s7], $0x200  }
0x17: {  	[sflag:s7] =	ssyncset.done $0x0  }
0x18: {  	s8 =	simm.s32 $0x280;
	s6 =	rddreg [dreg:$0x7];
	[sflag:s7] =	ssyncadd.s32 $0xFFFFFE00  }
0x19: {  	[tilespmem:s8], [sflag:$0x9] =	stream.linear.gather [hbm4b:s6+s9], $0x200, $0x38;
	[tilespmem:$0x10700] =	vst v63  }
0x1a: {  	_ =	swait.ge [sflag:s7], $0x200  }
0x1b: {  	[sflag:s7] =	ssyncset.done $0x0  }
0x1c: {  	[sflag:s7] =	ssyncadd.s32 $0xFFFFFE00  }
0x1d: {  	v34 =	vld [tilespmem:$0x280];
	_ =	sdelay $0x4  }
0x1e: {  	(v2sf) =	vpush v34, $0x0;
	_ =	sdelay $0x1  }
0x1f: {  	v33 =	vld [tilespmem:$0x0];
	_ =	sdelay $0x4  }
0x20: {  	(v2sf) =	vpush v33, $0x0;
	_ =	sdelay $0x2  }
0x21: {  	(v2sf) =	vpush v34, $0x1;
	_ =	sdelay $0x4  }
0x22: {  	s7 =	spop (v2sf);
	(v2sf) =	vpush v33, $0x1;
	_ =	sdelay $0x6  }
0x23: {  	s8 =	sand.u32 $0x7F, s7;
	s12 =	spop (v2sf);
	s15 =	sshra.s32 s7, $0x1F  }
0x24: {  	p6 =	slt.s32 s7, $0x1;
	p0 =	sne.s32 s8, $0x0;
	s26 =	sand.u32 $0x7F, s12  }
0x25: {  	s0 =	sshra.s32 s12, $0x1F;
	p2 =	slt.s32 s12, $0x1;
	s15 =	sshrl.u32 s15, $0x19  }
0x26: {  	s5 =	spop (v2sf);
	p1 =	sne.s32 s26, $0x0;
	s9 =	sshrl.u32 s0, $0x19  }
0x27: {  	(v2sf) =	vpush v34, $0x2;
	s4 =	sadd.s32 s15, s7;
	p0 =	por !p6, !p0;
	p1 =	por !p2, !p1  }
0x28: {  	s9 =	sadd.s32 s9, s12;
	s12 =	simm.s32 $0x1;
	p1 =	por !p1, !p1  }
0x29: {  	p0 =	por !p0, !p0;
	s9 =	sshrl.u32 s9, $0x7;
	s12 =	simm.s32 @!p1 $0x0  }
0x2a: {  	s4 =	sshrl.u32 s4, $0x7;
	s9 =	ssub.s32 s9, s12;
	s12 =	simm.s32 $0x1  }
0x2b: {  	s9 =	sshll.u32 s9, $0x7;
	s12 =	simm.s32 @!p0 $0x0;
	s7 =	spop (v2sf);
	(v2sf) =	vpush v33, $0x2  }
0x2c: {  	[tilespmem:$0x200] =	vst v1;
	s9 =	sand.u32 $0x1FFFFF80, s9;
	s4 =	ssub.s32 s4, s12  }
0x2d: {  	[tilespmem:$0x480] =	vst v1;
	s9 =	sadd.s32 s1, s9;
	s4 =	sshll.u32 s4, $0x7  }
0x2e: {  	[tilespmem:s14], [sflag:$0x1] =	stream.strided.gather [hbm4b:s9+s11], $0x1000, s13, s11, $0x38;
	[tilespmem:$0x10700] =	vst v63  }
0x2f: {  	s6 =	sand.u32 $0x7F, s5;
	s8 =	sshra.s32 s5, $0x1F;
	s4 =	sand.u32 $0x1FFFFF80, s4  }
0x30: {  	p6 =	slt.s32 s5, $0x1;
	p3 =	sne.s32 s6, $0x0;
	s4 =	sadd.s32 s2, s4  }
0x31: {  	[tilespmem:s30], [sflag:$0x1] =	stream.strided.gather [hbm4b:s4+s11], $0x1000, s13, s11, $0x38;
	[tilespmem:$0x10700] =	vst v63  }
0x32: {  	s15 =	sshrl.u32 s8, $0x19;
	p0 =	por !p6, !p3;
	s26 =	sand.u32 $0x7F, s7  }
0x33: {  	s0 =	sshra.s32 s7, $0x1F;
	p5 =	slt.s32 s7, $0x1;
	p4 =	sne.s32 s26, $0x0  }
0x34: {  	s12 =	simm.s32 $0x1;
	s4 =	sshrl.u32 s0, $0x19;
	p1 =	por !p5, !p4  }
0x35: {  	p0 =	por !p0, !p0;
	s4 =	sadd.s32 s4, s7;
	p1 =	por !p1, !p1  }
0x36: {  	s6 =	spop (v2sf);
	(v2sf) =	vpush v34, $0x3;
	s4 =	sshrl.u32 s4, $0x7;
	s12 =	simm.s32 @!p1 $0x0  }
0x37: {  	s9 =	sadd.s32 s15, s5;
	s4 =	ssub.s32 s4, s12;
	s12 =	simm.s32 $0x1  }
0x38: {  	s9 =	sshrl.u32 s9, $0x7;
	s4 =	sshll.u32 s4, $0x7;
	s12 =	simm.s32 @!p0 $0x0  }
0x39: {  	s7 =	sand.u32 $0x7F, s6;
	s4 =	sand.u32 $0x1FFFFF80, s4;
	s9 =	ssub.s32 s9, s12  }
0x3a: {  	s4 =	sadd.s32 s1, s4;
	s5 =	sshll.u32 s9, $0x7;
	s8 =	spop (v2sf);
	(v2sf) =	vpush v33, $0x3  }
0x3b: {  	[tilespmem:s31], [sflag:$0x2] =	stream.strided.gather [hbm4b:s4+s11], $0x1000, s13, s11, $0x38;
	[tilespmem:$0x10700] =	vst v63  }
0x3c: {  	p6 =	slt.s32 s6, $0x1;
	p3 =	sne.s32 s7, $0x0;
	s4 =	sand.u32 $0x1FFFFF80, s5  }
0x3d: {  	p0 =	por !p6, !p3;
	s4 =	sadd.s32 s2, s4  }
0x3e: {  	[tilespmem:s16], [sflag:$0x2] =	stream.strided.gather [hbm4b:s4+s11], $0x1000, s13, s11, $0x38;
	[tilespmem:$0x10700] =	vst v63  }
0x3f: {  	s12 =	simm.s32 $0x1;
	p0 =	por !p0, !p0;
	s26 =	sand.u32 $0x7F, s8  }
0x40: {  	s0 =	sshra.s32 s8, $0x1F;
	p5 =	slt.s32 s8, $0x1;
	p4 =	sne.s32 s26, $0x0  }
0x41: {  	s16 =	sshra.s32 s6, $0x1F;
	s4 =	sshrl.u32 s0, $0x19;
	p1 =	por !p5, !p4  }
0x42: {  	s15 =	sshrl.u32 s16, $0x19;
	s4 =	sadd.s32 s4, s8;
	p1 =	por !p1, !p1  }
0x43: {  	s9 =	sadd.s32 s15, s6;
	s4 =	sshrl.u32 s4, $0x7;
	s12 =	simm.s32 @!p1 $0x0  }
0x44: {  	s9 =	sshrl.u32 s9, $0x7;
	s4 =	ssub.s32 s4, s12;
	s12 =	simm.s32 $0x1  }
0x45: {  	s6 =	spop (v2sf);
	(v2sf) =	vpush v34, $0x4;
	s4 =	sshll.u32 s4, $0x7;
	s12 =	simm.s32 @!p0 $0x0  }
0x46: {  	s4 =	sand.u32 $0x1FFFFF80, s4;
	s9 =	ssub.s32 s9, s12  }
0x47: {  	s4 =	sadd.s32 s1, s4;
	s5 =	sshll.u32 s9, $0x7  }
0x48: {  	[tilespmem:s17], [sflag:$0x3] =	stream.strided.gather [hbm4b:s4+s11], $0x1000, s13, s11, $0x38;
	[tilespmem:$0x10700] =	vst v63  }
0x49: {  	s4 =	sand.u32 $0x1FFFFF80, s5;
	s8 =	spop (v2sf);
	(v2sf) =	vpush v33, $0x4  }
0x4a: {  	s7 =	sand.u32 $0x7F, s6;
	s4 =	sadd.s32 s2, s4  }
0x4b: {  	[tilespmem:s18], [sflag:$0x3] =	stream.strided.gather [hbm4b:s4+s11], $0x1000, s13, s11, $0x38;
	[tilespmem:$0x10700] =	vst v63  }
0x4c: {  	s16 =	sshra.s32 s6, $0x1F;
	p6 =	slt.s32 s6, $0x1;
	s17 =	sand.u32 $0x7F, s8  }
0x4d: {  	s18 =	sshra.s32 s8, $0x1F;
	p5 =	slt.s32 s8, $0x1;
	p4 =	sne.s32 s17, $0x0  }
0x4e: {  	p3 =	sne.s32 s7, $0x0;
	s4 =	sshrl.u32 s18, $0x19;
	p1 =	por !p5, !p4  }
0x4f: {  	s12 =	simm.s32 $0x1;
	s4 =	sadd.s32 s4, s8;
	p1 =	por !p1, !p1  }
0x50: {  	p0 =	por !p6, !p3;
	s4 =	sshrl.u32 s4, $0x7;
	s12 =	simm.s32 @!p1 $0x0  }
0x51: {  	s15 =	sshrl.u32 s16, $0x19;
	p0 =	por !p0, !p0;
	s4 =	ssub.s32 s4, s12  }
0x52: {  	s9 =	sadd.s32 s15, s6;
	s12 =	simm.s32 $0x1;
	s4 =	sshll.u32 s4, $0x7  }
0x53: {  	s9 =	sshrl.u32 s9, $0x7;
	s12 =	simm.s32 @!p0 $0x0;
	s4 =	sand.u32 $0x1FFFFF80, s4  }
0x54: {  	s26 =	spop (v2sf);
	s9 =	ssub.s32 s9, s12;
	s4 =	sadd.s32 s1, s4  }
0x55: {  	(v2sf) =	vpush v34, $0x5;
	[tilespmem:s19], [sflag:$0x4] =	stream.strided.gather [hbm4b:s4+s11], $0x1000, s13, s11, $0x38;
	[tilespmem:$0x10700] =	vst v63  }
0x56: {  	s19 =	sshll.u32 s9, $0x7  }
0x57: {  	s0 =	sand.u32 $0x7F, s26;
	s6 =	sshra.s32 s26, $0x1F;
	s4 =	sand.u32 $0x1FFFFF80, s19  }
0x58: {  	p6 =	slt.s32 s26, $0x1;
	s4 =	sadd.s32 s2, s4;
	s5 =	spop (v2sf);
	(v2sf) =	vpush v33, $0x5  }
0x59: {  	[tilespmem:s20], [sflag:$0x4] =	stream.strided.gather [hbm4b:s4+s11], $0x1000, s13, s11, $0x38;
	[tilespmem:$0x10700] =	vst v63  }
0x5a: {  	p3 =	sne.s32 s0, $0x0;
	s15 =	sshrl.u32 s6, $0x19;
	s7 =	sand.u32 $0x7F, s5  }
0x5b: {  	s8 =	sshra.s32 s5, $0x1F;
	p5 =	slt.s32 s5, $0x1;
	p4 =	sne.s32 s7, $0x0  }
0x5c: {  	p0 =	por !p6, !p3;
	s4 =	sshrl.u32 s8, $0x19;
	p1 =	por !p5, !p4  }
0x5d: {  	s12 =	simm.s32 $0x1;
	s4 =	sadd.s32 s4, s5;
	p1 =	por !p1, !p1  }
0x5e: {  	p0 =	por !p0, !p0;
	s4 =	sshrl.u32 s4, $0x7;
	s12 =	simm.s32 @!p1 $0x0  }
0x5f: {  	s9 =	sadd.s32 s15, s26;
	s4 =	ssub.s32 s4, s12;
	s12 =	simm.s32 $0x1  }
0x60: {  	s9 =	sshrl.u32 s9, $0x7;
	s4 =	sshll.u32 s4, $0x7;
	s12 =	simm.s32 @!p0 $0x0  }
0x61: {  	s4 =	sand.u32 $0x1FFFFF80, s4;
	s9 =	ssub.s32 s9, s12  }
0x62: {  	s4 =	sadd.s32 s1, s4;
	s16 =	sshll.u32 s9, $0x7  }
0x63: {  	[tilespmem:s21], [sflag:$0x5] =	stream.strided.gather [hbm4b:s4+s11], $0x1000, s13, s11, $0x38;
	[tilespmem:$0x10700] =	vst v63  }
0x64: {  	s17 =	spop (v2sf);
	s4 =	sand.u32 $0x1FFFFF80, s16  }
0x65: {  	s18 =	sand.u32 $0x7F, s17;
	s4 =	sadd.s32 s2, s4  }
0x66: {  	[tilespmem:s22], [sflag:$0x5] =	stream.strided.gather [hbm4b:s4+s11], $0x1000, s13, s11, $0x38;
	[tilespmem:$0x10700] =	vst v63  }
0x67: {  	s20 =	sshra.s32 s17, $0x1F;
	p6 =	slt.s32 s17, $0x1;
	s19 =	spop (v2sf)  }
0x68: {  	p3 =	sne.s32 s18, $0x0;
	s15 =	sshrl.u32 s20, $0x19;
	s21 =	sand.u32 $0x7F, s19  }
0x69: {  	s22 =	sshra.s32 s19, $0x1F;
	p5 =	slt.s32 s19, $0x1;
	p4 =	sne.s32 s21, $0x0  }
0x6a: {  	p0 =	por !p6, !p3;
	s4 =	sshrl.u32 s22, $0x19;
	p1 =	por !p5, !p4  }
0x6b: {  	s12 =	simm.s32 $0x1;
	s4 =	sadd.s32 s4, s19;
	p1 =	por !p1, !p1  }
0x6c: {  	p0 =	por !p0, !p0;
	s4 =	sshrl.u32 s4, $0x7;
	s12 =	simm.s32 @!p1 $0x0  }
0x6d: {  	s9 =	sadd.s32 s15, s17;
	s4 =	ssub.s32 s4, s12;
	s12 =	simm.s32 $0x1  }
0x6e: {  	s9 =	sshrl.u32 s9, $0x7;
	s4 =	sshll.u32 s4, $0x7;
	s12 =	simm.s32 @!p0 $0x0  }
0x6f: {  	s4 =	sand.u32 $0x1FFFFF80, s4;
	s9 =	ssub.s32 s9, s12  }
0x70: {  	s4 =	sadd.s32 s1, s4;
	s26 =	sshll.u32 s9, $0x7  }
0x71: {  	[tilespmem:s23], [sflag:$0x6] =	stream.strided.gather [hbm4b:s4+s11], $0x1000, s13, s11, $0x38;
	[tilespmem:$0x10700] =	vst v63  }
0x72: {  	s4 =	sand.u32 $0x1FFFFF80, s26  }
0x73: {  	s4 =	sadd.s32 s2, s4  }
0x74: {  	[tilespmem:s24], [sflag:$0x6] =	stream.strided.gather [hbm4b:s4+s11], $0x1000, s13, s11, $0x38;
	[tilespmem:$0x10700] =	vst v63  }
0x75: {  	s0 =	simm.s32 $0x290;
	s9 =	simm.s32 $0xF;
	s4 =	simm.s32 $0x10  }
.LBB2_2:
0x76: {  	v36 =	vld [tilespmem:s4+$0xFFFFFFF0];
	_ =	sdelay $0x1  }
0x77: {  	v35 =	vld [tilespmem:s0+$0xFFFFFFF0];
	_ =	sdelay $0x2  }
0x78: {  	(v2sf) =	vpush v36, $0x6;
	_ =	sdelay $0x1  }
0x79: {  	(v2sf) =	vpush v35, $0x6;
	_ =	sdelay $0xc  }
0x7a: {  	s26 =	spop (v2sf)  }
0x7b: {  	s12 =	sshra.s32 s26, $0x1F  }
0x7c: {  	s17 =	spop (v2sf);
	s12 =	sshrl.u32 s12, $0x19  }
0x7d: {  	s18 =	sshra.s32 s17, $0x1F;
	s12 =	sadd.s32 s12, s26  }
0x7e: {  	s18 =	sshrl.u32 s18, $0x19;
	s16 =	sand.u32 $0xFFFFFF80, s12  }
0x7f: {  	p0 =	slt.s32 s26, $0x1;
	s21 =	sadd.s32 s18, s17;
	p1 =	sne.s32 s26, s16  }
0x80: {  	s19 =	simm.s32 $0x1;
	s18 =	sand.u32 $0xFFFFFF80, s21;
	p0 =	por !p0, !p1  }
0x81: {  	p6 =	slt.s32 s17, $0x1;
	p2 =	sne.s32 s17, s18;
	p0 =	por !p0, !p0  }
0x82: {  	s12 =	sshrl.u32 s12, $0x7;
	p2 =	por !p6, !p2;
	s19 =	simm.s32 @!p0 $0x0  }
0x83: {  	s18 =	simm.s32 $0x1;
	p0 =	por !p2, !p2;
	s12 =	ssub.s32 s12, s19  }
0x84: {  	s16 =	sshrl.u32 s21, $0x7;
	s18 =	simm.s32 @!p0 $0x0;
	s12 =	sshll.u32 s12, $0x7  }
0x85: {  	s16 =	ssub.s32 s16, s18;
	s12 =	sand.u32 $0x1FFFFF80, s12  }
0x86: {  	v33 =	vld [tilespmem:s4+$0x0];
	s22 =	sshll.u32 s16, $0x7;
	s12 =	sadd.s32 s1, s12  }
0x87: {  	v34 =	vld [tilespmem:s0+$0x0];
	[tilespmem:s25], [sflag:$0x7] =	stream.strided.gather [hbm4b:s12+s11], $0x1000, s13, s11, $0x38  }
0x88: {  	[dreg:$0xc] =	wrdreg s4;
	s12 =	sand.u32 $0x1FFFFF80, s22  }
0x89: {  	[dreg:$0xb] =	wrdreg s0;
	s4 =	simm.s32 $0x1;
	s12 =	sadd.s32 s2, s12  }
0x8a: {  	[tilespmem:s28], [sflag:$0x7] =	stream.strided.gather [hbm4b:s12+s11], $0x1000, s13, s11, $0x38;
	[tilespmem:$0x10700] =	vst v63  }
0x8b: {  	_ =	swait.ge [sflag:s4], $0x1000  }
0x8c: {  	[sflag:s4] =	ssyncset.done $0x0  }
0x8d: {  	[sflag:s4] =	ssyncadd.s32 $0xFFFFF000  }
0x8e: {  	_ =	swait.ge [sflag:s4], $0x1000  }
0x8f: {  	(v2sf) =	vpush v36, $0x0;
	_ =	sdelay $0x1  }
0x90: {  	(v2sf) =	vpush v35, $0x0;
	_ =	sdelay $0xc  }
0x91: {  	s23 =	spop (v2sf)  }
0x92: {  	s12 =	sand.u32 $0x7F, s23  }
0x93: {  	s24 =	spop (v2sf);
	v37 =	vor.u32 s12, v0  }
0x94: {  	(v2sf) =	vpush v36, $0x7;
	s16 =	sand.u32 $0x7F, s24;
	v38 =	vor.u32 s12, v2  }
0x95: {  	v39 =	vor.u32 s16, v3  }
0x96: {  	[sflag:s4] =	ssyncset.done $0x0;
	(v2sf) =	vpush v35, $0x7;
	v40 =	vor.u32 s16, v4  }
0x97: {  	[sflag:s4] =	ssyncadd.s32 $0xFFFFF000  }
0x98: {  	v37 =	vld.idx.msk [tilespmem:v37+s14+$0x0], $0xffff  }
0x99: {  	v38 =	vld.idx.msk [tilespmem:v38+s14+$0x0], $0xffff  }
0x9a: {  	v39 =	vld.idx.msk [tilespmem:v39+s14+$0x0], $0xffff  }
0x9b: {  	v40 =	vld.idx.msk [tilespmem:v40+s14+$0x0], $0xffff;
	_ =	sdelay $0x4  }
0x9c: {  	v37 =	vmul.f32 v39, v37;
	v38 =	vmul.f32 v40, v38;
	_ =	sdelay $0x1  }
0x9d: {  	v37 =	vadd.f32 v38, v37  }
0x9e: {  	s16 =	spop (v2sf)  }
0x9f: {  	s25 =	sshra.s32 s16, $0x1F;
	(xrf2) =	vadd.scan.msk.f32 $0xffff, v37  }
0xa0: {  	s28 =	spop (v2sf);
	s12 =	sshrl.u32 s25, $0x19  }
0xa1: {  	s0 =	sadd.s32 $0xFFFFFFF1, s9;
	s7 =	sshra.s32 s28, $0x1F;
	s12 =	sadd.s32 s12, s16  }
0xa2: {  	v54 =	vmov s0;
	s19 =	sshrl.u32 s7, $0x19;
	s5 =	sand.u32 $0xFFFFFF80, s12  }
0xa3: {  	p3 =	slt.s32 s16, $0x1;
	v37 =	vand.u32 $0xFFFFFFF0, v54;
	s8 =	sadd.s32 s19, s28;
	p4 =	sne.s32 s16, s5  }
0xa4: {  	s20 =	simm.s32 $0x1;
	v37 =	vbroadcast v37, $0x0;
	s19 =	sand.u32 $0xFFFFFF80, s8;
	p0 =	por !p3, !p4  }
0xa5: {  	p5 =	slt.s32 s28, $0x1;
	p6 =	sne.s32 s28, s19;
	p0 =	por !p0, !p0  }
0xa6: {  	s12 =	sshrl.u32 s12, $0x7;
	p2 =	por !p5, !p6;
	s20 =	simm.s32 @!p0 $0x0  }
0xa7: {  	s19 =	simm.s32 $0x1;
	p0 =	por !p2, !p2;
	s12 =	ssub.s32 s12, s20  }
0xa8: {  	s18 =	sshrl.u32 s8, $0x7;
	s19 =	simm.s32 @!p0 $0x0;
	s12 =	sshll.u32 s12, $0x7  }
0xa9: {  	s18 =	ssub.s32 s18, s19;
	s12 =	sand.u32 $0x1FFFFF80, s12;
	v55, _, _ =	vpop (xrf2)  }
0xaa: {  	s15 =	simm.s32 $0xE500;
	s19 =	sshll.u32 s18, $0x7;
	s12 =	sadd.s32 s1, s12;
	[tilespmem:v37+s3+$0x0] =	vst.idx.msk vm0, v55  }
0xab: {  	[tilespmem:s15], [sflag:$0x8] =	stream.strided.gather [hbm4b:s12+s11], $0x1000, s13, s11, $0x38;
	[tilespmem:$0x10700] =	vst v63  }
0xac: {  	s12 =	sand.u32 $0x1FFFFF80, s19  }
0xad: {  	s20 =	simm.s32 $0xF500;
	s15 =	simm.s32 $0x2;
	s12 =	sadd.s32 s2, s12  }
0xae: {  	[tilespmem:s20], [sflag:$0x8] =	stream.strided.gather [hbm4b:s12+s11], $0x1000, s13, s11, $0x38;
	[tilespmem:$0x10700] =	vst v63  }
0xaf: {  	_ =	swait.ge [sflag:s15], $0x1000  }
0xb0: {  	[sflag:s15] =	ssyncset.done $0x0  }
0xb1: {  	[sflag:s15] =	ssyncadd.s32 $0xFFFFF000  }
0xb2: {  	_ =	swait.ge [sflag:s15], $0x1000  }
0xb3: {  	(v2sf) =	vpush v36, $0x1;
	_ =	sdelay $0x1  }
0xb4: {  	(v2sf) =	vpush v35, $0x1;
	_ =	sdelay $0xc  }
0xb5: {  	s21 =	spop (v2sf)  }
0xb6: {  	s12 =	sand.u32 $0x7F, s21  }
0xb7: {  	s22 =	spop (v2sf);
	v56 =	vor.u32 s12, v5  }
0xb8: {  	(v2sf) =	vpush v36, $0x8;
	s18 =	sand.u32 $0x7F, s22;
	v57 =	vor.u32 s12, v6  }
0xb9: {  	v58 =	vor.u32 s18, v7  }
0xba: {  	[sflag:s15] =	ssyncset.done $0x0;
	(v2sf) =	vpush v35, $0x8;
	v59 =	vor.u32 s18, v8  }
0xbb: {  	[sflag:s15] =	ssyncadd.s32 $0xFFFFF000  }
0xbc: {  	v37 =	vld.idx.msk [tilespmem:v56+s14+$0x0], $0xffff  }
0xbd: {  	v38 =	vld.idx.msk [tilespmem:v57+s14+$0x0], $0xffff  }
0xbe: {  	v39 =	vld.idx.msk [tilespmem:v58+s14+$0x0], $0xffff  }
0xbf: {  	v40 =	vld.idx.msk [tilespmem:v59+s14+$0x0], $0xffff;
	_ =	sdelay $0x4  }
0xc0: {  	v37 =	vmul.f32 v39, v37;
	v38 =	vmul.f32 v40, v38;
	_ =	sdelay $0x1  }
0xc1: {  	v37 =	vadd.f32 v38, v37  }
0xc2: {  	s18 =	spop (v2sf)  }
0xc3: {  	s23 =	sshra.s32 s18, $0x1F;
	(xrf2) =	vadd.scan.msk.f32 $0xffff, v37  }
0xc4: {  	s19 =	spop (v2sf);
	s12 =	sshrl.u32 s23, $0x19  }
0xc5: {  	s24 =	sadd.s32 $0xFFFFFFF2, s9;
	s21 =	sshra.s32 s19, $0x1F;
	s12 =	sadd.s32 s12, s18  }
0xc6: {  	v60 =	vmov s24;
	s21 =	sshrl.u32 s21, $0x19;
	s25 =	sand.u32 $0xFFFFFF80, s12  }
0xc7: {  	p3 =	slt.s32 s18, $0x1;
	v37 =	vand.u32 $0xFFFFFFF1, v60;
	s0 =	sadd.s32 s21, s19;
	p4 =	sne.s32 s18, s25  }
0xc8: {  	s22 =	simm.s32 $0x1;
	v37 =	vbroadcast v37, $0x0;
	s21 =	sand.u32 $0xFFFFFF80, s0;
	p0 =	por !p3, !p4  }
0xc9: {  	p5 =	slt.s32 s19, $0x1;
	p6 =	sne.s32 s19, s21;
	p0 =	por !p0, !p0  }
0xca: {  	s12 =	sshrl.u32 s12, $0x7;
	p2 =	por !p5, !p6;
	s22 =	simm.s32 @!p0 $0x0  }
0xcb: {  	s21 =	simm.s32 $0x1;
	p0 =	por !p2, !p2;
	s12 =	ssub.s32 s12, s22  }
0xcc: {  	s20 =	sshrl.u32 s0, $0x7;
	s21 =	simm.s32 @!p0 $0x0;
	s12 =	sshll.u32 s12, $0x7  }
0xcd: {  	s20 =	ssub.s32 s20, s21;
	s12 =	sand.u32 $0x1FFFFF80, s12;
	v61, _, _ =	vpop (xrf2)  }
0xce: {  	s5 =	sshll.u32 s20, $0x7;
	s12 =	sadd.s32 s1, s12;
	[tilespmem:v37+s3+$0x0] =	vst.idx.msk vm0, v61  }
0xcf: {  	[tilespmem:s14], [sflag:$0x1] =	stream.strided.gather [hbm4b:s12+s11], $0x1000, s13, s11, $0x38;
	[tilespmem:$0x10700] =	vst v63  }
0xd0: {  	s12 =	sand.u32 $0x1FFFFF80, s5  }
0xd1: {  	s12 =	sadd.s32 s2, s12  }
0xd2: {  	[tilespmem:s30], [sflag:$0x1] =	stream.strided.gather [hbm4b:s12+s11], $0x1000, s13, s11, $0x38;
	[tilespmem:$0x10700] =	vst v63  }
0xd3: {  	_ =	swait.ge [sflag:s29], $0x1000  }
0xd4: {  	[sflag:s29] =	ssyncset.done $0x0  }
0xd5: {  	[sflag:s29] =	ssyncadd.s32 $0xFFFFF000  }
0xd6: {  	_ =	swait.ge [sflag:s29], $0x1000  }
0xd7: {  	(v2sf) =	vpush v36, $0x2;
	_ =	sdelay $0x1  }
0xd8: {  	(v2sf) =	vpush v35, $0x2;
	_ =	sdelay $0xc  }
0xd9: {  	s7 =	spop (v2sf)  }
0xda: {  	s12 =	sand.u32 $0x7F, s7  }
0xdb: {  	s8 =	spop (v2sf);
	v62 =	vor.u32 s12, v9  }
0xdc: {  	(v2sf) =	vpush v36, $0x9;
	s20 =	sand.u32 $0x7F, s8;
	v63 =	vor.u32 s12, v10  }
0xdd: {  	v44 =	vor.u32 s20, v11  }
0xde: {  	[sflag:s29] =	ssyncset.done $0x0;
	(v2sf) =	vpush v35, $0x9;
	v45 =	vor.u32 s20, v12  }
0xdf: {  	[sflag:s29] =	ssyncadd.s32 $0xFFFFF000  }
0xe0: {  	v37 =	vld.idx.msk [tilespmem:v62+s14+$0x0], $0xffff  }
0xe1: {  	v38 =	vld.idx.msk [tilespmem:v63+s14+$0x0], $0xffff  }
0xe2: {  	v39 =	vld.idx.msk [tilespmem:v44+s14+$0x0], $0xffff  }
0xe3: {  	v40 =	vld.idx.msk [tilespmem:v45+s14+$0x0], $0xffff;
	_ =	sdelay $0x4  }
0xe4: {  	v37 =	vmul.f32 v39, v37;
	v38 =	vmul.f32 v40, v38;
	_ =	sdelay $0x1  }
0xe5: {  	v37 =	vadd.f32 v38, v37  }
0xe6: {  	s30 =	spop (v2sf)  }
0xe7: {  	s21 =	sshra.s32 s30, $0x1F;
	(xrf2) =	vadd.scan.msk.f32 $0xffff, v37  }
0xe8: {  	s20 =	spop (v2sf);
	s12 =	sshrl.u32 s21, $0x19  }
0xe9: {  	s22 =	sadd.s32 $0xFFFFFFF3, s9;
	s24 =	sshra.s32 s20, $0x1F;
	s12 =	sadd.s32 s12, s30  }
0xea: {  	v46 =	vmov s22;
	s22 =	sshrl.u32 s24, $0x19;
	s23 =	sand.u32 $0xFFFFFF80, s12  }
0xeb: {  	p3 =	slt.s32 s30, $0x1;
	v37 =	vand.u32 $0xFFFFFFF2, v46;
	s25 =	sadd.s32 s22, s20;
	p4 =	sne.s32 s30, s23  }
0xec: {  	p5 =	slt.s32 s20, $0x1;
	v37 =	vbroadcast v37, $0x0;
	s22 =	sand.u32 $0xFFFFFF80, s25;
	p0 =	por !p3, !p4  }
0xed: {  	s23 =	simm.s32 $0x1;
	p6 =	sne.s32 s20, s22;
	p0 =	por !p0, !p0  }
0xee: {  	s12 =	sshrl.u32 s12, $0x7;
	p2 =	por !p5, !p6;
	s23 =	simm.s32 @!p0 $0x0  }
0xef: {  	s22 =	simm.s32 $0x1;
	p0 =	por !p2, !p2;
	s12 =	ssub.s32 s12, s23  }
0xf0: {  	s21 =	sshrl.u32 s25, $0x7;
	s22 =	simm.s32 @!p0 $0x0;
	s12 =	sshll.u32 s12, $0x7  }
0xf1: {  	s21 =	ssub.s32 s21, s22;
	s12 =	sand.u32 $0x1FFFFF80, s12;
	v47, _, _ =	vpop (xrf2)  }
0xf2: {  	s0 =	sshll.u32 s21, $0x7;
	s12 =	sadd.s32 s1, s12;
	[tilespmem:v37+s3+$0x0] =	vst.idx.msk vm0, v47  }
0xf3: {  	[tilespmem:s31], [sflag:$0x2] =	stream.strided.gather [hbm4b:s12+s11], $0x1000, s13, s11, $0x38;
	[tilespmem:$0x10700] =	vst v63  }
0xf4: {  	s12 =	sand.u32 $0x1FFFFF80, s0  }
0xf5: {  	s5 =	simm.s32 $0x3500;
	s0 =	simm.s32 $0x4;
	s12 =	sadd.s32 s2, s12  }
0xf6: {  	[tilespmem:s5], [sflag:$0x2] =	stream.strided.gather [hbm4b:s12+s11], $0x1000, s13, s11, $0x38;
	[tilespmem:$0x10700] =	vst v63  }
0xf7: {  	_ =	swait.ge [sflag:s0], $0x1000  }
0xf8: {  	[sflag:s0] =	ssyncset.done $0x0  }
0xf9: {  	[sflag:s0] =	ssyncadd.s32 $0xFFFFF000  }
0xfa: {  	_ =	swait.ge [sflag:s0], $0x1000  }
0xfb: {  	(v2sf) =	vpush v36, $0x3;
	_ =	sdelay $0x1  }
0xfc: {  	(v2sf) =	vpush v35, $0x3;
	_ =	sdelay $0xc  }
0xfd: {  	s7 =	spop (v2sf)  }
0xfe: {  	s12 =	sand.u32 $0x7F, s7  }
0xff: {  	s8 =	spop (v2sf);
	v48 =	vor.u32 s12, v13  }
0x100: {  	(v2sf) =	vpush v36, $0xA;
	s21 =	sand.u32 $0x7F, s8;
	v49 =	vor.u32 s12, v14  }
0x101: {  	v50 =	vor.u32 s21, v15  }
0x102: {  	[sflag:s0] =	ssyncset.done $0x0;
	(v2sf) =	vpush v35, $0xA;
	v51 =	vor.u32 s21, v16  }
0x103: {  	[sflag:s0] =	ssyncadd.s32 $0xFFFFF000  }
0x104: {  	v37 =	vld.idx.msk [tilespmem:v48+s14+$0x0], $0xffff  }
0x105: {  	v38 =	vld.idx.msk [tilespmem:v49+s14+$0x0], $0xffff  }
0x106: {  	v39 =	vld.idx.msk [tilespmem:v50+s14+$0x0], $0xffff  }
0x107: {  	v40 =	vld.idx.msk [tilespmem:v51+s14+$0x0], $0xffff;
	_ =	sdelay $0x4  }
0x108: {  	v37 =	vmul.f32 v39, v37;
	v38 =	vmul.f32 v40, v38;
	_ =	sdelay $0x1  }
0x109: {  	v37 =	vadd.f32 v38, v37  }
0x10a: {  	s21 =	spop (v2sf)  }
0x10b: {  	s22 =	sshra.s32 s21, $0x1F;
	(xrf2) =	vadd.scan.msk.f32 $0xffff, v37  }
0x10c: {  	s31 =	spop (v2sf);
	s12 =	sshrl.u32 s22, $0x19  }
0x10d: {  	s23 =	sadd.s32 $0xFFFFFFF4, s9;
	s25 =	sshra.s32 s31, $0x1F;
	s12 =	sadd.s32 s12, s21  }
0x10e: {  	v52 =	vmov s23;
	s23 =	sshrl.u32 s25, $0x19;
	s24 =	sand.u32 $0xFFFFFF80, s12  }
0x10f: {  	p3 =	slt.s32 s21, $0x1;
	v37 =	vand.u32 $0xFFFFFFF3, v52;
	s5 =	sadd.s32 s23, s31;
	p4 =	sne.s32 s21, s24  }
0x110: {  	p5 =	slt.s32 s31, $0x1;
	v37 =	vbroadcast v37, $0x0;
	s23 =	sand.u32 $0xFFFFFF80, s5;
	p0 =	por !p3, !p4  }
0x111: {  	s24 =	simm.s32 $0x1;
	p6 =	sne.s32 s31, s23;
	p0 =	por !p0, !p0  }
0x112: {  	s12 =	sshrl.u32 s12, $0x7;
	p2 =	por !p5, !p6;
	s24 =	simm.s32 @!p0 $0x0  }
0x113: {  	s23 =	simm.s32 $0x1;
	p0 =	por !p2, !p2;
	s12 =	ssub.s32 s12, s24  }
0x114: {  	s22 =	sshrl.u32 s5, $0x7;
	s23 =	simm.s32 @!p0 $0x0;
	s12 =	sshll.u32 s12, $0x7  }
0x115: {  	s22 =	ssub.s32 s22, s23;
	s12 =	sand.u32 $0x1FFFFF80, s12;
	v53, _, _ =	vpop (xrf2)  }
0x116: {  	s7 =	simm.s32 $0x4500;
	s8 =	sshll.u32 s22, $0x7;
	s12 =	sadd.s32 s1, s12;
	[tilespmem:v37+s3+$0x0] =	vst.idx.msk vm0, v53  }
0x117: {  	[tilespmem:s7], [sflag:$0x3] =	stream.strided.gather [hbm4b:s12+s11], $0x1000, s13, s11, $0x38;
	[tilespmem:$0x10700] =	vst v63  }
0x118: {  	s12 =	sand.u32 $0x1FFFFF80, s8  }
0x119: {  	s22 =	simm.s32 $0x5500;
	s3 =	simm.s32 $0x5;
	s12 =	sadd.s32 s2, s12  }
0x11a: {  	[tilespmem:s22], [sflag:$0x3] =	stream.strided.gather [hbm4b:s12+s11], $0x1000, s13, s11, $0x38;
	[tilespmem:$0x10700] =	vst v63  }
0x11b: {  	_ =	swait.ge [sflag:s3], $0x1000  }
0x11c: {  	[sflag:s3] =	ssyncset.done $0x0  }
0x11d: {  	[sflag:s3] =	ssyncadd.s32 $0xFFFFF000  }
0x11e: {  	_ =	swait.ge [sflag:s3], $0x1000  }
0x11f: {  	(v2sf) =	vpush v36, $0x4;
	_ =	sdelay $0x1  }
0x120: {  	(v2sf) =	vpush v35, $0x4;
	_ =	sdelay $0xc  }
0x121: {  	s23 =	spop (v2sf)  }
0x122: {  	s12 =	sand.u32 $0x7F, s23  }
0x123: {  	s24 =	spop (v2sf);
	v54 =	vor.u32 s12, v17  }
0x124: {  	(v2sf) =	vpush v36, $0xB;
	s22 =	sand.u32 $0x7F, s24;
	v55 =	vor.u32 s12, v18  }
0x125: {  	v56 =	vor.u32 s22, v19  }
0x126: {  	[sflag:s3] =	ssyncset.done $0x0;
	(v2sf) =	vpush v35, $0xB;
	v57 =	vor.u32 s22, v20  }
0x127: {  	[sflag:s3] =	ssyncadd.s32 $0xFFFFF000  }
0x128: {  	v37 =	vld.idx.msk [tilespmem:v54+s14+$0x0], $0xffff  }
0x129: {  	v38 =	vld.idx.msk [tilespmem:v55+s14+$0x0], $0xffff  }
0x12a: {  	v39 =	vld.idx.msk [tilespmem:v56+s14+$0x0], $0xffff  }
0x12b: {  	v40 =	vld.idx.msk [tilespmem:v57+s14+$0x0], $0xffff;
	_ =	sdelay $0x4  }
0x12c: {  	v37 =	vmul.f32 v39, v37;
	v38 =	vmul.f32 v40, v38;
	_ =	sdelay $0x1  }
0x12d: {  	v37 =	vadd.f32 v38, v37  }
0x12e: {  	s22 =	spop (v2sf)  }
0x12f: {  	s25 =	sshra.s32 s22, $0x1F;
	(xrf2) =	vadd.scan.msk.f32 $0xffff, v37  }
0x130: {  	s7 =	sadd.s32 $0xFFFFFFF5, s9;
	s23 =	spop (v2sf);
	s12 =	sshrl.u32 s25, $0x19  }
0x131: {  	v58 =	vmov s7;
	s7 =	sshra.s32 s23, $0x1F;
	s12 =	sadd.s32 s12, s22  }
0x132: {  	s25 =	sshrl.u32 s7, $0x19;
	s8 =	sand.u32 $0xFFFFFF80, s12  }
0x133: {  	p3 =	slt.s32 s22, $0x1;
	v37 =	vand.u32 $0xFFFFFFF4, v58;
	p4 =	sne.s32 s22, s8;
	s8 =	sadd.s32 s25, s23  }
0x134: {  	p5 =	slt.s32 s23, $0x1;
	v37 =	vbroadcast v37, $0x0;
	p0 =	por !p3, !p4;
	s25 =	sand.u32 $0xFFFFFF80, s8  }
0x135: {  	s7 =	simm.s32 $0x1;
	p0 =	por !p0, !p0;
	p6 =	sne.s32 s23, s25  }
0x136: {  	s12 =	sshrl.u32 s12, $0x7;
	s7 =	simm.s32 @!p0 $0x0;
	p2 =	por !p5, !p6  }
0x137: {  	s7 =	ssub.s32 s12, s7;
	p0 =	por !p2, !p2;
	s12 =	simm.s32 $0x1  }
0x138: {  	s24 =	sshrl.u32 s8, $0x7;
	s7 =	sshll.u32 s7, $0x7;
	s12 =	simm.s32 @!p0 $0x0  }
0x139: {  	s5 =	simm.s32 $0x10500;
	s7 =	sand.u32 $0x1FFFFF80, s7;
	s12 =	ssub.s32 s24, s12;
	v59, _, _ =	vpop (xrf2)  }
0x13a: {  	s8 =	simm.s32 $0x6500;
	s7 =	sadd.s32 s1, s7;
	s12 =	sshll.u32 s12, $0x7;
	[tilespmem:v37+s5+$0x0] =	vst.idx.msk vm0, v59  }
0x13b: {  	[tilespmem:s8], [sflag:$0x4] =	stream.strided.gather [hbm4b:s7+s11], $0x1000, s13, s11, $0x38;
	[tilespmem:$0x10700] =	vst v63  }
0x13c: {  	s7 =	sand.u32 $0x1FFFFF80, s12  }
0x13d: {  	s24 =	simm.s32 $0x7500;
	s7 =	sadd.s32 s2, s7  }
0x13e: {  	[tilespmem:s24], [sflag:$0x4] =	stream.strided.gather [hbm4b:s7+s11], $0x1000, s13, s11, $0x38;
	[tilespmem:$0x10700] =	vst v63  }
0x13f: {  	_ =	swait.ge [sflag:s10], $0x1000  }
0x140: {  	[sflag:s10] =	ssyncset.done $0x0  }
0x141: {  	[sflag:s10] =	ssyncadd.s32 $0xFFFFF000  }
0x142: {  	_ =	swait.ge [sflag:s10], $0x1000  }
0x143: {  	(v2sf) =	vpush v36, $0x5;
	_ =	sdelay $0x1  }
0x144: {  	(v2sf) =	vpush v35, $0x5;
	_ =	sdelay $0xc  }
0x145: {  	s25 =	spop (v2sf)  }
0x146: {  	s7 =	sand.u32 $0x7F, s25  }
0x147: {  	s8 =	spop (v2sf);
	v60 =	vor.u32 s7, v21  }
0x148: {  	(v2sf) =	vpush v36, $0xC;
	s12 =	sand.u32 $0x7F, s8;
	v61 =	vor.u32 s7, v22  }
0x149: {  	v62 =	vor.u32 s12, v23  }
0x14a: {  	[sflag:s10] =	ssyncset.done $0x0;
	(v2sf) =	vpush v35, $0xC;
	v63 =	vor.u32 s12, v24  }
0x14b: {  	[sflag:s10] =	ssyncadd.s32 $0xFFFFF000  }
0x14c: {  	v37 =	vld.idx.msk [tilespmem:v60+s14+$0x0], $0xffff  }
0x14d: {  	v38 =	vld.idx.msk [tilespmem:v61+s14+$0x0], $0xffff  }
0x14e: {  	v39 =	vld.idx.msk [tilespmem:v62+s14+$0x0], $0xffff  }
0x14f: {  	v40 =	vld.idx.msk [tilespmem:v63+s14+$0x0], $0xffff;
	_ =	sdelay $0x4  }
0x150: {  	v37 =	vmul.f32 v39, v37;
	v38 =	vmul.f32 v40, v38;
	_ =	sdelay $0x1  }
0x151: {  	v37 =	vadd.f32 v38, v37  }
0x152: {  	s25 =	spop (v2sf)  }
0x153: {  	s12 =	sshra.s32 s25, $0x1F;
	(xrf2) =	vadd.scan.msk.f32 $0xffff, v37  }
0x154: {  	s24 =	spop (v2sf);
	s7 =	sshrl.u32 s12, $0x19  }
0x155: {  	s12 =	sadd.s32 $0xFFFFFFF6, s9;
	s8 =	sshra.s32 s24, $0x1F;
	s7 =	sadd.s32 s7, s25  }
0x156: {  	v42 =	vmov s12;
	s8 =	sshrl.u32 s8, $0x19;
	s12 =	sand.u32 $0xFFFFFF80, s7  }
0x157: {  	p3 =	slt.s32 s25, $0x1;
	v37 =	vand.u32 $0xFFFFFFF5, v42;
	s8 =	sadd.s32 s8, s24;
	p4 =	sne.s32 s25, s12  }
0x158: {  	p6 =	slt.s32 s24, $0x1;
	v37 =	vbroadcast v37, $0x0;
	s12 =	sand.u32 $0xFFFFFF80, s8;
	p0 =	por !p3, !p4  }
0x159: {  	p5 =	sne.s32 s24, s12;
	s12 =	simm.s32 $0x1;
	p0 =	por !p0, !p0  }
0x15a: {  	s7 =	sshrl.u32 s7, $0x7;
	p2 =	por !p6, !p5;
	s12 =	simm.s32 @!p0 $0x0  }
0x15b: {  	p0 =	por !p2, !p2;
	s7 =	ssub.s32 s7, s12;
	s12 =	simm.s32 $0x1  }
0x15c: {  	s8 =	sshrl.u32 s8, $0x7;
	s7 =	sshll.u32 s7, $0x7;
	s12 =	simm.s32 @!p0 $0x0  }
0x15d: {  	s7 =	sand.u32 $0x1FFFFF80, s7;
	s8 =	ssub.s32 s8, s12;
	v43, _, _ =	vpop (xrf2)  }
0x15e: {  	s12 =	simm.s32 $0x8500;
	s7 =	sadd.s32 s1, s7;
	s8 =	sshll.u32 s8, $0x7;
	[tilespmem:v37+s5+$0x0] =	vst.idx.msk vm0, v43  }
0x15f: {  	[tilespmem:s12], [sflag:$0x5] =	stream.strided.gather [hbm4b:s7+s11], $0x1000, s13, s11, $0x38;
	[tilespmem:$0x10700] =	vst v63  }
0x160: {  	s7 =	sand.u32 $0x1FFFFF80, s8  }
0x161: {  	s12 =	simm.s32 $0x9500;
	s8 =	simm.s32 $0x7;
	s7 =	sadd.s32 s2, s7  }
0x162: {  	[tilespmem:s12], [sflag:$0x5] =	stream.strided.gather [hbm4b:s7+s11], $0x1000, s13, s11, $0x38;
	[tilespmem:$0x10700] =	vst v63  }
0x163: {  	s12 =	simm.s32 $0x7;
	_ =	swait.ge [sflag:s8], $0x1000  }
0x164: {  	s8 =	simm.s32 $0x7;
	[sflag:s12] =	ssyncset.done $0x0  }
0x165: {  	s7 =	sand.u32 $0x7F, s26;
	s12 =	simm.s32 $0x7;
	[sflag:s8] =	ssyncadd.s32 $0xFFFFF000  }
0x166: {  	v44 =	vor.u32 s7, v25;
	_ =	swait.ge [sflag:s12], $0x1000  }
0x167: {  	s26 =	sand.u32 $0x7F, s17;
	v45 =	vor.u32 s7, v26;
	(v2sf) =	vpush v36, $0xD  }
0x168: {  	v46 =	vor.u32 s26, v27;
	s12 =	simm.s32 $0x7  }
0x169: {  	s17 =	simm.s32 $0x7;
	v47 =	vor.u32 s26, v28;
	[sflag:s12] =	ssyncset.done $0x0;
	(v2sf) =	vpush v35, $0xD  }
0x16a: {  	[sflag:s17] =	ssyncadd.s32 $0xFFFFF000  }
0x16b: {  	v37 =	vld.idx.msk [tilespmem:v44+s14+$0x0], $0xffff  }
0x16c: {  	v38 =	vld.idx.msk [tilespmem:v45+s14+$0x0], $0xffff  }
0x16d: {  	v39 =	vld.idx.msk [tilespmem:v46+s14+$0x0], $0xffff  }
0x16e: {  	v40 =	vld.idx.msk [tilespmem:v47+s14+$0x0], $0xffff;
	_ =	sdelay $0x4  }
0x16f: {  	v37 =	vmul.f32 v39, v37;
	v38 =	vmul.f32 v40, v38;
	_ =	sdelay $0x1  }
0x170: {  	v37 =	vadd.f32 v38, v37  }
0x171: {  	s12 =	spop (v2sf)  }
0x172: {  	(xrf2) =	vadd.scan.msk.f32 $0xffff, v37;
	s26 =	sshra.s32 s12, $0x1F  }
0x173: {  	s17 =	spop (v2sf);
	s7 =	sshrl.u32 s26, $0x19  }
0x174: {  	s8 =	sadd.s32 $0xFFFFFFF7, s9;
	s26 =	sshra.s32 s17, $0x1F;
	s7 =	sadd.s32 s7, s12  }
0x175: {  	v48 =	vmov s8;
	s26 =	sshrl.u32 s26, $0x19;
	s8 =	sand.u32 $0xFFFFFF80, s7  }
0x176: {  	v37 =	vand.u32 $0xFFFFFFF6, v48;
	p3 =	slt.s32 s12, $0x1;
	s26 =	sadd.s32 s26, s17;
	p4 =	sne.s32 s12, s8  }
0x177: {  	v37 =	vbroadcast v37, $0x0;
	p6 =	slt.s32 s17, $0x1;
	s8 =	sand.u32 $0xFFFFFF80, s26;
	p0 =	por !p3, !p4  }
0x178: {  	p5 =	sne.s32 s17, s8;
	s8 =	simm.s32 $0x1;
	p0 =	por !p0, !p0  }
0x179: {  	s7 =	sshrl.u32 s7, $0x7;
	p2 =	por !p6, !p5;
	s8 =	simm.s32 @!p0 $0x0  }
0x17a: {  	p0 =	por !p2, !p2;
	s7 =	ssub.s32 s7, s8;
	s8 =	simm.s32 $0x1  }
0x17b: {  	s26 =	sshrl.u32 s26, $0x7;
	s7 =	sshll.u32 s7, $0x7;
	s8 =	simm.s32 @!p0 $0x0  }
0x17c: {  	v49, _, _ =	vpop (xrf2);
	s7 =	sand.u32 $0x1FFFFF80, s7;
	s8 =	ssub.s32 s26, s8  }
0x17d: {  	[tilespmem:v37+s5+$0x0] =	vst.idx.msk vm0, v49;
	s26 =	simm.s32 $0xA500;
	s7 =	sadd.s32 s1, s7;
	s8 =	sshll.u32 s8, $0x7  }
0x17e: {  	[tilespmem:s26], [sflag:$0x6] =	stream.strided.gather [hbm4b:s7+s11], $0x1000, s13, s11, $0x38;
	[tilespmem:$0x10700] =	vst v63  }
0x17f: {  	s7 =	sand.u32 $0x1FFFFF80, s8  }
0x180: {  	s6 =	simm.s32 $0x8;
	s26 =	simm.s32 $0xB500;
	s7 =	sadd.s32 s2, s7  }
0x181: {  	[tilespmem:s26], [sflag:$0x6] =	stream.strided.gather [hbm4b:s7+s11], $0x1000, s13, s11, $0x38;
	[tilespmem:$0x10700] =	vst v63  }
0x182: {  	_ =	swait.ge [sflag:s6], $0x1000  }
0x183: {  	[sflag:s6] =	ssyncset.done $0x0  }
0x184: {  	s16 =	sand.u32 $0x7F, s16;
	[sflag:s6] =	ssyncadd.s32 $0xFFFFF000  }
0x185: {  	v50 =	vor.u32 s16, v29;
	_ =	swait.ge [sflag:s6], $0x1000  }
0x186: {  	v51 =	vor.u32 s16, v30;
	s26 =	sand.u32 $0x7F, s28;
	(v2sf) =	vpush v36, $0xE  }
0x187: {  	v52 =	vor.u32 s26, v31  }
0x188: {  	v53 =	vor.u32 s26, v32;
	[sflag:s6] =	ssyncset.done $0x0;
	(v2sf) =	vpush v35, $0xE  }
0x189: {  	[sflag:s6] =	ssyncadd.s32 $0xFFFFF000  }
0x18a: {  	v37 =	vld.idx.msk [tilespmem:v50+s14+$0x0], $0xffff  }
0x18b: {  	v38 =	vld.idx.msk [tilespmem:v51+s14+$0x0], $0xffff  }
0x18c: {  	v39 =	vld.idx.msk [tilespmem:v52+s14+$0x0], $0xffff  }
0x18d: {  	v40 =	vld.idx.msk [tilespmem:v53+s14+$0x0], $0xffff;
	_ =	sdelay $0x4  }
0x18e: {  	v37 =	vmul.f32 v39, v37;
	v38 =	vmul.f32 v40, v38;
	_ =	sdelay $0x1  }
0x18f: {  	v37 =	vadd.f32 v38, v37  }
0x190: {  	s28 =	spop (v2sf)  }
0x191: {  	(xrf2) =	vadd.scan.msk.f32 $0xffff, v37;
	s16 =	sshra.s32 s28, $0x1F  }
0x192: {  	s26 =	spop (v2sf);
	s7 =	sshrl.u32 s16, $0x19  }
0x193: {  	s6 =	sadd.s32 $0xFFFFFFF8, s9;
	s16 =	sshra.s32 s26, $0x1F;
	s7 =	sadd.s32 s7, s28  }
0x194: {  	v54 =	vmov s6;
	s16 =	sshrl.u32 s16, $0x19;
	s6 =	sand.u32 $0xFFFFFF80, s7  }
0x195: {  	v37 =	vand.u32 $0xFFFFFFF7, v54;
	p3 =	slt.s32 s28, $0x1;
	s16 =	sadd.s32 s16, s26;
	p4 =	sne.s32 s28, s6  }
0x196: {  	s8 =	simm.s32 $0x1;
	v37 =	vbroadcast v37, $0x0;
	s6 =	sand.u32 $0xFFFFFF80, s16;
	p0 =	por !p3, !p4  }
0x197: {  	p6 =	slt.s32 s26, $0x1;
	p5 =	sne.s32 s26, s6;
	p0 =	por !p0, !p0  }
0x198: {  	s7 =	sshrl.u32 s7, $0x7;
	p2 =	por !p6, !p5;
	s8 =	simm.s32 @!p0 $0x0  }
0x199: {  	p0 =	por !p2, !p2;
	s7 =	ssub.s32 s7, s8;
	s8 =	simm.s32 $0x1  }
0x19a: {  	s16 =	sshrl.u32 s16, $0x7;
	s7 =	sshll.u32 s7, $0x7;
	s8 =	simm.s32 @!p0 $0x0  }
0x19b: {  	v55, _, _ =	vpop (xrf2);
	s7 =	sand.u32 $0x1FFFFF80, s7;
	s8 =	ssub.s32 s16, s8  }
0x19c: {  	s6 =	simm.s32 $0xC500;
	[tilespmem:v37+s5+$0x0] =	vst.idx.msk vm0, v55;
	s7 =	sadd.s32 s1, s7;
	s16 =	sshll.u32 s8, $0x7  }
0x19d: {  	[tilespmem:s6], [sflag:$0x7] =	stream.strided.gather [hbm4b:s7+s11], $0x1000, s13, s11, $0x38;
	[tilespmem:$0x10700] =	vst v63  }
0x19e: {  	s7 =	sand.u32 $0x1FFFFF80, s16  }
0x19f: {  	s6 =	simm.s32 $0xD500;
	s7 =	sadd.s32 s2, s7  }
0x1a0: {  	[tilespmem:s6], [sflag:$0x7] =	stream.strided.gather [hbm4b:s7+s11], $0x1000, s13, s11, $0x38;
	[tilespmem:$0x10700] =	vst v63  }
0x1a1: {  	_ =	swait.ge [sflag:s4], $0x1000  }
0x1a2: {  	[sflag:s4] =	ssyncset.done $0x0  }
0x1a3: {  	s16 =	sand.u32 $0x7F, s18;
	[sflag:s4] =	ssyncadd.s32 $0xFFFFF000  }
0x1a4: {  	v56 =	vor.u32 s16, v0;
	_ =	swait.ge [sflag:s4], $0x1000  }
0x1a5: {  	s18 =	sand.u32 $0x7F, s19;
	v57 =	vor.u32 s16, v2;
	(v2sf) =	vpush v36, $0xF  }
0x1a6: {  	v58 =	vor.u32 s18, v3  }
0x1a7: {  	v59 =	vor.u32 s18, v4;
	[sflag:s4] =	ssyncset.done $0x0;
	(v2sf) =	vpush v35, $0xF  }
0x1a8: {  	[sflag:s4] =	ssyncadd.s32 $0xFFFFF000  }
0x1a9: {  	v60 =	vld.idx.msk [tilespmem:v56+s14+$0x0], $0xffff  }
0x1aa: {  	v61 =	vld.idx.msk [tilespmem:v57+s14+$0x0], $0xffff  }
0x1ab: {  	v36 =	vld.idx.msk [tilespmem:v58+s14+$0x0], $0xffff  }
0x1ac: {  	v62 =	vld.idx.msk [tilespmem:v59+s14+$0x0], $0xffff;
	_ =	sdelay $0x4  }
0x1ad: {  	v35 =	vmul.f32 v36, v60;
	v63 =	vmul.f32 v62, v61;
	_ =	sdelay $0x1  }
0x1ae: {  	v35 =	vadd.f32 v63, v35  }
0x1af: {  	s18 =	spop (v2sf)  }
0x1b0: {  	(xrf2) =	vadd.scan.msk.f32 $0xffff, v35;
	s19 =	sshra.s32 s18, $0x1F  }
0x1b1: {  	s16 =	spop (v2sf);
	s7 =	sshrl.u32 s19, $0x19  }
0x1b2: {  	s6 =	sadd.s32 $0xFFFFFFF9, s9;
	s19 =	sshra.s32 s16, $0x1F;
	s7 =	sadd.s32 s7, s18  }
0x1b3: {  	v40 =	vmov s6;
	s19 =	sshrl.u32 s19, $0x19;
	s6 =	sand.u32 $0xFFFFFF80, s7  }
0x1b4: {  	v35 =	vand.u32 $0xFFFFFFF8, v40;
	p3 =	slt.s32 s18, $0x1;
	s19 =	sadd.s32 s19, s16;
	p4 =	sne.s32 s18, s6  }
0x1b5: {  	s8 =	simm.s32 $0x1;
	v35 =	vbroadcast v35, $0x0;
	s6 =	sand.u32 $0xFFFFFF80, s19;
	p0 =	por !p3, !p4  }
0x1b6: {  	p6 =	slt.s32 s16, $0x1;
	p5 =	sne.s32 s16, s6;
	p0 =	por !p0, !p0  }
0x1b7: {  	s7 =	sshrl.u32 s7, $0x7;
	p2 =	por !p6, !p5;
	s8 =	simm.s32 @!p0 $0x0  }
0x1b8: {  	p0 =	por !p2, !p2;
	s7 =	ssub.s32 s7, s8;
	s8 =	simm.s32 $0x1  }
0x1b9: {  	s19 =	sshrl.u32 s19, $0x7;
	s7 =	sshll.u32 s7, $0x7;
	s8 =	simm.s32 @!p0 $0x0  }
0x1ba: {  	v41, _, _ =	vpop (xrf2);
	s7 =	sand.u32 $0x1FFFFF80, s7;
	s8 =	ssub.s32 s19, s8  }
0x1bb: {  	[tilespmem:v35+s5+$0x0] =	vst.idx.msk vm0, v41;
	s19 =	simm.s32 $0xE500;
	s7 =	sadd.s32 s1, s7;
	s6 =	sshll.u32 s8, $0x7  }
0x1bc: {  	[tilespmem:s19], [sflag:$0x8] =	stream.strided.gather [hbm4b:s7+s11], $0x1000, s13, s11, $0x38;
	[tilespmem:$0x10700] =	vst v63  }
0x1bd: {  	s7 =	sand.u32 $0x1FFFFF80, s6  }
0x1be: {  	s8 =	simm.s32 $0xF500;
	s7 =	sadd.s32 s2, s7  }
0x1bf: {  	[tilespmem:s8], [sflag:$0x8] =	stream.strided.gather [hbm4b:s7+s11], $0x1000, s13, s11, $0x38;
	[tilespmem:$0x10700] =	vst v63  }
0x1c0: {  	s4 =	rddreg [dreg:$0xc];
	_ =	swait.ge [sflag:s15], $0x1000  }
0x1c1: {  	s19 =	sand.u32 $0x7F, s30;
	[sflag:s15] =	ssyncset.done $0x0  }
0x1c2: {  	v42 =	vor.u32 s19, v5;
	[sflag:s15] =	ssyncadd.s32 $0xFFFFF000  }
0x1c3: {  	s6 =	sand.u32 $0x7F, s20;
	v43 =	vor.u32 s19, v6;
	_ =	swait.ge [sflag:s15], $0x1000  }
0x1c4: {  	v44 =	vor.u32 s6, v7;
	(v2sf) =	vpush v34, $0x0  }
0x1c5: {  	v45 =	vor.u32 s6, v8;
	[sflag:s15] =	ssyncset.done $0x0  }
0x1c6: {  	[sflag:s15] =	ssyncadd.s32 $0xFFFFF000;
	(v2sf) =	vpush v33, $0x0  }
0x1c7: {  	v35 =	vld.idx.msk [tilespmem:v42+s14+$0x0], $0xffff  }
0x1c8: {  	v36 =	vld.idx.msk [tilespmem:v43+s14+$0x0], $0xffff  }
0x1c9: {  	v37 =	vld.idx.msk [tilespmem:v44+s14+$0x0], $0xffff  }
0x1ca: {  	v38 =	vld.idx.msk [tilespmem:v45+s14+$0x0], $0xffff;
	_ =	sdelay $0x4  }
0x1cb: {  	v35 =	vmul.f32 v37, v35;
	v36 =	vmul.f32 v38, v36;
	_ =	sdelay $0x1  }
0x1cc: {  	v35 =	vadd.f32 v36, v35;
	_ =	sdelay $0x1  }
0x1cd: {  	(xrf2) =	vadd.scan.msk.f32 $0xffff, v35;
	s7 =	spop (v2sf)  }
0x1ce: {  	s19 =	sadd.s32 $0xFFFFFFFA, s9;
	s6 =	sand.u32 $0x7F, s7  }
0x1cf: {  	s20 =	spop (v2sf);
	s8 =	sshra.s32 s7, $0x1F;
	p6 =	slt.s32 s7, $0x1  }
0x1d0: {  	v46 =	vmov s19;
	p3 =	sne.s32 s6, $0x0;
	s15 =	sand.u32 $0x7F, s20;
	s6 =	sshra.s32 s20, $0x1F  }
0x1d1: {  	v35 =	vand.u32 $0xFFFFFFF9, v46;
	p5 =	slt.s32 s20, $0x1;
	s8 =	sshrl.u32 s8, $0x19;
	p4 =	sne.s32 s15, $0x0  }
0x1d2: {  	v35 =	vbroadcast v35, $0x0;
	s19 =	sshrl.u32 s6, $0x19;
	s7 =	sadd.s32 s8, s7;
	p1 =	por !p5, !p4  }
0x1d3: {  	s19 =	sadd.s32 s19, s20;
	s20 =	simm.s32 $0x1;
	p1 =	por !p1, !p1  }
0x1d4: {  	p0 =	por !p6, !p3;
	s19 =	sshrl.u32 s19, $0x7;
	s20 =	simm.s32 @!p1 $0x0  }
0x1d5: {  	p0 =	por !p0, !p0;
	s15 =	ssub.s32 s19, s20;
	s19 =	simm.s32 $0x1  }
0x1d6: {  	s7 =	sshrl.u32 s7, $0x7;
	s8 =	sshll.u32 s15, $0x7;
	s19 =	simm.s32 @!p0 $0x0  }
0x1d7: {  	v47, _, _ =	vpop (xrf2);
	s8 =	sand.u32 $0x1FFFFF80, s8;
	s7 =	ssub.s32 s7, s19  }
0x1d8: {  	[tilespmem:v35+s5+$0x0] =	vst.idx.msk vm0, v47;
	s8 =	sadd.s32 s1, s8;
	s7 =	sshll.u32 s7, $0x7  }
0x1d9: {  	[tilespmem:s14], [sflag:$0x1] =	stream.strided.gather [hbm4b:s8+s11], $0x1000, s13, s11, $0x38;
	[tilespmem:$0x10700] =	vst v63  }
0x1da: {  	s7 =	sand.u32 $0x1FFFFF80, s7  }
0x1db: {  	s30 =	simm.s32 $0x1500;
	s7 =	sadd.s32 s2, s7  }
0x1dc: {  	[tilespmem:s30], [sflag:$0x1] =	stream.strided.gather [hbm4b:s7+s11], $0x1000, s13, s11, $0x38;
	[tilespmem:$0x10700] =	vst v63  }
0x1dd: {  	_ =	swait.ge [sflag:s29], $0x1000  }
0x1de: {  	s19 =	sand.u32 $0x7F, s21;
	[sflag:s29] =	ssyncset.done $0x0  }
0x1df: {  	v48 =	vor.u32 s19, v9;
	[sflag:s29] =	ssyncadd.s32 $0xFFFFF000  }
0x1e0: {  	s20 =	sand.u32 $0x7F, s31;
	v49 =	vor.u32 s19, v10;
	_ =	swait.ge [sflag:s29], $0x1000  }
0x1e1: {  	v50 =	vor.u32 s20, v11;
	(v2sf) =	vpush v34, $0x1  }
0x1e2: {  	v51 =	vor.u32 s20, v12;
	[sflag:s29] =	ssyncset.done $0x0  }
0x1e3: {  	[sflag:s29] =	ssyncadd.s32 $0xFFFFF000;
	(v2sf) =	vpush v33, $0x1  }
0x1e4: {  	v35 =	vld.idx.msk [tilespmem:v48+s14+$0x0], $0xffff  }
0x1e5: {  	v36 =	vld.idx.msk [tilespmem:v49+s14+$0x0], $0xffff  }
0x1e6: {  	v37 =	vld.idx.msk [tilespmem:v50+s14+$0x0], $0xffff  }
0x1e7: {  	v38 =	vld.idx.msk [tilespmem:v51+s14+$0x0], $0xffff;
	_ =	sdelay $0x4  }
0x1e8: {  	v35 =	vmul.f32 v37, v35;
	v36 =	vmul.f32 v38, v36;
	_ =	sdelay $0x1  }
0x1e9: {  	v35 =	vadd.f32 v36, v35;
	_ =	sdelay $0x1  }
0x1ea: {  	(xrf2) =	vadd.scan.msk.f32 $0xffff, v35;
	s7 =	spop (v2sf)  }
0x1eb: {  	s21 =	sadd.s32 $0xFFFFFFFB, s9;
	s6 =	sand.u32 $0x7F, s7  }
0x1ec: {  	s20 =	spop (v2sf);
	s15 =	sshra.s32 s7, $0x1F;
	p6 =	slt.s32 s7, $0x1  }
0x1ed: {  	v52 =	vmov s21;
	p3 =	sne.s32 s6, $0x0;
	s21 =	sand.u32 $0x7F, s20;
	s6 =	sshra.s32 s20, $0x1F  }
0x1ee: {  	v35 =	vand.u32 $0xFFFFFFFA, v52;
	p5 =	slt.s32 s20, $0x1;
	s8 =	sshrl.u32 s15, $0x19;
	p4 =	sne.s32 s21, $0x0  }
0x1ef: {  	v35 =	vbroadcast v35, $0x0;
	s19 =	sshrl.u32 s6, $0x19;
	s7 =	sadd.s32 s8, s7;
	p1 =	por !p5, !p4  }
0x1f0: {  	s19 =	sadd.s32 s19, s20;
	s20 =	simm.s32 $0x1;
	p1 =	por !p1, !p1  }
0x1f1: {  	p0 =	por !p6, !p3;
	s19 =	sshrl.u32 s19, $0x7;
	s20 =	simm.s32 @!p1 $0x0  }
0x1f2: {  	p0 =	por !p0, !p0;
	s15 =	ssub.s32 s19, s20;
	s19 =	simm.s32 $0x1  }
0x1f3: {  	s7 =	sshrl.u32 s7, $0x7;
	s8 =	sshll.u32 s15, $0x7;
	s19 =	simm.s32 @!p0 $0x0  }
0x1f4: {  	v53, _, _ =	vpop (xrf2);
	s8 =	sand.u32 $0x1FFFFF80, s8;
	s7 =	ssub.s32 s7, s19  }
0x1f5: {  	s31 =	simm.s32 $0x2500;
	[tilespmem:v35+s5+$0x0] =	vst.idx.msk vm0, v53;
	s8 =	sadd.s32 s1, s8;
	s7 =	sshll.u32 s7, $0x7  }
0x1f6: {  	[tilespmem:s31], [sflag:$0x2] =	stream.strided.gather [hbm4b:s8+s11], $0x1000, s13, s11, $0x38;
	[tilespmem:$0x10700] =	vst v63  }
0x1f7: {  	s7 =	sand.u32 $0x1FFFFF80, s7  }
0x1f8: {  	s19 =	simm.s32 $0x3500;
	s7 =	sadd.s32 s2, s7  }
0x1f9: {  	[tilespmem:s19], [sflag:$0x2] =	stream.strided.gather [hbm4b:s7+s11], $0x1000, s13, s11, $0x38;
	[tilespmem:$0x10700] =	vst v63  }
0x1fa: {  	s20 =	sand.u32 $0x7F, s22;
	_ =	swait.ge [sflag:s0], $0x1000  }
0x1fb: {  	v54 =	vor.u32 s20, v13;
	[sflag:s0] =	ssyncset.done $0x0  }
0x1fc: {  	s21 =	sand.u32 $0x7F, s23;
	v55 =	vor.u32 s20, v14;
	[sflag:s0] =	ssyncadd.s32 $0xFFFFF000  }
0x1fd: {  	v56 =	vor.u32 s21, v15;
	_ =	swait.ge [sflag:s0], $0x1000  }
0x1fe: {  	v57 =	vor.u32 s21, v16;
	[sflag:s0] =	ssyncset.done $0x0;
	(v2sf) =	vpush v34, $0x2  }
0x1ff: {  	[sflag:s0] =	ssyncadd.s32 $0xFFFFF000;
	(v2sf) =	vpush v33, $0x2  }
0x200: {  	v35 =	vld.idx.msk [tilespmem:v54+s14+$0x0], $0xffff  }
0x201: {  	v36 =	vld.idx.msk [tilespmem:v55+s14+$0x0], $0xffff  }
0x202: {  	v37 =	vld.idx.msk [tilespmem:v56+s14+$0x0], $0xffff  }
0x203: {  	v38 =	vld.idx.msk [tilespmem:v57+s14+$0x0], $0xffff;
	_ =	sdelay $0x4  }
0x204: {  	v35 =	vmul.f32 v37, v35;
	v36 =	vmul.f32 v38, v36;
	_ =	sdelay $0x1  }
0x205: {  	v35 =	vadd.f32 v36, v35;
	_ =	sdelay $0x1  }
0x206: {  	(xrf2) =	vadd.scan.msk.f32 $0xffff, v35  }
0x207: {  	s22 =	sadd.s32 $0xFFFFFFFC, s9;
	s20 =	simm.s32 $0x1;
	s7 =	spop (v2sf)  }
0x208: {  	s0 =	sand.u32 $0x7F, s7;
	s6 =	spop (v2sf);
	s15 =	sshra.s32 s7, $0x1F  }
0x209: {  	v58 =	vmov s22;
	p6 =	slt.s32 s7, $0x1;
	p3 =	sne.s32 s0, $0x0;
	s21 =	sand.u32 $0x7F, s6  }
0x20a: {  	v35 =	vand.u32 $0xFFFFFFFB, v58;
	s22 =	sshra.s32 s6, $0x1F;
	p5 =	slt.s32 s6, $0x1;
	p4 =	sne.s32 s21, $0x0  }
0x20b: {  	v35 =	vbroadcast v35, $0x0;
	s8 =	sshrl.u32 s15, $0x19;
	s19 =	sshrl.u32 s22, $0x19;
	p1 =	por !p5, !p4  }
0x20c: {  	s7 =	sadd.s32 s8, s7;
	s19 =	sadd.s32 s19, s6;
	p1 =	por !p1, !p1  }
0x20d: {  	p0 =	por !p6, !p3;
	s19 =	sshrl.u32 s19, $0x7;
	s20 =	simm.s32 @!p1 $0x0  }
0x20e: {  	p0 =	por !p0, !p0;
	s0 =	ssub.s32 s19, s20;
	s19 =	simm.s32 $0x1  }
0x20f: {  	s7 =	sshrl.u32 s7, $0x7;
	s8 =	sshll.u32 s0, $0x7;
	s19 =	simm.s32 @!p0 $0x0  }
0x210: {  	v59, _, _ =	vpop (xrf2);
	s8 =	sand.u32 $0x1FFFFF80, s8;
	s7 =	ssub.s32 s7, s19  }
0x211: {  	s6 =	simm.s32 $0x4500;
	[tilespmem:v35+s5+$0x0] =	vst.idx.msk vm0, v59;
	s8 =	sadd.s32 s1, s8;
	s7 =	sshll.u32 s7, $0x7  }
0x212: {  	[tilespmem:s6], [sflag:$0x3] =	stream.strided.gather [hbm4b:s8+s11], $0x1000, s13, s11, $0x38;
	[tilespmem:$0x10700] =	vst v63  }
0x213: {  	s7 =	sand.u32 $0x1FFFFF80, s7  }
0x214: {  	s15 =	simm.s32 $0x5500;
	s7 =	sadd.s32 s2, s7  }
0x215: {  	[tilespmem:s15], [sflag:$0x3] =	stream.strided.gather [hbm4b:s7+s11], $0x1000, s13, s11, $0x38;
	[tilespmem:$0x10700] =	vst v63  }
0x216: {  	s19 =	sand.u32 $0x7F, s25;
	_ =	swait.ge [sflag:s3], $0x1000  }
0x217: {  	v60 =	vor.u32 s19, v17;
	[sflag:s3] =	ssyncset.done $0x0  }
0x218: {  	s20 =	sand.u32 $0x7F, s24;
	v61 =	vor.u32 s19, v18;
	[sflag:s3] =	ssyncadd.s32 $0xFFFFF000  }
0x219: {  	v62 =	vor.u32 s20, v19;
	_ =	swait.ge [sflag:s3], $0x1000  }
0x21a: {  	v63 =	vor.u32 s20, v20;
	[sflag:s3] =	ssyncset.done $0x0;
	(v2sf) =	vpush v34, $0x3  }
0x21b: {  	[sflag:s3] =	ssyncadd.s32 $0xFFFFF000;
	(v2sf) =	vpush v33, $0x3  }
0x21c: {  	v35 =	vld.idx.msk [tilespmem:v60+s14+$0x0], $0xffff  }
0x21d: {  	v36 =	vld.idx.msk [tilespmem:v61+s14+$0x0], $0xffff  }
0x21e: {  	v37 =	vld.idx.msk [tilespmem:v62+s14+$0x0], $0xffff  }
0x21f: {  	v38 =	vld.idx.msk [tilespmem:v63+s14+$0x0], $0xffff;
	_ =	sdelay $0x4  }
0x220: {  	v35 =	vmul.f32 v37, v35;
	v36 =	vmul.f32 v38, v36;
	_ =	sdelay $0x1  }
0x221: {  	v35 =	vadd.f32 v36, v35;
	_ =	sdelay $0x1  }
0x222: {  	(xrf2) =	vadd.scan.msk.f32 $0xffff, v35  }
0x223: {  	s21 =	sadd.s32 $0xFFFFFFFD, s9;
	s20 =	simm.s32 $0x1;
	s7 =	spop (v2sf)  }
0x224: {  	s22 =	sand.u32 $0x7F, s7;
	s0 =	spop (v2sf);
	s5 =	sshra.s32 s7, $0x1F  }
0x225: {  	v40 =	vmov s21;
	p6 =	slt.s32 s7, $0x1;
	p3 =	sne.s32 s22, $0x0;
	s6 =	sand.u32 $0x7F, s0  }
0x226: {  	v35 =	vand.u32 $0xFFFFFFFC, v40;
	s15 =	sshra.s32 s0, $0x1F;
	p5 =	slt.s32 s0, $0x1;
	p4 =	sne.s32 s6, $0x0  }
0x227: {  	v35 =	vbroadcast v35, $0x0;
	s8 =	sshrl.u32 s5, $0x19;
	s19 =	sshrl.u32 s15, $0x19;
	p1 =	por !p5, !p4  }
0x228: {  	s7 =	sadd.s32 s8, s7;
	s19 =	sadd.s32 s19, s0;
	p1 =	por !p1, !p1  }
0x229: {  	p0 =	por !p6, !p3;
	s19 =	sshrl.u32 s19, $0x7;
	s20 =	simm.s32 @!p1 $0x0  }
0x22a: {  	p0 =	por !p0, !p0;
	s20 =	ssub.s32 s19, s20;
	s19 =	simm.s32 $0x1  }
0x22b: {  	s7 =	sshrl.u32 s7, $0x7;
	s8 =	sshll.u32 s20, $0x7;
	s19 =	simm.s32 @!p0 $0x0  }
0x22c: {  	s3 =	simm.s32 $0x10500;
	v41, _, _ =	vpop (xrf2);
	s8 =	sand.u32 $0x1FFFFF80, s8;
	s7 =	ssub.s32 s7, s19  }
0x22d: {  	s21 =	simm.s32 $0x6500;
	[tilespmem:v35+s3+$0x0] =	vst.idx.msk vm0, v41;
	s8 =	sadd.s32 s1, s8;
	s7 =	sshll.u32 s7, $0x7  }
0x22e: {  	[tilespmem:s21], [sflag:$0x4] =	stream.strided.gather [hbm4b:s8+s11], $0x1000, s13, s11, $0x38;
	[tilespmem:$0x10700] =	vst v63  }
0x22f: {  	s7 =	sand.u32 $0x1FFFFF80, s7  }
0x230: {  	s22 =	simm.s32 $0x7500;
	s7 =	sadd.s32 s2, s7  }
0x231: {  	[tilespmem:s22], [sflag:$0x4] =	stream.strided.gather [hbm4b:s7+s11], $0x1000, s13, s11, $0x38;
	[tilespmem:$0x10700] =	vst v63  }
0x232: {  	_ =	swait.ge [sflag:s10], $0x1000  }
0x233: {  	s0 =	sand.u32 $0x7F, s12;
	[sflag:s10] =	ssyncset.done $0x0  }
0x234: {  	v42 =	vor.u32 s0, v21;
	[sflag:s10] =	ssyncadd.s32 $0xFFFFF000  }
0x235: {  	s5 =	sand.u32 $0x7F, s17;
	v43 =	vor.u32 s0, v22;
	_ =	swait.ge [sflag:s10], $0x1000  }
0x236: {  	v44 =	vor.u32 s5, v23;
	(v2sf) =	vpush v34, $0x4  }
0x237: {  	v45 =	vor.u32 s5, v24;
	[sflag:s10] =	ssyncset.done $0x0  }
0x238: {  	[sflag:s10] =	ssyncadd.s32 $0xFFFFF000;
	(v2sf) =	vpush v33, $0x4  }
0x239: {  	v35 =	vld.idx.msk [tilespmem:v42+s14+$0x0], $0xffff  }
0x23a: {  	v36 =	vld.idx.msk [tilespmem:v43+s14+$0x0], $0xffff  }
0x23b: {  	v37 =	vld.idx.msk [tilespmem:v44+s14+$0x0], $0xffff  }
0x23c: {  	v38 =	vld.idx.msk [tilespmem:v45+s14+$0x0], $0xffff;
	_ =	sdelay $0x4  }
0x23d: {  	v35 =	vmul.f32 v37, v35;
	v36 =	vmul.f32 v38, v36;
	_ =	sdelay $0x1  }
0x23e: {  	v35 =	vadd.f32 v36, v35;
	_ =	sdelay $0x1  }
0x23f: {  	(xrf2) =	vadd.scan.msk.f32 $0xffff, v35;
	s6 =	spop (v2sf)  }
0x240: {  	s15 =	sadd.s32 $0xFFFFFFFE, s9;
	s17 =	sand.u32 $0x7F, s6  }
0x241: {  	s19 =	spop (v2sf);
	s20 =	sshra.s32 s6, $0x1F;
	p6 =	slt.s32 s6, $0x1  }
0x242: {  	v46 =	vmov s15;
	p3 =	sne.s32 s17, $0x0;
	s21 =	sand.u32 $0x7F, s19;
	s22 =	sshra.s32 s19, $0x1F  }
0x243: {  	v35 =	vand.u32 $0xFFFFFFFD, v46;
	p5 =	slt.s32 s19, $0x1;
	s8 =	sshrl.u32 s20, $0x19;
	p4 =	sne.s32 s21, $0x0  }
0x244: {  	v35 =	vbroadcast v35, $0x0;
	s17 =	simm.s32 $0x1;
	s12 =	sshrl.u32 s22, $0x19;
	p1 =	por !p5, !p4  }
0x245: {  	s7 =	sadd.s32 s8, s6;
	s12 =	sadd.s32 s12, s19;
	p1 =	por !p1, !p1  }
0x246: {  	p0 =	por !p6, !p3;
	s12 =	sshrl.u32 s12, $0x7;
	s17 =	simm.s32 @!p1 $0x0  }
0x247: {  	p0 =	por !p0, !p0;
	s0 =	ssub.s32 s12, s17;
	s12 =	simm.s32 $0x1  }
0x248: {  	s7 =	sshrl.u32 s7, $0x7;
	s8 =	sshll.u32 s0, $0x7;
	s12 =	simm.s32 @!p0 $0x0  }
0x249: {  	v47, _, _ =	vpop (xrf2);
	s8 =	sand.u32 $0x1FFFFF80, s8;
	s7 =	ssub.s32 s7, s12  }
0x24a: {  	s5 =	simm.s32 $0x8500;
	[tilespmem:v35+s3+$0x0] =	vst.idx.msk vm0, v47;
	s8 =	sadd.s32 s1, s8;
	s7 =	sshll.u32 s7, $0x7  }
0x24b: {  	[tilespmem:s5], [sflag:$0x5] =	stream.strided.gather [hbm4b:s8+s11], $0x1000, s13, s11, $0x38;
	[tilespmem:$0x10700] =	vst v63  }
0x24c: {  	s7 =	sand.u32 $0x1FFFFF80, s7  }
0x24d: {  	s6 =	simm.s32 $0x9500;
	s8 =	simm.s32 $0x7;
	s7 =	sadd.s32 s2, s7  }
0x24e: {  	[tilespmem:s6], [sflag:$0x5] =	stream.strided.gather [hbm4b:s7+s11], $0x1000, s13, s11, $0x38;
	[tilespmem:$0x10700] =	vst v63  }
0x24f: {  	s15 =	simm.s32 $0x7;
	s12 =	sand.u32 $0x7F, s28;
	_ =	swait.ge [sflag:s8], $0x1000  }
0x250: {  	s17 =	simm.s32 $0x7;
	v48 =	vor.u32 s12, v25;
	[sflag:s15] =	ssyncset.done $0x0  }
0x251: {  	s20 =	simm.s32 $0x7;
	s19 =	sand.u32 $0x7F, s26;
	v49 =	vor.u32 s12, v26;
	[sflag:s17] =	ssyncadd.s32 $0xFFFFF000  }
0x252: {  	v50 =	vor.u32 s19, v27;
	s0 =	rddreg [dreg:$0xb];
	_ =	swait.ge [sflag:s20], $0x1000  }
0x253: {  	v51 =	vor.u32 s19, v28;
	[sflag:s20] =	ssyncset.done $0x0;
	(v2sf) =	vpush v34, $0x5  }
0x254: {  	[sflag:s20] =	ssyncadd.s32 $0xFFFFF000;
	(v2sf) =	vpush v33, $0x5  }
0x255: {  	v52 =	vld.idx.msk [tilespmem:v48+s14+$0x0], $0xffff  }
0x256: {  	v53 =	vld.idx.msk [tilespmem:v49+s14+$0x0], $0xffff  }
0x257: {  	v54 =	vld.idx.msk [tilespmem:v50+s14+$0x0], $0xffff  }
0x258: {  	v55 =	vld.idx.msk [tilespmem:v51+s14+$0x0], $0xffff;
	_ =	sdelay $0x4  }
0x259: {  	v33 =	vmul.f32 v54, v52;
	v34 =	vmul.f32 v55, v53;
	_ =	sdelay $0x1  }
0x25a: {  	v33 =	vadd.f32 v34, v33;
	_ =	sdelay $0x1  }
0x25b: {  	(xrf2) =	vadd.scan.msk.f32 $0xffff, v33  }
0x25c: {  	s22 =	sadd.s32 $0xFFFFFFFF, s9;
	s17 =	simm.s32 $0x1;
	s21 =	spop (v2sf)  }
0x25d: {  	s26 =	sand.u32 $0x7F, s21;
	s6 =	spop (v2sf);
	s15 =	sshra.s32 s21, $0x1F  }
0x25e: {  	v56 =	vmov s22;
	p6 =	slt.s32 s21, $0x1;
	p3 =	sne.s32 s26, $0x0;
	s19 =	sand.u32 $0x7F, s6  }
0x25f: {  	v33 =	vand.u32 $0xFFFFFFFE, v56;
	s20 =	sshra.s32 s6, $0x1F;
	p5 =	slt.s32 s6, $0x1;
	p4 =	sne.s32 s19, $0x0  }
0x260: {  	v33 =	vbroadcast v33, $0x0;
	s8 =	sshrl.u32 s15, $0x19;
	s12 =	sshrl.u32 s20, $0x19;
	p1 =	por !p5, !p4  }
0x261: {  	s7 =	sadd.s32 s8, s21;
	s12 =	sadd.s32 s12, s6;
	p1 =	por !p1, !p1  }
0x262: {  	p0 =	por !p6, !p3;
	s12 =	sshrl.u32 s12, $0x7;
	s17 =	simm.s32 @!p1 $0x0  }
0x263: {  	p0 =	por !p0, !p0;
	s21 =	ssub.s32 s12, s17;
	s12 =	simm.s32 $0x1  }
0x264: {  	s7 =	sshrl.u32 s7, $0x7;
	s8 =	sshll.u32 s21, $0x7;
	s12 =	simm.s32 @!p0 $0x0  }
0x265: {  	v57, _, _ =	vpop (xrf2);
	s8 =	sand.u32 $0x1FFFFF80, s8;
	s7 =	ssub.s32 s7, s12  }
0x266: {  	s23 =	simm.s32 $0xA500;
	[tilespmem:v33+s3+$0x0] =	vst.idx.msk vm0, v57;
	s8 =	sadd.s32 s1, s8;
	s7 =	sshll.u32 s7, $0x7  }
0x267: {  	[tilespmem:s23], [sflag:$0x6] =	stream.strided.gather [hbm4b:s8+s11], $0x1000, s13, s11, $0x38;
	[tilespmem:$0x10700] =	vst v63  }
0x268: {  	s7 =	sand.u32 $0x1FFFFF80, s7  }
0x269: {  	s24 =	simm.s32 $0xB500;
	s5 =	simm.s32 $0x8;
	s7 =	sadd.s32 s2, s7  }
0x26a: {  	[tilespmem:s24], [sflag:$0x6] =	stream.strided.gather [hbm4b:s7+s11], $0x1000, s13, s11, $0x38;
	[tilespmem:$0x10700] =	vst v63  }
0x26b: {  	s22 =	sand.u32 $0x7F, s18;
	_ =	swait.ge [sflag:s5], $0x1000  }
0x26c: {  	v58 =	vor.u32 s22, v29;
	[sflag:s5] =	ssyncset.done $0x0  }
0x26d: {  	v59 =	vor.u32 s22, v30;
	s26 =	sand.u32 $0x7F, s16;
	[sflag:s5] =	ssyncadd.s32 $0xFFFFF000  }
0x26e: {  	v60 =	vor.u32 s26, v31;
	_ =	swait.ge [sflag:s5], $0x1000  }
0x26f: {  	v61 =	vor.u32 s26, v32;
	[sflag:s5] =	ssyncset.done $0x0  }
0x270: {  	[sflag:s5] =	ssyncadd.s32 $0xFFFFF000  }
0x271: {  	v33 =	vld.idx.msk [tilespmem:v58+s14+$0x0], $0xffff  }
0x272: {  	v34 =	vld.idx.msk [tilespmem:v59+s14+$0x0], $0xffff  }
0x273: {  	v35 =	vld.idx.msk [tilespmem:v60+s14+$0x0], $0xffff  }
0x274: {  	v36 =	vld.idx.msk [tilespmem:v61+s14+$0x0], $0xffff;
	_ =	sdelay $0x4  }
0x275: {  	v33 =	vmul.f32 v35, v33;
	v34 =	vmul.f32 v36, v34;
	_ =	sdelay $0x1  }
0x276: {  	v33 =	vadd.f32 v34, v33;
	_ =	sdelay $0x1  }
0x277: {  	(xrf2) =	vadd.scan.msk.f32 $0xffff, v33;
	_ =	sdelay $0x5  }
0x278: {  	v62 =	vmov s9;
	p0 =	sne.s32 s9, $0x1FF  }
.Ltmp0:
0x279: {  	_ = 	snop;
	(pc) =	sbr.rel @p0 .LBB2_2-.Ltmp0, $3  }
0x27a: {  	_ =	sdelay $0x1  }
0x27b: {  	s4 =	sadd.s32 $0x10, s4;
	s25 =	simm.s32 $0xC500;
	v63, _, _ =	vpop (xrf2)  }
0x27c: {  	s28 =	simm.s32 $0xD500;
	s0 =	sadd.s32 $0x10, s0;
	s9 =	sadd.s32 $0x10, s9;
	[tilespmem:v62+s3+$0x0] =	vst.idx.msk vm0, v63  }
0x27d: {  	s0 =	simm.s32 $0x1  }
0x27e: {  	_ =	swait.ge [sflag:s0], $0x1000  }
0x27f: {  	[sflag:s0] =	ssyncset.done $0x0  }
0x280: {  	[sflag:s0] =	ssyncadd.s32 $0xFFFFF000  }
0x281: {  	_ =	swait.ge [sflag:s0], $0x1000  }
0x282: {  	[sflag:s0] =	ssyncset.done $0x0  }
0x283: {  	s17 =	simm.s32 $0x2;
	[sflag:s0] =	ssyncadd.s32 $0xFFFFF000  }
0x284: {  	_ =	swait.ge [sflag:s17], $0x1000  }
0x285: {  	[sflag:s17] =	ssyncset.done $0x0  }
0x286: {  	[sflag:s17] =	ssyncadd.s32 $0xFFFFF000  }
0x287: {  	_ =	swait.ge [sflag:s17], $0x1000  }
0x288: {  	[sflag:s17] =	ssyncset.done $0x0  }
0x289: {  	s18 =	simm.s32 $0x3;
	[sflag:s17] =	ssyncadd.s32 $0xFFFFF000  }
0x28a: {  	_ =	swait.ge [sflag:s18], $0x1000  }
0x28b: {  	[sflag:s18] =	ssyncset.done $0x0  }
0x28c: {  	[sflag:s18] =	ssyncadd.s32 $0xFFFFF000  }
0x28d: {  	_ =	swait.ge [sflag:s18], $0x1000  }
0x28e: {  	[sflag:s18] =	ssyncset.done $0x0  }
0x28f: {  	s19 =	simm.s32 $0x4;
	[sflag:s18] =	ssyncadd.s32 $0xFFFFF000  }
0x290: {  	_ =	swait.ge [sflag:s19], $0x1000  }
0x291: {  	[sflag:s19] =	ssyncset.done $0x0  }
0x292: {  	[sflag:s19] =	ssyncadd.s32 $0xFFFFF000  }
0x293: {  	_ =	swait.ge [sflag:s19], $0x1000  }
0x294: {  	[sflag:s19] =	ssyncset.done $0x0  }
0x295: {  	s20 =	simm.s32 $0x5;
	[sflag:s19] =	ssyncadd.s32 $0xFFFFF000  }
0x296: {  	_ =	swait.ge [sflag:s20], $0x1000  }
0x297: {  	[sflag:s20] =	ssyncset.done $0x0  }
0x298: {  	[sflag:s20] =	ssyncadd.s32 $0xFFFFF000  }
0x299: {  	_ =	swait.ge [sflag:s20], $0x1000  }
0x29a: {  	[sflag:s20] =	ssyncset.done $0x0  }
0x29b: {  	s21 =	simm.s32 $0x6;
	[sflag:s20] =	ssyncadd.s32 $0xFFFFF000  }
0x29c: {  	_ =	swait.ge [sflag:s21], $0x1000  }
0x29d: {  	[sflag:s21] =	ssyncset.done $0x0  }
0x29e: {  	[sflag:s21] =	ssyncadd.s32 $0xFFFFF000  }
0x29f: {  	_ =	swait.ge [sflag:s21], $0x1000  }
0x2a0: {  	s9 =	simm.s32 $0x0;
	[sflag:s21] =	ssyncset.done $0x0  }
0x2a1: {  	s7 =	simm.s32 $0x9;
	s4 =	rddreg [dreg:$0x8];
	[sflag:s21] =	ssyncadd.s32 $0xFFFFF000  }
0x2a2: {  	[hbm4b:s4+s9] =	stream.linear.scatter [tilespmem:s3], [sflag:$0x9], $0x200, $0x38;
	[tilespmem:$0x10700] =	vst v63  }
0x2a3: {  	_ =	swait.ge [sflag:s7], $0x200  }
0x2a4: {  	s22 =	rddreg [dreg:$0xa]  }
0x2a5: {  	s26 =	rddreg [dreg:$0x9];
	s0 =	sadd.s32 $0x1, s22  }
0x2a6: {  	p0 =	sne.s32 s0, s26  }
.Ltmp1:
0x2a7: {  	_ = 	snop;
	(pc) =	sbr.rel @p0 .LBB2_1-.Ltmp1, $4  }
0x2a8: {  	_ = 	snop  }
0x2a9: {  	s16 =	simm.s32 $0x3500;
	s17 =	simm.s32 $0x4500;
	s18 =	simm.s32 $0x5500  }
0x2aa: {  	s19 =	simm.s32 $0x6500;
	s20 =	simm.s32 $0x7500;
	[sflag:s7] =	ssyncset.done $0x0  }
0x2ab: {  	s21 =	simm.s32 $0x8500;
	[sflag:s7] =	ssyncadd.s32 $0xFFFFFE00;
	s22 =	simm.s32 $0x9500  }
0x2ac: {  	_ =	sfence.sel $0x180000  }
0x2ad: {  	[bflag:$0x0] =	sbarrier.arrive $0xFFFF  }
0x2ae: {  	_ =	strace $0x90000047  }
0x2af: {  	s0 =	stileid.u32;
	[bflag:$0x2] =	sbarrier.arrive $0xFFFF  }
0x2b0: {  	p0 =	sne.s32 s0, $0x0;
	s0 =	rddreg [dreg:$0x5]  }
0x2b1: {  	s0 =	sadd.s32 @!p0 $0x100000, s0  }
0x2b2: {  	[sflag:s0] =	ssyncadd.tile.s32 @!p0 $0x1;
	_ =	shalt  }
.Lfunc_end2:
_tile_overlayer_lowered:
.L_overlay_start_2:
0x2b3: {  	(tag) =	ssettag $0x2  }
0x2b4: {  	s0 =	rddreg [dreg:$0x0];
	s2 =	stileid.u32  }
0x2b5: {  	s1 =	rddreg [dreg:$0x1];
	p0 =	sne.s32 s2, $0x0  }
0x2b6: {  	s3 =	rddreg [dreg:$0x2];
	[bflag:$0x3] =	sbarrier.arrive $0xFFFF;
	s2 =	simm.s32 @!p0 $0x1C09  }
0x2b7: {  	[timem:s3], [sflag:s2] =	dma.local @!p0 [hbm:s0], s1  }
0x2b8: {  	s0 =	simm.s32 @!p0 $0x9  }
0x2b9: {  	_ =	swait.ge @!p0 [sflag:s0], s1  }
0x2ba: {  	s1 =	ssub.s32 @!p0 $0x0, s1;
	[sflag:s0] =	ssyncset.done @!p0 $0x0  }
0x2bb: {  	[sflag:s0] =	ssyncadd.s32 @!p0 s1  }
0x2bc: {  	[bflag:$0x3] =	sbarrier.arrive $0xFFFF  }
0x2bd: {  	_ =	shalt  }

</sc_bundles>
